<compile_context>
chip_gen: v7x
topology: tpu7x:2x2x1
jax: 0.10.2.dev20260603
libtpu: 0.0.44.dev20260713+nightly
codegen_flags: <defaults>
</compile_context>

<pallas_src>
import functools

import jax
import jax.numpy as jnp
from jax import lax
from jax.experimental import pallas as pl
from jax.experimental.pallas import tpu as pltpu
from jax.experimental.pallas import tpu_sc as plsc

K = 64
B = 4
N = 4096
F = B * N
H = F
NEG_INV_2SIG2 = -12.5
FB = 8192

NC = 2
NS = 16
NW = NC * NS
FPT = H // NW
CH = 128
NCHUNK = FPT // CH
GROUPS = (CH * 3) // 128
IROWS = NCHUNK * GROUPS


def _g_body(n_ref, a_ref, b_ref, g_ref, x_s, w_s):
    for bb in range(FB // N):
        x_s[0:3, bb * N:(bb + 1) * N] = n_ref[bb]
    X3 = x_s[0:3, :]
    x_s[3:4, :] = jnp.sum(X3 * X3, axis=0, keepdims=True)
    x_s[4:5, :] = jnp.full((1, FB), 1.0, jnp.float32)
    x_s[5:8, :] = jnp.zeros((3, FB), jnp.float32)

    A = jnp.transpose(a_ref[...])
    Bb = jnp.transpose(b_ref[...])
    sa = jnp.sin(A)
    ca = jnp.cos(A)
    wx = sa * jnp.cos(Bb)
    wy = sa * jnp.sin(Bb)
    wz = ca
    wn = wx * wx + wy * wy + wz * wz
    for l in range(4):
        sl = pl.ds(l * K, K)
        w_s[0:1, sl] = 25.0 * wx[l:l + 1, :]
        w_s[1:2, sl] = 25.0 * wy[l:l + 1, :]
        w_s[2:3, sl] = 25.0 * wz[l:l + 1, :]
        w_s[3:4, sl] = jnp.full((1, K), NEG_INV_2SIG2, jnp.float32)
        w_s[4:5, sl] = NEG_INV_2SIG2 * wn[l:l + 1, :]
        w_s[5:8, sl] = jnp.zeros((3, K), jnp.float32)

    e = jnp.exp(lax.dot_general(
        x_s[...], w_s[...], (((0,), (0,)), ((), ())),
        precision=lax.Precision.HIGHEST,
        preferred_element_type=jnp.float32))
    g_ref[...] = (e[:, 0:K] + e[:, K:2 * K]
                  + e[:, 2 * K:3 * K] + e[:, 3 * K:4 * K])


def _compute_g(normals_half, alpha, beta):
    nsteps = H // FB
    return pl.pallas_call(
        _g_body,
        grid=(nsteps,),
        in_specs=[
            pl.BlockSpec((FB // N, 3, N), lambda i: (i, 0, 0)),
            pl.BlockSpec((K, 4), lambda i: (0, 0)),
            pl.BlockSpec((K, 4), lambda i: (0, 0)),
        ],
        out_specs=pl.BlockSpec((FB, K), lambda i: (i, 0)),
        out_shape=jax.ShapeDtypeStruct((H, K), jnp.float32),
        scratch_shapes=[
            pltpu.VMEM((8, FB), jnp.float32),
            pltpu.VMEM((8, 4 * K), jnp.float32),
        ],
    )(normals_half, alpha, beta)


def _sc_body(g_hbm, nbr_hbm, out_hbm, idx_v, acc_v, nbr_v, sg0, sg1, sw0, sw1):
    cid = lax.axis_index("c")
    sid = lax.axis_index("s")
    wid = cid * NS + sid
    boff = (wid // (NW // B)) * N
    tile_base = wid * FPT
    sg = (sg0, sg1)
    sw = (sw0, sw1)

    pltpu.sync_copy(nbr_hbm.at[wid], idx_v)
    for j in range(IROWS):
        for i in range(128 // 16):
            sl = pl.ds(i * 16, 16)
            idx_v[j, sl] = idx_v[j, sl] + boff

    desc = {}
    wb = {}

    def fire(c):
        p = c % 2
        base = tile_base + c * CH
        d = [pltpu.async_copy(g_hbm.at[pl.ds(base, CH)], acc_v.at[p], sg[p])]
        d += [pltpu.async_copy(g_hbm.at[idx_v.at[GROUPS * c + j]],
                               nbr_v.at[p, pl.ds(j * 128, 128)], sg[p])
              for j in range(GROUPS)]
        desc[c] = d

    fire(0)
    for c in range(NCHUNK):
        p = c % 2
        if c + 1 < NCHUNK:
            if c - 1 >= 0:
                wb[c - 1].wait()
            fire(c + 1)
        for d in desc[c]:
            d.wait()

        @plsc.parallel_loop(0, CH, step=1, unroll=8)
        def _acc_loop(f):
            for d in range(K // 16):
                sl = pl.ds(d * 16, 16)
                acc_v[p, f, sl] = (acc_v[p, f, sl] + nbr_v[p, 3 * f, sl]
                                   + nbr_v[p, 3 * f + 1, sl]
                                   + nbr_v[p, 3 * f + 2, sl])

        wb[c] = pltpu.async_copy(acc_v.at[p],
                                 out_hbm.at[pl.ds(tile_base + c * CH, CH)],
                                 sw[p])
    for c in range(max(NCHUNK - 2, 0), NCHUNK):
        wb[c].wait()


@functools.cache
def _sc_gather_sum():
    return pl.kernel(
        _sc_body,
        out_type=jax.ShapeDtypeStruct((H, K), jnp.float32),
        mesh=plsc.VectorSubcoreMesh(core_axis_name="c", subcore_axis_name="s"),
        scratch_types=[
            pltpu.VMEM((IROWS, 128), jnp.int32),
            pltpu.VMEM((2, CH, K), jnp.float32),
            pltpu.VMEM((2, CH * 3, K), jnp.float32),
            pltpu.SemaphoreType.DMA,
            pltpu.SemaphoreType.DMA,
            pltpu.SemaphoreType.DMA,
            pltpu.SemaphoreType.DMA,
        ],
        compiler_params=pltpu.CompilerParams(
            use_tc_tiling_on_sc=False,
            skip_device_barrier=True,
            disable_bounds_checks=True,
            disable_semaphore_checks=True,
        ),
    )


def _bn_body(s_ref, gm_ref, bt_ref, o_ref):
    s = s_ref[...] * (1.0 / 16.0)
    mean = jnp.mean(s, axis=0, keepdims=True)
    xc = s - mean
    var = jnp.mean(xc * xc, axis=0, keepdims=True)
    scale = gm_ref[...] * lax.rsqrt(var + 1e-5)
    y = jnp.maximum(xc * scale + bt_ref[...], 0.0)
    for b in range(B):
        o_ref[b] = jnp.transpose(y[b * N:(b + 1) * N, :])


def _bn_relu(s, gamma, beta):
    return pl.pallas_call(
        _bn_body,
        in_specs=[
            pl.BlockSpec((F, K), lambda: (0, 0)),
            pl.BlockSpec((1, K), lambda: (0, 0)),
            pl.BlockSpec((1, K), lambda: (0, 0)),
        ],
        out_specs=pl.BlockSpec((B, K, N), lambda: (0, 0, 0)),
        out_shape=jax.ShapeDtypeStruct((B, K, N), jnp.float32),
    )(s, gamma, beta)


@jax.jit
def kernel(normals, neighbor_index, weight_alpha, weight_beta, bn_gamma, bn_beta):
    wa = weight_alpha.reshape(K, 4)
    wb = weight_beta.reshape(K, 4)
    nbr = neighbor_index.reshape(NW, IROWS, 128)
    g = _compute_g(normals, wa, wb)
    s = _sc_gather_sum()(g, nbr)
    return _bn_relu(s, bn_gamma.reshape(1, K), bn_beta.reshape(1, K))

# --- scband reference (transcript-rebuilt; emitter-appended) ---
"""Pipeline reference for scband-face-kernel-correlation-34325378630094 (READ-ONLY COPY).

The authoritative reference and input builder live on the scoring server;
editing this copy changes nothing except your own understanding.
"""

import jax, jax.numpy as jnp
import numpy as np

NUM_KERNEL = 64
SIGMA = 0.2
B, N = 4, 4096

def setup_inputs(seed: int = 0) -> dict:
    key = jax.random.key(seed)
    k1, k2, k3, k4 = jax.random.split(key, 4)
    normals = jax.random.normal(k1, (B, 3, N), dtype=jnp.float32)
    neighbor_index = jax.random.randint(k2, (B, N, 3), 0, N, dtype=jnp.int64 if jax.config.jax_enable_x64 else jnp.int32).astype(jnp.int32)
    weight_alpha = jax.random.uniform(k3, (1, NUM_KERNEL, 4), dtype=jnp.float32) * np.pi
    weight_beta = jax.random.uniform(k4, (1, NUM_KERNEL, 4), dtype=jnp.float32) * 2.0 * np.pi
    bn_gamma = jnp.ones((NUM_KERNEL,), dtype=jnp.float32)
    bn_beta = jnp.zeros((NUM_KERNEL,), dtype=jnp.float32)
    return {"normals": normals, "neighbor_index": neighbor_index,
            "weight_alpha": weight_alpha, "weight_beta": weight_beta,
            "bn_gamma": bn_gamma, "bn_beta": bn_beta}

def reference(normals, neighbor_index, weight_alpha, weight_beta, bn_gamma, bn_beta):
    b, _, n = normals.shape
    K = NUM_KERNEL
    # center: [b, 3, K, n, 1]
    center = jnp.broadcast_to(normals[:, :, None, :, None], (b, 3, K, n, 1))
    # gather neighbor normals: out[b,c,i,j] = normals[b, c, neighbor_index[b, i, j]]
    src = jnp.broadcast_to(normals[:, :, :, None], (b, 3, n, 3))
    idx = jnp.broadcast_to(neighbor_index[:, None, :, :], (b, 3, n, 3))
    neighbor = jnp.take_along_axis(src, idx, axis=2)  # [b, 3, n, 3]
    neighbor = jnp.broadcast_to(neighbor[:, :, None, :, :], (b, 3, K, n, 3))
    fea = jnp.concatenate([center, neighbor], axis=4)  # [b, 3, K, n, 4]
    fea = fea[..., None]  # [b, 3, K, n, 4, 1]
    # kernel direction vectors: [3, K, 4]
    weight = jnp.concatenate([
        jnp.sin(weight_alpha) * jnp.cos(weight_beta),
        jnp.sin(weight_alpha) * jnp.sin(weight_beta),
        jnp.cos(weight_alpha)], axis=0)
    weight = weight[None, :, :, None, None, :]  # [1, 3, K, 1, 1, 4]
    dist = jnp.sum((fea - weight) ** 2, axis=1)  # [b, K, n, 4, 4]
    fea_out = jnp.sum(jnp.sum(jnp.exp(dist / (-2.0 * SIGMA ** 2)), axis=4), axis=3) / 16.0  # [b, K, n]
    # BatchNorm1d (training mode, batch statistics over dims (0, 2))
    mean = jnp.mean(fea_out, axis=(0, 2), keepdims=True)
    var = jnp.var(fea_out, axis=(0, 2), keepdims=True)
    out = bn_gamma[None, :, None] * (fea_out - mean) / jnp.sqrt(var + 1e-5) + bn_beta[None, :, None]
    return jnp.maximum(out, 0.0)

if __name__ == "__main__":
    import jax
    _d = setup_inputs()
    print(jax.jit(kernel)(*tuple(_d.values())))

</pallas_src>

<mosaic_0001>
#map = affine_map<(d0, d1) -> (0, 0)>
#map1 = affine_map<(d0, d1) -> (0, 0, 0)>
module attributes {stable_mosaic.version = 14 : i64} {
  func.func @_sc_body(%arg0: i32, %arg1: i32, %arg2: memref<16384x64xf32, #tpu.memory_space<hbm>>, %arg3: memref<32x12x128xi32, #tpu.memory_space<hbm>>, %arg4: memref<16384x64xf32, #tpu.memory_space<hbm>>, %arg5: memref<12x128xi32, #tpu.memory_space<vmem>>, %arg6: memref<2x128x64xf32, #tpu.memory_space<vmem>>, %arg7: memref<2x384x64xf32, #tpu.memory_space<vmem>>, %arg8: memref<!tpu.dma_semaphore, #tpu.memory_space<semaphore_mem>>, %arg9: memref<!tpu.dma_semaphore, #tpu.memory_space<semaphore_mem>>, %arg10: memref<!tpu.dma_semaphore, #tpu.memory_space<semaphore_mem>>, %arg11: memref<!tpu.dma_semaphore, #tpu.memory_space<semaphore_mem>>) attributes {dimension_semantics = [#tpu.dimension_semantics<core_parallel>, #tpu.dimension_semantics<subcore_parallel>], iteration_bounds = array<i64: 2, 16>, scalar_prefetch = 0 : i64, scratch_operands = 7 : i64, tpu.core_type = #tpu.core_type<sc_vector_subcore>, window_params = [{transform_indices = #map}, {transform_indices = #map1}, {transform_indices = #map}]} {
    %mul3A = arith.constant 16 : i32
    %mul3A_0 = arith.muli %arg0, %mul3A : i32
    %add3A = arith.addi %mul3A_0, %arg1 : i32
    %jit3A = arith.constant 8 : i32
    %div3A = arith.divsi %add3A, %jit3A : i32
    %sign3A = arith.constant 0 : i32
    %sign3A_1 = arith.cmpi sgt, %add3A, %sign3A : i32
    %sign3A_2 = arith.extui %sign3A_1 : i1 to i32
    %sign3A_3 = arith.constant 0 : i32
    %sign3A_4 = arith.cmpi slt, %add3A, %sign3A_3 : i32
    %sign3A_5 = arith.extui %sign3A_4 : i1 to i32
    %sign3A_6 = arith.subi %sign3A_2, %sign3A_5 : i32
    %sign3A_7 = arith.constant 0 : i32
    %sign3A_8 = arith.cmpi sgt, %jit3A, %sign3A_7 : i32
    %sign3A_9 = arith.extui %sign3A_8 : i1 to i32
    %sign3A_10 = arith.constant 0 : i32
    %sign3A_11 = arith.cmpi slt, %jit3A, %sign3A_10 : i32
    %sign3A_12 = arith.extui %sign3A_11 : i1 to i32
    %sign3A_13 = arith.subi %sign3A_9, %sign3A_12 : i32
    %ne3A = arith.cmpi ne, %sign3A_6, %sign3A_13 : i32
    %rem3A = arith.remsi %add3A, %jit3A : i32
    %ne3A_14 = arith.constant 0 : i32
    %ne3A_15 = arith.cmpi ne, %rem3A, %ne3A_14 : i32
    %and3A = arith.andi %ne3A, %ne3A_15 : i1
    %sub3A = arith.constant 1 : i32
    %sub3A_16 = arith.subi %div3A, %sub3A : i32
    %select_n3A = arith.select %and3A, %sub3A_16, %div3A : i32
    %mul3A_17 = arith.constant 4096 : i32
    %mul3A_18 = arith.muli %select_n3A, %mul3A_17 : i32
    %mul3A_19 = arith.constant 512 : i32
    %mul3A_20 = arith.muli %add3A, %mul3A_19 : i32
    "tpu.region"() ({
      %run_scoped3A = tpu.sem_alloc : memref<!tpu.dma_semaphore, #tpu.memory_space<semaphore_mem>>
      %dma_start3A_1788 = arith.constant 0 : i32
      %dma_start3A_1789 = arith.constant 0 : i32
      %dma_start3A_1790 = tpu.memref_slice %arg3[%add3A, %dma_start3A_1788, %dma_start3A_1789] : memref<32x12x128xi32, #tpu.memory_space<hbm>> -> memref<1x12x128xi32, #tpu.memory_space<hbm>>
      %dma_start3A_1791 = tpu.memref_squeeze %dma_start3A_1790 : memref<1x12x128xi32, #tpu.memory_space<hbm>> -> memref<12x128xi32, #tpu.memory_space<hbm>>
      %dma_start3A_1792 = arith.constant 0 : i32
      %dma_start3A_1793 = arith.constant 0 : i32
      %dma_start3A_1794 = tpu.memref_slice %arg3[%add3A, %dma_start3A_1792, %dma_start3A_1793] : memref<32x12x128xi32, #tpu.memory_space<hbm>> -> memref<1x12x128xi32, #tpu.memory_space<hbm>>
      %dma_start3A_1795 = tpu.memref_squeeze %dma_start3A_1794 : memref<1x12x128xi32, #tpu.memory_space<hbm>> -> memref<12x128xi32, #tpu.memory_space<hbm>>
      tpu.enqueue_dma source(%dma_start3A_1795 : memref<12x128xi32, #tpu.memory_space<hbm>>) target(%arg5 : memref<12x128xi32, #tpu.memory_space<vmem>>) target_semaphore(%run_scoped3A : memref<!tpu.dma_semaphore, #tpu.memory_space<semaphore_mem>>)
      %dma_wait3A_1796 = arith.constant 0 : i32
      %dma_wait3A_1797 = arith.constant 0 : i32
      %dma_wait3A_1798 = tpu.memref_slice %arg3[%add3A, %dma_wait3A_1796, %dma_wait3A_1797] : memref<32x12x128xi32, #tpu.memory_space<hbm>> -> memref<1x12x128xi32, #tpu.memory_space<hbm>>
      %dma_wait3A_1799 = tpu.memref_squeeze %dma_wait3A_1798 : memref<1x12x128xi32, #tpu.memory_space<hbm>> -> memref<12x128xi32, #tpu.memory_space<hbm>>
      %dma_wait3A_1800 = arith.constant 0 : i32
      %dma_wait3A_1801 = arith.constant 0 : i32
      %dma_wait3A_1802 = tpu.memref_slice %arg3[%add3A, %dma_wait3A_1800, %dma_wait3A_1801] : memref<32x12x128xi32, #tpu.memory_space<hbm>> -> memref<1x12x128xi32, #tpu.memory_space<hbm>>
      %dma_wait3A_1803 = tpu.memref_squeeze %dma_wait3A_1802 : memref<1x12x128xi32, #tpu.memory_space<hbm>> -> memref<12x128xi32, #tpu.memory_space<hbm>>
      tpu.wait_dma2 semaphore(%run_scoped3A : memref<!tpu.dma_semaphore, #tpu.memory_space<semaphore_mem>>) src(%dma_wait3A_1803 : memref<12x128xi32, #tpu.memory_space<hbm>>) dst(%arg5 : memref<12x128xi32, #tpu.memory_space<vmem>>)
      tpu.yield
    }) : () -> ()
    %get3A = arith.constant 0 : i32
    %get3A_21 = arith.index_cast %get3A : i32 to index
    %get3A_22 = arith.constant 0 : index
    %get3A_23 = tpu.vector_load %arg5[%get3A_21, %get3A_22] {strides = array<i32>} : memref<12x128xi32, #tpu.memory_space<vmem>>, vector<1x16xi32>,
    %get3A_24 = vector.shape_cast %get3A_23 : vector<1x16xi32> to vector<16xi32>
    %add3A_25 = vector.broadcast %mul3A_18 : i32 to vector<16xi32>
    %add3A_26 = arith.addi %get3A_24, %add3A_25 : vector<16xi32>
    %swap3A = arith.constant 0 : i32
    %swap3A_27 = arith.index_cast %swap3A : i32 to index
    %swap3A_28 = arith.constant 0 : index
    %swap3A_29 = tpu.vector_load %arg5[%swap3A_27, %swap3A_28] {strides = array<i32>} : memref<12x128xi32, #tpu.memory_space<vmem>>, vector<1x16xi32>,
    %swap3A_30 = vector.shape_cast %swap3A_29 : vector<1x16xi32> to vector<16xi32>
    %swap3A_31 = vector.shape_cast %add3A_26 : vector<16xi32> to vector<1x16xi32>
    tpu.vector_store %arg5[%swap3A_27, %swap3A_28], %swap3A_31 {strides = array<i32>} : memref<12x128xi32, #tpu.memory_space<vmem>>, vector<1x16xi32>,
    %get3A_32 = arith.constant 0 : i32
    %get3A_33 = arith.index_cast %get3A_32 : i32 to index
    %get3A_34 = arith.constant 16 : index
    %get3A_35 = tpu.vector_load %arg5[%get3A_33, %get3A_34] {strides = array<i32>} : memref<12x128xi32, #tpu.memory_space<vmem>>, vector<1x16xi32>,
    %get3A_36 = vector.shape_cast %get3A_35 : vector<1x16xi32> to vector<16xi32>
    %add3A_37 = vector.broadcast %mul3A_18 : i32 to vector<16xi32>
    %add3A_38 = arith.addi %get3A_36, %add3A_37 : vector<16xi32>
    %swap3A_39 = arith.constant 0 : i32
    %swap3A_40 = arith.index_cast %swap3A_39 : i32 to index
    %swap3A_41 = arith.constant 16 : index
    %swap3A_42 = tpu.vector_load %arg5[%swap3A_40, %swap3A_41] {strides = array<i32>} : memref<12x128xi32, #tpu.memory_space<vmem>>, vector<1x16xi32>,
    %swap3A_43 = vector.shape_cast %swap3A_42 : vector<1x16xi32> to vector<16xi32>
    %swap3A_44 = vector.shape_cast %add3A_38 : vector<16xi32> to vector<1x16xi32>
    tpu.vector_store %arg5[%swap3A_40, %swap3A_41], %swap3A_44 {strides = array<i32>} : memref<12x128xi32, #tpu.memory_space<vmem>>, vector<1x16xi32>,
    %get3A_45 = arith.constant 0 : i32
    %get3A_46 = arith.index_cast %get3A_45 : i32 to index
    %get3A_47 = arith.constant 32 : index
    %get3A_48 = tpu.vector_load %arg5[%get3A_46, %get3A_47] {strides = array<i32>} : memref<12x128xi32, #tpu.memory_space<vmem>>, vector<1x16xi32>,
    %get3A_49 = vector.shape_cast %get3A_48 : vector<1x16xi32> to vector<16xi32>
    %add3A_50 = vector.broadcast %mul3A_18 : i32 to vector<16xi32>
    %add3A_51 = arith.addi %get3A_49, %add3A_50 : vector<16xi32>
    %swap3A_52 = arith.constant 0 : i32
    %swap3A_53 = arith.index_cast %swap3A_52 : i32 to index
    %swap3A_54 = arith.constant 32 : index
    %swap3A_55 = tpu.vector_load %arg5[%swap3A_53, %swap3A_54] {strides = array<i32>} : memref<12x128xi32, #tpu.memory_space<vmem>>, vector<1x16xi32>,
    %swap3A_56 = vector.shape_cast %swap3A_55 : vector<1x16xi32> to vector<16xi32>
    %swap3A_57 = vector.shape_cast %add3A_51 : vector<16xi32> to vector<1x16xi32>
    tpu.vector_store %arg5[%swap3A_53, %swap3A_54], %swap3A_57 {strides = array<i32>} : memref<12x128xi32, #tpu.memory_space<vmem>>, vector<1x16xi32>,
    %get3A_58 = arith.constant 0 : i32
    %get3A_59 = arith.index_cast %get3A_58 : i32 to index
    %get3A_60 = arith.constant 48 : index
    %get3A_61 = tpu.vector_load %arg5[%get3A_59, %get3A_60] {strides = array<i32>} : memref<12x128xi32, #tpu.memory_space<vmem>>, vector<1x16xi32>,
    %get3A_62 = vector.shape_cast %get3A_61 : vector<1x16xi32> to vector<16xi32>
    %add3A_63 = vector.broadcast %mul3A_18 : i32 to vector<16xi32>
    %add3A_64 = arith.addi %get3A_62, %add3A_63 : vector<16xi32>
    %swap3A_65 = arith.constant 0 : i32
    %swap3A_66 = arith.index_cast %swap3A_65 : i32 to index
    %swap3A_67 = arith.constant 48 : index
    %swap3A_68 = tpu.vector_load %arg5[%swap3A_66, %swap3A_67] {strides = array<i32>} : memref<12x128xi32, #tpu.memory_space<vmem>>, vector<1x16xi32>,
    %swap3A_69 = vector.shape_cast %swap3A_68 : vector<1x16xi32> to vector<16xi32>
    %swap3A_70 = vector.shape_cast %add3A_64 : vector<16xi32> to vector<1x16xi32>
    tpu.vector_store %arg5[%swap3A_66, %swap3A_67], %swap3A_70 {strides = array<i32>} : memref<12x128xi32, #tpu.memory_space<vmem>>, vector<1x16xi32>,
    %get3A_71 = arith.constant 0 : i32
    %get3A_72 = arith.index_cast %get3A_71 : i32 to index
    %get3A_73 = arith.constant 64 : index
    %get3A_74 = tpu.vector_load %arg5[%get3A_72, %get3A_73] {strides = array<i32>} : memref<12x128xi32, #tpu.memory_space<vmem>>, vector<1x16xi32>,
    %get3A_75 = vector.shape_cast %get3A_74 : vector<1x16xi32> to vector<16xi32>
    %add3A_76 = vector.broadcast %mul3A_18 : i32 to vector<16xi32>
    %add3A_77 = arith.addi %get3A_75, %add3A_76 : vector<16xi32>
    %swap3A_78 = arith.constant 0 : i32
    %swap3A_79 = arith.index_cast %swap3A_78 : i32 to index
    %swap3A_80 = arith.constant 64 : index
    %swap3A_81 = tpu.vector_load %arg5[%swap3A_79, %swap3A_80] {strides = array<i32>} : memref<12x128xi32, #tpu.memory_space<vmem>>, vector<1x16xi32>,
    %swap3A_82 = vector.shape_cast %swap3A_81 : vector<1x16xi32> to vector<16xi32>
    %swap3A_83 = vector.shape_cast %add3A_77 : vector<16xi32> to vector<1x16xi32>
    tpu.vector_store %arg5[%swap3A_79, %swap3A_80], %swap3A_83 {strides = array<i32>} : memref<12x128xi32, #tpu.memory_space<vmem>>, vector<1x16xi32>,
    %get3A_84 = arith.constant 0 : i32
    %get3A_85 = arith.index_cast %get3A_84 : i32 to index
    %get3A_86 = arith.constant 80 : index
    %get3A_87 = tpu.vector_load %arg5[%get3A_85, %get3A_86] {strides = array<i32>} : memref<12x128xi32, #tpu.memory_space<vmem>>, vector<1x16xi32>,
    %get3A_88 = vector.shape_cast %get3A_87 : vector<1x16xi32> to vector<16xi32>
    %add3A_89 = vector.broadcast %mul3A_18 : i32 to vector<16xi32>
    %add3A_90 = arith.addi %get3A_88, %add3A_89 : vector<16xi32>
    %swap3A_91 = arith.constant 0 : i32
    %swap3A_92 = arith.index_cast %swap3A_91 : i32 to index
    %swap3A_93 = arith.constant 80 : index
    %swap3A_94 = tpu.vector_load %arg5[%swap3A_92, %swap3A_93] {strides = array<i32>} : memref<12x128xi32, #tpu.memory_space<vmem>>, vector<1x16xi32>,
    %swap3A_95 = vector.shape_cast %swap3A_94 : vector<1x16xi32> to vector<16xi32>
    %swap3A_96 = vector.shape_cast %add3A_90 : vector<16xi32> to vector<1x16xi32>
    tpu.vector_store %arg5[%swap3A_92, %swap3A_93], %swap3A_96 {strides = array<i32>} : memref<12x128xi32, #tpu.memory_space<vmem>>, vector<1x16xi32>,
    %get3A_97 = arith.constant 0 : i32
    %get3A_98 = arith.index_cast %get3A_97 : i32 to index
    %get3A_99 = arith.constant 96 : index
    %get3A_100 = tpu.vector_load %arg5[%get3A_98, %get3A_99] {strides = array<i32>} : memref<12x128xi32, #tpu.memory_space<vmem>>, vector<1x16xi32>,
    %get3A_101 = vector.shape_cast %get3A_100 : vector<1x16xi32> to vector<16xi32>
    %add3A_102 = vector.broadcast %mul3A_18 : i32 to vector<16xi32>
    %add3A_103 = arith.addi %get3A_101, %add3A_102 : vector<16xi32>
    %swap3A_104 = arith.constant 0 : i32
    %swap3A_105 = arith.index_cast %swap3A_104 : i32 to index
    %swap3A_106 = arith.constant 96 : index
    %swap3A_107 = tpu.vector_load %arg5[%swap3A_105, %swap3A_106] {strides = array<i32>} : memref<12x128xi32, #tpu.memory_space<vmem>>, vector<1x16xi32>,
    %swap3A_108 = vector.shape_cast %swap3A_107 : vector<1x16xi32> to vector<16xi32>
    %swap3A_109 = vector.shape_cast %add3A_103 : vector<16xi32> to vector<1x16xi32>
    tpu.vector_store %arg5[%swap3A_105, %swap3A_106], %swap3A_109 {strides = array<i32>} : memref<12x128xi32, #tpu.memory_space<vmem>>, vector<1x16xi32>,
    %get3A_110 = arith.constant 0 : i32
    %get3A_111 = arith.index_cast %get3A_110 : i32 to index
    %get3A_112 = arith.constant 112 : index
    %get3A_113 = tpu.vector_load %arg5[%get3A_111, %get3A_112] {strides = array<i32>} : memref<12x128xi32, #tpu.memory_space<vmem>>, vector<1x16xi32>,
    %get3A_114 = vector.shape_cast %get3A_113 : vector<1x16xi32> to vector<16xi32>
    %add3A_115 = vector.broadcast %mul3A_18 : i32 to vector<16xi32>
    %add3A_116 = arith.addi %get3A_114, %add3A_115 : vector<16xi32>
    %swap3A_117 = arith.constant 0 : i32
    %swap3A_118 = arith.index_cast %swap3A_117 : i32 to index
    %swap3A_119 = arith.constant 112 : index
    %swap3A_120 = tpu.vector_load %arg5[%swap3A_118, %swap3A_119] {strides = array<i32>} : memref<12x128xi32, #tpu.memory_space<vmem>>, vector<1x16xi32>,
    %swap3A_121 = vector.shape_cast %swap3A_120 : vector<1x16xi32> to vector<16xi32>
    %swap3A_122 = vector.shape_cast %add3A_116 : vector<16xi32> to vector<1x16xi32>
    tpu.vector_store %arg5[%swap3A_118, %swap3A_119], %swap3A_122 {strides = array<i32>} : memref<12x128xi32, #tpu.memory_space<vmem>>, vector<1x16xi32>,
    %get3A_123 = arith.constant 1 : i32
    %get3A_124 = arith.index_cast %get3A_123 : i32 to index
    %get3A_125 = arith.constant 0 : index
    %get3A_126 = tpu.vector_load %arg5[%get3A_124, %get3A_125] {strides = array<i32>} : memref<12x128xi32, #tpu.memory_space<vmem>>, vector<1x16xi32>,
    %get3A_127 = vector.shape_cast %get3A_126 : vector<1x16xi32> to vector<16xi32>
    %add3A_128 = vector.broadcast %mul3A_18 : i32 to vector<16xi32>
    %add3A_129 = arith.addi %get3A_127, %add3A_128 : vector<16xi32>
    %swap3A_130 = arith.constant 1 : i32
    %swap3A_131 = arith.index_cast %swap3A_130 : i32 to index
    %swap3A_132 = arith.constant 0 : index
    %swap3A_133 = tpu.vector_load %arg5[%swap3A_131, %swap3A_132] {strides = array<i32>} : memref<12x128xi32, #tpu.memory_space<vmem>>, vector<1x16xi32>,
    %swap3A_134 = vector.shape_cast %swap3A_133 : vector<1x16xi32> to vector<16xi32>
    %swap3A_135 = vector.shape_cast %add3A_129 : vector<16xi32> to vector<1x16xi32>
    tpu.vector_store %arg5[%swap3A_131, %swap3A_132], %swap3A_135 {strides = array<i32>} : memref<12x128xi32, #tpu.memory_space<vmem>>, vector<1x16xi32>,
    %get3A_136 = arith.constant 1 : i32
    %get3A_137 = arith.index_cast %get3A_136 : i32 to index
    %get3A_138 = arith.constant 16 : index
    %get3A_139 = tpu.vector_load %arg5[%get3A_137, %get3A_138] {strides = array<i32>} : memref<12x128xi32, #tpu.memory_space<vmem>>, vector<1x16xi32>,
    %get3A_140 = vector.shape_cast %get3A_139 : vector<1x16xi32> to vector<16xi32>
    %add3A_141 = vector.broadcast %mul3A_18 : i32 to vector<16xi32>
    %add3A_142 = arith.addi %get3A_140, %add3A_141 : vector<16xi32>
    %swap3A_143 = arith.constant 1 : i32
    %swap3A_144 = arith.index_cast %swap3A_143 : i32 to index
    %swap3A_145 = arith.constant 16 : index
    %swap3A_146 = tpu.vector_load %arg5[%swap3A_144, %swap3A_145] {strides = array<i32>} : memref<12x128xi32, #tpu.memory_space<vmem>>, vector<1x16xi32>,
    %swap3A_147 = vector.shape_cast %swap3A_146 : vector<1x16xi32> to vector<16xi32>
    %swap3A_148 = vector.shape_cast %add3A_142 : vector<16xi32> to vector<1x16xi32>
    tpu.vector_store %arg5[%swap3A_144, %swap3A_145], %swap3A_148 {strides = array<i32>} : memref<12x128xi32, #tpu.memory_space<vmem>>, vector<1x16xi32>,
    %get3A_149 = arith.constant 1 : i32
    %get3A_150 = arith.index_cast %get3A_149 : i32 to index
    %get3A_151 = arith.constant 32 : index
    %get3A_152 = tpu.vector_load %arg5[%get3A_150, %get3A_151] {strides = array<i32>} : memref<12x128xi32, #tpu.memory_space<vmem>>, vector<1x16xi32>,
    %get3A_153 = vector.shape_cast %get3A_152 : vector<1x16xi32> to vector<16xi32>
    %add3A_154 = vector.broadcast %mul3A_18 : i32 to vector<16xi32>
    %add3A_155 = arith.addi %get3A_153, %add3A_154 : vector<16xi32>
    %swap3A_156 = arith.constant 1 : i32
    %swap3A_157 = arith.index_cast %swap3A_156 : i32 to index
    %swap3A_158 = arith.constant 32 : index
    %swap3A_159 = tpu.vector_load %arg5[%swap3A_157, %swap3A_158] {strides = array<i32>} : memref<12x128xi32, #tpu.memory_space<vmem>>, vector<1x16xi32>,
    %swap3A_160 = vector.shape_cast %swap3A_159 : vector<1x16xi32> to vector<16xi32>
    %swap3A_161 = vector.shape_cast %add3A_155 : vector<16xi32> to vector<1x16xi32>
    tpu.vector_store %arg5[%swap3A_157, %swap3A_158], %swap3A_161 {strides = array<i32>} : memref<12x128xi32, #tpu.memory_space<vmem>>, vector<1x16xi32>,
    %get3A_162 = arith.constant 1 : i32
    %get3A_163 = arith.index_cast %get3A_162 : i32 to index
    %get3A_164 = arith.constant 48 : index
    %get3A_165 = tpu.vector_load %arg5[%get3A_163, %get3A_164] {strides = array<i32>} : memref<12x128xi32, #tpu.memory_space<vmem>>, vector<1x16xi32>,
    %get3A_166 = vector.shape_cast %get3A_165 : vector<1x16xi32> to vector<16xi32>
    %add3A_167 = vector.broadcast %mul3A_18 : i32 to vector<16xi32>
    %add3A_168 = arith.addi %get3A_166, %add3A_167 : vector<16xi32>
    %swap3A_169 = arith.constant 1 : i32
    %swap3A_170 = arith.index_cast %swap3A_169 : i32 to index
    %swap3A_171 = arith.constant 48 : index
    %swap3A_172 = tpu.vector_load %arg5[%swap3A_170, %swap3A_171] {strides = array<i32>} : memref<12x128xi32, #tpu.memory_space<vmem>>, vector<1x16xi32>,
    %swap3A_173 = vector.shape_cast %swap3A_172 : vector<1x16xi32> to vector<16xi32>
    %swap3A_174 = vector.shape_cast %add3A_168 : vector<16xi32> to vector<1x16xi32>
    tpu.vector_store %arg5[%swap3A_170, %swap3A_171], %swap3A_174 {strides = array<i32>} : memref<12x128xi32, #tpu.memory_space<vmem>>, vector<1x16xi32>,
    %get3A_175 = arith.constant 1 : i32
    %get3A_176 = arith.index_cast %get3A_175 : i32 to index
    %get3A_177 = arith.constant 64 : index
    %get3A_178 = tpu.vector_load %arg5[%get3A_176, %get3A_177] {strides = array<i32>} : memref<12x128xi32, #tpu.memory_space<vmem>>, vector<1x16xi32>,
    %get3A_179 = vector.shape_cast %get3A_178 : vector<1x16xi32> to vector<16xi32>
    %add3A_180 = vector.broadcast %mul3A_18 : i32 to vector<16xi32>
    %add3A_181 = arith.addi %get3A_179, %add3A_180 : vector<16xi32>
    %swap3A_182 = arith.constant 1 : i32
    %swap3A_183 = arith.index_cast %swap3A_182 : i32 to index
    %swap3A_184 = arith.constant 64 : index
    %swap3A_185 = tpu.vector_load %arg5[%swap3A_183, %swap3A_184] {strides = array<i32>} : memref<12x128xi32, #tpu.memory_space<vmem>>, vector<1x16xi32>,
    %swap3A_186 = vector.shape_cast %swap3A_185 : vector<1x16xi32> to vector<16xi32>
    %swap3A_187 = vector.shape_cast %add3A_181 : vector<16xi32> to vector<1x16xi32>
    tpu.vector_store %arg5[%swap3A_183, %swap3A_184], %swap3A_187 {strides = array<i32>} : memref<12x128xi32, #tpu.memory_space<vmem>>, vector<1x16xi32>,
    %get3A_188 = arith.constant 1 : i32
    %get3A_189 = arith.index_cast %get3A_188 : i32 to index
    %get3A_190 = arith.constant 80 : index
    %get3A_191 = tpu.vector_load %arg5[%get3A_189, %get3A_190] {strides = array<i32>} : memref<12x128xi32, #tpu.memory_space<vmem>>, vector<1x16xi32>,
    %get3A_192 = vector.shape_cast %get3A_191 : vector<1x16xi32> to vector<16xi32>
    %add3A_193 = vector.broadcast %mul3A_18 : i32 to vector<16xi32>
    %add3A_194 = arith.addi %get3A_192, %add3A_193 : vector<16xi32>
    %swap3A_195 = arith.constant 1 : i32
    %swap3A_196 = arith.index_cast %swap3A_195 : i32 to index
    %swap3A_197 = arith.constant 80 : index
    %swap3A_198 = tpu.vector_load %arg5[%swap3A_196, %swap3A_197] {strides = array<i32>} : memref<12x128xi32, #tpu.memory_space<vmem>>, vector<1x16xi32>,
    %swap3A_199 = vector.shape_cast %swap3A_198 : vector<1x16xi32> to vector<16xi32>
    %swap3A_200 = vector.shape_cast %add3A_194 : vector<16xi32> to vector<1x16xi32>
    tpu.vector_store %arg5[%swap3A_196, %swap3A_197], %swap3A_200 {strides = array<i32>} : memref<12x128xi32, #tpu.memory_space<vmem>>, vector<1x16xi32>,
    %get3A_201 = arith.constant 1 : i32
    %get3A_202 = arith.index_cast %get3A_201 : i32 to index
    %get3A_203 = arith.constant 96 : index
    %get3A_204 = tpu.vector_load %arg5[%get3A_202, %get3A_203] {strides = array<i32>} : memref<12x128xi32, #tpu.memory_space<vmem>>, vector<1x16xi32>,
    %get3A_205 = vector.shape_cast %get3A_204 : vector<1x16xi32> to vector<16xi32>
    %add3A_206 = vector.broadcast %mul3A_18 : i32 to vector<16xi32>
    %add3A_207 = arith.addi %get3A_205, %add3A_206 : vector<16xi32>
    %swap3A_208 = arith.constant 1 : i32
    %swap3A_209 = arith.index_cast %swap3A_208 : i32 to index
    %swap3A_210 = arith.constant 96 : index
    %swap3A_211 = tpu.vector_load %arg5[%swap3A_209, %swap3A_210] {strides = array<i32>} : memref<12x128xi32, #tpu.memory_space<vmem>>, vector<1x16xi32>,
    %swap3A_212 = vector.shape_cast %swap3A_211 : vector<1x16xi32> to vector<16xi32>
    %swap3A_213 = vector.shape_cast %add3A_207 : vector<16xi32> to vector<1x16xi32>
    tpu.vector_store %arg5[%swap3A_209, %swap3A_210], %swap3A_213 {strides = array<i32>} : memref<12x128xi32, #tpu.memory_space<vmem>>, vector<1x16xi32>,
    %get3A_214 = arith.constant 1 : i32
    %get3A_215 = arith.index_cast %get3A_214 : i32 to index
    %get3A_216 = arith.constant 112 : index
    %get3A_217 = tpu.vector_load %arg5[%get3A_215, %get3A_216] {strides = array<i32>} : memref<12x128xi32, #tpu.memory_space<vmem>>, vector<1x16xi32>,
    %get3A_218 = vector.shape_cast %get3A_217 : vector<1x16xi32> to vector<16xi32>
    %add3A_219 = vector.broadcast %mul3A_18 : i32 to vector<16xi32>
    %add3A_220 = arith.addi %get3A_218, %add3A_219 : vector<16xi32>
    %swap3A_221 = arith.constant 1 : i32
    %swap3A_222 = arith.index_cast %swap3A_221 : i32 to index
    %swap3A_223 = arith.constant 112 : index
    %swap3A_224 = tpu.vector_load %arg5[%swap3A_222, %swap3A_223] {strides = array<i32>} : memref<12x128xi32, #tpu.memory_space<vmem>>, vector<1x16xi32>,
    %swap3A_225 = vector.shape_cast %swap3A_224 : vector<1x16xi32> to vector<16xi32>
    %swap3A_226 = vector.shape_cast %add3A_220 : vector<16xi32> to vector<1x16xi32>
    tpu.vector_store %arg5[%swap3A_222, %swap3A_223], %swap3A_226 {strides = array<i32>} : memref<12x128xi32, #tpu.memory_space<vmem>>, vector<1x16xi32>,
    %get3A_227 = arith.constant 2 : i32
    %get3A_228 = arith.index_cast %get3A_227 : i32 to index
    %get3A_229 = arith.constant 0 : index
    %get3A_230 = tpu.vector_load %arg5[%get3A_228, %get3A_229] {strides = array<i32>} : memref<12x128xi32, #tpu.memory_space<vmem>>, vector<1x16xi32>,
    %get3A_231 = vector.shape_cast %get3A_230 : vector<1x16xi32> to vector<16xi32>
    %add3A_232 = vector.broadcast %mul3A_18 : i32 to vector<16xi32>
    %add3A_233 = arith.addi %get3A_231, %add3A_232 : vector<16xi32>
    %swap3A_234 = arith.constant 2 : i32
    %swap3A_235 = arith.index_cast %swap3A_234 : i32 to index
    %swap3A_236 = arith.constant 0 : index
    %swap3A_237 = tpu.vector_load %arg5[%swap3A_235, %swap3A_236] {strides = array<i32>} : memref<12x128xi32, #tpu.memory_space<vmem>>, vector<1x16xi32>,
    %swap3A_238 = vector.shape_cast %swap3A_237 : vector<1x16xi32> to vector<16xi32>
    %swap3A_239 = vector.shape_cast %add3A_233 : vector<16xi32> to vector<1x16xi32>
    tpu.vector_store %arg5[%swap3A_235, %swap3A_236], %swap3A_239 {strides = array<i32>} : memref<12x128xi32, #tpu.memory_space<vmem>>, vector<1x16xi32>,
    %get3A_240 = arith.constant 2 : i32
    %get3A_241 = arith.index_cast %get3A_240 : i32 to index
    %get3A_242 = arith.constant 16 : index
    %get3A_243 = tpu.vector_load %arg5[%get3A_241, %get3A_242] {strides = array<i32>} : memref<12x128xi32, #tpu.memory_space<vmem>>, vector<1x16xi32>,
    %get3A_244 = vector.shape_cast %get3A_243 : vector<1x16xi32> to vector<16xi32>
    %add3A_245 = vector.broadcast %mul3A_18 : i32 to vector<16xi32>
    %add3A_246 = arith.addi %get3A_244, %add3A_245 : vector<16xi32>
    %swap3A_247 = arith.constant 2 : i32
    %swap3A_248 = arith.index_cast %swap3A_247 : i32 to index
    %swap3A_249 = arith.constant 16 : index
    %swap3A_250 = tpu.vector_load %arg5[%swap3A_248, %swap3A_249] {strides = array<i32>} : memref<12x128xi32, #tpu.memory_space<vmem>>, vector<1x16xi32>,
    %swap3A_251 = vector.shape_cast %swap3A_250 : vector<1x16xi32> to vector<16xi32>
    %swap3A_252 = vector.shape_cast %add3A_246 : vector<16xi32> to vector<1x16xi32>
    tpu.vector_store %arg5[%swap3A_248, %swap3A_249], %swap3A_252 {strides = array<i32>} : memref<12x128xi32, #tpu.memory_space<vmem>>, vector<1x16xi32>,
    %get3A_253 = arith.constant 2 : i32
    %get3A_254 = arith.index_cast %get3A_253 : i32 to index
    %get3A_255 = arith.constant 32 : index
    %get3A_256 = tpu.vector_load %arg5[%get3A_254, %get3A_255] {strides = array<i32>} : memref<12x128xi32, #tpu.memory_space<vmem>>, vector<1x16xi32>,
    %get3A_257 = vector.shape_cast %get3A_256 : vector<1x16xi32> to vector<16xi32>
    %add3A_258 = vector.broadcast %mul3A_18 : i32 to vector<16xi32>
    %add3A_259 = arith.addi %get3A_257, %add3A_258 : vector<16xi32>
    %swap3A_260 = arith.constant 2 : i32
    %swap3A_261 = arith.index_cast %swap3A_260 : i32 to index
    %swap3A_262 = arith.constant 32 : index
    %swap3A_263 = tpu.vector_load %arg5[%swap3A_261, %swap3A_262] {strides = array<i32>} : memref<12x128xi32, #tpu.memory_space<vmem>>, vector<1x16xi32>,
    %swap3A_264 = vector.shape_cast %swap3A_263 : vector<1x16xi32> to vector<16xi32>
    %swap3A_265 = vector.shape_cast %add3A_259 : vector<16xi32> to vector<1x16xi32>
    tpu.vector_store %arg5[%swap3A_261, %swap3A_262], %swap3A_265 {strides = array<i32>} : memref<12x128xi32, #tpu.memory_space<vmem>>, vector<1x16xi32>,
    %get3A_266 = arith.constant 2 : i32
    %get3A_267 = arith.index_cast %get3A_266 : i32 to index
    %get3A_268 = arith.constant 48 : index
    %get3A_269 = tpu.vector_load %arg5[%get3A_267, %get3A_268] {strides = array<i32>} : memref<12x128xi32, #tpu.memory_space<vmem>>, vector<1x16xi32>,
    %get3A_270 = vector.shape_cast %get3A_269 : vector<1x16xi32> to vector<16xi32>
    %add3A_271 = vector.broadcast %mul3A_18 : i32 to vector<16xi32>
    %add3A_272 = arith.addi %get3A_270, %add3A_271 : vector<16xi32>
    %swap3A_273 = arith.constant 2 : i32
    %swap3A_274 = arith.index_cast %swap3A_273 : i32 to index
    %swap3A_275 = arith.constant 48 : index
    %swap3A_276 = tpu.vector_load %arg5[%swap3A_274, %swap3A_275] {strides = array<i32>} : memref<12x128xi32, #tpu.memory_space<vmem>>, vector<1x16xi32>,
    %swap3A_277 = vector.shape_cast %swap3A_276 : vector<1x16xi32> to vector<16xi32>
    %swap3A_278 = vector.shape_cast %add3A_272 : vector<16xi32> to vector<1x16xi32>
    tpu.vector_store %arg5[%swap3A_274, %swap3A_275], %swap3A_278 {strides = array<i32>} : memref<12x128xi32, #tpu.memory_space<vmem>>, vector<1x16xi32>,
    %get3A_279 = arith.constant 2 : i32
    %get3A_280 = arith.index_cast %get3A_279 : i32 to index
    %get3A_281 = arith.constant 64 : index
    %get3A_282 = tpu.vector_load %arg5[%get3A_280, %get3A_281] {strides = array<i32>} : memref<12x128xi32, #tpu.memory_space<vmem>>, vector<1x16xi32>,
    %get3A_283 = vector.shape_cast %get3A_282 : vector<1x16xi32> to vector<16xi32>
    %add3A_284 = vector.broadcast %mul3A_18 : i32 to vector<16xi32>
    %add3A_285 = arith.addi %get3A_283, %add3A_284 : vector<16xi32>
    %swap3A_286 = arith.constant 2 : i32
    %swap3A_287 = arith.index_cast %swap3A_286 : i32 to index
    %swap3A_288 = arith.constant 64 : index
    %swap3A_289 = tpu.vector_load %arg5[%swap3A_287, %swap3A_288] {strides = array<i32>} : memref<12x128xi32, #tpu.memory_space<vmem>>, vector<1x16xi32>,
    %swap3A_290 = vector.shape_cast %swap3A_289 : vector<1x16xi32> to vector<16xi32>
    %swap3A_291 = vector.shape_cast %add3A_285 : vector<16xi32> to vector<1x16xi32>
    tpu.vector_store %arg5[%swap3A_287, %swap3A_288], %swap3A_291 {strides = array<i32>} : memref<12x128xi32, #tpu.memory_space<vmem>>, vector<1x16xi32>,
    %get3A_292 = arith.constant 2 : i32
    %get3A_293 = arith.index_cast %get3A_292 : i32 to index
    %get3A_294 = arith.constant 80 : index
    %get3A_295 = tpu.vector_load %arg5[%get3A_293, %get3A_294] {strides = array<i32>} : memref<12x128xi32, #tpu.memory_space<vmem>>, vector<1x16xi32>,
    %get3A_296 = vector.shape_cast %get3A_295 : vector<1x16xi32> to vector<16xi32>
    %add3A_297 = vector.broadcast %mul3A_18 : i32 to vector<16xi32>
    %add3A_298 = arith.addi %get3A_296, %add3A_297 : vector<16xi32>
    %swap3A_299 = arith.constant 2 : i32
    %swap3A_300 = arith.index_cast %swap3A_299 : i32 to index
    %swap3A_301 = arith.constant 80 : index
    %swap3A_302 = tpu.vector_load %arg5[%swap3A_300, %swap3A_301] {strides = array<i32>} : memref<12x128xi32, #tpu.memory_space<vmem>>, vector<1x16xi32>,
    %swap3A_303 = vector.shape_cast %swap3A_302 : vector<1x16xi32> to vector<16xi32>
    %swap3A_304 = vector.shape_cast %add3A_298 : vector<16xi32> to vector<1x16xi32>
    tpu.vector_store %arg5[%swap3A_300, %swap3A_301], %swap3A_304 {strides = array<i32>} : memref<12x128xi32, #tpu.memory_space<vmem>>, vector<1x16xi32>,
    %get3A_305 = arith.constant 2 : i32
    %get3A_306 = arith.index_cast %get3A_305 : i32 to index
    %get3A_307 = arith.constant 96 : index
    %get3A_308 = tpu.vector_load %arg5[%get3A_306, %get3A_307] {strides = array<i32>} : memref<12x128xi32, #tpu.memory_space<vmem>>, vector<1x16xi32>,
    %get3A_309 = vector.shape_cast %get3A_308 : vector<1x16xi32> to vector<16xi32>
    %add3A_310 = vector.broadcast %mul3A_18 : i32 to vector<16xi32>
    %add3A_311 = arith.addi %get3A_309, %add3A_310 : vector<16xi32>
    %swap3A_312 = arith.constant 2 : i32
    %swap3A_313 = arith.index_cast %swap3A_312 : i32 to index
    %swap3A_314 = arith.constant 96 : index
    %swap3A_315 = tpu.vector_load %arg5[%swap3A_313, %swap3A_314] {strides = array<i32>} : memref<12x128xi32, #tpu.memory_space<vmem>>, vector<1x16xi32>,
    %swap3A_316 = vector.shape_cast %swap3A_315 : vector<1x16xi32> to vector<16xi32>
    %swap3A_317 = vector.shape_cast %add3A_311 : vector<16xi32> to vector<1x16xi32>
    tpu.vector_store %arg5[%swap3A_313, %swap3A_314], %swap3A_317 {strides = array<i32>} : memref<12x128xi32, #tpu.memory_space<vmem>>, vector<1x16xi32>,
    %get3A_318 = arith.constant 2 : i32
    %get3A_319 = arith.index_cast %get3A_318 : i32 to index
    %get3A_320 = arith.constant 112 : index
    %get3A_321 = tpu.vector_load %arg5[%get3A_319, %get3A_320] {strides = array<i32>} : memref<12x128xi32, #tpu.memory_space<vmem>>, vector<1x16xi32>,
    %get3A_322 = vector.shape_cast %get3A_321 : vector<1x16xi32> to vector<16xi32>
    %add3A_323 = vector.broadcast %mul3A_18 : i32 to vector<16xi32>
    %add3A_324 = arith.addi %get3A_322, %add3A_323 : vector<16xi32>
    %swap3A_325 = arith.constant 2 : i32
    %swap3A_326 = arith.index_cast %swap3A_325 : i32 to index
    %swap3A_327 = arith.constant 112 : index
    %swap3A_328 = tpu.vector_load %arg5[%swap3A_326, %swap3A_327] {strides = array<i32>} : memref<12x128xi32, #tpu.memory_space<vmem>>, vector<1x16xi32>,
    %swap3A_329 = vector.shape_cast %swap3A_328 : vector<1x16xi32> to vector<16xi32>
    %swap3A_330 = vector.shape_cast %add3A_324 : vector<16xi32> to vector<1x16xi32>
    tpu.vector_store %arg5[%swap3A_326, %swap3A_327], %swap3A_330 {strides = array<i32>} : memref<12x128xi32, #tpu.memory_space<vmem>>, vector<1x16xi32>,
    %get3A_331 = arith.constant 3 : i32
    %get3A_332 = arith.index_cast %get3A_331 : i32 to index
    %get3A_333 = arith.constant 0 : index
    %get3A_334 = tpu.vector_load %arg5[%get3A_332, %get3A_333] {strides = array<i32>} : memref<12x128xi32, #tpu.memory_space<vmem>>, vector<1x16xi32>,
    %get3A_335 = vector.shape_cast %get3A_334 : vector<1x16xi32> to vector<16xi32>
    %add3A_336 = vector.broadcast %mul3A_18 : i32 to vector<16xi32>
    %add3A_337 = arith.addi %get3A_335, %add3A_336 : vector<16xi32>
    %swap3A_338 = arith.constant 3 : i32
    %swap3A_339 = arith.index_cast %swap3A_338 : i32 to index
    %swap3A_340 = arith.constant 0 : index
    %swap3A_341 = tpu.vector_load %arg5[%swap3A_339, %swap3A_340] {strides = array<i32>} : memref<12x128xi32, #tpu.memory_space<vmem>>, vector<1x16xi32>,
    %swap3A_342 = vector.shape_cast %swap3A_341 : vector<1x16xi32> to vector<16xi32>
    %swap3A_343 = vector.shape_cast %add3A_337 : vector<16xi32> to vector<1x16xi32>
    tpu.vector_store %arg5[%swap3A_339, %swap3A_340], %swap3A_343 {strides = array<i32>} : memref<12x128xi32, #tpu.memory_space<vmem>>, vector<1x16xi32>,
    %get3A_344 = arith.constant 3 : i32
    %get3A_345 = arith.index_cast %get3A_344 : i32 to index
    %get3A_346 = arith.constant 16 : index
    %get3A_347 = tpu.vector_load %arg5[%get3A_345, %get3A_346] {strides = array<i32>} : memref<12x128xi32, #tpu.memory_space<vmem>>, vector<1x16xi32>,
    %get3A_348 = vector.shape_cast %get3A_347 : vector<1x16xi32> to vector<16xi32>
    %add3A_349 = vector.broadcast %mul3A_18 : i32 to vector<16xi32>
    %add3A_350 = arith.addi %get3A_348, %add3A_349 : vector<16xi32>
    %swap3A_351 = arith.constant 3 : i32
    %swap3A_352 = arith.index_cast %swap3A_351 : i32 to index
    %swap3A_353 = arith.constant 16 : index
    %swap3A_354 = tpu.vector_load %arg5[%swap3A_352, %swap3A_353] {strides = array<i32>} : memref<12x128xi32, #tpu.memory_space<vmem>>, vector<1x16xi32>,
    %swap3A_355 = vector.shape_cast %swap3A_354 : vector<1x16xi32> to vector<16xi32>
    %swap3A_356 = vector.shape_cast %add3A_350 : vector<16xi32> to vector<1x16xi32>
    tpu.vector_store %arg5[%swap3A_352, %swap3A_353], %swap3A_356 {strides = array<i32>} : memref<12x128xi32, #tpu.memory_space<vmem>>, vector<1x16xi32>,
    %get3A_357 = arith.constant 3 : i32
    %get3A_358 = arith.index_cast %get3A_357 : i32 to index
    %get3A_359 = arith.constant 32 : index
    %get3A_360 = tpu.vector_load %arg5[%get3A_358, %get3A_359] {strides = array<i32>} : memref<12x128xi32, #tpu.memory_space<vmem>>, vector<1x16xi32>,
    %get3A_361 = vector.shape_cast %get3A_360 : vector<1x16xi32> to vector<16xi32>
    %add3A_362 = vector.broadcast %mul3A_18 : i32 to vector<16xi32>
    %add3A_363 = arith.addi %get3A_361, %add3A_362 : vector<16xi32>
    %swap3A_364 = arith.constant 3 : i32
    %swap3A_365 = arith.index_cast %swap3A_364 : i32 to index
    %swap3A_366 = arith.constant 32 : index
    %swap3A_367 = tpu.vector_load %arg5[%swap3A_365, %swap3A_366] {strides = array<i32>} : memref<12x128xi32, #tpu.memory_space<vmem>>, vector<1x16xi32>,
    %swap3A_368 = vector.shape_cast %swap3A_367 : vector<1x16xi32> to vector<16xi32>
    %swap3A_369 = vector.shape_cast %add3A_363 : vector<16xi32> to vector<1x16xi32>
    tpu.vector_store %arg5[%swap3A_365, %swap3A_366], %swap3A_369 {strides = array<i32>} : memref<12x128xi32, #tpu.memory_space<vmem>>, vector<1x16xi32>,
    %get3A_370 = arith.constant 3 : i32
    %get3A_371 = arith.index_cast %get3A_370 : i32 to index
    %get3A_372 = arith.constant 48 : index
    %get3A_373 = tpu.vector_load %arg5[%get3A_371, %get3A_372] {strides = array<i32>} : memref<12x128xi32, #tpu.memory_space<vmem>>, vector<1x16xi32>,
    %get3A_374 = vector.shape_cast %get3A_373 : vector<1x16xi32> to vector<16xi32>
    %add3A_375 = vector.broadcast %mul3A_18 : i32 to vector<16xi32>
    %add3A_376 = arith.addi %get3A_374, %add3A_375 : vector<16xi32>
    %swap3A_377 = arith.constant 3 : i32
    %swap3A_378 = arith.index_cast %swap3A_377 : i32 to index
    %swap3A_379 = arith.constant 48 : index
    %swap3A_380 = tpu.vector_load %arg5[%swap3A_378, %swap3A_379] {strides = array<i32>} : memref<12x128xi32, #tpu.memory_space<vmem>>, vector<1x16xi32>,
    %swap3A_381 = vector.shape_cast %swap3A_380 : vector<1x16xi32> to vector<16xi32>
    %swap3A_382 = vector.shape_cast %add3A_376 : vector<16xi32> to vector<1x16xi32>
    tpu.vector_store %arg5[%swap3A_378, %swap3A_379], %swap3A_382 {strides = array<i32>} : memref<12x128xi32, #tpu.memory_space<vmem>>, vector<1x16xi32>,
    %get3A_383 = arith.constant 3 : i32
    %get3A_384 = arith.index_cast %get3A_383 : i32 to index
    %get3A_385 = arith.constant 64 : index
    %get3A_386 = tpu.vector_load %arg5[%get3A_384, %get3A_385] {strides = array<i32>} : memref<12x128xi32, #tpu.memory_space<vmem>>, vector<1x16xi32>,
    %get3A_387 = vector.shape_cast %get3A_386 : vector<1x16xi32> to vector<16xi32>
    %add3A_388 = vector.broadcast %mul3A_18 : i32 to vector<16xi32>
    %add3A_389 = arith.addi %get3A_387, %add3A_388 : vector<16xi32>
    %swap3A_390 = arith.constant 3 : i32
    %swap3A_391 = arith.index_cast %swap3A_390 : i32 to index
    %swap3A_392 = arith.constant 64 : index
    %swap3A_393 = tpu.vector_load %arg5[%swap3A_391, %swap3A_392] {strides = array<i32>} : memref<12x128xi32, #tpu.memory_space<vmem>>, vector<1x16xi32>,
    %swap3A_394 = vector.shape_cast %swap3A_393 : vector<1x16xi32> to vector<16xi32>
    %swap3A_395 = vector.shape_cast %add3A_389 : vector<16xi32> to vector<1x16xi32>
    tpu.vector_store %arg5[%swap3A_391, %swap3A_392], %swap3A_395 {strides = array<i32>} : memref<12x128xi32, #tpu.memory_space<vmem>>, vector<1x16xi32>,
    %get3A_396 = arith.constant 3 : i32
    %get3A_397 = arith.index_cast %get3A_396 : i32 to index
    %get3A_398 = arith.constant 80 : index
    %get3A_399 = tpu.vector_load %arg5[%get3A_397, %get3A_398] {strides = array<i32>} : memref<12x128xi32, #tpu.memory_space<vmem>>, vector<1x16xi32>,
    %get3A_400 = vector.shape_cast %get3A_399 : vector<1x16xi32> to vector<16xi32>
    %add3A_401 = vector.broadcast %mul3A_18 : i32 to vector<16xi32>
    %add3A_402 = arith.addi %get3A_400, %add3A_401 : vector<16xi32>
    %swap3A_403 = arith.constant 3 : i32
    %swap3A_404 = arith.index_cast %swap3A_403 : i32 to index
    %swap3A_405 = arith.constant 80 : index
    %swap3A_406 = tpu.vector_load %arg5[%swap3A_404, %swap3A_405] {strides = array<i32>} : memref<12x128xi32, #tpu.memory_space<vmem>>, vector<1x16xi32>,
    %swap3A_407 = vector.shape_cast %swap3A_406 : vector<1x16xi32> to vector<16xi32>
    %swap3A_408 = vector.shape_cast %add3A_402 : vector<16xi32> to vector<1x16xi32>
    tpu.vector_store %arg5[%swap3A_404, %swap3A_405], %swap3A_408 {strides = array<i32>} : memref<12x128xi32, #tpu.memory_space<vmem>>, vector<1x16xi32>,
    %get3A_409 = arith.constant 3 : i32
    %get3A_410 = arith.index_cast %get3A_409 : i32 to index
    %get3A_411 = arith.constant 96 : index
    %get3A_412 = tpu.vector_load %arg5[%get3A_410, %get3A_411] {strides = array<i32>} : memref<12x128xi32, #tpu.memory_space<vmem>>, vector<1x16xi32>,
    %get3A_413 = vector.shape_cast %get3A_412 : vector<1x16xi32> to vector<16xi32>
    %add3A_414 = vector.broadcast %mul3A_18 : i32 to vector<16xi32>
    %add3A_415 = arith.addi %get3A_413, %add3A_414 : vector<16xi32>
    %swap3A_416 = arith.constant 3 : i32
    %swap3A_417 = arith.index_cast %swap3A_416 : i32 to index
    %swap3A_418 = arith.constant 96 : index
    %swap3A_419 = tpu.vector_load %arg5[%swap3A_417, %swap3A_418] {strides = array<i32>} : memref<12x128xi32, #tpu.memory_space<vmem>>, vector<1x16xi32>,
    %swap3A_420 = vector.shape_cast %swap3A_419 : vector<1x16xi32> to vector<16xi32>
    %swap3A_421 = vector.shape_cast %add3A_415 : vector<16xi32> to vector<1x16xi32>
    tpu.vector_store %arg5[%swap3A_417, %swap3A_418], %swap3A_421 {strides = array<i32>} : memref<12x128xi32, #tpu.memory_space<vmem>>, vector<1x16xi32>,
    %get3A_422 = arith.constant 3 : i32
    %get3A_423 = arith.index_cast %get3A_422 : i32 to index
    %get3A_424 = arith.constant 112 : index
    %get3A_425 = tpu.vector_load %arg5[%get3A_423, %get3A_424] {strides = array<i32>} : memref<12x128xi32, #tpu.memory_space<vmem>>, vector<1x16xi32>,
    %get3A_426 = vector.shape_cast %get3A_425 : vector<1x16xi32> to vector<16xi32>
    %add3A_427 = vector.broadcast %mul3A_18 : i32 to vector<16xi32>
    %add3A_428 = arith.addi %get3A_426, %add3A_427 : vector<16xi32>
    %swap3A_429 = arith.constant 3 : i32
    %swap3A_430 = arith.index_cast %swap3A_429 : i32 to index
    %swap3A_431 = arith.constant 112 : index
    %swap3A_432 = tpu.vector_load %arg5[%swap3A_430, %swap3A_431] {strides = array<i32>} : memref<12x128xi32, #tpu.memory_space<vmem>>, vector<1x16xi32>,
    %swap3A_433 = vector.shape_cast %swap3A_432 : vector<1x16xi32> to vector<16xi32>
    %swap3A_434 = vector.shape_cast %add3A_428 : vector<16xi32> to vector<1x16xi32>
    tpu.vector_store %arg5[%swap3A_430, %swap3A_431], %swap3A_434 {strides = array<i32>} : memref<12x128xi32, #tpu.memory_space<vmem>>, vector<1x16xi32>,
    %get3A_435 = arith.constant 4 : i32
    %get3A_436 = arith.index_cast %get3A_435 : i32 to index
    %get3A_437 = arith.constant 0 : index
    %get3A_438 = tpu.vector_load %arg5[%get3A_436, %get3A_437] {strides = array<i32>} : memref<12x128xi32, #tpu.memory_space<vmem>>, vector<1x16xi32>,
    %get3A_439 = vector.shape_cast %get3A_438 : vector<1x16xi32> to vector<16xi32>
    %add3A_440 = vector.broadcast %mul3A_18 : i32 to vector<16xi32>
    %add3A_441 = arith.addi %get3A_439, %add3A_440 : vector<16xi32>
    %swap3A_442 = arith.constant 4 : i32
    %swap3A_443 = arith.index_cast %swap3A_442 : i32 to index
    %swap3A_444 = arith.constant 0 : index
    %swap3A_445 = tpu.vector_load %arg5[%swap3A_443, %swap3A_444] {strides = array<i32>} : memref<12x128xi32, #tpu.memory_space<vmem>>, vector<1x16xi32>,
    %swap3A_446 = vector.shape_cast %swap3A_445 : vector<1x16xi32> to vector<16xi32>
    %swap3A_447 = vector.shape_cast %add3A_441 : vector<16xi32> to vector<1x16xi32>
    tpu.vector_store %arg5[%swap3A_443, %swap3A_444], %swap3A_447 {strides = array<i32>} : memref<12x128xi32, #tpu.memory_space<vmem>>, vector<1x16xi32>,
    %get3A_448 = arith.constant 4 : i32
    %get3A_449 = arith.index_cast %get3A_448 : i32 to index
    %get3A_450 = arith.constant 16 : index
    %get3A_451 = tpu.vector_load %arg5[%get3A_449, %get3A_450] {strides = array<i32>} : memref<12x128xi32, #tpu.memory_space<vmem>>, vector<1x16xi32>,
    %get3A_452 = vector.shape_cast %get3A_451 : vector<1x16xi32> to vector<16xi32>
    %add3A_453 = vector.broadcast %mul3A_18 : i32 to vector<16xi32>
    %add3A_454 = arith.addi %get3A_452, %add3A_453 : vector<16xi32>
    %swap3A_455 = arith.constant 4 : i32
    %swap3A_456 = arith.index_cast %swap3A_455 : i32 to index
    %swap3A_457 = arith.constant 16 : index
    %swap3A_458 = tpu.vector_load %arg5[%swap3A_456, %swap3A_457] {strides = array<i32>} : memref<12x128xi32, #tpu.memory_space<vmem>>, vector<1x16xi32>,
    %swap3A_459 = vector.shape_cast %swap3A_458 : vector<1x16xi32> to vector<16xi32>
    %swap3A_460 = vector.shape_cast %add3A_454 : vector<16xi32> to vector<1x16xi32>
    tpu.vector_store %arg5[%swap3A_456, %swap3A_457], %swap3A_460 {strides = array<i32>} : memref<12x128xi32, #tpu.memory_space<vmem>>, vector<1x16xi32>,
    %get3A_461 = arith.constant 4 : i32
    %get3A_462 = arith.index_cast %get3A_461 : i32 to index
    %get3A_463 = arith.constant 32 : index
    %get3A_464 = tpu.vector_load %arg5[%get3A_462, %get3A_463] {strides = array<i32>} : memref<12x128xi32, #tpu.memory_space<vmem>>, vector<1x16xi32>,
    %get3A_465 = vector.shape_cast %get3A_464 : vector<1x16xi32> to vector<16xi32>
    %add3A_466 = vector.broadcast %mul3A_18 : i32 to vector<16xi32>
    %add3A_467 = arith.addi %get3A_465, %add3A_466 : vector<16xi32>
    %swap3A_468 = arith.constant 4 : i32
    %swap3A_469 = arith.index_cast %swap3A_468 : i32 to index
    %swap3A_470 = arith.constant 32 : index
    %swap3A_471 = tpu.vector_load %arg5[%swap3A_469, %swap3A_470] {strides = array<i32>} : memref<12x128xi32, #tpu.memory_space<vmem>>, vector<1x16xi32>,
    %swap3A_472 = vector.shape_cast %swap3A_471 : vector<1x16xi32> to vector<16xi32>
    %swap3A_473 = vector.shape_cast %add3A_467 : vector<16xi32> to vector<1x16xi32>
    tpu.vector_store %arg5[%swap3A_469, %swap3A_470], %swap3A_473 {strides = array<i32>} : memref<12x128xi32, #tpu.memory_space<vmem>>, vector<1x16xi32>,
    %get3A_474 = arith.constant 4 : i32
    %get3A_475 = arith.index_cast %get3A_474 : i32 to index
    %get3A_476 = arith.constant 48 : index
    %get3A_477 = tpu.vector_load %arg5[%get3A_475, %get3A_476] {strides = array<i32>} : memref<12x128xi32, #tpu.memory_space<vmem>>, vector<1x16xi32>,
    %get3A_478 = vector.shape_cast %get3A_477 : vector<1x16xi32> to vector<16xi32>
    %add3A_479 = vector.broadcast %mul3A_18 : i32 to vector<16xi32>
    %add3A_480 = arith.addi %get3A_478, %add3A_479 : vector<16xi32>
    %swap3A_481 = arith.constant 4 : i32
    %swap3A_482 = arith.index_cast %swap3A_481 : i32 to index
    %swap3A_483 = arith.constant 48 : index
    %swap3A_484 = tpu.vector_load %arg5[%swap3A_482, %swap3A_483] {strides = array<i32>} : memref<12x128xi32, #tpu.memory_space<vmem>>, vector<1x16xi32>,
    %swap3A_485 = vector.shape_cast %swap3A_484 : vector<1x16xi32> to vector<16xi32>
    %swap3A_486 = vector.shape_cast %add3A_480 : vector<16xi32> to vector<1x16xi32>
    tpu.vector_store %arg5[%swap3A_482, %swap3A_483], %swap3A_486 {strides = array<i32>} : memref<12x128xi32, #tpu.memory_space<vmem>>, vector<1x16xi32>,
    %get3A_487 = arith.constant 4 : i32
    %get3A_488 = arith.index_cast %get3A_487 : i32 to index
    %get3A_489 = arith.constant 64 : index
    %get3A_490 = tpu.vector_load %arg5[%get3A_488, %get3A_489] {strides = array<i32>} : memref<12x128xi32, #tpu.memory_space<vmem>>, vector<1x16xi32>,
    %get3A_491 = vector.shape_cast %get3A_490 : vector<1x16xi32> to vector<16xi32>
    %add3A_492 = vector.broadcast %mul3A_18 : i32 to vector<16xi32>
    %add3A_493 = arith.addi %get3A_491, %add3A_492 : vector<16xi32>
    %swap3A_494 = arith.constant 4 : i32
    %swap3A_495 = arith.index_cast %swap3A_494 : i32 to index
    %swap3A_496 = arith.constant 64 : index
    %swap3A_497 = tpu.vector_load %arg5[%swap3A_495, %swap3A_496] {strides = array<i32>} : memref<12x128xi32, #tpu.memory_space<vmem>>, vector<1x16xi32>,
    %swap3A_498 = vector.shape_cast %swap3A_497 : vector<1x16xi32> to vector<16xi32>
    %swap3A_499 = vector.shape_cast %add3A_493 : vector<16xi32> to vector<1x16xi32>
    tpu.vector_store %arg5[%swap3A_495, %swap3A_496], %swap3A_499 {strides = array<i32>} : memref<12x128xi32, #tpu.memory_space<vmem>>, vector<1x16xi32>,
    %get3A_500 = arith.constant 4 : i32
    %get3A_501 = arith.index_cast %get3A_500 : i32 to index
    %get3A_502 = arith.constant 80 : index
    %get3A_503 = tpu.vector_load %arg5[%get3A_501, %get3A_502] {strides = array<i32>} : memref<12x128xi32, #tpu.memory_space<vmem>>, vector<1x16xi32>,
    %get3A_504 = vector.shape_cast %get3A_503 : vector<1x16xi32> to vector<16xi32>
    %add3A_505 = vector.broadcast %mul3A_18 : i32 to vector<16xi32>
    %add3A_506 = arith.addi %get3A_504, %add3A_505 : vector<16xi32>
    %swap3A_507 = arith.constant 4 : i32
    %swap3A_508 = arith.index_cast %swap3A_507 : i32 to index
    %swap3A_509 = arith.constant 80 : index
    %swap3A_510 = tpu.vector_load %arg5[%swap3A_508, %swap3A_509] {strides = array<i32>} : memref<12x128xi32, #tpu.memory_space<vmem>>, vector<1x16xi32>,
    %swap3A_511 = vector.shape_cast %swap3A_510 : vector<1x16xi32> to vector<16xi32>
    %swap3A_512 = vector.shape_cast %add3A_506 : vector<16xi32> to vector<1x16xi32>
    tpu.vector_store %arg5[%swap3A_508, %swap3A_509], %swap3A_512 {strides = array<i32>} : memref<12x128xi32, #tpu.memory_space<vmem>>, vector<1x16xi32>,
    %get3A_513 = arith.constant 4 : i32
    %get3A_514 = arith.index_cast %get3A_513 : i32 to index
    %get3A_515 = arith.constant 96 : index
    %get3A_516 = tpu.vector_load %arg5[%get3A_514, %get3A_515] {strides = array<i32>} : memref<12x128xi32, #tpu.memory_space<vmem>>, vector<1x16xi32>,
    %get3A_517 = vector.shape_cast %get3A_516 : vector<1x16xi32> to vector<16xi32>
    %add3A_518 = vector.broadcast %mul3A_18 : i32 to vector<16xi32>
    %add3A_519 = arith.addi %get3A_517, %add3A_518 : vector<16xi32>
    %swap3A_520 = arith.constant 4 : i32
    %swap3A_521 = arith.index_cast %swap3A_520 : i32 to index
    %swap3A_522 = arith.constant 96 : index
    %swap3A_523 = tpu.vector_load %arg5[%swap3A_521, %swap3A_522] {strides = array<i32>} : memref<12x128xi32, #tpu.memory_space<vmem>>, vector<1x16xi32>,
    %swap3A_524 = vector.shape_cast %swap3A_523 : vector<1x16xi32> to vector<16xi32>
    %swap3A_525 = vector.shape_cast %add3A_519 : vector<16xi32> to vector<1x16xi32>
    tpu.vector_store %arg5[%swap3A_521, %swap3A_522], %swap3A_525 {strides = array<i32>} : memref<12x128xi32, #tpu.memory_space<vmem>>, vector<1x16xi32>,
    %get3A_526 = arith.constant 4 : i32
    %get3A_527 = arith.index_cast %get3A_526 : i32 to index
    %get3A_528 = arith.constant 112 : index
    %get3A_529 = tpu.vector_load %arg5[%get3A_527, %get3A_528] {strides = array<i32>} : memref<12x128xi32, #tpu.memory_space<vmem>>, vector<1x16xi32>,
    %get3A_530 = vector.shape_cast %get3A_529 : vector<1x16xi32> to vector<16xi32>
    %add3A_531 = vector.broadcast %mul3A_18 : i32 to vector<16xi32>
    %add3A_532 = arith.addi %get3A_530, %add3A_531 : vector<16xi32>
    %swap3A_533 = arith.constant 4 : i32
    %swap3A_534 = arith.index_cast %swap3A_533 : i32 to index
    %swap3A_535 = arith.constant 112 : index
    %swap3A_536 = tpu.vector_load %arg5[%swap3A_534, %swap3A_535] {strides = array<i32>} : memref<12x128xi32, #tpu.memory_space<vmem>>, vector<1x16xi32>,
    %swap3A_537 = vector.shape_cast %swap3A_536 : vector<1x16xi32> to vector<16xi32>
    %swap3A_538 = vector.shape_cast %add3A_532 : vector<16xi32> to vector<1x16xi32>
    tpu.vector_store %arg5[%swap3A_534, %swap3A_535], %swap3A_538 {strides = array<i32>} : memref<12x128xi32, #tpu.memory_space<vmem>>, vector<1x16xi32>,
    %get3A_539 = arith.constant 5 : i32
    %get3A_540 = arith.index_cast %get3A_539 : i32 to index
    %get3A_541 = arith.constant 0 : index
    %get3A_542 = tpu.vector_load %arg5[%get3A_540, %get3A_541] {strides = array<i32>} : memref<12x128xi32, #tpu.memory_space<vmem>>, vector<1x16xi32>,
    %get3A_543 = vector.shape_cast %get3A_542 : vector<1x16xi32> to vector<16xi32>
    %add3A_544 = vector.broadcast %mul3A_18 : i32 to vector<16xi32>
    %add3A_545 = arith.addi %get3A_543, %add3A_544 : vector<16xi32>
    %swap3A_546 = arith.constant 5 : i32
    %swap3A_547 = arith.index_cast %swap3A_546 : i32 to index
    %swap3A_548 = arith.constant 0 : index
    %swap3A_549 = tpu.vector_load %arg5[%swap3A_547, %swap3A_548] {strides = array<i32>} : memref<12x128xi32, #tpu.memory_space<vmem>>, vector<1x16xi32>,
    %swap3A_550 = vector.shape_cast %swap3A_549 : vector<1x16xi32> to vector<16xi32>
    %swap3A_551 = vector.shape_cast %add3A_545 : vector<16xi32> to vector<1x16xi32>
    tpu.vector_store %arg5[%swap3A_547, %swap3A_548], %swap3A_551 {strides = array<i32>} : memref<12x128xi32, #tpu.memory_space<vmem>>, vector<1x16xi32>,
    %get3A_552 = arith.constant 5 : i32
    %get3A_553 = arith.index_cast %get3A_552 : i32 to index
    %get3A_554 = arith.constant 16 : index
    %get3A_555 = tpu.vector_load %arg5[%get3A_553, %get3A_554] {strides = array<i32>} : memref<12x128xi32, #tpu.memory_space<vmem>>, vector<1x16xi32>,
    %get3A_556 = vector.shape_cast %get3A_555 : vector<1x16xi32> to vector<16xi32>
    %add3A_557 = vector.broadcast %mul3A_18 : i32 to vector<16xi32>
    %add3A_558 = arith.addi %get3A_556, %add3A_557 : vector<16xi32>
    %swap3A_559 = arith.constant 5 : i32
    %swap3A_560 = arith.index_cast %swap3A_559 : i32 to index
    %swap3A_561 = arith.constant 16 : index
    %swap3A_562 = tpu.vector_load %arg5[%swap3A_560, %swap3A_561] {strides = array<i32>} : memref<12x128xi32, #tpu.memory_space<vmem>>, vector<1x16xi32>,
    %swap3A_563 = vector.shape_cast %swap3A_562 : vector<1x16xi32> to vector<16xi32>
    %swap3A_564 = vector.shape_cast %add3A_558 : vector<16xi32> to vector<1x16xi32>
    tpu.vector_store %arg5[%swap3A_560, %swap3A_561], %swap3A_564 {strides = array<i32>} : memref<12x128xi32, #tpu.memory_space<vmem>>, vector<1x16xi32>,
    %get3A_565 = arith.constant 5 : i32
    %get3A_566 = arith.index_cast %get3A_565 : i32 to index
    %get3A_567 = arith.constant 32 : index
    %get3A_568 = tpu.vector_load %arg5[%get3A_566, %get3A_567] {strides = array<i32>} : memref<12x128xi32, #tpu.memory_space<vmem>>, vector<1x16xi32>,
    %get3A_569 = vector.shape_cast %get3A_568 : vector<1x16xi32> to vector<16xi32>
    %add3A_570 = vector.broadcast %mul3A_18 : i32 to vector<16xi32>
    %add3A_571 = arith.addi %get3A_569, %add3A_570 : vector<16xi32>
    %swap3A_572 = arith.constant 5 : i32
    %swap3A_573 = arith.index_cast %swap3A_572 : i32 to index
    %swap3A_574 = arith.constant 32 : index
    %swap3A_575 = tpu.vector_load %arg5[%swap3A_573, %swap3A_574] {strides = array<i32>} : memref<12x128xi32, #tpu.memory_space<vmem>>, vector<1x16xi32>,
    %swap3A_576 = vector.shape_cast %swap3A_575 : vector<1x16xi32> to vector<16xi32>
    %swap3A_577 = vector.shape_cast %add3A_571 : vector<16xi32> to vector<1x16xi32>
    tpu.vector_store %arg5[%swap3A_573, %swap3A_574], %swap3A_577 {strides = array<i32>} : memref<12x128xi32, #tpu.memory_space<vmem>>, vector<1x16xi32>,
    %get3A_578 = arith.constant 5 : i32
    %get3A_579 = arith.index_cast %get3A_578 : i32 to index
    %get3A_580 = arith.constant 48 : index
    %get3A_581 = tpu.vector_load %arg5[%get3A_579, %get3A_580] {strides = array<i32>} : memref<12x128xi32, #tpu.memory_space<vmem>>, vector<1x16xi32>,
    %get3A_582 = vector.shape_cast %get3A_581 : vector<1x16xi32> to vector<16xi32>
    %add3A_583 = vector.broadcast %mul3A_18 : i32 to vector<16xi32>
    %add3A_584 = arith.addi %get3A_582, %add3A_583 : vector<16xi32>
    %swap3A_585 = arith.constant 5 : i32
    %swap3A_586 = arith.index_cast %swap3A_585 : i32 to index
    %swap3A_587 = arith.constant 48 : index
    %swap3A_588 = tpu.vector_load %arg5[%swap3A_586, %swap3A_587] {strides = array<i32>} : memref<12x128xi32, #tpu.memory_space<vmem>>, vector<1x16xi32>,
    %swap3A_589 = vector.shape_cast %swap3A_588 : vector<1x16xi32> to vector<16xi32>
    %swap3A_590 = vector.shape_cast %add3A_584 : vector<16xi32> to vector<1x16xi32>
    tpu.vector_store %arg5[%swap3A_586, %swap3A_587], %swap3A_590 {strides = array<i32>} : memref<12x128xi32, #tpu.memory_space<vmem>>, vector<1x16xi32>,
    %get3A_591 = arith.constant 5 : i32
    %get3A_592 = arith.index_cast %get3A_591 : i32 to index
    %get3A_593 = arith.constant 64 : index
    %get3A_594 = tpu.vector_load %arg5[%get3A_592, %get3A_593] {strides = array<i32>} : memref<12x128xi32, #tpu.memory_space<vmem>>, vector<1x16xi32>,
    %get3A_595 = vector.shape_cast %get3A_594 : vector<1x16xi32> to vector<16xi32>
    %add3A_596 = vector.broadcast %mul3A_18 : i32 to vector<16xi32>
    %add3A_597 = arith.addi %get3A_595, %add3A_596 : vector<16xi32>
    %swap3A_598 = arith.constant 5 : i32
    %swap3A_599 = arith.index_cast %swap3A_598 : i32 to index
    %swap3A_600 = arith.constant 64 : index
    %swap3A_601 = tpu.vector_load %arg5[%swap3A_599, %swap3A_600] {strides = array<i32>} : memref<12x128xi32, #tpu.memory_space<vmem>>, vector<1x16xi32>,
    %swap3A_602 = vector.shape_cast %swap3A_601 : vector<1x16xi32> to vector<16xi32>
    %swap3A_603 = vector.shape_cast %add3A_597 : vector<16xi32> to vector<1x16xi32>
    tpu.vector_store %arg5[%swap3A_599, %swap3A_600], %swap3A_603 {strides = array<i32>} : memref<12x128xi32, #tpu.memory_space<vmem>>, vector<1x16xi32>,
    %get3A_604 = arith.constant 5 : i32
    %get3A_605 = arith.index_cast %get3A_604 : i32 to index
    %get3A_606 = arith.constant 80 : index
    %get3A_607 = tpu.vector_load %arg5[%get3A_605, %get3A_606] {strides = array<i32>} : memref<12x128xi32, #tpu.memory_space<vmem>>, vector<1x16xi32>,
    %get3A_608 = vector.shape_cast %get3A_607 : vector<1x16xi32> to vector<16xi32>
    %add3A_609 = vector.broadcast %mul3A_18 : i32 to vector<16xi32>
    %add3A_610 = arith.addi %get3A_608, %add3A_609 : vector<16xi32>
    %swap3A_611 = arith.constant 5 : i32
    %swap3A_612 = arith.index_cast %swap3A_611 : i32 to index
    %swap3A_613 = arith.constant 80 : index
    %swap3A_614 = tpu.vector_load %arg5[%swap3A_612, %swap3A_613] {strides = array<i32>} : memref<12x128xi32, #tpu.memory_space<vmem>>, vector<1x16xi32>,
    %swap3A_615 = vector.shape_cast %swap3A_614 : vector<1x16xi32> to vector<16xi32>
    %swap3A_616 = vector.shape_cast %add3A_610 : vector<16xi32> to vector<1x16xi32>
    tpu.vector_store %arg5[%swap3A_612, %swap3A_613], %swap3A_616 {strides = array<i32>} : memref<12x128xi32, #tpu.memory_space<vmem>>, vector<1x16xi32>,
    %get3A_617 = arith.constant 5 : i32
    %get3A_618 = arith.index_cast %get3A_617 : i32 to index
    %get3A_619 = arith.constant 96 : index
    %get3A_620 = tpu.vector_load %arg5[%get3A_618, %get3A_619] {strides = array<i32>} : memref<12x128xi32, #tpu.memory_space<vmem>>, vector<1x16xi32>,
    %get3A_621 = vector.shape_cast %get3A_620 : vector<1x16xi32> to vector<16xi32>
    %add3A_622 = vector.broadcast %mul3A_18 : i32 to vector<16xi32>
    %add3A_623 = arith.addi %get3A_621, %add3A_622 : vector<16xi32>
    %swap3A_624 = arith.constant 5 : i32
    %swap3A_625 = arith.index_cast %swap3A_624 : i32 to index
    %swap3A_626 = arith.constant 96 : index
    %swap3A_627 = tpu.vector_load %arg5[%swap3A_625, %swap3A_626] {strides = array<i32>} : memref<12x128xi32, #tpu.memory_space<vmem>>, vector<1x16xi32>,
    %swap3A_628 = vector.shape_cast %swap3A_627 : vector<1x16xi32> to vector<16xi32>
    %swap3A_629 = vector.shape_cast %add3A_623 : vector<16xi32> to vector<1x16xi32>
    tpu.vector_store %arg5[%swap3A_625, %swap3A_626], %swap3A_629 {strides = array<i32>} : memref<12x128xi32, #tpu.memory_space<vmem>>, vector<1x16xi32>,
    %get3A_630 = arith.constant 5 : i32
    %get3A_631 = arith.index_cast %get3A_630 : i32 to index
    %get3A_632 = arith.constant 112 : index
    %get3A_633 = tpu.vector_load %arg5[%get3A_631, %get3A_632] {strides = array<i32>} : memref<12x128xi32, #tpu.memory_space<vmem>>, vector<1x16xi32>,
    %get3A_634 = vector.shape_cast %get3A_633 : vector<1x16xi32> to vector<16xi32>
    %add3A_635 = vector.broadcast %mul3A_18 : i32 to vector<16xi32>
    %add3A_636 = arith.addi %get3A_634, %add3A_635 : vector<16xi32>
    %swap3A_637 = arith.constant 5 : i32
    %swap3A_638 = arith.index_cast %swap3A_637 : i32 to index
    %swap3A_639 = arith.constant 112 : index
    %swap3A_640 = tpu.vector_load %arg5[%swap3A_638, %swap3A_639] {strides = array<i32>} : memref<12x128xi32, #tpu.memory_space<vmem>>, vector<1x16xi32>,
    %swap3A_641 = vector.shape_cast %swap3A_640 : vector<1x16xi32> to vector<16xi32>
    %swap3A_642 = vector.shape_cast %add3A_636 : vector<16xi32> to vector<1x16xi32>
    tpu.vector_store %arg5[%swap3A_638, %swap3A_639], %swap3A_642 {strides = array<i32>} : memref<12x128xi32, #tpu.memory_space<vmem>>, vector<1x16xi32>,
    %get3A_643 = arith.constant 6 : i32
    %get3A_644 = arith.index_cast %get3A_643 : i32 to index
    %get3A_645 = arith.constant 0 : index
    %get3A_646 = tpu.vector_load %arg5[%get3A_644, %get3A_645] {strides = array<i32>} : memref<12x128xi32, #tpu.memory_space<vmem>>, vector<1x16xi32>,
    %get3A_647 = vector.shape_cast %get3A_646 : vector<1x16xi32> to vector<16xi32>
    %add3A_648 = vector.broadcast %mul3A_18 : i32 to vector<16xi32>
    %add3A_649 = arith.addi %get3A_647, %add3A_648 : vector<16xi32>
    %swap3A_650 = arith.constant 6 : i32
    %swap3A_651 = arith.index_cast %swap3A_650 : i32 to index
    %swap3A_652 = arith.constant 0 : index
    %swap3A_653 = tpu.vector_load %arg5[%swap3A_651, %swap3A_652] {strides = array<i32>} : memref<12x128xi32, #tpu.memory_space<vmem>>, vector<1x16xi32>,
    %swap3A_654 = vector.shape_cast %swap3A_653 : vector<1x16xi32> to vector<16xi32>
    %swap3A_655 = vector.shape_cast %add3A_649 : vector<16xi32> to vector<1x16xi32>
    tpu.vector_store %arg5[%swap3A_651, %swap3A_652], %swap3A_655 {strides = array<i32>} : memref<12x128xi32, #tpu.memory_space<vmem>>, vector<1x16xi32>,
    %get3A_656 = arith.constant 6 : i32
    %get3A_657 = arith.index_cast %get3A_656 : i32 to index
    %get3A_658 = arith.constant 16 : index
    %get3A_659 = tpu.vector_load %arg5[%get3A_657, %get3A_658] {strides = array<i32>} : memref<12x128xi32, #tpu.memory_space<vmem>>, vector<1x16xi32>,
    %get3A_660 = vector.shape_cast %get3A_659 : vector<1x16xi32> to vector<16xi32>
    %add3A_661 = vector.broadcast %mul3A_18 : i32 to vector<16xi32>
    %add3A_662 = arith.addi %get3A_660, %add3A_661 : vector<16xi32>
    %swap3A_663 = arith.constant 6 : i32
    %swap3A_664 = arith.index_cast %swap3A_663 : i32 to index
    %swap3A_665 = arith.constant 16 : index
    %swap3A_666 = tpu.vector_load %arg5[%swap3A_664, %swap3A_665] {strides = array<i32>} : memref<12x128xi32, #tpu.memory_space<vmem>>, vector<1x16xi32>,
    %swap3A_667 = vector.shape_cast %swap3A_666 : vector<1x16xi32> to vector<16xi32>
    %swap3A_668 = vector.shape_cast %add3A_662 : vector<16xi32> to vector<1x16xi32>
    tpu.vector_store %arg5[%swap3A_664, %swap3A_665], %swap3A_668 {strides = array<i32>} : memref<12x128xi32, #tpu.memory_space<vmem>>, vector<1x16xi32>,
    %get3A_669 = arith.constant 6 : i32
    %get3A_670 = arith.index_cast %get3A_669 : i32 to index
    %get3A_671 = arith.constant 32 : index
    %get3A_672 = tpu.vector_load %arg5[%get3A_670, %get3A_671] {strides = array<i32>} : memref<12x128xi32, #tpu.memory_space<vmem>>, vector<1x16xi32>,
    %get3A_673 = vector.shape_cast %get3A_672 : vector<1x16xi32> to vector<16xi32>
    %add3A_674 = vector.broadcast %mul3A_18 : i32 to vector<16xi32>
    %add3A_675 = arith.addi %get3A_673, %add3A_674 : vector<16xi32>
    %swap3A_676 = arith.constant 6 : i32
    %swap3A_677 = arith.index_cast %swap3A_676 : i32 to index
    %swap3A_678 = arith.constant 32 : index
    %swap3A_679 = tpu.vector_load %arg5[%swap3A_677, %swap3A_678] {strides = array<i32>} : memref<12x128xi32, #tpu.memory_space<vmem>>, vector<1x16xi32>,
    %swap3A_680 = vector.shape_cast %swap3A_679 : vector<1x16xi32> to vector<16xi32>
    %swap3A_681 = vector.shape_cast %add3A_675 : vector<16xi32> to vector<1x16xi32>
    tpu.vector_store %arg5[%swap3A_677, %swap3A_678], %swap3A_681 {strides = array<i32>} : memref<12x128xi32, #tpu.memory_space<vmem>>, vector<1x16xi32>,
    %get3A_682 = arith.constant 6 : i32
    %get3A_683 = arith.index_cast %get3A_682 : i32 to index
    %get3A_684 = arith.constant 48 : index
    %get3A_685 = tpu.vector_load %arg5[%get3A_683, %get3A_684] {strides = array<i32>} : memref<12x128xi32, #tpu.memory_space<vmem>>, vector<1x16xi32>,
    %get3A_686 = vector.shape_cast %get3A_685 : vector<1x16xi32> to vector<16xi32>
    %add3A_687 = vector.broadcast %mul3A_18 : i32 to vector<16xi32>
    %add3A_688 = arith.addi %get3A_686, %add3A_687 : vector<16xi32>
    %swap3A_689 = arith.constant 6 : i32
    %swap3A_690 = arith.index_cast %swap3A_689 : i32 to index
    %swap3A_691 = arith.constant 48 : index
    %swap3A_692 = tpu.vector_load %arg5[%swap3A_690, %swap3A_691] {strides = array<i32>} : memref<12x128xi32, #tpu.memory_space<vmem>>, vector<1x16xi32>,
    %swap3A_693 = vector.shape_cast %swap3A_692 : vector<1x16xi32> to vector<16xi32>
    %swap3A_694 = vector.shape_cast %add3A_688 : vector<16xi32> to vector<1x16xi32>
    tpu.vector_store %arg5[%swap3A_690, %swap3A_691], %swap3A_694 {strides = array<i32>} : memref<12x128xi32, #tpu.memory_space<vmem>>, vector<1x16xi32>,
    %get3A_695 = arith.constant 6 : i32
    %get3A_696 = arith.index_cast %get3A_695 : i32 to index
    %get3A_697 = arith.constant 64 : index
    %get3A_698 = tpu.vector_load %arg5[%get3A_696, %get3A_697] {strides = array<i32>} : memref<12x128xi32, #tpu.memory_space<vmem>>, vector<1x16xi32>,
    %get3A_699 = vector.shape_cast %get3A_698 : vector<1x16xi32> to vector<16xi32>
    %add3A_700 = vector.broadcast %mul3A_18 : i32 to vector<16xi32>
    %add3A_701 = arith.addi %get3A_699, %add3A_700 : vector<16xi32>
    %swap3A_702 = arith.constant 6 : i32
    %swap3A_703 = arith.index_cast %swap3A_702 : i32 to index
    %swap3A_704 = arith.constant 64 : index
    %swap3A_705 = tpu.vector_load %arg5[%swap3A_703, %swap3A_704] {strides = array<i32>} : memref<12x128xi32, #tpu.memory_space<vmem>>, vector<1x16xi32>,
    %swap3A_706 = vector.shape_cast %swap3A_705 : vector<1x16xi32> to vector<16xi32>
    %swap3A_707 = vector.shape_cast %add3A_701 : vector<16xi32> to vector<1x16xi32>
    tpu.vector_store %arg5[%swap3A_703, %swap3A_704], %swap3A_707 {strides = array<i32>} : memref<12x128xi32, #tpu.memory_space<vmem>>, vector<1x16xi32>,
    %get3A_708 = arith.constant 6 : i32
    %get3A_709 = arith.index_cast %get3A_708 : i32 to index
    %get3A_710 = arith.constant 80 : index
    %get3A_711 = tpu.vector_load %arg5[%get3A_709, %get3A_710] {strides = array<i32>} : memref<12x128xi32, #tpu.memory_space<vmem>>, vector<1x16xi32>,
    %get3A_712 = vector.shape_cast %get3A_711 : vector<1x16xi32> to vector<16xi32>
    %add3A_713 = vector.broadcast %mul3A_18 : i32 to vector<16xi32>
    %add3A_714 = arith.addi %get3A_712, %add3A_713 : vector<16xi32>
    %swap3A_715 = arith.constant 6 : i32
    %swap3A_716 = arith.index_cast %swap3A_715 : i32 to index
    %swap3A_717 = arith.constant 80 : index
    %swap3A_718 = tpu.vector_load %arg5[%swap3A_716, %swap3A_717] {strides = array<i32>} : memref<12x128xi32, #tpu.memory_space<vmem>>, vector<1x16xi32>,
    %swap3A_719 = vector.shape_cast %swap3A_718 : vector<1x16xi32> to vector<16xi32>
    %swap3A_720 = vector.shape_cast %add3A_714 : vector<16xi32> to vector<1x16xi32>
    tpu.vector_store %arg5[%swap3A_716, %swap3A_717], %swap3A_720 {strides = array<i32>} : memref<12x128xi32, #tpu.memory_space<vmem>>, vector<1x16xi32>,
    %get3A_721 = arith.constant 6 : i32
    %get3A_722 = arith.index_cast %get3A_721 : i32 to index
    %get3A_723 = arith.constant 96 : index
    %get3A_724 = tpu.vector_load %arg5[%get3A_722, %get3A_723] {strides = array<i32>} : memref<12x128xi32, #tpu.memory_space<vmem>>, vector<1x16xi32>,
    %get3A_725 = vector.shape_cast %get3A_724 : vector<1x16xi32> to vector<16xi32>
    %add3A_726 = vector.broadcast %mul3A_18 : i32 to vector<16xi32>
    %add3A_727 = arith.addi %get3A_725, %add3A_726 : vector<16xi32>
    %swap3A_728 = arith.constant 6 : i32
    %swap3A_729 = arith.index_cast %swap3A_728 : i32 to index
    %swap3A_730 = arith.constant 96 : index
    %swap3A_731 = tpu.vector_load %arg5[%swap3A_729, %swap3A_730] {strides = array<i32>} : memref<12x128xi32, #tpu.memory_space<vmem>>, vector<1x16xi32>,
    %swap3A_732 = vector.shape_cast %swap3A_731 : vector<1x16xi32> to vector<16xi32>
    %swap3A_733 = vector.shape_cast %add3A_727 : vector<16xi32> to vector<1x16xi32>
    tpu.vector_store %arg5[%swap3A_729, %swap3A_730], %swap3A_733 {strides = array<i32>} : memref<12x128xi32, #tpu.memory_space<vmem>>, vector<1x16xi32>,
    %get3A_734 = arith.constant 6 : i32
    %get3A_735 = arith.index_cast %get3A_734 : i32 to index
    %get3A_736 = arith.constant 112 : index
    %get3A_737 = tpu.vector_load %arg5[%get3A_735, %get3A_736] {strides = array<i32>} : memref<12x128xi32, #tpu.memory_space<vmem>>, vector<1x16xi32>,
    %get3A_738 = vector.shape_cast %get3A_737 : vector<1x16xi32> to vector<16xi32>
    %add3A_739 = vector.broadcast %mul3A_18 : i32 to vector<16xi32>
    %add3A_740 = arith.addi %get3A_738, %add3A_739 : vector<16xi32>
    %swap3A_741 = arith.constant 6 : i32
    %swap3A_742 = arith.index_cast %swap3A_741 : i32 to index
    %swap3A_743 = arith.constant 112 : index
    %swap3A_744 = tpu.vector_load %arg5[%swap3A_742, %swap3A_743] {strides = array<i32>} : memref<12x128xi32, #tpu.memory_space<vmem>>, vector<1x16xi32>,
    %swap3A_745 = vector.shape_cast %swap3A_744 : vector<1x16xi32> to vector<16xi32>
    %swap3A_746 = vector.shape_cast %add3A_740 : vector<16xi32> to vector<1x16xi32>
    tpu.vector_store %arg5[%swap3A_742, %swap3A_743], %swap3A_746 {strides = array<i32>} : memref<12x128xi32, #tpu.memory_space<vmem>>, vector<1x16xi32>,
    %get3A_747 = arith.constant 7 : i32
    %get3A_748 = arith.index_cast %get3A_747 : i32 to index
    %get3A_749 = arith.constant 0 : index
    %get3A_750 = tpu.vector_load %arg5[%get3A_748, %get3A_749] {strides = array<i32>} : memref<12x128xi32, #tpu.memory_space<vmem>>, vector<1x16xi32>,
    %get3A_751 = vector.shape_cast %get3A_750 : vector<1x16xi32> to vector<16xi32>
    %add3A_752 = vector.broadcast %mul3A_18 : i32 to vector<16xi32>
    %add3A_753 = arith.addi %get3A_751, %add3A_752 : vector<16xi32>
    %swap3A_754 = arith.constant 7 : i32
    %swap3A_755 = arith.index_cast %swap3A_754 : i32 to index
    %swap3A_756 = arith.constant 0 : index
    %swap3A_757 = tpu.vector_load %arg5[%swap3A_755, %swap3A_756] {strides = array<i32>} : memref<12x128xi32, #tpu.memory_space<vmem>>, vector<1x16xi32>,
    %swap3A_758 = vector.shape_cast %swap3A_757 : vector<1x16xi32> to vector<16xi32>
    %swap3A_759 = vector.shape_cast %add3A_753 : vector<16xi32> to vector<1x16xi32>
    tpu.vector_store %arg5[%swap3A_755, %swap3A_756], %swap3A_759 {strides = array<i32>} : memref<12x128xi32, #tpu.memory_space<vmem>>, vector<1x16xi32>,
    %get3A_760 = arith.constant 7 : i32
    %get3A_761 = arith.index_cast %get3A_760 : i32 to index
    %get3A_762 = arith.constant 16 : index
    %get3A_763 = tpu.vector_load %arg5[%get3A_761, %get3A_762] {strides = array<i32>} : memref<12x128xi32, #tpu.memory_space<vmem>>, vector<1x16xi32>,
    %get3A_764 = vector.shape_cast %get3A_763 : vector<1x16xi32> to vector<16xi32>
    %add3A_765 = vector.broadcast %mul3A_18 : i32 to vector<16xi32>
    %add3A_766 = arith.addi %get3A_764, %add3A_765 : vector<16xi32>
    %swap3A_767 = arith.constant 7 : i32
    %swap3A_768 = arith.index_cast %swap3A_767 : i32 to index
    %swap3A_769 = arith.constant 16 : index
    %swap3A_770 = tpu.vector_load %arg5[%swap3A_768, %swap3A_769] {strides = array<i32>} : memref<12x128xi32, #tpu.memory_space<vmem>>, vector<1x16xi32>,
    %swap3A_771 = vector.shape_cast %swap3A_770 : vector<1x16xi32> to vector<16xi32>
    %swap3A_772 = vector.shape_cast %add3A_766 : vector<16xi32> to vector<1x16xi32>
    tpu.vector_store %arg5[%swap3A_768, %swap3A_769], %swap3A_772 {strides = array<i32>} : memref<12x128xi32, #tpu.memory_space<vmem>>, vector<1x16xi32>,
    %get3A_773 = arith.constant 7 : i32
    %get3A_774 = arith.index_cast %get3A_773 : i32 to index
    %get3A_775 = arith.constant 32 : index
    %get3A_776 = tpu.vector_load %arg5[%get3A_774, %get3A_775] {strides = array<i32>} : memref<12x128xi32, #tpu.memory_space<vmem>>, vector<1x16xi32>,
    %get3A_777 = vector.shape_cast %get3A_776 : vector<1x16xi32> to vector<16xi32>
    %add3A_778 = vector.broadcast %mul3A_18 : i32 to vector<16xi32>
    %add3A_779 = arith.addi %get3A_777, %add3A_778 : vector<16xi32>
    %swap3A_780 = arith.constant 7 : i32
    %swap3A_781 = arith.index_cast %swap3A_780 : i32 to index
    %swap3A_782 = arith.constant 32 : index
    %swap3A_783 = tpu.vector_load %arg5[%swap3A_781, %swap3A_782] {strides = array<i32>} : memref<12x128xi32, #tpu.memory_space<vmem>>, vector<1x16xi32>,
    %swap3A_784 = vector.shape_cast %swap3A_783 : vector<1x16xi32> to vector<16xi32>
    %swap3A_785 = vector.shape_cast %add3A_779 : vector<16xi32> to vector<1x16xi32>
    tpu.vector_store %arg5[%swap3A_781, %swap3A_782], %swap3A_785 {strides = array<i32>} : memref<12x128xi32, #tpu.memory_space<vmem>>, vector<1x16xi32>,
    %get3A_786 = arith.constant 7 : i32
    %get3A_787 = arith.index_cast %get3A_786 : i32 to index
    %get3A_788 = arith.constant 48 : index
    %get3A_789 = tpu.vector_load %arg5[%get3A_787, %get3A_788] {strides = array<i32>} : memref<12x128xi32, #tpu.memory_space<vmem>>, vector<1x16xi32>,
    %get3A_790 = vector.shape_cast %get3A_789 : vector<1x16xi32> to vector<16xi32>
    %add3A_791 = vector.broadcast %mul3A_18 : i32 to vector<16xi32>
    %add3A_792 = arith.addi %get3A_790, %add3A_791 : vector<16xi32>
    %swap3A_793 = arith.constant 7 : i32
    %swap3A_794 = arith.index_cast %swap3A_793 : i32 to index
    %swap3A_795 = arith.constant 48 : index
    %swap3A_796 = tpu.vector_load %arg5[%swap3A_794, %swap3A_795] {strides = array<i32>} : memref<12x128xi32, #tpu.memory_space<vmem>>, vector<1x16xi32>,
    %swap3A_797 = vector.shape_cast %swap3A_796 : vector<1x16xi32> to vector<16xi32>
    %swap3A_798 = vector.shape_cast %add3A_792 : vector<16xi32> to vector<1x16xi32>
    tpu.vector_store %arg5[%swap3A_794, %swap3A_795], %swap3A_798 {strides = array<i32>} : memref<12x128xi32, #tpu.memory_space<vmem>>, vector<1x16xi32>,
    %get3A_799 = arith.constant 7 : i32
    %get3A_800 = arith.index_cast %get3A_799 : i32 to index
    %get3A_801 = arith.constant 64 : index
    %get3A_802 = tpu.vector_load %arg5[%get3A_800, %get3A_801] {strides = array<i32>} : memref<12x128xi32, #tpu.memory_space<vmem>>, vector<1x16xi32>,
    %get3A_803 = vector.shape_cast %get3A_802 : vector<1x16xi32> to vector<16xi32>
    %add3A_804 = vector.broadcast %mul3A_18 : i32 to vector<16xi32>
    %add3A_805 = arith.addi %get3A_803, %add3A_804 : vector<16xi32>
    %swap3A_806 = arith.constant 7 : i32
    %swap3A_807 = arith.index_cast %swap3A_806 : i32 to index
    %swap3A_808 = arith.constant 64 : index
    %swap3A_809 = tpu.vector_load %arg5[%swap3A_807, %swap3A_808] {strides = array<i32>} : memref<12x128xi32, #tpu.memory_space<vmem>>, vector<1x16xi32>,
    %swap3A_810 = vector.shape_cast %swap3A_809 : vector<1x16xi32> to vector<16xi32>
    %swap3A_811 = vector.shape_cast %add3A_805 : vector<16xi32> to vector<1x16xi32>
    tpu.vector_store %arg5[%swap3A_807, %swap3A_808], %swap3A_811 {strides = array<i32>} : memref<12x128xi32, #tpu.memory_space<vmem>>, vector<1x16xi32>,
    %get3A_812 = arith.constant 7 : i32
    %get3A_813 = arith.index_cast %get3A_812 : i32 to index
    %get3A_814 = arith.constant 80 : index
    %get3A_815 = tpu.vector_load %arg5[%get3A_813, %get3A_814] {strides = array<i32>} : memref<12x128xi32, #tpu.memory_space<vmem>>, vector<1x16xi32>,
    %get3A_816 = vector.shape_cast %get3A_815 : vector<1x16xi32> to vector<16xi32>
    %add3A_817 = vector.broadcast %mul3A_18 : i32 to vector<16xi32>
    %add3A_818 = arith.addi %get3A_816, %add3A_817 : vector<16xi32>
    %swap3A_819 = arith.constant 7 : i32
    %swap3A_820 = arith.index_cast %swap3A_819 : i32 to index
    %swap3A_821 = arith.constant 80 : index
    %swap3A_822 = tpu.vector_load %arg5[%swap3A_820, %swap3A_821] {strides = array<i32>} : memref<12x128xi32, #tpu.memory_space<vmem>>, vector<1x16xi32>,
    %swap3A_823 = vector.shape_cast %swap3A_822 : vector<1x16xi32> to vector<16xi32>
    %swap3A_824 = vector.shape_cast %add3A_818 : vector<16xi32> to vector<1x16xi32>
    tpu.vector_store %arg5[%swap3A_820, %swap3A_821], %swap3A_824 {strides = array<i32>} : memref<12x128xi32, #tpu.memory_space<vmem>>, vector<1x16xi32>,
    %get3A_825 = arith.constant 7 : i32
    %get3A_826 = arith.index_cast %get3A_825 : i32 to index
    %get3A_827 = arith.constant 96 : index
    %get3A_828 = tpu.vector_load %arg5[%get3A_826, %get3A_827] {strides = array<i32>} : memref<12x128xi32, #tpu.memory_space<vmem>>, vector<1x16xi32>,
    %get3A_829 = vector.shape_cast %get3A_828 : vector<1x16xi32> to vector<16xi32>
    %add3A_830 = vector.broadcast %mul3A_18 : i32 to vector<16xi32>
    %add3A_831 = arith.addi %get3A_829, %add3A_830 : vector<16xi32>
    %swap3A_832 = arith.constant 7 : i32
    %swap3A_833 = arith.index_cast %swap3A_832 : i32 to index
    %swap3A_834 = arith.constant 96 : index
    %swap3A_835 = tpu.vector_load %arg5[%swap3A_833, %swap3A_834] {strides = array<i32>} : memref<12x128xi32, #tpu.memory_space<vmem>>, vector<1x16xi32>,
    %swap3A_836 = vector.shape_cast %swap3A_835 : vector<1x16xi32> to vector<16xi32>
    %swap3A_837 = vector.shape_cast %add3A_831 : vector<16xi32> to vector<1x16xi32>
    tpu.vector_store %arg5[%swap3A_833, %swap3A_834], %swap3A_837 {strides = array<i32>} : memref<12x128xi32, #tpu.memory_space<vmem>>, vector<1x16xi32>,
    %get3A_838 = arith.constant 7 : i32
    %get3A_839 = arith.index_cast %get3A_838 : i32 to index
    %get3A_840 = arith.constant 112 : index
    %get3A_841 = tpu.vector_load %arg5[%get3A_839, %get3A_840] {strides = array<i32>} : memref<12x128xi32, #tpu.memory_space<vmem>>, vector<1x16xi32>,
    %get3A_842 = vector.shape_cast %get3A_841 : vector<1x16xi32> to vector<16xi32>
    %add3A_843 = vector.broadcast %mul3A_18 : i32 to vector<16xi32>
    %add3A_844 = arith.addi %get3A_842, %add3A_843 : vector<16xi32>
    %swap3A_845 = arith.constant 7 : i32
    %swap3A_846 = arith.index_cast %swap3A_845 : i32 to index
    %swap3A_847 = arith.constant 112 : index
    %swap3A_848 = tpu.vector_load %arg5[%swap3A_846, %swap3A_847] {strides = array<i32>} : memref<12x128xi32, #tpu.memory_space<vmem>>, vector<1x16xi32>,
    %swap3A_849 = vector.shape_cast %swap3A_848 : vector<1x16xi32> to vector<16xi32>
    %swap3A_850 = vector.shape_cast %add3A_844 : vector<16xi32> to vector<1x16xi32>
    tpu.vector_store %arg5[%swap3A_846, %swap3A_847], %swap3A_850 {strides = array<i32>} : memref<12x128xi32, #tpu.memory_space<vmem>>, vector<1x16xi32>,
    %get3A_851 = arith.constant 8 : i32
    %get3A_852 = arith.index_cast %get3A_851 : i32 to index
    %get3A_853 = arith.constant 0 : index
    %get3A_854 = tpu.vector_load %arg5[%get3A_852, %get3A_853] {strides = array<i32>} : memref<12x128xi32, #tpu.memory_space<vmem>>, vector<1x16xi32>,
    %get3A_855 = vector.shape_cast %get3A_854 : vector<1x16xi32> to vector<16xi32>
    %add3A_856 = vector.broadcast %mul3A_18 : i32 to vector<16xi32>
    %add3A_857 = arith.addi %get3A_855, %add3A_856 : vector<16xi32>
    %swap3A_858 = arith.constant 8 : i32
    %swap3A_859 = arith.index_cast %swap3A_858 : i32 to index
    %swap3A_860 = arith.constant 0 : index
    %swap3A_861 = tpu.vector_load %arg5[%swap3A_859, %swap3A_860] {strides = array<i32>} : memref<12x128xi32, #tpu.memory_space<vmem>>, vector<1x16xi32>,
    %swap3A_862 = vector.shape_cast %swap3A_861 : vector<1x16xi32> to vector<16xi32>
    %swap3A_863 = vector.shape_cast %add3A_857 : vector<16xi32> to vector<1x16xi32>
    tpu.vector_store %arg5[%swap3A_859, %swap3A_860], %swap3A_863 {strides = array<i32>} : memref<12x128xi32, #tpu.memory_space<vmem>>, vector<1x16xi32>,
    %get3A_864 = arith.constant 8 : i32
    %get3A_865 = arith.index_cast %get3A_864 : i32 to index
    %get3A_866 = arith.constant 16 : index
    %get3A_867 = tpu.vector_load %arg5[%get3A_865, %get3A_866] {strides = array<i32>} : memref<12x128xi32, #tpu.memory_space<vmem>>, vector<1x16xi32>,
    %get3A_868 = vector.shape_cast %get3A_867 : vector<1x16xi32> to vector<16xi32>
    %add3A_869 = vector.broadcast %mul3A_18 : i32 to vector<16xi32>
    %add3A_870 = arith.addi %get3A_868, %add3A_869 : vector<16xi32>
    %swap3A_871 = arith.constant 8 : i32
    %swap3A_872 = arith.index_cast %swap3A_871 : i32 to index
    %swap3A_873 = arith.constant 16 : index
    %swap3A_874 = tpu.vector_load %arg5[%swap3A_872, %swap3A_873] {strides = array<i32>} : memref<12x128xi32, #tpu.memory_space<vmem>>, vector<1x16xi32>,
    %swap3A_875 = vector.shape_cast %swap3A_874 : vector<1x16xi32> to vector<16xi32>
    %swap3A_876 = vector.shape_cast %add3A_870 : vector<16xi32> to vector<1x16xi32>
    tpu.vector_store %arg5[%swap3A_872, %swap3A_873], %swap3A_876 {strides = array<i32>} : memref<12x128xi32, #tpu.memory_space<vmem>>, vector<1x16xi32>,
    %get3A_877 = arith.constant 8 : i32
    %get3A_878 = arith.index_cast %get3A_877 : i32 to index
    %get3A_879 = arith.constant 32 : index
    %get3A_880 = tpu.vector_load %arg5[%get3A_878, %get3A_879] {strides = array<i32>} : memref<12x128xi32, #tpu.memory_space<vmem>>, vector<1x16xi32>,
    %get3A_881 = vector.shape_cast %get3A_880 : vector<1x16xi32> to vector<16xi32>
    %add3A_882 = vector.broadcast %mul3A_18 : i32 to vector<16xi32>
    %add3A_883 = arith.addi %get3A_881, %add3A_882 : vector<16xi32>
    %swap3A_884 = arith.constant 8 : i32
    %swap3A_885 = arith.index_cast %swap3A_884 : i32 to index
    %swap3A_886 = arith.constant 32 : index
    %swap3A_887 = tpu.vector_load %arg5[%swap3A_885, %swap3A_886] {strides = array<i32>} : memref<12x128xi32, #tpu.memory_space<vmem>>, vector<1x16xi32>,
    %swap3A_888 = vector.shape_cast %swap3A_887 : vector<1x16xi32> to vector<16xi32>
    %swap3A_889 = vector.shape_cast %add3A_883 : vector<16xi32> to vector<1x16xi32>
    tpu.vector_store %arg5[%swap3A_885, %swap3A_886], %swap3A_889 {strides = array<i32>} : memref<12x128xi32, #tpu.memory_space<vmem>>, vector<1x16xi32>,
    %get3A_890 = arith.constant 8 : i32
    %get3A_891 = arith.index_cast %get3A_890 : i32 to index
    %get3A_892 = arith.constant 48 : index
    %get3A_893 = tpu.vector_load %arg5[%get3A_891, %get3A_892] {strides = array<i32>} : memref<12x128xi32, #tpu.memory_space<vmem>>, vector<1x16xi32>,
    %get3A_894 = vector.shape_cast %get3A_893 : vector<1x16xi32> to vector<16xi32>
    %add3A_895 = vector.broadcast %mul3A_18 : i32 to vector<16xi32>
    %add3A_896 = arith.addi %get3A_894, %add3A_895 : vector<16xi32>
    %swap3A_897 = arith.constant 8 : i32
    %swap3A_898 = arith.index_cast %swap3A_897 : i32 to index
    %swap3A_899 = arith.constant 48 : index
    %swap3A_900 = tpu.vector_load %arg5[%swap3A_898, %swap3A_899] {strides = array<i32>} : memref<12x128xi32, #tpu.memory_space<vmem>>, vector<1x16xi32>,
    %swap3A_901 = vector.shape_cast %swap3A_900 : vector<1x16xi32> to vector<16xi32>
    %swap3A_902 = vector.shape_cast %add3A_896 : vector<16xi32> to vector<1x16xi32>
    tpu.vector_store %arg5[%swap3A_898, %swap3A_899], %swap3A_902 {strides = array<i32>} : memref<12x128xi32, #tpu.memory_space<vmem>>, vector<1x16xi32>,
    %get3A_903 = arith.constant 8 : i32
    %get3A_904 = arith.index_cast %get3A_903 : i32 to index
    %get3A_905 = arith.constant 64 : index
    %get3A_906 = tpu.vector_load %arg5[%get3A_904, %get3A_905] {strides = array<i32>} : memref<12x128xi32, #tpu.memory_space<vmem>>, vector<1x16xi32>,
    %get3A_907 = vector.shape_cast %get3A_906 : vector<1x16xi32> to vector<16xi32>
    %add3A_908 = vector.broadcast %mul3A_18 : i32 to vector<16xi32>
    %add3A_909 = arith.addi %get3A_907, %add3A_908 : vector<16xi32>
    %swap3A_910 = arith.constant 8 : i32
    %swap3A_911 = arith.index_cast %swap3A_910 : i32 to index
    %swap3A_912 = arith.constant 64 : index
    %swap3A_913 = tpu.vector_load %arg5[%swap3A_911, %swap3A_912] {strides = array<i32>} : memref<12x128xi32, #tpu.memory_space<vmem>>, vector<1x16xi32>,
    %swap3A_914 = vector.shape_cast %swap3A_913 : vector<1x16xi32> to vector<16xi32>
    %swap3A_915 = vector.shape_cast %add3A_909 : vector<16xi32> to vector<1x16xi32>
    tpu.vector_store %arg5[%swap3A_911, %swap3A_912], %swap3A_915 {strides = array<i32>} : memref<12x128xi32, #tpu.memory_space<vmem>>, vector<1x16xi32>,
    %get3A_916 = arith.constant 8 : i32
    %get3A_917 = arith.index_cast %get3A_916 : i32 to index
    %get3A_918 = arith.constant 80 : index
    %get3A_919 = tpu.vector_load %arg5[%get3A_917, %get3A_918] {strides = array<i32>} : memref<12x128xi32, #tpu.memory_space<vmem>>, vector<1x16xi32>,
    %get3A_920 = vector.shape_cast %get3A_919 : vector<1x16xi32> to vector<16xi32>
    %add3A_921 = vector.broadcast %mul3A_18 : i32 to vector<16xi32>
    %add3A_922 = arith.addi %get3A_920, %add3A_921 : vector<16xi32>
    %swap3A_923 = arith.constant 8 : i32
    %swap3A_924 = arith.index_cast %swap3A_923 : i32 to index
    %swap3A_925 = arith.constant 80 : index
    %swap3A_926 = tpu.vector_load %arg5[%swap3A_924, %swap3A_925] {strides = array<i32>} : memref<12x128xi32, #tpu.memory_space<vmem>>, vector<1x16xi32>,
    %swap3A_927 = vector.shape_cast %swap3A_926 : vector<1x16xi32> to vector<16xi32>
    %swap3A_928 = vector.shape_cast %add3A_922 : vector<16xi32> to vector<1x16xi32>
    tpu.vector_store %arg5[%swap3A_924, %swap3A_925], %swap3A_928 {strides = array<i32>} : memref<12x128xi32, #tpu.memory_space<vmem>>, vector<1x16xi32>,
    %get3A_929 = arith.constant 8 : i32
    %get3A_930 = arith.index_cast %get3A_929 : i32 to index
    %get3A_931 = arith.constant 96 : index
    %get3A_932 = tpu.vector_load %arg5[%get3A_930, %get3A_931] {strides = array<i32>} : memref<12x128xi32, #tpu.memory_space<vmem>>, vector<1x16xi32>,
    %get3A_933 = vector.shape_cast %get3A_932 : vector<1x16xi32> to vector<16xi32>
    %add3A_934 = vector.broadcast %mul3A_18 : i32 to vector<16xi32>
    %add3A_935 = arith.addi %get3A_933, %add3A_934 : vector<16xi32>
    %swap3A_936 = arith.constant 8 : i32
    %swap3A_937 = arith.index_cast %swap3A_936 : i32 to index
    %swap3A_938 = arith.constant 96 : index
    %swap3A_939 = tpu.vector_load %arg5[%swap3A_937, %swap3A_938] {strides = array<i32>} : memref<12x128xi32, #tpu.memory_space<vmem>>, vector<1x16xi32>,
    %swap3A_940 = vector.shape_cast %swap3A_939 : vector<1x16xi32> to vector<16xi32>
    %swap3A_941 = vector.shape_cast %add3A_935 : vector<16xi32> to vector<1x16xi32>
    tpu.vector_store %arg5[%swap3A_937, %swap3A_938], %swap3A_941 {strides = array<i32>} : memref<12x128xi32, #tpu.memory_space<vmem>>, vector<1x16xi32>,
    %get3A_942 = arith.constant 8 : i32
    %get3A_943 = arith.index_cast %get3A_942 : i32 to index
    %get3A_944 = arith.constant 112 : index
    %get3A_945 = tpu.vector_load %arg5[%get3A_943, %get3A_944] {strides = array<i32>} : memref<12x128xi32, #tpu.memory_space<vmem>>, vector<1x16xi32>,
    %get3A_946 = vector.shape_cast %get3A_945 : vector<1x16xi32> to vector<16xi32>
    %add3A_947 = vector.broadcast %mul3A_18 : i32 to vector<16xi32>
    %add3A_948 = arith.addi %get3A_946, %add3A_947 : vector<16xi32>
    %swap3A_949 = arith.constant 8 : i32
    %swap3A_950 = arith.index_cast %swap3A_949 : i32 to index
    %swap3A_951 = arith.constant 112 : index
    %swap3A_952 = tpu.vector_load %arg5[%swap3A_950, %swap3A_951] {strides = array<i32>} : memref<12x128xi32, #tpu.memory_space<vmem>>, vector<1x16xi32>,
    %swap3A_953 = vector.shape_cast %swap3A_952 : vector<1x16xi32> to vector<16xi32>
    %swap3A_954 = vector.shape_cast %add3A_948 : vector<16xi32> to vector<1x16xi32>
    tpu.vector_store %arg5[%swap3A_950, %swap3A_951], %swap3A_954 {strides = array<i32>} : memref<12x128xi32, #tpu.memory_space<vmem>>, vector<1x16xi32>,
    %get3A_955 = arith.constant 9 : i32
    %get3A_956 = arith.index_cast %get3A_955 : i32 to index
    %get3A_957 = arith.constant 0 : index
    %get3A_958 = tpu.vector_load %arg5[%get3A_956, %get3A_957] {strides = array<i32>} : memref<12x128xi32, #tpu.memory_space<vmem>>, vector<1x16xi32>,
    %get3A_959 = vector.shape_cast %get3A_958 : vector<1x16xi32> to vector<16xi32>
    %add3A_960 = vector.broadcast %mul3A_18 : i32 to vector<16xi32>
    %add3A_961 = arith.addi %get3A_959, %add3A_960 : vector<16xi32>
    %swap3A_962 = arith.constant 9 : i32
    %swap3A_963 = arith.index_cast %swap3A_962 : i32 to index
    %swap3A_964 = arith.constant 0 : index
    %swap3A_965 = tpu.vector_load %arg5[%swap3A_963, %swap3A_964] {strides = array<i32>} : memref<12x128xi32, #tpu.memory_space<vmem>>, vector<1x16xi32>,
    %swap3A_966 = vector.shape_cast %swap3A_965 : vector<1x16xi32> to vector<16xi32>
    %swap3A_967 = vector.shape_cast %add3A_961 : vector<16xi32> to vector<1x16xi32>
    tpu.vector_store %arg5[%swap3A_963, %swap3A_964], %swap3A_967 {strides = array<i32>} : memref<12x128xi32, #tpu.memory_space<vmem>>, vector<1x16xi32>,
    %get3A_968 = arith.constant 9 : i32
    %get3A_969 = arith.index_cast %get3A_968 : i32 to index
    %get3A_970 = arith.constant 16 : index
    %get3A_971 = tpu.vector_load %arg5[%get3A_969, %get3A_970] {strides = array<i32>} : memref<12x128xi32, #tpu.memory_space<vmem>>, vector<1x16xi32>,
    %get3A_972 = vector.shape_cast %get3A_971 : vector<1x16xi32> to vector<16xi32>
    %add3A_973 = vector.broadcast %mul3A_18 : i32 to vector<16xi32>
    %add3A_974 = arith.addi %get3A_972, %add3A_973 : vector<16xi32>
    %swap3A_975 = arith.constant 9 : i32
    %swap3A_976 = arith.index_cast %swap3A_975 : i32 to index
    %swap3A_977 = arith.constant 16 : index
    %swap3A_978 = tpu.vector_load %arg5[%swap3A_976, %swap3A_977] {strides = array<i32>} : memref<12x128xi32, #tpu.memory_space<vmem>>, vector<1x16xi32>,
    %swap3A_979 = vector.shape_cast %swap3A_978 : vector<1x16xi32> to vector<16xi32>
    %swap3A_980 = vector.shape_cast %add3A_974 : vector<16xi32> to vector<1x16xi32>
    tpu.vector_store %arg5[%swap3A_976, %swap3A_977], %swap3A_980 {strides = array<i32>} : memref<12x128xi32, #tpu.memory_space<vmem>>, vector<1x16xi32>,
    %get3A_981 = arith.constant 9 : i32
    %get3A_982 = arith.index_cast %get3A_981 : i32 to index
    %get3A_983 = arith.constant 32 : index
    %get3A_984 = tpu.vector_load %arg5[%get3A_982, %get3A_983] {strides = array<i32>} : memref<12x128xi32, #tpu.memory_space<vmem>>, vector<1x16xi32>,
    %get3A_985 = vector.shape_cast %get3A_984 : vector<1x16xi32> to vector<16xi32>
    %add3A_986 = vector.broadcast %mul3A_18 : i32 to vector<16xi32>
    %add3A_987 = arith.addi %get3A_985, %add3A_986 : vector<16xi32>
    %swap3A_988 = arith.constant 9 : i32
    %swap3A_989 = arith.index_cast %swap3A_988 : i32 to index
    %swap3A_990 = arith.constant 32 : index
    %swap3A_991 = tpu.vector_load %arg5[%swap3A_989, %swap3A_990] {strides = array<i32>} : memref<12x128xi32, #tpu.memory_space<vmem>>, vector<1x16xi32>,
    %swap3A_992 = vector.shape_cast %swap3A_991 : vector<1x16xi32> to vector<16xi32>
    %swap3A_993 = vector.shape_cast %add3A_987 : vector<16xi32> to vector<1x16xi32>
    tpu.vector_store %arg5[%swap3A_989, %swap3A_990], %swap3A_993 {strides = array<i32>} : memref<12x128xi32, #tpu.memory_space<vmem>>, vector<1x16xi32>,
    %get3A_994 = arith.constant 9 : i32
    %get3A_995 = arith.index_cast %get3A_994 : i32 to index
    %get3A_996 = arith.constant 48 : index
    %get3A_997 = tpu.vector_load %arg5[%get3A_995, %get3A_996] {strides = array<i32>} : memref<12x128xi32, #tpu.memory_space<vmem>>, vector<1x16xi32>,
    %get3A_998 = vector.shape_cast %get3A_997 : vector<1x16xi32> to vector<16xi32>
    %add3A_999 = vector.broadcast %mul3A_18 : i32 to vector<16xi32>
    %add3A_1000 = arith.addi %get3A_998, %add3A_999 : vector<16xi32>
    %swap3A_1001 = arith.constant 9 : i32
    %swap3A_1002 = arith.index_cast %swap3A_1001 : i32 to index
    %swap3A_1003 = arith.constant 48 : index
    %swap3A_1004 = tpu.vector_load %arg5[%swap3A_1002, %swap3A_1003] {strides = array<i32>} : memref<12x128xi32, #tpu.memory_space<vmem>>, vector<1x16xi32>,
    %swap3A_1005 = vector.shape_cast %swap3A_1004 : vector<1x16xi32> to vector<16xi32>
    %swap3A_1006 = vector.shape_cast %add3A_1000 : vector<16xi32> to vector<1x16xi32>
    tpu.vector_store %arg5[%swap3A_1002, %swap3A_1003], %swap3A_1006 {strides = array<i32>} : memref<12x128xi32, #tpu.memory_space<vmem>>, vector<1x16xi32>,
    %get3A_1007 = arith.constant 9 : i32
    %get3A_1008 = arith.index_cast %get3A_1007 : i32 to index
    %get3A_1009 = arith.constant 64 : index
    %get3A_1010 = tpu.vector_load %arg5[%get3A_1008, %get3A_1009] {strides = array<i32>} : memref<12x128xi32, #tpu.memory_space<vmem>>, vector<1x16xi32>,
    %get3A_1011 = vector.shape_cast %get3A_1010 : vector<1x16xi32> to vector<16xi32>
    %add3A_1012 = vector.broadcast %mul3A_18 : i32 to vector<16xi32>
    %add3A_1013 = arith.addi %get3A_1011, %add3A_1012 : vector<16xi32>
    %swap3A_1014 = arith.constant 9 : i32
    %swap3A_1015 = arith.index_cast %swap3A_1014 : i32 to index
    %swap3A_1016 = arith.constant 64 : index
    %swap3A_1017 = tpu.vector_load %arg5[%swap3A_1015, %swap3A_1016] {strides = array<i32>} : memref<12x128xi32, #tpu.memory_space<vmem>>, vector<1x16xi32>,
    %swap3A_1018 = vector.shape_cast %swap3A_1017 : vector<1x16xi32> to vector<16xi32>
    %swap3A_1019 = vector.shape_cast %add3A_1013 : vector<16xi32> to vector<1x16xi32>
    tpu.vector_store %arg5[%swap3A_1015, %swap3A_1016], %swap3A_1019 {strides = array<i32>} : memref<12x128xi32, #tpu.memory_space<vmem>>, vector<1x16xi32>,
    %get3A_1020 = arith.constant 9 : i32
    %get3A_1021 = arith.index_cast %get3A_1020 : i32 to index
    %get3A_1022 = arith.constant 80 : index
    %get3A_1023 = tpu.vector_load %arg5[%get3A_1021, %get3A_1022] {strides = array<i32>} : memref<12x128xi32, #tpu.memory_space<vmem>>, vector<1x16xi32>,
    %get3A_1024 = vector.shape_cast %get3A_1023 : vector<1x16xi32> to vector<16xi32>
    %add3A_1025 = vector.broadcast %mul3A_18 : i32 to vector<16xi32>
    %add3A_1026 = arith.addi %get3A_1024, %add3A_1025 : vector<16xi32>
    %swap3A_1027 = arith.constant 9 : i32
    %swap3A_1028 = arith.index_cast %swap3A_1027 : i32 to index
    %swap3A_1029 = arith.constant 80 : index
    %swap3A_1030 = tpu.vector_load %arg5[%swap3A_1028, %swap3A_1029] {strides = array<i32>} : memref<12x128xi32, #tpu.memory_space<vmem>>, vector<1x16xi32>,
    %swap3A_1031 = vector.shape_cast %swap3A_1030 : vector<1x16xi32> to vector<16xi32>
    %swap3A_1032 = vector.shape_cast %add3A_1026 : vector<16xi32> to vector<1x16xi32>
    tpu.vector_store %arg5[%swap3A_1028, %swap3A_1029], %swap3A_1032 {strides = array<i32>} : memref<12x128xi32, #tpu.memory_space<vmem>>, vector<1x16xi32>,
    %get3A_1033 = arith.constant 9 : i32
    %get3A_1034 = arith.index_cast %get3A_1033 : i32 to index
    %get3A_1035 = arith.constant 96 : index
    %get3A_1036 = tpu.vector_load %arg5[%get3A_1034, %get3A_1035] {strides = array<i32>} : memref<12x128xi32, #tpu.memory_space<vmem>>, vector<1x16xi32>,
    %get3A_1037 = vector.shape_cast %get3A_1036 : vector<1x16xi32> to vector<16xi32>
    %add3A_1038 = vector.broadcast %mul3A_18 : i32 to vector<16xi32>
    %add3A_1039 = arith.addi %get3A_1037, %add3A_1038 : vector<16xi32>
    %swap3A_1040 = arith.constant 9 : i32
    %swap3A_1041 = arith.index_cast %swap3A_1040 : i32 to index
    %swap3A_1042 = arith.constant 96 : index
    %swap3A_1043 = tpu.vector_load %arg5[%swap3A_1041, %swap3A_1042] {strides = array<i32>} : memref<12x128xi32, #tpu.memory_space<vmem>>, vector<1x16xi32>,
    %swap3A_1044 = vector.shape_cast %swap3A_1043 : vector<1x16xi32> to vector<16xi32>
    %swap3A_1045 = vector.shape_cast %add3A_1039 : vector<16xi32> to vector<1x16xi32>
    tpu.vector_store %arg5[%swap3A_1041, %swap3A_1042], %swap3A_1045 {strides = array<i32>} : memref<12x128xi32, #tpu.memory_space<vmem>>, vector<1x16xi32>,
    %get3A_1046 = arith.constant 9 : i32
    %get3A_1047 = arith.index_cast %get3A_1046 : i32 to index
    %get3A_1048 = arith.constant 112 : index
    %get3A_1049 = tpu.vector_load %arg5[%get3A_1047, %get3A_1048] {strides = array<i32>} : memref<12x128xi32, #tpu.memory_space<vmem>>, vector<1x16xi32>,
    %get3A_1050 = vector.shape_cast %get3A_1049 : vector<1x16xi32> to vector<16xi32>
    %add3A_1051 = vector.broadcast %mul3A_18 : i32 to vector<16xi32>
    %add3A_1052 = arith.addi %get3A_1050, %add3A_1051 : vector<16xi32>
    %swap3A_1053 = arith.constant 9 : i32
    %swap3A_1054 = arith.index_cast %swap3A_1053 : i32 to index
    %swap3A_1055 = arith.constant 112 : index
    %swap3A_1056 = tpu.vector_load %arg5[%swap3A_1054, %swap3A_1055] {strides = array<i32>} : memref<12x128xi32, #tpu.memory_space<vmem>>, vector<1x16xi32>,
    %swap3A_1057 = vector.shape_cast %swap3A_1056 : vector<1x16xi32> to vector<16xi32>
    %swap3A_1058 = vector.shape_cast %add3A_1052 : vector<16xi32> to vector<1x16xi32>
    tpu.vector_store %arg5[%swap3A_1054, %swap3A_1055], %swap3A_1058 {strides = array<i32>} : memref<12x128xi32, #tpu.memory_space<vmem>>, vector<1x16xi32>,
    %get3A_1059 = arith.constant 10 : i32
    %get3A_1060 = arith.index_cast %get3A_1059 : i32 to index
    %get3A_1061 = arith.constant 0 : index
    %get3A_1062 = tpu.vector_load %arg5[%get3A_1060, %get3A_1061] {strides = array<i32>} : memref<12x128xi32, #tpu.memory_space<vmem>>, vector<1x16xi32>,
    %get3A_1063 = vector.shape_cast %get3A_1062 : vector<1x16xi32> to vector<16xi32>
    %add3A_1064 = vector.broadcast %mul3A_18 : i32 to vector<16xi32>
    %add3A_1065 = arith.addi %get3A_1063, %add3A_1064 : vector<16xi32>
    %swap3A_1066 = arith.constant 10 : i32
    %swap3A_1067 = arith.index_cast %swap3A_1066 : i32 to index
    %swap3A_1068 = arith.constant 0 : index
    %swap3A_1069 = tpu.vector_load %arg5[%swap3A_1067, %swap3A_1068] {strides = array<i32>} : memref<12x128xi32, #tpu.memory_space<vmem>>, vector<1x16xi32>,
    %swap3A_1070 = vector.shape_cast %swap3A_1069 : vector<1x16xi32> to vector<16xi32>
    %swap3A_1071 = vector.shape_cast %add3A_1065 : vector<16xi32> to vector<1x16xi32>
    tpu.vector_store %arg5[%swap3A_1067, %swap3A_1068], %swap3A_1071 {strides = array<i32>} : memref<12x128xi32, #tpu.memory_space<vmem>>, vector<1x16xi32>,
    %get3A_1072 = arith.constant 10 : i32
    %get3A_1073 = arith.index_cast %get3A_1072 : i32 to index
    %get3A_1074 = arith.constant 16 : index
    %get3A_1075 = tpu.vector_load %arg5[%get3A_1073, %get3A_1074] {strides = array<i32>} : memref<12x128xi32, #tpu.memory_space<vmem>>, vector<1x16xi32>,
    %get3A_1076 = vector.shape_cast %get3A_1075 : vector<1x16xi32> to vector<16xi32>
    %add3A_1077 = vector.broadcast %mul3A_18 : i32 to vector<16xi32>
    %add3A_1078 = arith.addi %get3A_1076, %add3A_1077 : vector<16xi32>
    %swap3A_1079 = arith.constant 10 : i32
    %swap3A_1080 = arith.index_cast %swap3A_1079 : i32 to index
    %swap3A_1081 = arith.constant 16 : index
    %swap3A_1082 = tpu.vector_load %arg5[%swap3A_1080, %swap3A_1081] {strides = array<i32>} : memref<12x128xi32, #tpu.memory_space<vmem>>, vector<1x16xi32>,
    %swap3A_1083 = vector.shape_cast %swap3A_1082 : vector<1x16xi32> to vector<16xi32>
    %swap3A_1084 = vector.shape_cast %add3A_1078 : vector<16xi32> to vector<1x16xi32>
    tpu.vector_store %arg5[%swap3A_1080, %swap3A_1081], %swap3A_1084 {strides = array<i32>} : memref<12x128xi32, #tpu.memory_space<vmem>>, vector<1x16xi32>,
    %get3A_1085 = arith.constant 10 : i32
    %get3A_1086 = arith.index_cast %get3A_1085 : i32 to index
    %get3A_1087 = arith.constant 32 : index
    %get3A_1088 = tpu.vector_load %arg5[%get3A_1086, %get3A_1087] {strides = array<i32>} : memref<12x128xi32, #tpu.memory_space<vmem>>, vector<1x16xi32>,
    %get3A_1089 = vector.shape_cast %get3A_1088 : vector<1x16xi32> to vector<16xi32>
    %add3A_1090 = vector.broadcast %mul3A_18 : i32 to vector<16xi32>
    %add3A_1091 = arith.addi %get3A_1089, %add3A_1090 : vector<16xi32>
    %swap3A_1092 = arith.constant 10 : i32
    %swap3A_1093 = arith.index_cast %swap3A_1092 : i32 to index
    %swap3A_1094 = arith.constant 32 : index
    %swap3A_1095 = tpu.vector_load %arg5[%swap3A_1093, %swap3A_1094] {strides = array<i32>} : memref<12x128xi32, #tpu.memory_space<vmem>>, vector<1x16xi32>,
    %swap3A_1096 = vector.shape_cast %swap3A_1095 : vector<1x16xi32> to vector<16xi32>
    %swap3A_1097 = vector.shape_cast %add3A_1091 : vector<16xi32> to vector<1x16xi32>
    tpu.vector_store %arg5[%swap3A_1093, %swap3A_1094], %swap3A_1097 {strides = array<i32>} : memref<12x128xi32, #tpu.memory_space<vmem>>, vector<1x16xi32>,
    %get3A_1098 = arith.constant 10 : i32
    %get3A_1099 = arith.index_cast %get3A_1098 : i32 to index
    %get3A_1100 = arith.constant 48 : index
    %get3A_1101 = tpu.vector_load %arg5[%get3A_1099, %get3A_1100] {strides = array<i32>} : memref<12x128xi32, #tpu.memory_space<vmem>>, vector<1x16xi32>,
    %get3A_1102 = vector.shape_cast %get3A_1101 : vector<1x16xi32> to vector<16xi32>
    %add3A_1103 = vector.broadcast %mul3A_18 : i32 to vector<16xi32>
    %add3A_1104 = arith.addi %get3A_1102, %add3A_1103 : vector<16xi32>
    %swap3A_1105 = arith.constant 10 : i32
    %swap3A_1106 = arith.index_cast %swap3A_1105 : i32 to index
    %swap3A_1107 = arith.constant 48 : index
    %swap3A_1108 = tpu.vector_load %arg5[%swap3A_1106, %swap3A_1107] {strides = array<i32>} : memref<12x128xi32, #tpu.memory_space<vmem>>, vector<1x16xi32>,
    %swap3A_1109 = vector.shape_cast %swap3A_1108 : vector<1x16xi32> to vector<16xi32>
    %swap3A_1110 = vector.shape_cast %add3A_1104 : vector<16xi32> to vector<1x16xi32>
    tpu.vector_store %arg5[%swap3A_1106, %swap3A_1107], %swap3A_1110 {strides = array<i32>} : memref<12x128xi32, #tpu.memory_space<vmem>>, vector<1x16xi32>,
    %get3A_1111 = arith.constant 10 : i32
    %get3A_1112 = arith.index_cast %get3A_1111 : i32 to index
    %get3A_1113 = arith.constant 64 : index
    %get3A_1114 = tpu.vector_load %arg5[%get3A_1112, %get3A_1113] {strides = array<i32>} : memref<12x128xi32, #tpu.memory_space<vmem>>, vector<1x16xi32>,
    %get3A_1115 = vector.shape_cast %get3A_1114 : vector<1x16xi32> to vector<16xi32>
    %add3A_1116 = vector.broadcast %mul3A_18 : i32 to vector<16xi32>
    %add3A_1117 = arith.addi %get3A_1115, %add3A_1116 : vector<16xi32>
    %swap3A_1118 = arith.constant 10 : i32
    %swap3A_1119 = arith.index_cast %swap3A_1118 : i32 to index
    %swap3A_1120 = arith.constant 64 : index
    %swap3A_1121 = tpu.vector_load %arg5[%swap3A_1119, %swap3A_1120] {strides = array<i32>} : memref<12x128xi32, #tpu.memory_space<vmem>>, vector<1x16xi32>,
    %swap3A_1122 = vector.shape_cast %swap3A_1121 : vector<1x16xi32> to vector<16xi32>
    %swap3A_1123 = vector.shape_cast %add3A_1117 : vector<16xi32> to vector<1x16xi32>
    tpu.vector_store %arg5[%swap3A_1119, %swap3A_1120], %swap3A_1123 {strides = array<i32>} : memref<12x128xi32, #tpu.memory_space<vmem>>, vector<1x16xi32>,
    %get3A_1124 = arith.constant 10 : i32
    %get3A_1125 = arith.index_cast %get3A_1124 : i32 to index
    %get3A_1126 = arith.constant 80 : index
    %get3A_1127 = tpu.vector_load %arg5[%get3A_1125, %get3A_1126] {strides = array<i32>} : memref<12x128xi32, #tpu.memory_space<vmem>>, vector<1x16xi32>,
    %get3A_1128 = vector.shape_cast %get3A_1127 : vector<1x16xi32> to vector<16xi32>
    %add3A_1129 = vector.broadcast %mul3A_18 : i32 to vector<16xi32>
    %add3A_1130 = arith.addi %get3A_1128, %add3A_1129 : vector<16xi32>
    %swap3A_1131 = arith.constant 10 : i32
    %swap3A_1132 = arith.index_cast %swap3A_1131 : i32 to index
    %swap3A_1133 = arith.constant 80 : index
    %swap3A_1134 = tpu.vector_load %arg5[%swap3A_1132, %swap3A_1133] {strides = array<i32>} : memref<12x128xi32, #tpu.memory_space<vmem>>, vector<1x16xi32>,
    %swap3A_1135 = vector.shape_cast %swap3A_1134 : vector<1x16xi32> to vector<16xi32>
    %swap3A_1136 = vector.shape_cast %add3A_1130 : vector<16xi32> to vector<1x16xi32>
    tpu.vector_store %arg5[%swap3A_1132, %swap3A_1133], %swap3A_1136 {strides = array<i32>} : memref<12x128xi32, #tpu.memory_space<vmem>>, vector<1x16xi32>,
    %get3A_1137 = arith.constant 10 : i32
    %get3A_1138 = arith.index_cast %get3A_1137 : i32 to index
    %get3A_1139 = arith.constant 96 : index
    %get3A_1140 = tpu.vector_load %arg5[%get3A_1138, %get3A_1139] {strides = array<i32>} : memref<12x128xi32, #tpu.memory_space<vmem>>, vector<1x16xi32>,
    %get3A_1141 = vector.shape_cast %get3A_1140 : vector<1x16xi32> to vector<16xi32>
    %add3A_1142 = vector.broadcast %mul3A_18 : i32 to vector<16xi32>
    %add3A_1143 = arith.addi %get3A_1141, %add3A_1142 : vector<16xi32>
    %swap3A_1144 = arith.constant 10 : i32
    %swap3A_1145 = arith.index_cast %swap3A_1144 : i32 to index
    %swap3A_1146 = arith.constant 96 : index
    %swap3A_1147 = tpu.vector_load %arg5[%swap3A_1145, %swap3A_1146] {strides = array<i32>} : memref<12x128xi32, #tpu.memory_space<vmem>>, vector<1x16xi32>,
    %swap3A_1148 = vector.shape_cast %swap3A_1147 : vector<1x16xi32> to vector<16xi32>
    %swap3A_1149 = vector.shape_cast %add3A_1143 : vector<16xi32> to vector<1x16xi32>
    tpu.vector_store %arg5[%swap3A_1145, %swap3A_1146], %swap3A_1149 {strides = array<i32>} : memref<12x128xi32, #tpu.memory_space<vmem>>, vector<1x16xi32>,
    %get3A_1150 = arith.constant 10 : i32
    %get3A_1151 = arith.index_cast %get3A_1150 : i32 to index
    %get3A_1152 = arith.constant 112 : index
    %get3A_1153 = tpu.vector_load %arg5[%get3A_1151, %get3A_1152] {strides = array<i32>} : memref<12x128xi32, #tpu.memory_space<vmem>>, vector<1x16xi32>,
    %get3A_1154 = vector.shape_cast %get3A_1153 : vector<1x16xi32> to vector<16xi32>
    %add3A_1155 = vector.broadcast %mul3A_18 : i32 to vector<16xi32>
    %add3A_1156 = arith.addi %get3A_1154, %add3A_1155 : vector<16xi32>
    %swap3A_1157 = arith.constant 10 : i32
    %swap3A_1158 = arith.index_cast %swap3A_1157 : i32 to index
    %swap3A_1159 = arith.constant 112 : index
    %swap3A_1160 = tpu.vector_load %arg5[%swap3A_1158, %swap3A_1159] {strides = array<i32>} : memref<12x128xi32, #tpu.memory_space<vmem>>, vector<1x16xi32>,
    %swap3A_1161 = vector.shape_cast %swap3A_1160 : vector<1x16xi32> to vector<16xi32>
    %swap3A_1162 = vector.shape_cast %add3A_1156 : vector<16xi32> to vector<1x16xi32>
    tpu.vector_store %arg5[%swap3A_1158, %swap3A_1159], %swap3A_1162 {strides = array<i32>} : memref<12x128xi32, #tpu.memory_space<vmem>>, vector<1x16xi32>,
    %get3A_1163 = arith.constant 11 : i32
    %get3A_1164 = arith.index_cast %get3A_1163 : i32 to index
    %get3A_1165 = arith.constant 0 : index
    %get3A_1166 = tpu.vector_load %arg5[%get3A_1164, %get3A_1165] {strides = array<i32>} : memref<12x128xi32, #tpu.memory_space<vmem>>, vector<1x16xi32>,
    %get3A_1167 = vector.shape_cast %get3A_1166 : vector<1x16xi32> to vector<16xi32>
    %add3A_1168 = vector.broadcast %mul3A_18 : i32 to vector<16xi32>
    %add3A_1169 = arith.addi %get3A_1167, %add3A_1168 : vector<16xi32>
    %swap3A_1170 = arith.constant 11 : i32
    %swap3A_1171 = arith.index_cast %swap3A_1170 : i32 to index
    %swap3A_1172 = arith.constant 0 : index
    %swap3A_1173 = tpu.vector_load %arg5[%swap3A_1171, %swap3A_1172] {strides = array<i32>} : memref<12x128xi32, #tpu.memory_space<vmem>>, vector<1x16xi32>,
    %swap3A_1174 = vector.shape_cast %swap3A_1173 : vector<1x16xi32> to vector<16xi32>
    %swap3A_1175 = vector.shape_cast %add3A_1169 : vector<16xi32> to vector<1x16xi32>
    tpu.vector_store %arg5[%swap3A_1171, %swap3A_1172], %swap3A_1175 {strides = array<i32>} : memref<12x128xi32, #tpu.memory_space<vmem>>, vector<1x16xi32>,
    %get3A_1176 = arith.constant 11 : i32
    %get3A_1177 = arith.index_cast %get3A_1176 : i32 to index
    %get3A_1178 = arith.constant 16 : index
    %get3A_1179 = tpu.vector_load %arg5[%get3A_1177, %get3A_1178] {strides = array<i32>} : memref<12x128xi32, #tpu.memory_space<vmem>>, vector<1x16xi32>,
    %get3A_1180 = vector.shape_cast %get3A_1179 : vector<1x16xi32> to vector<16xi32>
    %add3A_1181 = vector.broadcast %mul3A_18 : i32 to vector<16xi32>
    %add3A_1182 = arith.addi %get3A_1180, %add3A_1181 : vector<16xi32>
    %swap3A_1183 = arith.constant 11 : i32
    %swap3A_1184 = arith.index_cast %swap3A_1183 : i32 to index
    %swap3A_1185 = arith.constant 16 : index
    %swap3A_1186 = tpu.vector_load %arg5[%swap3A_1184, %swap3A_1185] {strides = array<i32>} : memref<12x128xi32, #tpu.memory_space<vmem>>, vector<1x16xi32>,
    %swap3A_1187 = vector.shape_cast %swap3A_1186 : vector<1x16xi32> to vector<16xi32>
    %swap3A_1188 = vector.shape_cast %add3A_1182 : vector<16xi32> to vector<1x16xi32>
    tpu.vector_store %arg5[%swap3A_1184, %swap3A_1185], %swap3A_1188 {strides = array<i32>} : memref<12x128xi32, #tpu.memory_space<vmem>>, vector<1x16xi32>,
    %get3A_1189 = arith.constant 11 : i32
    %get3A_1190 = arith.index_cast %get3A_1189 : i32 to index
    %get3A_1191 = arith.constant 32 : index
    %get3A_1192 = tpu.vector_load %arg5[%get3A_1190, %get3A_1191] {strides = array<i32>} : memref<12x128xi32, #tpu.memory_space<vmem>>, vector<1x16xi32>,
    %get3A_1193 = vector.shape_cast %get3A_1192 : vector<1x16xi32> to vector<16xi32>
    %add3A_1194 = vector.broadcast %mul3A_18 : i32 to vector<16xi32>
    %add3A_1195 = arith.addi %get3A_1193, %add3A_1194 : vector<16xi32>
    %swap3A_1196 = arith.constant 11 : i32
    %swap3A_1197 = arith.index_cast %swap3A_1196 : i32 to index
    %swap3A_1198 = arith.constant 32 : index
    %swap3A_1199 = tpu.vector_load %arg5[%swap3A_1197, %swap3A_1198] {strides = array<i32>} : memref<12x128xi32, #tpu.memory_space<vmem>>, vector<1x16xi32>,
    %swap3A_1200 = vector.shape_cast %swap3A_1199 : vector<1x16xi32> to vector<16xi32>
    %swap3A_1201 = vector.shape_cast %add3A_1195 : vector<16xi32> to vector<1x16xi32>
    tpu.vector_store %arg5[%swap3A_1197, %swap3A_1198], %swap3A_1201 {strides = array<i32>} : memref<12x128xi32, #tpu.memory_space<vmem>>, vector<1x16xi32>,
    %get3A_1202 = arith.constant 11 : i32
    %get3A_1203 = arith.index_cast %get3A_1202 : i32 to index
    %get3A_1204 = arith.constant 48 : index
    %get3A_1205 = tpu.vector_load %arg5[%get3A_1203, %get3A_1204] {strides = array<i32>} : memref<12x128xi32, #tpu.memory_space<vmem>>, vector<1x16xi32>,
    %get3A_1206 = vector.shape_cast %get3A_1205 : vector<1x16xi32> to vector<16xi32>
    %add3A_1207 = vector.broadcast %mul3A_18 : i32 to vector<16xi32>
    %add3A_1208 = arith.addi %get3A_1206, %add3A_1207 : vector<16xi32>
    %swap3A_1209 = arith.constant 11 : i32
    %swap3A_1210 = arith.index_cast %swap3A_1209 : i32 to index
    %swap3A_1211 = arith.constant 48 : index
    %swap3A_1212 = tpu.vector_load %arg5[%swap3A_1210, %swap3A_1211] {strides = array<i32>} : memref<12x128xi32, #tpu.memory_space<vmem>>, vector<1x16xi32>,
    %swap3A_1213 = vector.shape_cast %swap3A_1212 : vector<1x16xi32> to vector<16xi32>
    %swap3A_1214 = vector.shape_cast %add3A_1208 : vector<16xi32> to vector<1x16xi32>
    tpu.vector_store %arg5[%swap3A_1210, %swap3A_1211], %swap3A_1214 {strides = array<i32>} : memref<12x128xi32, #tpu.memory_space<vmem>>, vector<1x16xi32>,
    %get3A_1215 = arith.constant 11 : i32
    %get3A_1216 = arith.index_cast %get3A_1215 : i32 to index
    %get3A_1217 = arith.constant 64 : index
    %get3A_1218 = tpu.vector_load %arg5[%get3A_1216, %get3A_1217] {strides = array<i32>} : memref<12x128xi32, #tpu.memory_space<vmem>>, vector<1x16xi32>,
    %get3A_1219 = vector.shape_cast %get3A_1218 : vector<1x16xi32> to vector<16xi32>
    %add3A_1220 = vector.broadcast %mul3A_18 : i32 to vector<16xi32>
    %add3A_1221 = arith.addi %get3A_1219, %add3A_1220 : vector<16xi32>
    %swap3A_1222 = arith.constant 11 : i32
    %swap3A_1223 = arith.index_cast %swap3A_1222 : i32 to index
    %swap3A_1224 = arith.constant 64 : index
    %swap3A_1225 = tpu.vector_load %arg5[%swap3A_1223, %swap3A_1224] {strides = array<i32>} : memref<12x128xi32, #tpu.memory_space<vmem>>, vector<1x16xi32>,
    %swap3A_1226 = vector.shape_cast %swap3A_1225 : vector<1x16xi32> to vector<16xi32>
    %swap3A_1227 = vector.shape_cast %add3A_1221 : vector<16xi32> to vector<1x16xi32>
    tpu.vector_store %arg5[%swap3A_1223, %swap3A_1224], %swap3A_1227 {strides = array<i32>} : memref<12x128xi32, #tpu.memory_space<vmem>>, vector<1x16xi32>,
    %get3A_1228 = arith.constant 11 : i32
    %get3A_1229 = arith.index_cast %get3A_1228 : i32 to index
    %get3A_1230 = arith.constant 80 : index
    %get3A_1231 = tpu.vector_load %arg5[%get3A_1229, %get3A_1230] {strides = array<i32>} : memref<12x128xi32, #tpu.memory_space<vmem>>, vector<1x16xi32>,
    %get3A_1232 = vector.shape_cast %get3A_1231 : vector<1x16xi32> to vector<16xi32>
    %add3A_1233 = vector.broadcast %mul3A_18 : i32 to vector<16xi32>
    %add3A_1234 = arith.addi %get3A_1232, %add3A_1233 : vector<16xi32>
    %swap3A_1235 = arith.constant 11 : i32
    %swap3A_1236 = arith.index_cast %swap3A_1235 : i32 to index
    %swap3A_1237 = arith.constant 80 : index
    %swap3A_1238 = tpu.vector_load %arg5[%swap3A_1236, %swap3A_1237] {strides = array<i32>} : memref<12x128xi32, #tpu.memory_space<vmem>>, vector<1x16xi32>,
    %swap3A_1239 = vector.shape_cast %swap3A_1238 : vector<1x16xi32> to vector<16xi32>
    %swap3A_1240 = vector.shape_cast %add3A_1234 : vector<16xi32> to vector<1x16xi32>
    tpu.vector_store %arg5[%swap3A_1236, %swap3A_1237], %swap3A_1240 {strides = array<i32>} : memref<12x128xi32, #tpu.memory_space<vmem>>, vector<1x16xi32>,
    %get3A_1241 = arith.constant 11 : i32
    %get3A_1242 = arith.index_cast %get3A_1241 : i32 to index
    %get3A_1243 = arith.constant 96 : index
    %get3A_1244 = tpu.vector_load %arg5[%get3A_1242, %get3A_1243] {strides = array<i32>} : memref<12x128xi32, #tpu.memory_space<vmem>>, vector<1x16xi32>,
    %get3A_1245 = vector.shape_cast %get3A_1244 : vector<1x16xi32> to vector<16xi32>
    %add3A_1246 = vector.broadcast %mul3A_18 : i32 to vector<16xi32>
    %add3A_1247 = arith.addi %get3A_1245, %add3A_1246 : vector<16xi32>
    %swap3A_1248 = arith.constant 11 : i32
    %swap3A_1249 = arith.index_cast %swap3A_1248 : i32 to index
    %swap3A_1250 = arith.constant 96 : index
    %swap3A_1251 = tpu.vector_load %arg5[%swap3A_1249, %swap3A_1250] {strides = array<i32>} : memref<12x128xi32, #tpu.memory_space<vmem>>, vector<1x16xi32>,
    %swap3A_1252 = vector.shape_cast %swap3A_1251 : vector<1x16xi32> to vector<16xi32>
    %swap3A_1253 = vector.shape_cast %add3A_1247 : vector<16xi32> to vector<1x16xi32>
    tpu.vector_store %arg5[%swap3A_1249, %swap3A_1250], %swap3A_1253 {strides = array<i32>} : memref<12x128xi32, #tpu.memory_space<vmem>>, vector<1x16xi32>,
    %get3A_1254 = arith.constant 11 : i32
    %get3A_1255 = arith.index_cast %get3A_1254 : i32 to index
    %get3A_1256 = arith.constant 112 : index
    %get3A_1257 = tpu.vector_load %arg5[%get3A_1255, %get3A_1256] {strides = array<i32>} : memref<12x128xi32, #tpu.memory_space<vmem>>, vector<1x16xi32>,
    %get3A_1258 = vector.shape_cast %get3A_1257 : vector<1x16xi32> to vector<16xi32>
    %add3A_1259 = vector.broadcast %mul3A_18 : i32 to vector<16xi32>
    %add3A_1260 = arith.addi %get3A_1258, %add3A_1259 : vector<16xi32>
    %swap3A_1261 = arith.constant 11 : i32
    %swap3A_1262 = arith.index_cast %swap3A_1261 : i32 to index
    %swap3A_1263 = arith.constant 112 : index
    %swap3A_1264 = tpu.vector_load %arg5[%swap3A_1262, %swap3A_1263] {strides = array<i32>} : memref<12x128xi32, #tpu.memory_space<vmem>>, vector<1x16xi32>,
    %swap3A_1265 = vector.shape_cast %swap3A_1264 : vector<1x16xi32> to vector<16xi32>
    %swap3A_1266 = vector.shape_cast %add3A_1260 : vector<16xi32> to vector<1x16xi32>
    tpu.vector_store %arg5[%swap3A_1262, %swap3A_1263], %swap3A_1266 {strides = array<i32>} : memref<12x128xi32, #tpu.memory_space<vmem>>, vector<1x16xi32>,
    %add3A_1267 = arith.constant 0 : i32
    %add3A_1268 = arith.addi %mul3A_20, %add3A_1267 : i32
    %dma_start3A = arith.constant 0 : i32
    %dma_start3A_1269 = arith.constant 0 : i32
    %dma_start3A_1270 = arith.constant 0 : i32
    %dma_start3A_1271 = tpu.memref_slice %arg6[%dma_start3A, %dma_start3A_1269, %dma_start3A_1270] : memref<2x128x64xf32, #tpu.memory_space<vmem>> -> memref<1x128x64xf32, #tpu.memory_space<vmem>>
    %dma_start3A_1272 = tpu.memref_squeeze %dma_start3A_1271 : memref<1x128x64xf32, #tpu.memory_space<vmem>> -> memref<128x64xf32, #tpu.memory_space<vmem>>
    %dma_start3A_1273 = arith.constant 0 : i32
    %dma_start3A_1274 = tpu.memref_slice %arg2[%add3A_1268, %dma_start3A_1273] : memref<16384x64xf32, #tpu.memory_space<hbm>> -> memref<128x64xf32, #tpu.memory_space<hbm>>
    %dma_start3A_1275 = arith.constant 0 : i32
    %dma_start3A_1276 = arith.constant 0 : i32
    %dma_start3A_1277 = tpu.memref_slice %arg6[%dma_start3A, %dma_start3A_1275, %dma_start3A_1276] : memref<2x128x64xf32, #tpu.memory_space<vmem>> -> memref<1x128x64xf32, #tpu.memory_space<vmem>>
    %dma_start3A_1278 = tpu.memref_squeeze %dma_start3A_1277 : memref<1x128x64xf32, #tpu.memory_space<vmem>> -> memref<128x64xf32, #tpu.memory_space<vmem>>
    %dma_start3A_1279 = arith.constant 0 : i32
    %dma_start3A_1280 = tpu.memref_slice %arg2[%add3A_1268, %dma_start3A_1279] : memref<16384x64xf32, #tpu.memory_space<hbm>> -> memref<128x64xf32, #tpu.memory_space<hbm>>
    tpu.enqueue_dma source(%dma_start3A_1280 : memref<128x64xf32, #tpu.memory_space<hbm>>) target(%dma_start3A_1278 : memref<128x64xf32, #tpu.memory_space<vmem>>) target_semaphore(%arg8 : memref<!tpu.dma_semaphore, #tpu.memory_space<semaphore_mem>>)
    %dma_start3A_1281 = arith.constant 0 : i32
    %dma_start3A_1282 = arith.constant 0 : i32
    %dma_start3A_1283 = arith.constant 0 : i32
    %dma_start3A_1284 = arith.constant 0 : i32
    %dma_start3A_1285 = tpu.memref_slice %arg7[%dma_start3A_1282, %dma_start3A_1283, %dma_start3A_1284] : memref<2x384x64xf32, #tpu.memory_space<vmem>> -> memref<1x128x64xf32, #tpu.memory_space<vmem>>
    %dma_start3A_1286 = tpu.memref_squeeze %dma_start3A_1285 : memref<1x128x64xf32, #tpu.memory_space<vmem>> -> memref<128x64xf32, #tpu.memory_space<vmem>>
    %dma_start3A_1287 = arith.constant 0 : i32
    %dma_start3A_1288 = tpu.memref_slice %arg5[%dma_start3A_1281, %dma_start3A_1287] : memref<12x128xi32, #tpu.memory_space<vmem>> -> memref<1x128xi32, #tpu.memory_space<vmem>>
    %dma_start3A_1289 = tpu.memref_squeeze %dma_start3A_1288 : memref<1x128xi32, #tpu.memory_space<vmem>> -> memref<128xi32, #tpu.memory_space<vmem>>
    %dma_start3A_1290 = arith.constant 0 : i32
    %dma_start3A_1291 = arith.constant 0 : i32
    %dma_start3A_1292 = tpu.memref_slice %arg2[%dma_start3A_1290, %dma_start3A_1291] : memref<16384x64xf32, #tpu.memory_space<hbm>> -> memref<16384x64xf32, #tpu.memory_space<hbm>>
    tpu.enqueue_indirect_dma source(%dma_start3A_1292 : memref<16384x64xf32, #tpu.memory_space<hbm>>) target(%dma_start3A_1286 : memref<128x64xf32, #tpu.memory_space<vmem>>) offsets(%dma_start3A_1289 : memref<128xi32, #tpu.memory_space<vmem>>) semaphore(%arg8 : memref<!tpu.dma_semaphore, #tpu.memory_space<semaphore_mem>>)
    %dma_start3A_1293 = arith.constant 1 : i32
    %dma_start3A_1294 = arith.constant 0 : i32
    %dma_start3A_1295 = arith.constant 128 : i32
    %dma_start3A_1296 = arith.constant 0 : i32
    %dma_start3A_1297 = tpu.memref_slice %arg7[%dma_start3A_1294, %dma_start3A_1295, %dma_start3A_1296] : memref<2x384x64xf32, #tpu.memory_space<vmem>> -> memref<1x128x64xf32, #tpu.memory_space<vmem>>
    %dma_start3A_1298 = tpu.memref_squeeze %dma_start3A_1297 : memref<1x128x64xf32, #tpu.memory_space<vmem>> -> memref<128x64xf32, #tpu.memory_space<vmem>>
    %dma_start3A_1299 = arith.constant 0 : i32
    %dma_start3A_1300 = tpu.memref_slice %arg5[%dma_start3A_1293, %dma_start3A_1299] : memref<12x128xi32, #tpu.memory_space<vmem>> -> memref<1x128xi32, #tpu.memory_space<vmem>>
    %dma_start3A_1301 = tpu.memref_squeeze %dma_start3A_1300 : memref<1x128xi32, #tpu.memory_space<vmem>> -> memref<128xi32, #tpu.memory_space<vmem>>
    %dma_start3A_1302 = arith.constant 0 : i32
    %dma_start3A_1303 = arith.constant 0 : i32
    %dma_start3A_1304 = tpu.memref_slice %arg2[%dma_start3A_1302, %dma_start3A_1303] : memref<16384x64xf32, #tpu.memory_space<hbm>> -> memref<16384x64xf32, #tpu.memory_space<hbm>>
    tpu.enqueue_indirect_dma source(%dma_start3A_1304 : memref<16384x64xf32, #tpu.memory_space<hbm>>) target(%dma_start3A_1298 : memref<128x64xf32, #tpu.memory_space<vmem>>) offsets(%dma_start3A_1301 : memref<128xi32, #tpu.memory_space<vmem>>) semaphore(%arg8 : memref<!tpu.dma_semaphore, #tpu.memory_space<semaphore_mem>>)
    %dma_start3A_1305 = arith.constant 2 : i32
    %dma_start3A_1306 = arith.constant 0 : i32
    %dma_start3A_1307 = arith.constant 256 : i32
    %dma_start3A_1308 = arith.constant 0 : i32
    %dma_start3A_1309 = tpu.memref_slice %arg7[%dma_start3A_1306, %dma_start3A_1307, %dma_start3A_1308] : memref<2x384x64xf32, #tpu.memory_space<vmem>> -> memref<1x128x64xf32, #tpu.memory_space<vmem>>
    %dma_start3A_1310 = tpu.memref_squeeze %dma_start3A_1309 : memref<1x128x64xf32, #tpu.memory_space<vmem>> -> memref<128x64xf32, #tpu.memory_space<vmem>>
    %dma_start3A_1311 = arith.constant 0 : i32
    %dma_start3A_1312 = tpu.memref_slice %arg5[%dma_start3A_1305, %dma_start3A_1311] : memref<12x128xi32, #tpu.memory_space<vmem>> -> memref<1x128xi32, #tpu.memory_space<vmem>>
    %dma_start3A_1313 = tpu.memref_squeeze %dma_start3A_1312 : memref<1x128xi32, #tpu.memory_space<vmem>> -> memref<128xi32, #tpu.memory_space<vmem>>
    %dma_start3A_1314 = arith.constant 0 : i32
    %dma_start3A_1315 = arith.constant 0 : i32
    %dma_start3A_1316 = tpu.memref_slice %arg2[%dma_start3A_1314, %dma_start3A_1315] : memref<16384x64xf32, #tpu.memory_space<hbm>> -> memref<16384x64xf32, #tpu.memory_space<hbm>>
    tpu.enqueue_indirect_dma source(%dma_start3A_1316 : memref<16384x64xf32, #tpu.memory_space<hbm>>) target(%dma_start3A_1310 : memref<128x64xf32, #tpu.memory_space<vmem>>) offsets(%dma_start3A_1313 : memref<128xi32, #tpu.memory_space<vmem>>) semaphore(%arg8 : memref<!tpu.dma_semaphore, #tpu.memory_space<semaphore_mem>>)
    %add3A_1317 = arith.constant 128 : i32
    %add3A_1318 = arith.addi %mul3A_20, %add3A_1317 : i32
    %dma_start3A_1319 = arith.constant 1 : i32
    %dma_start3A_1320 = arith.constant 0 : i32
    %dma_start3A_1321 = arith.constant 0 : i32
    %dma_start3A_1322 = tpu.memref_slice %arg6[%dma_start3A_1319, %dma_start3A_1320, %dma_start3A_1321] : memref<2x128x64xf32, #tpu.memory_space<vmem>> -> memref<1x128x64xf32, #tpu.memory_space<vmem>>
    %dma_start3A_1323 = tpu.memref_squeeze %dma_start3A_1322 : memref<1x128x64xf32, #tpu.memory_space<vmem>> -> memref<128x64xf32, #tpu.memory_space<vmem>>
    %dma_start3A_1324 = arith.constant 0 : i32
    %dma_start3A_1325 = tpu.memref_slice %arg2[%add3A_1318, %dma_start3A_1324] : memref<16384x64xf32, #tpu.memory_space<hbm>> -> memref<128x64xf32, #tpu.memory_space<hbm>>
    %dma_start3A_1326 = arith.constant 0 : i32
    %dma_start3A_1327 = arith.constant 0 : i32
    %dma_start3A_1328 = tpu.memref_slice %arg6[%dma_start3A_1319, %dma_start3A_1326, %dma_start3A_1327] : memref<2x128x64xf32, #tpu.memory_space<vmem>> -> memref<1x128x64xf32, #tpu.memory_space<vmem>>
    %dma_start3A_1329 = tpu.memref_squeeze %dma_start3A_1328 : memref<1x128x64xf32, #tpu.memory_space<vmem>> -> memref<128x64xf32, #tpu.memory_space<vmem>>
    %dma_start3A_1330 = arith.constant 0 : i32
    %dma_start3A_1331 = tpu.memref_slice %arg2[%add3A_1318, %dma_start3A_1330] : memref<16384x64xf32, #tpu.memory_space<hbm>> -> memref<128x64xf32, #tpu.memory_space<hbm>>
    tpu.enqueue_dma source(%dma_start3A_1331 : memref<128x64xf32, #tpu.memory_space<hbm>>) target(%dma_start3A_1329 : memref<128x64xf32, #tpu.memory_space<vmem>>) target_semaphore(%arg9 : memref<!tpu.dma_semaphore, #tpu.memory_space<semaphore_mem>>)
    %dma_start3A_1332 = arith.constant 3 : i32
    %dma_start3A_1333 = arith.constant 1 : i32
    %dma_start3A_1334 = arith.constant 0 : i32
    %dma_start3A_1335 = arith.constant 0 : i32
    %dma_start3A_1336 = tpu.memref_slice %arg7[%dma_start3A_1333, %dma_start3A_1334, %dma_start3A_1335] : memref<2x384x64xf32, #tpu.memory_space<vmem>> -> memref<1x128x64xf32, #tpu.memory_space<vmem>>
    %dma_start3A_1337 = tpu.memref_squeeze %dma_start3A_1336 : memref<1x128x64xf32, #tpu.memory_space<vmem>> -> memref<128x64xf32, #tpu.memory_space<vmem>>
    %dma_start3A_1338 = arith.constant 0 : i32
    %dma_start3A_1339 = tpu.memref_slice %arg5[%dma_start3A_1332, %dma_start3A_1338] : memref<12x128xi32, #tpu.memory_space<vmem>> -> memref<1x128xi32, #tpu.memory_space<vmem>>
    %dma_start3A_1340 = tpu.memref_squeeze %dma_start3A_1339 : memref<1x128xi32, #tpu.memory_space<vmem>> -> memref<128xi32, #tpu.memory_space<vmem>>
    %dma_start3A_1341 = arith.constant 0 : i32
    %dma_start3A_1342 = arith.constant 0 : i32
    %dma_start3A_1343 = tpu.memref_slice %arg2[%dma_start3A_1341, %dma_start3A_1342] : memref<16384x64xf32, #tpu.memory_space<hbm>> -> memref<16384x64xf32, #tpu.memory_space<hbm>>
    tpu.enqueue_indirect_dma source(%dma_start3A_1343 : memref<16384x64xf32, #tpu.memory_space<hbm>>) target(%dma_start3A_1337 : memref<128x64xf32, #tpu.memory_space<vmem>>) offsets(%dma_start3A_1340 : memref<128xi32, #tpu.memory_space<vmem>>) semaphore(%arg9 : memref<!tpu.dma_semaphore, #tpu.memory_space<semaphore_mem>>)
    %dma_start3A_1344 = arith.constant 4 : i32
    %dma_start3A_1345 = arith.constant 1 : i32
    %dma_start3A_1346 = arith.constant 128 : i32
    %dma_start3A_1347 = arith.constant 0 : i32
    %dma_start3A_1348 = tpu.memref_slice %arg7[%dma_start3A_1345, %dma_start3A_1346, %dma_start3A_1347] : memref<2x384x64xf32, #tpu.memory_space<vmem>> -> memref<1x128x64xf32, #tpu.memory_space<vmem>>
    %dma_start3A_1349 = tpu.memref_squeeze %dma_start3A_1348 : memref<1x128x64xf32, #tpu.memory_space<vmem>> -> memref<128x64xf32, #tpu.memory_space<vmem>>
    %dma_start3A_1350 = arith.constant 0 : i32
    %dma_start3A_1351 = tpu.memref_slice %arg5[%dma_start3A_1344, %dma_start3A_1350] : memref<12x128xi32, #tpu.memory_space<vmem>> -> memref<1x128xi32, #tpu.memory_space<vmem>>
    %dma_start3A_1352 = tpu.memref_squeeze %dma_start3A_1351 : memref<1x128xi32, #tpu.memory_space<vmem>> -> memref<128xi32, #tpu.memory_space<vmem>>
    %dma_start3A_1353 = arith.constant 0 : i32
    %dma_start3A_1354 = arith.constant 0 : i32
    %dma_start3A_1355 = tpu.memref_slice %arg2[%dma_start3A_1353, %dma_start3A_1354] : memref<16384x64xf32, #tpu.memory_space<hbm>> -> memref<16384x64xf32, #tpu.memory_space<hbm>>
    tpu.enqueue_indirect_dma source(%dma_start3A_1355 : memref<16384x64xf32, #tpu.memory_space<hbm>>) target(%dma_start3A_1349 : memref<128x64xf32, #tpu.memory_space<vmem>>) offsets(%dma_start3A_1352 : memref<128xi32, #tpu.memory_space<vmem>>) semaphore(%arg9 : memref<!tpu.dma_semaphore, #tpu.memory_space<semaphore_mem>>)
    %dma_start3A_1356 = arith.constant 5 : i32
    %dma_start3A_1357 = arith.constant 1 : i32
    %dma_start3A_1358 = arith.constant 256 : i32
    %dma_start3A_1359 = arith.constant 0 : i32
    %dma_start3A_1360 = tpu.memref_slice %arg7[%dma_start3A_1357, %dma_start3A_1358, %dma_start3A_1359] : memref<2x384x64xf32, #tpu.memory_space<vmem>> -> memref<1x128x64xf32, #tpu.memory_space<vmem>>
    %dma_start3A_1361 = tpu.memref_squeeze %dma_start3A_1360 : memref<1x128x64xf32, #tpu.memory_space<vmem>> -> memref<128x64xf32, #tpu.memory_space<vmem>>
    %dma_start3A_1362 = arith.constant 0 : i32
    %dma_start3A_1363 = tpu.memref_slice %arg5[%dma_start3A_1356, %dma_start3A_1362] : memref<12x128xi32, #tpu.memory_space<vmem>> -> memref<1x128xi32, #tpu.memory_space<vmem>>
    %dma_start3A_1364 = tpu.memref_squeeze %dma_start3A_1363 : memref<1x128xi32, #tpu.memory_space<vmem>> -> memref<128xi32, #tpu.memory_space<vmem>>
    %dma_start3A_1365 = arith.constant 0 : i32
    %dma_start3A_1366 = arith.constant 0 : i32
    %dma_start3A_1367 = tpu.memref_slice %arg2[%dma_start3A_1365, %dma_start3A_1366] : memref<16384x64xf32, #tpu.memory_space<hbm>> -> memref<16384x64xf32, #tpu.memory_space<hbm>>
    tpu.enqueue_indirect_dma source(%dma_start3A_1367 : memref<16384x64xf32, #tpu.memory_space<hbm>>) target(%dma_start3A_1361 : memref<128x64xf32, #tpu.memory_space<vmem>>) offsets(%dma_start3A_1364 : memref<128xi32, #tpu.memory_space<vmem>>) semaphore(%arg9 : memref<!tpu.dma_semaphore, #tpu.memory_space<semaphore_mem>>)
    %dma_wait3A = arith.constant 0 : i32
    %dma_wait3A_1368 = arith.constant 0 : i32
    %dma_wait3A_1369 = arith.constant 0 : i32
    %dma_wait3A_1370 = tpu.memref_slice %arg6[%dma_wait3A, %dma_wait3A_1368, %dma_wait3A_1369] : memref<2x128x64xf32, #tpu.memory_space<vmem>> -> memref<1x128x64xf32, #tpu.memory_space<vmem>>
    %dma_wait3A_1371 = tpu.memref_squeeze %dma_wait3A_1370 : memref<1x128x64xf32, #tpu.memory_space<vmem>> -> memref<128x64xf32, #tpu.memory_space<vmem>>
    %dma_wait3A_1372 = arith.constant 0 : i32
    %dma_wait3A_1373 = tpu.memref_slice %arg2[%add3A_1268, %dma_wait3A_1372] : memref<16384x64xf32, #tpu.memory_space<hbm>> -> memref<128x64xf32, #tpu.memory_space<hbm>>
    %dma_wait3A_1374 = arith.constant 0 : i32
    %dma_wait3A_1375 = arith.constant 0 : i32
    %dma_wait3A_1376 = tpu.memref_slice %arg6[%dma_wait3A, %dma_wait3A_1374, %dma_wait3A_1375] : memref<2x128x64xf32, #tpu.memory_space<vmem>> -> memref<1x128x64xf32, #tpu.memory_space<vmem>>
    %dma_wait3A_1377 = tpu.memref_squeeze %dma_wait3A_1376 : memref<1x128x64xf32, #tpu.memory_space<vmem>> -> memref<128x64xf32, #tpu.memory_space<vmem>>
    %dma_wait3A_1378 = arith.constant 0 : i32
    %dma_wait3A_1379 = tpu.memref_slice %arg2[%add3A_1268, %dma_wait3A_1378] : memref<16384x64xf32, #tpu.memory_space<hbm>> -> memref<128x64xf32, #tpu.memory_space<hbm>>
    tpu.wait_dma2 semaphore(%arg8 : memref<!tpu.dma_semaphore, #tpu.memory_space<semaphore_mem>>) src(%dma_wait3A_1379 : memref<128x64xf32, #tpu.memory_space<hbm>>) dst(%dma_wait3A_1377 : memref<128x64xf32, #tpu.memory_space<vmem>>)
    %dma_wait3A_1380 = arith.constant 0 : i32
    %dma_wait3A_1381 = arith.constant 0 : i32
    %dma_wait3A_1382 = arith.constant 0 : i32
    %dma_wait3A_1383 = arith.constant 0 : i32
    %dma_wait3A_1384 = tpu.memref_slice %arg7[%dma_wait3A_1381, %dma_wait3A_1382, %dma_wait3A_1383] : memref<2x384x64xf32, #tpu.memory_space<vmem>> -> memref<1x128x64xf32, #tpu.memory_space<vmem>>
    %dma_wait3A_1385 = tpu.memref_squeeze %dma_wait3A_1384 : memref<1x128x64xf32, #tpu.memory_space<vmem>> -> memref<128x64xf32, #tpu.memory_space<vmem>>
    %dma_wait3A_1386 = arith.constant 0 : i32
    %dma_wait3A_1387 = tpu.memref_slice %arg5[%dma_wait3A_1380, %dma_wait3A_1386] : memref<12x128xi32, #tpu.memory_space<vmem>> -> memref<1x128xi32, #tpu.memory_space<vmem>>
    %dma_wait3A_1388 = tpu.memref_squeeze %dma_wait3A_1387 : memref<1x128xi32, #tpu.memory_space<vmem>> -> memref<128xi32, #tpu.memory_space<vmem>>
    %dma_wait3A_1389 = arith.constant 0 : i32
    %dma_wait3A_1390 = arith.constant 0 : i32
    %dma_wait3A_1391 = tpu.memref_slice %arg2[%dma_wait3A_1389, %dma_wait3A_1390] : memref<16384x64xf32, #tpu.memory_space<hbm>> -> memref<16384x64xf32, #tpu.memory_space<hbm>>
    tpu.wait_indirect_dma semaphore(%arg8 : memref<!tpu.dma_semaphore, #tpu.memory_space<semaphore_mem>>) src(%dma_wait3A_1391 : memref<16384x64xf32, #tpu.memory_space<hbm>>) dst(%dma_wait3A_1385 : memref<128x64xf32, #tpu.memory_space<vmem>>)
    %dma_wait3A_1392 = arith.constant 1 : i32
    %dma_wait3A_1393 = arith.constant 0 : i32
    %dma_wait3A_1394 = arith.constant 128 : i32
    %dma_wait3A_1395 = arith.constant 0 : i32
    %dma_wait3A_1396 = tpu.memref_slice %arg7[%dma_wait3A_1393, %dma_wait3A_1394, %dma_wait3A_1395] : memref<2x384x64xf32, #tpu.memory_space<vmem>> -> memref<1x128x64xf32, #tpu.memory_space<vmem>>
    %dma_wait3A_1397 = tpu.memref_squeeze %dma_wait3A_1396 : memref<1x128x64xf32, #tpu.memory_space<vmem>> -> memref<128x64xf32, #tpu.memory_space<vmem>>
    %dma_wait3A_1398 = arith.constant 0 : i32
    %dma_wait3A_1399 = tpu.memref_slice %arg5[%dma_wait3A_1392, %dma_wait3A_1398] : memref<12x128xi32, #tpu.memory_space<vmem>> -> memref<1x128xi32, #tpu.memory_space<vmem>>
    %dma_wait3A_1400 = tpu.memref_squeeze %dma_wait3A_1399 : memref<1x128xi32, #tpu.memory_space<vmem>> -> memref<128xi32, #tpu.memory_space<vmem>>
    %dma_wait3A_1401 = arith.constant 0 : i32
    %dma_wait3A_1402 = arith.constant 0 : i32
    %dma_wait3A_1403 = tpu.memref_slice %arg2[%dma_wait3A_1401, %dma_wait3A_1402] : memref<16384x64xf32, #tpu.memory_space<hbm>> -> memref<16384x64xf32, #tpu.memory_space<hbm>>
    tpu.wait_indirect_dma semaphore(%arg8 : memref<!tpu.dma_semaphore, #tpu.memory_space<semaphore_mem>>) src(%dma_wait3A_1403 : memref<16384x64xf32, #tpu.memory_space<hbm>>) dst(%dma_wait3A_1397 : memref<128x64xf32, #tpu.memory_space<vmem>>)
    %dma_wait3A_1404 = arith.constant 2 : i32
    %dma_wait3A_1405 = arith.constant 0 : i32
    %dma_wait3A_1406 = arith.constant 256 : i32
    %dma_wait3A_1407 = arith.constant 0 : i32
    %dma_wait3A_1408 = tpu.memref_slice %arg7[%dma_wait3A_1405, %dma_wait3A_1406, %dma_wait3A_1407] : memref<2x384x64xf32, #tpu.memory_space<vmem>> -> memref<1x128x64xf32, #tpu.memory_space<vmem>>
    %dma_wait3A_1409 = tpu.memref_squeeze %dma_wait3A_1408 : memref<1x128x64xf32, #tpu.memory_space<vmem>> -> memref<128x64xf32, #tpu.memory_space<vmem>>
    %dma_wait3A_1410 = arith.constant 0 : i32
    %dma_wait3A_1411 = tpu.memref_slice %arg5[%dma_wait3A_1404, %dma_wait3A_1410] : memref<12x128xi32, #tpu.memory_space<vmem>> -> memref<1x128xi32, #tpu.memory_space<vmem>>
    %dma_wait3A_1412 = tpu.memref_squeeze %dma_wait3A_1411 : memref<1x128xi32, #tpu.memory_space<vmem>> -> memref<128xi32, #tpu.memory_space<vmem>>
    %dma_wait3A_1413 = arith.constant 0 : i32
    %dma_wait3A_1414 = arith.constant 0 : i32
    %dma_wait3A_1415 = tpu.memref_slice %arg2[%dma_wait3A_1413, %dma_wait3A_1414] : memref<16384x64xf32, #tpu.memory_space<hbm>> -> memref<16384x64xf32, #tpu.memory_space<hbm>>
    tpu.wait_indirect_dma semaphore(%arg8 : memref<!tpu.dma_semaphore, #tpu.memory_space<semaphore_mem>>) src(%dma_wait3A_1415 : memref<16384x64xf32, #tpu.memory_space<hbm>>) dst(%dma_wait3A_1409 : memref<128x64xf32, #tpu.memory_space<vmem>>)
    %parallel_loop3A = arith.constant 0 : i32
    %parallel_loop3A_1416 = arith.constant 128 : i32
    %parallel_loop3A_1417 = arith.constant 1 : i32
    scf.for %parallel_loop3A_1788 = %parallel_loop3A to %parallel_loop3A_1416 step %parallel_loop3A_1417  : i32 {
      %parallel_loop3A_1789 = arith.constant 0 : i32
      %parallel_loop3A_1790 = arith.index_cast %parallel_loop3A_1789 : i32 to index
      %parallel_loop3A_1791 = arith.index_cast %parallel_loop3A_1788 : i32 to index
      %parallel_loop3A_1792 = arith.constant 0 : index
      %parallel_loop3A_1793 = tpu.vector_load %arg6[%parallel_loop3A_1790, %parallel_loop3A_1791, %parallel_loop3A_1792] {strides = array<i32>} : memref<2x128x64xf32, #tpu.memory_space<vmem>>, vector<1x1x16xf32>,
      %parallel_loop3A_1794 = vector.shape_cast %parallel_loop3A_1793 : vector<1x1x16xf32> to vector<16xf32>
      %parallel_loop3A_1795 = arith.constant 3 : i32
      %parallel_loop3A_1796 = arith.muli %parallel_loop3A_1795, %parallel_loop3A_1788 : i32
      %parallel_loop3A_1797 = arith.constant 0 : i32
      %parallel_loop3A_1798 = arith.index_cast %parallel_loop3A_1797 : i32 to index
      %parallel_loop3A_1799 = arith.index_cast %parallel_loop3A_1796 : i32 to index
      %parallel_loop3A_1800 = arith.constant 0 : index
      %parallel_loop3A_1801 = tpu.vector_load %arg7[%parallel_loop3A_1798, %parallel_loop3A_1799, %parallel_loop3A_1800] {strides = array<i32>} : memref<2x384x64xf32, #tpu.memory_space<vmem>>, vector<1x1x16xf32>,
      %parallel_loop3A_1802 = vector.shape_cast %parallel_loop3A_1801 : vector<1x1x16xf32> to vector<16xf32>
      %parallel_loop3A_1803 = arith.addf %parallel_loop3A_1794, %parallel_loop3A_1802 : vector<16xf32>
      %parallel_loop3A_1804 = arith.constant 3 : i32
      %parallel_loop3A_1805 = arith.muli %parallel_loop3A_1804, %parallel_loop3A_1788 : i32
      %parallel_loop3A_1806 = arith.constant 1 : i32
      %parallel_loop3A_1807 = arith.addi %parallel_loop3A_1805, %parallel_loop3A_1806 : i32
      %parallel_loop3A_1808 = arith.constant 0 : i32
      %parallel_loop3A_1809 = arith.index_cast %parallel_loop3A_1808 : i32 to index
      %parallel_loop3A_1810 = arith.index_cast %parallel_loop3A_1807 : i32 to index
      %parallel_loop3A_1811 = arith.constant 0 : index
      %parallel_loop3A_1812 = tpu.vector_load %arg7[%parallel_loop3A_1809, %parallel_loop3A_1810, %parallel_loop3A_1811] {strides = array<i32>} : memref<2x384x64xf32, #tpu.memory_space<vmem>>, vector<1x1x16xf32>,
      %parallel_loop3A_1813 = vector.shape_cast %parallel_loop3A_1812 : vector<1x1x16xf32> to vector<16xf32>
      %parallel_loop3A_1814 = arith.addf %parallel_loop3A_1803, %parallel_loop3A_1813 : vector<16xf32>
      %parallel_loop3A_1815 = arith.constant 3 : i32
      %parallel_loop3A_1816 = arith.muli %parallel_loop3A_1815, %parallel_loop3A_1788 : i32
      %parallel_loop3A_1817 = arith.constant 2 : i32
      %parallel_loop3A_1818 = arith.addi %parallel_loop3A_1816, %parallel_loop3A_1817 : i32
      %parallel_loop3A_1819 = arith.constant 0 : i32
      %parallel_loop3A_1820 = arith.index_cast %parallel_loop3A_1819 : i32 to index
      %parallel_loop3A_1821 = arith.index_cast %parallel_loop3A_1818 : i32 to index
      %parallel_loop3A_1822 = arith.constant 0 : index
      %parallel_loop3A_1823 = tpu.vector_load %arg7[%parallel_loop3A_1820, %parallel_loop3A_1821, %parallel_loop3A_1822] {strides = array<i32>} : memref<2x384x64xf32, #tpu.memory_space<vmem>>, vector<1x1x16xf32>,
      %parallel_loop3A_1824 = vector.shape_cast %parallel_loop3A_1823 : vector<1x1x16xf32> to vector<16xf32>
      %parallel_loop3A_1825 = arith.addf %parallel_loop3A_1814, %parallel_loop3A_1824 : vector<16xf32>
      %parallel_loop3A_1826 = arith.constant 0 : i32
      %parallel_loop3A_1827 = arith.index_cast %parallel_loop3A_1826 : i32 to index
      %parallel_loop3A_1828 = arith.index_cast %parallel_loop3A_1788 : i32 to index
      %parallel_loop3A_1829 = arith.constant 0 : index
      %parallel_loop3A_1830 = tpu.vector_load %arg6[%parallel_loop3A_1827, %parallel_loop3A_1828, %parallel_loop3A_1829] {strides = array<i32>} : memref<2x128x64xf32, #tpu.memory_space<vmem>>, vector<1x1x16xf32>,
      %parallel_loop3A_1831 = vector.shape_cast %parallel_loop3A_1830 : vector<1x1x16xf32> to vector<16xf32>
      %parallel_loop3A_1832 = vector.shape_cast %parallel_loop3A_1825 : vector<16xf32> to vector<1x1x16xf32>
      tpu.vector_store %arg6[%parallel_loop3A_1827, %parallel_loop3A_1828, %parallel_loop3A_1829], %parallel_loop3A_1832 {strides = array<i32>} : memref<2x128x64xf32, #tpu.memory_space<vmem>>, vector<1x1x16xf32>,
      %parallel_loop3A_1833 = arith.constant 0 : i32
      %parallel_loop3A_1834 = arith.index_cast %parallel_loop3A_1833 : i32 to index
      %parallel_loop3A_1835 = arith.index_cast %parallel_loop3A_1788 : i32 to index
      %parallel_loop3A_1836 = arith.constant 16 : index
      %parallel_loop3A_1837 = tpu.vector_load %arg6[%parallel_loop3A_1834, %parallel_loop3A_1835, %parallel_loop3A_1836] {strides = array<i32>} : memref<2x128x64xf32, #tpu.memory_space<vmem>>, vector<1x1x16xf32>,
      %parallel_loop3A_1838 = vector.shape_cast %parallel_loop3A_1837 : vector<1x1x16xf32> to vector<16xf32>
      %parallel_loop3A_1839 = arith.constant 3 : i32
      %parallel_loop3A_1840 = arith.muli %parallel_loop3A_1839, %parallel_loop3A_1788 : i32
      %parallel_loop3A_1841 = arith.constant 0 : i32
      %parallel_loop3A_1842 = arith.index_cast %parallel_loop3A_1841 : i32 to index
      %parallel_loop3A_1843 = arith.index_cast %parallel_loop3A_1840 : i32 to index
      %parallel_loop3A_1844 = arith.constant 16 : index
      %parallel_loop3A_1845 = tpu.vector_load %arg7[%parallel_loop3A_1842, %parallel_loop3A_1843, %parallel_loop3A_1844] {strides = array<i32>} : memref<2x384x64xf32, #tpu.memory_space<vmem>>, vector<1x1x16xf32>,
      %parallel_loop3A_1846 = vector.shape_cast %parallel_loop3A_1845 : vector<1x1x16xf32> to vector<16xf32>
      %parallel_loop3A_1847 = arith.addf %parallel_loop3A_1838, %parallel_loop3A_1846 : vector<16xf32>
      %parallel_loop3A_1848 = arith.constant 3 : i32
      %parallel_loop3A_1849 = arith.muli %parallel_loop3A_1848, %parallel_loop3A_1788 : i32
      %parallel_loop3A_1850 = arith.constant 1 : i32
      %parallel_loop3A_1851 = arith.addi %parallel_loop3A_1849, %parallel_loop3A_1850 : i32
      %parallel_loop3A_1852 = arith.constant 0 : i32
      %parallel_loop3A_1853 = arith.index_cast %parallel_loop3A_1852 : i32 to index
      %parallel_loop3A_1854 = arith.index_cast %parallel_loop3A_1851 : i32 to index
      %parallel_loop3A_1855 = arith.constant 16 : index
      %parallel_loop3A_1856 = tpu.vector_load %arg7[%parallel_loop3A_1853, %parallel_loop3A_1854, %parallel_loop3A_1855] {strides = array<i32>} : memref<2x384x64xf32, #tpu.memory_space<vmem>>, vector<1x1x16xf32>,
      %parallel_loop3A_1857 = vector.shape_cast %parallel_loop3A_1856 : vector<1x1x16xf32> to vector<16xf32>
      %parallel_loop3A_1858 = arith.addf %parallel_loop3A_1847, %parallel_loop3A_1857 : vector<16xf32>
      %parallel_loop3A_1859 = arith.constant 3 : i32
      %parallel_loop3A_1860 = arith.muli %parallel_loop3A_1859, %parallel_loop3A_1788 : i32
      %parallel_loop3A_1861 = arith.constant 2 : i32
      %parallel_loop3A_1862 = arith.addi %parallel_loop3A_1860, %parallel_loop3A_1861 : i32
      %parallel_loop3A_1863 = arith.constant 0 : i32
      %parallel_loop3A_1864 = arith.index_cast %parallel_loop3A_1863 : i32 to index
      %parallel_loop3A_1865 = arith.index_cast %parallel_loop3A_1862 : i32 to index
      %parallel_loop3A_1866 = arith.constant 16 : index
      %parallel_loop3A_1867 = tpu.vector_load %arg7[%parallel_loop3A_1864, %parallel_loop3A_1865, %parallel_loop3A_1866] {strides = array<i32>} : memref<2x384x64xf32, #tpu.memory_space<vmem>>, vector<1x1x16xf32>,
      %parallel_loop3A_1868 = vector.shape_cast %parallel_loop3A_1867 : vector<1x1x16xf32> to vector<16xf32>
      %parallel_loop3A_1869 = arith.addf %parallel_loop3A_1858, %parallel_loop3A_1868 : vector<16xf32>
      %parallel_loop3A_1870 = arith.constant 0 : i32
      %parallel_loop3A_1871 = arith.index_cast %parallel_loop3A_1870 : i32 to index
      %parallel_loop3A_1872 = arith.index_cast %parallel_loop3A_1788 : i32 to index
      %parallel_loop3A_1873 = arith.constant 16 : index
      %parallel_loop3A_1874 = tpu.vector_load %arg6[%parallel_loop3A_1871, %parallel_loop3A_1872, %parallel_loop3A_1873] {strides = array<i32>} : memref<2x128x64xf32, #tpu.memory_space<vmem>>, vector<1x1x16xf32>,
      %parallel_loop3A_1875 = vector.shape_cast %parallel_loop3A_1874 : vector<1x1x16xf32> to vector<16xf32>
      %parallel_loop3A_1876 = vector.shape_cast %parallel_loop3A_1869 : vector<16xf32> to vector<1x1x16xf32>
      tpu.vector_store %arg6[%parallel_loop3A_1871, %parallel_loop3A_1872, %parallel_loop3A_1873], %parallel_loop3A_1876 {strides = array<i32>} : memref<2x128x64xf32, #tpu.memory_space<vmem>>, vector<1x1x16xf32>,
      %parallel_loop3A_1877 = arith.constant 0 : i32
      %parallel_loop3A_1878 = arith.index_cast %parallel_loop3A_1877 : i32 to index
      %parallel_loop3A_1879 = arith.index_cast %parallel_loop3A_1788 : i32 to index
      %parallel_loop3A_1880 = arith.constant 32 : index
      %parallel_loop3A_1881 = tpu.vector_load %arg6[%parallel_loop3A_1878, %parallel_loop3A_1879, %parallel_loop3A_1880] {strides = array<i32>} : memref<2x128x64xf32, #tpu.memory_space<vmem>>, vector<1x1x16xf32>,
      %parallel_loop3A_1882 = vector.shape_cast %parallel_loop3A_1881 : vector<1x1x16xf32> to vector<16xf32>
      %parallel_loop3A_1883 = arith.constant 3 : i32
      %parallel_loop3A_1884 = arith.muli %parallel_loop3A_1883, %parallel_loop3A_1788 : i32
      %parallel_loop3A_1885 = arith.constant 0 : i32
      %parallel_loop3A_1886 = arith.index_cast %parallel_loop3A_1885 : i32 to index
      %parallel_loop3A_1887 = arith.index_cast %parallel_loop3A_1884 : i32 to index
      %parallel_loop3A_1888 = arith.constant 32 : index
      %parallel_loop3A_1889 = tpu.vector_load %arg7[%parallel_loop3A_1886, %parallel_loop3A_1887, %parallel_loop3A_1888] {strides = array<i32>} : memref<2x384x64xf32, #tpu.memory_space<vmem>>, vector<1x1x16xf32>,
      %parallel_loop3A_1890 = vector.shape_cast %parallel_loop3A_1889 : vector<1x1x16xf32> to vector<16xf32>
      %parallel_loop3A_1891 = arith.addf %parallel_loop3A_1882, %parallel_loop3A_1890 : vector<16xf32>
      %parallel_loop3A_1892 = arith.constant 3 : i32
      %parallel_loop3A_1893 = arith.muli %parallel_loop3A_1892, %parallel_loop3A_1788 : i32
      %parallel_loop3A_1894 = arith.constant 1 : i32
      %parallel_loop3A_1895 = arith.addi %parallel_loop3A_1893, %parallel_loop3A_1894 : i32
      %parallel_loop3A_1896 = arith.constant 0 : i32
      %parallel_loop3A_1897 = arith.index_cast %parallel_loop3A_1896 : i32 to index
      %parallel_loop3A_1898 = arith.index_cast %parallel_loop3A_1895 : i32 to index
      %parallel_loop3A_1899 = arith.constant 32 : index
      %parallel_loop3A_1900 = tpu.vector_load %arg7[%parallel_loop3A_1897, %parallel_loop3A_1898, %parallel_loop3A_1899] {strides = array<i32>} : memref<2x384x64xf32, #tpu.memory_space<vmem>>, vector<1x1x16xf32>,
      %parallel_loop3A_1901 = vector.shape_cast %parallel_loop3A_1900 : vector<1x1x16xf32> to vector<16xf32>
      %parallel_loop3A_1902 = arith.addf %parallel_loop3A_1891, %parallel_loop3A_1901 : vector<16xf32>
      %parallel_loop3A_1903 = arith.constant 3 : i32
      %parallel_loop3A_1904 = arith.muli %parallel_loop3A_1903, %parallel_loop3A_1788 : i32
      %parallel_loop3A_1905 = arith.constant 2 : i32
      %parallel_loop3A_1906 = arith.addi %parallel_loop3A_1904, %parallel_loop3A_1905 : i32
      %parallel_loop3A_1907 = arith.constant 0 : i32
      %parallel_loop3A_1908 = arith.index_cast %parallel_loop3A_1907 : i32 to index
      %parallel_loop3A_1909 = arith.index_cast %parallel_loop3A_1906 : i32 to index
      %parallel_loop3A_1910 = arith.constant 32 : index
      %parallel_loop3A_1911 = tpu.vector_load %arg7[%parallel_loop3A_1908, %parallel_loop3A_1909, %parallel_loop3A_1910] {strides = array<i32>} : memref<2x384x64xf32, #tpu.memory_space<vmem>>, vector<1x1x16xf32>,
      %parallel_loop3A_1912 = vector.shape_cast %parallel_loop3A_1911 : vector<1x1x16xf32> to vector<16xf32>
      %parallel_loop3A_1913 = arith.addf %parallel_loop3A_1902, %parallel_loop3A_1912 : vector<16xf32>
      %parallel_loop3A_1914 = arith.constant 0 : i32
      %parallel_loop3A_1915 = arith.index_cast %parallel_loop3A_1914 : i32 to index
      %parallel_loop3A_1916 = arith.index_cast %parallel_loop3A_1788 : i32 to index
      %parallel_loop3A_1917 = arith.constant 32 : index
      %parallel_loop3A_1918 = tpu.vector_load %arg6[%parallel_loop3A_1915, %parallel_loop3A_1916, %parallel_loop3A_1917] {strides = array<i32>} : memref<2x128x64xf32, #tpu.memory_space<vmem>>, vector<1x1x16xf32>,
      %parallel_loop3A_1919 = vector.shape_cast %parallel_loop3A_1918 : vector<1x1x16xf32> to vector<16xf32>
      %parallel_loop3A_1920 = vector.shape_cast %parallel_loop3A_1913 : vector<16xf32> to vector<1x1x16xf32>
      tpu.vector_store %arg6[%parallel_loop3A_1915, %parallel_loop3A_1916, %parallel_loop3A_1917], %parallel_loop3A_1920 {strides = array<i32>} : memref<2x128x64xf32, #tpu.memory_space<vmem>>, vector<1x1x16xf32>,
      %parallel_loop3A_1921 = arith.constant 0 : i32
      %parallel_loop3A_1922 = arith.index_cast %parallel_loop3A_1921 : i32 to index
      %parallel_loop3A_1923 = arith.index_cast %parallel_loop3A_1788 : i32 to index
      %parallel_loop3A_1924 = arith.constant 48 : index
      %parallel_loop3A_1925 = tpu.vector_load %arg6[%parallel_loop3A_1922, %parallel_loop3A_1923, %parallel_loop3A_1924] {strides = array<i32>} : memref<2x128x64xf32, #tpu.memory_space<vmem>>, vector<1x1x16xf32>,
      %parallel_loop3A_1926 = vector.shape_cast %parallel_loop3A_1925 : vector<1x1x16xf32> to vector<16xf32>
      %parallel_loop3A_1927 = arith.constant 3 : i32
      %parallel_loop3A_1928 = arith.muli %parallel_loop3A_1927, %parallel_loop3A_1788 : i32
      %parallel_loop3A_1929 = arith.constant 0 : i32
      %parallel_loop3A_1930 = arith.index_cast %parallel_loop3A_1929 : i32 to index
      %parallel_loop3A_1931 = arith.index_cast %parallel_loop3A_1928 : i32 to index
      %parallel_loop3A_1932 = arith.constant 48 : index
      %parallel_loop3A_1933 = tpu.vector_load %arg7[%parallel_loop3A_1930, %parallel_loop3A_1931, %parallel_loop3A_1932] {strides = array<i32>} : memref<2x384x64xf32, #tpu.memory_space<vmem>>, vector<1x1x16xf32>,
      %parallel_loop3A_1934 = vector.shape_cast %parallel_loop3A_1933 : vector<1x1x16xf32> to vector<16xf32>
      %parallel_loop3A_1935 = arith.addf %parallel_loop3A_1926, %parallel_loop3A_1934 : vector<16xf32>
      %parallel_loop3A_1936 = arith.constant 3 : i32
      %parallel_loop3A_1937 = arith.muli %parallel_loop3A_1936, %parallel_loop3A_1788 : i32
      %parallel_loop3A_1938 = arith.constant 1 : i32
      %parallel_loop3A_1939 = arith.addi %parallel_loop3A_1937, %parallel_loop3A_1938 : i32
      %parallel_loop3A_1940 = arith.constant 0 : i32
      %parallel_loop3A_1941 = arith.index_cast %parallel_loop3A_1940 : i32 to index
      %parallel_loop3A_1942 = arith.index_cast %parallel_loop3A_1939 : i32 to index
      %parallel_loop3A_1943 = arith.constant 48 : index
      %parallel_loop3A_1944 = tpu.vector_load %arg7[%parallel_loop3A_1941, %parallel_loop3A_1942, %parallel_loop3A_1943] {strides = array<i32>} : memref<2x384x64xf32, #tpu.memory_space<vmem>>, vector<1x1x16xf32>,
      %parallel_loop3A_1945 = vector.shape_cast %parallel_loop3A_1944 : vector<1x1x16xf32> to vector<16xf32>
      %parallel_loop3A_1946 = arith.addf %parallel_loop3A_1935, %parallel_loop3A_1945 : vector<16xf32>
      %parallel_loop3A_1947 = arith.constant 3 : i32
      %parallel_loop3A_1948 = arith.muli %parallel_loop3A_1947, %parallel_loop3A_1788 : i32
      %parallel_loop3A_1949 = arith.constant 2 : i32
      %parallel_loop3A_1950 = arith.addi %parallel_loop3A_1948, %parallel_loop3A_1949 : i32
      %parallel_loop3A_1951 = arith.constant 0 : i32
      %parallel_loop3A_1952 = arith.index_cast %parallel_loop3A_1951 : i32 to index
      %parallel_loop3A_1953 = arith.index_cast %parallel_loop3A_1950 : i32 to index
      %parallel_loop3A_1954 = arith.constant 48 : index
      %parallel_loop3A_1955 = tpu.vector_load %arg7[%parallel_loop3A_1952, %parallel_loop3A_1953, %parallel_loop3A_1954] {strides = array<i32>} : memref<2x384x64xf32, #tpu.memory_space<vmem>>, vector<1x1x16xf32>,
      %parallel_loop3A_1956 = vector.shape_cast %parallel_loop3A_1955 : vector<1x1x16xf32> to vector<16xf32>
      %parallel_loop3A_1957 = arith.addf %parallel_loop3A_1946, %parallel_loop3A_1956 : vector<16xf32>
      %parallel_loop3A_1958 = arith.constant 0 : i32
      %parallel_loop3A_1959 = arith.index_cast %parallel_loop3A_1958 : i32 to index
      %parallel_loop3A_1960 = arith.index_cast %parallel_loop3A_1788 : i32 to index
      %parallel_loop3A_1961 = arith.constant 48 : index
      %parallel_loop3A_1962 = tpu.vector_load %arg6[%parallel_loop3A_1959, %parallel_loop3A_1960, %parallel_loop3A_1961] {strides = array<i32>} : memref<2x128x64xf32, #tpu.memory_space<vmem>>, vector<1x1x16xf32>,
      %parallel_loop3A_1963 = vector.shape_cast %parallel_loop3A_1962 : vector<1x1x16xf32> to vector<16xf32>
      %parallel_loop3A_1964 = vector.shape_cast %parallel_loop3A_1957 : vector<16xf32> to vector<1x1x16xf32>
      tpu.vector_store %arg6[%parallel_loop3A_1959, %parallel_loop3A_1960, %parallel_loop3A_1961], %parallel_loop3A_1964 {strides = array<i32>} : memref<2x128x64xf32, #tpu.memory_space<vmem>>, vector<1x1x16xf32>,
    } {sc.loop_unroll_factor = 8 : i64, sc.parallel_access}
    %add3A_1418 = arith.constant 0 : i32
    %add3A_1419 = arith.addi %mul3A_20, %add3A_1418 : i32
    %dma_start3A_1420 = arith.constant 0 : i32
    %dma_start3A_1421 = arith.constant 0 : i32
    %dma_start3A_1422 = arith.constant 0 : i32
    %dma_start3A_1423 = tpu.memref_slice %arg6[%dma_start3A_1420, %dma_start3A_1421, %dma_start3A_1422] : memref<2x128x64xf32, #tpu.memory_space<vmem>> -> memref<1x128x64xf32, #tpu.memory_space<vmem>>
    %dma_start3A_1424 = tpu.memref_squeeze %dma_start3A_1423 : memref<1x128x64xf32, #tpu.memory_space<vmem>> -> memref<128x64xf32, #tpu.memory_space<vmem>>
    %dma_start3A_1425 = arith.constant 0 : i32
    %dma_start3A_1426 = tpu.memref_slice %arg4[%add3A_1419, %dma_start3A_1425] : memref<16384x64xf32, #tpu.memory_space<hbm>> -> memref<128x64xf32, #tpu.memory_space<hbm>>
    %dma_start3A_1427 = arith.constant 0 : i32
    %dma_start3A_1428 = tpu.memref_slice %arg4[%add3A_1419, %dma_start3A_1427] : memref<16384x64xf32, #tpu.memory_space<hbm>> -> memref<128x64xf32, #tpu.memory_space<hbm>>
    %dma_start3A_1429 = arith.constant 0 : i32
    %dma_start3A_1430 = arith.constant 0 : i32
    %dma_start3A_1431 = tpu.memref_slice %arg6[%dma_start3A_1420, %dma_start3A_1429, %dma_start3A_1430] : memref<2x128x64xf32, #tpu.memory_space<vmem>> -> memref<1x128x64xf32, #tpu.memory_space<vmem>>
    %dma_start3A_1432 = tpu.memref_squeeze %dma_start3A_1431 : memref<1x128x64xf32, #tpu.memory_space<vmem>> -> memref<128x64xf32, #tpu.memory_space<vmem>>
    tpu.enqueue_dma source(%dma_start3A_1432 : memref<128x64xf32, #tpu.memory_space<vmem>>) target(%dma_start3A_1428 : memref<128x64xf32, #tpu.memory_space<hbm>>) target_semaphore(%arg10 : memref<!tpu.dma_semaphore, #tpu.memory_space<semaphore_mem>>)
    %dma_wait3A_1433 = arith.constant 0 : i32
    %dma_wait3A_1434 = arith.constant 0 : i32
    %dma_wait3A_1435 = arith.constant 0 : i32
    %dma_wait3A_1436 = tpu.memref_slice %arg6[%dma_wait3A_1433, %dma_wait3A_1434, %dma_wait3A_1435] : memref<2x128x64xf32, #tpu.memory_space<vmem>> -> memref<1x128x64xf32, #tpu.memory_space<vmem>>
    %dma_wait3A_1437 = tpu.memref_squeeze %dma_wait3A_1436 : memref<1x128x64xf32, #tpu.memory_space<vmem>> -> memref<128x64xf32, #tpu.memory_space<vmem>>
    %dma_wait3A_1438 = arith.constant 0 : i32
    %dma_wait3A_1439 = tpu.memref_slice %arg4[%add3A_1419, %dma_wait3A_1438] : memref<16384x64xf32, #tpu.memory_space<hbm>> -> memref<128x64xf32, #tpu.memory_space<hbm>>
    %dma_wait3A_1440 = arith.constant 0 : i32
    %dma_wait3A_1441 = tpu.memref_slice %arg4[%add3A_1419, %dma_wait3A_1440] : memref<16384x64xf32, #tpu.memory_space<hbm>> -> memref<128x64xf32, #tpu.memory_space<hbm>>
    %dma_wait3A_1442 = arith.constant 0 : i32
    %dma_wait3A_1443 = arith.constant 0 : i32
    %dma_wait3A_1444 = tpu.memref_slice %arg6[%dma_wait3A_1433, %dma_wait3A_1442, %dma_wait3A_1443] : memref<2x128x64xf32, #tpu.memory_space<vmem>> -> memref<1x128x64xf32, #tpu.memory_space<vmem>>
    %dma_wait3A_1445 = tpu.memref_squeeze %dma_wait3A_1444 : memref<1x128x64xf32, #tpu.memory_space<vmem>> -> memref<128x64xf32, #tpu.memory_space<vmem>>
    tpu.wait_dma2 semaphore(%arg10 : memref<!tpu.dma_semaphore, #tpu.memory_space<semaphore_mem>>) src(%dma_wait3A_1445 : memref<128x64xf32, #tpu.memory_space<vmem>>) dst(%dma_wait3A_1441 : memref<128x64xf32, #tpu.memory_space<hbm>>)
    %add3A_1446 = arith.constant 256 : i32
    %add3A_1447 = arith.addi %mul3A_20, %add3A_1446 : i32
    %dma_start3A_1448 = arith.constant 0 : i32
    %dma_start3A_1449 = arith.constant 0 : i32
    %dma_start3A_1450 = arith.constant 0 : i32
    %dma_start3A_1451 = tpu.memref_slice %arg6[%dma_start3A_1448, %dma_start3A_1449, %dma_start3A_1450] : memref<2x128x64xf32, #tpu.memory_space<vmem>> -> memref<1x128x64xf32, #tpu.memory_space<vmem>>
    %dma_start3A_1452 = tpu.memref_squeeze %dma_start3A_1451 : memref<1x128x64xf32, #tpu.memory_space<vmem>> -> memref<128x64xf32, #tpu.memory_space<vmem>>
    %dma_start3A_1453 = arith.constant 0 : i32
    %dma_start3A_1454 = tpu.memref_slice %arg2[%add3A_1447, %dma_start3A_1453] : memref<16384x64xf32, #tpu.memory_space<hbm>> -> memref<128x64xf32, #tpu.memory_space<hbm>>
    %dma_start3A_1455 = arith.constant 0 : i32
    %dma_start3A_1456 = arith.constant 0 : i32
    %dma_start3A_1457 = tpu.memref_slice %arg6[%dma_start3A_1448, %dma_start3A_1455, %dma_start3A_1456] : memref<2x128x64xf32, #tpu.memory_space<vmem>> -> memref<1x128x64xf32, #tpu.memory_space<vmem>>
    %dma_start3A_1458 = tpu.memref_squeeze %dma_start3A_1457 : memref<1x128x64xf32, #tpu.memory_space<vmem>> -> memref<128x64xf32, #tpu.memory_space<vmem>>
    %dma_start3A_1459 = arith.constant 0 : i32
    %dma_start3A_1460 = tpu.memref_slice %arg2[%add3A_1447, %dma_start3A_1459] : memref<16384x64xf32, #tpu.memory_space<hbm>> -> memref<128x64xf32, #tpu.memory_space<hbm>>
    tpu.enqueue_dma source(%dma_start3A_1460 : memref<128x64xf32, #tpu.memory_space<hbm>>) target(%dma_start3A_1458 : memref<128x64xf32, #tpu.memory_space<vmem>>) target_semaphore(%arg8 : memref<!tpu.dma_semaphore, #tpu.memory_space<semaphore_mem>>)
    %dma_start3A_1461 = arith.constant 6 : i32
    %dma_start3A_1462 = arith.constant 0 : i32
    %dma_start3A_1463 = arith.constant 0 : i32
    %dma_start3A_1464 = arith.constant 0 : i32
    %dma_start3A_1465 = tpu.memref_slice %arg7[%dma_start3A_1462, %dma_start3A_1463, %dma_start3A_1464] : memref<2x384x64xf32, #tpu.memory_space<vmem>> -> memref<1x128x64xf32, #tpu.memory_space<vmem>>
    %dma_start3A_1466 = tpu.memref_squeeze %dma_start3A_1465 : memref<1x128x64xf32, #tpu.memory_space<vmem>> -> memref<128x64xf32, #tpu.memory_space<vmem>>
    %dma_start3A_1467 = arith.constant 0 : i32
    %dma_start3A_1468 = tpu.memref_slice %arg5[%dma_start3A_1461, %dma_start3A_1467] : memref<12x128xi32, #tpu.memory_space<vmem>> -> memref<1x128xi32, #tpu.memory_space<vmem>>
    %dma_start3A_1469 = tpu.memref_squeeze %dma_start3A_1468 : memref<1x128xi32, #tpu.memory_space<vmem>> -> memref<128xi32, #tpu.memory_space<vmem>>
    %dma_start3A_1470 = arith.constant 0 : i32
    %dma_start3A_1471 = arith.constant 0 : i32
    %dma_start3A_1472 = tpu.memref_slice %arg2[%dma_start3A_1470, %dma_start3A_1471] : memref<16384x64xf32, #tpu.memory_space<hbm>> -> memref<16384x64xf32, #tpu.memory_space<hbm>>
    tpu.enqueue_indirect_dma source(%dma_start3A_1472 : memref<16384x64xf32, #tpu.memory_space<hbm>>) target(%dma_start3A_1466 : memref<128x64xf32, #tpu.memory_space<vmem>>) offsets(%dma_start3A_1469 : memref<128xi32, #tpu.memory_space<vmem>>) semaphore(%arg8 : memref<!tpu.dma_semaphore, #tpu.memory_space<semaphore_mem>>)
    %dma_start3A_1473 = arith.constant 7 : i32
    %dma_start3A_1474 = arith.constant 0 : i32
    %dma_start3A_1475 = arith.constant 128 : i32
    %dma_start3A_1476 = arith.constant 0 : i32
    %dma_start3A_1477 = tpu.memref_slice %arg7[%dma_start3A_1474, %dma_start3A_1475, %dma_start3A_1476] : memref<2x384x64xf32, #tpu.memory_space<vmem>> -> memref<1x128x64xf32, #tpu.memory_space<vmem>>
    %dma_start3A_1478 = tpu.memref_squeeze %dma_start3A_1477 : memref<1x128x64xf32, #tpu.memory_space<vmem>> -> memref<128x64xf32, #tpu.memory_space<vmem>>
    %dma_start3A_1479 = arith.constant 0 : i32
    %dma_start3A_1480 = tpu.memref_slice %arg5[%dma_start3A_1473, %dma_start3A_1479] : memref<12x128xi32, #tpu.memory_space<vmem>> -> memref<1x128xi32, #tpu.memory_space<vmem>>
    %dma_start3A_1481 = tpu.memref_squeeze %dma_start3A_1480 : memref<1x128xi32, #tpu.memory_space<vmem>> -> memref<128xi32, #tpu.memory_space<vmem>>
    %dma_start3A_1482 = arith.constant 0 : i32
    %dma_start3A_1483 = arith.constant 0 : i32
    %dma_start3A_1484 = tpu.memref_slice %arg2[%dma_start3A_1482, %dma_start3A_1483] : memref<16384x64xf32, #tpu.memory_space<hbm>> -> memref<16384x64xf32, #tpu.memory_space<hbm>>
    tpu.enqueue_indirect_dma source(%dma_start3A_1484 : memref<16384x64xf32, #tpu.memory_space<hbm>>) target(%dma_start3A_1478 : memref<128x64xf32, #tpu.memory_space<vmem>>) offsets(%dma_start3A_1481 : memref<128xi32, #tpu.memory_space<vmem>>) semaphore(%arg8 : memref<!tpu.dma_semaphore, #tpu.memory_space<semaphore_mem>>)
    %dma_start3A_1485 = arith.constant 8 : i32
    %dma_start3A_1486 = arith.constant 0 : i32
    %dma_start3A_1487 = arith.constant 256 : i32
    %dma_start3A_1488 = arith.constant 0 : i32
    %dma_start3A_1489 = tpu.memref_slice %arg7[%dma_start3A_1486, %dma_start3A_1487, %dma_start3A_1488] : memref<2x384x64xf32, #tpu.memory_space<vmem>> -> memref<1x128x64xf32, #tpu.memory_space<vmem>>
    %dma_start3A_1490 = tpu.memref_squeeze %dma_start3A_1489 : memref<1x128x64xf32, #tpu.memory_space<vmem>> -> memref<128x64xf32, #tpu.memory_space<vmem>>
    %dma_start3A_1491 = arith.constant 0 : i32
    %dma_start3A_1492 = tpu.memref_slice %arg5[%dma_start3A_1485, %dma_start3A_1491] : memref<12x128xi32, #tpu.memory_space<vmem>> -> memref<1x128xi32, #tpu.memory_space<vmem>>
    %dma_start3A_1493 = tpu.memref_squeeze %dma_start3A_1492 : memref<1x128xi32, #tpu.memory_space<vmem>> -> memref<128xi32, #tpu.memory_space<vmem>>
    %dma_start3A_1494 = arith.constant 0 : i32
    %dma_start3A_1495 = arith.constant 0 : i32
    %dma_start3A_1496 = tpu.memref_slice %arg2[%dma_start3A_1494, %dma_start3A_1495] : memref<16384x64xf32, #tpu.memory_space<hbm>> -> memref<16384x64xf32, #tpu.memory_space<hbm>>
    tpu.enqueue_indirect_dma source(%dma_start3A_1496 : memref<16384x64xf32, #tpu.memory_space<hbm>>) target(%dma_start3A_1490 : memref<128x64xf32, #tpu.memory_space<vmem>>) offsets(%dma_start3A_1493 : memref<128xi32, #tpu.memory_space<vmem>>) semaphore(%arg8 : memref<!tpu.dma_semaphore, #tpu.memory_space<semaphore_mem>>)
    %dma_wait3A_1497 = arith.constant 1 : i32
    %dma_wait3A_1498 = arith.constant 0 : i32
    %dma_wait3A_1499 = arith.constant 0 : i32
    %dma_wait3A_1500 = tpu.memref_slice %arg6[%dma_wait3A_1497, %dma_wait3A_1498, %dma_wait3A_1499] : memref<2x128x64xf32, #tpu.memory_space<vmem>> -> memref<1x128x64xf32, #tpu.memory_space<vmem>>
    %dma_wait3A_1501 = tpu.memref_squeeze %dma_wait3A_1500 : memref<1x128x64xf32, #tpu.memory_space<vmem>> -> memref<128x64xf32, #tpu.memory_space<vmem>>
    %dma_wait3A_1502 = arith.constant 0 : i32
    %dma_wait3A_1503 = tpu.memref_slice %arg2[%add3A_1318, %dma_wait3A_1502] : memref<16384x64xf32, #tpu.memory_space<hbm>> -> memref<128x64xf32, #tpu.memory_space<hbm>>
    %dma_wait3A_1504 = arith.constant 0 : i32
    %dma_wait3A_1505 = arith.constant 0 : i32
    %dma_wait3A_1506 = tpu.memref_slice %arg6[%dma_wait3A_1497, %dma_wait3A_1504, %dma_wait3A_1505] : memref<2x128x64xf32, #tpu.memory_space<vmem>> -> memref<1x128x64xf32, #tpu.memory_space<vmem>>
    %dma_wait3A_1507 = tpu.memref_squeeze %dma_wait3A_1506 : memref<1x128x64xf32, #tpu.memory_space<vmem>> -> memref<128x64xf32, #tpu.memory_space<vmem>>
    %dma_wait3A_1508 = arith.constant 0 : i32
    %dma_wait3A_1509 = tpu.memref_slice %arg2[%add3A_1318, %dma_wait3A_1508] : memref<16384x64xf32, #tpu.memory_space<hbm>> -> memref<128x64xf32, #tpu.memory_space<hbm>>
    tpu.wait_dma2 semaphore(%arg9 : memref<!tpu.dma_semaphore, #tpu.memory_space<semaphore_mem>>) src(%dma_wait3A_1509 : memref<128x64xf32, #tpu.memory_space<hbm>>) dst(%dma_wait3A_1507 : memref<128x64xf32, #tpu.memory_space<vmem>>)
    %dma_wait3A_1510 = arith.constant 3 : i32
    %dma_wait3A_1511 = arith.constant 1 : i32
    %dma_wait3A_1512 = arith.constant 0 : i32
    %dma_wait3A_1513 = arith.constant 0 : i32
    %dma_wait3A_1514 = tpu.memref_slice %arg7[%dma_wait3A_1511, %dma_wait3A_1512, %dma_wait3A_1513] : memref<2x384x64xf32, #tpu.memory_space<vmem>> -> memref<1x128x64xf32, #tpu.memory_space<vmem>>
    %dma_wait3A_1515 = tpu.memref_squeeze %dma_wait3A_1514 : memref<1x128x64xf32, #tpu.memory_space<vmem>> -> memref<128x64xf32, #tpu.memory_space<vmem>>
    %dma_wait3A_1516 = arith.constant 0 : i32
    %dma_wait3A_1517 = tpu.memref_slice %arg5[%dma_wait3A_1510, %dma_wait3A_1516] : memref<12x128xi32, #tpu.memory_space<vmem>> -> memref<1x128xi32, #tpu.memory_space<vmem>>
    %dma_wait3A_1518 = tpu.memref_squeeze %dma_wait3A_1517 : memref<1x128xi32, #tpu.memory_space<vmem>> -> memref<128xi32, #tpu.memory_space<vmem>>
    %dma_wait3A_1519 = arith.constant 0 : i32
    %dma_wait3A_1520 = arith.constant 0 : i32
    %dma_wait3A_1521 = tpu.memref_slice %arg2[%dma_wait3A_1519, %dma_wait3A_1520] : memref<16384x64xf32, #tpu.memory_space<hbm>> -> memref<16384x64xf32, #tpu.memory_space<hbm>>
    tpu.wait_indirect_dma semaphore(%arg9 : memref<!tpu.dma_semaphore, #tpu.memory_space<semaphore_mem>>) src(%dma_wait3A_1521 : memref<16384x64xf32, #tpu.memory_space<hbm>>) dst(%dma_wait3A_1515 : memref<128x64xf32, #tpu.memory_space<vmem>>)
    %dma_wait3A_1522 = arith.constant 4 : i32
    %dma_wait3A_1523 = arith.constant 1 : i32
    %dma_wait3A_1524 = arith.constant 128 : i32
    %dma_wait3A_1525 = arith.constant 0 : i32
    %dma_wait3A_1526 = tpu.memref_slice %arg7[%dma_wait3A_1523, %dma_wait3A_1524, %dma_wait3A_1525] : memref<2x384x64xf32, #tpu.memory_space<vmem>> -> memref<1x128x64xf32, #tpu.memory_space<vmem>>
    %dma_wait3A_1527 = tpu.memref_squeeze %dma_wait3A_1526 : memref<1x128x64xf32, #tpu.memory_space<vmem>> -> memref<128x64xf32, #tpu.memory_space<vmem>>
    %dma_wait3A_1528 = arith.constant 0 : i32
    %dma_wait3A_1529 = tpu.memref_slice %arg5[%dma_wait3A_1522, %dma_wait3A_1528] : memref<12x128xi32, #tpu.memory_space<vmem>> -> memref<1x128xi32, #tpu.memory_space<vmem>>
    %dma_wait3A_1530 = tpu.memref_squeeze %dma_wait3A_1529 : memref<1x128xi32, #tpu.memory_space<vmem>> -> memref<128xi32, #tpu.memory_space<vmem>>
    %dma_wait3A_1531 = arith.constant 0 : i32
    %dma_wait3A_1532 = arith.constant 0 : i32
    %dma_wait3A_1533 = tpu.memref_slice %arg2[%dma_wait3A_1531, %dma_wait3A_1532] : memref<16384x64xf32, #tpu.memory_space<hbm>> -> memref<16384x64xf32, #tpu.memory_space<hbm>>
    tpu.wait_indirect_dma semaphore(%arg9 : memref<!tpu.dma_semaphore, #tpu.memory_space<semaphore_mem>>) src(%dma_wait3A_1533 : memref<16384x64xf32, #tpu.memory_space<hbm>>) dst(%dma_wait3A_1527 : memref<128x64xf32, #tpu.memory_space<vmem>>)
    %dma_wait3A_1534 = arith.constant 5 : i32
    %dma_wait3A_1535 = arith.constant 1 : i32
    %dma_wait3A_1536 = arith.constant 256 : i32
    %dma_wait3A_1537 = arith.constant 0 : i32
    %dma_wait3A_1538 = tpu.memref_slice %arg7[%dma_wait3A_1535, %dma_wait3A_1536, %dma_wait3A_1537] : memref<2x384x64xf32, #tpu.memory_space<vmem>> -> memref<1x128x64xf32, #tpu.memory_space<vmem>>
    %dma_wait3A_1539 = tpu.memref_squeeze %dma_wait3A_1538 : memref<1x128x64xf32, #tpu.memory_space<vmem>> -> memref<128x64xf32, #tpu.memory_space<vmem>>
    %dma_wait3A_1540 = arith.constant 0 : i32
    %dma_wait3A_1541 = tpu.memref_slice %arg5[%dma_wait3A_1534, %dma_wait3A_1540] : memref<12x128xi32, #tpu.memory_space<vmem>> -> memref<1x128xi32, #tpu.memory_space<vmem>>
    %dma_wait3A_1542 = tpu.memref_squeeze %dma_wait3A_1541 : memref<1x128xi32, #tpu.memory_space<vmem>> -> memref<128xi32, #tpu.memory_space<vmem>>
    %dma_wait3A_1543 = arith.constant 0 : i32
    %dma_wait3A_1544 = arith.constant 0 : i32
    %dma_wait3A_1545 = tpu.memref_slice %arg2[%dma_wait3A_1543, %dma_wait3A_1544] : memref<16384x64xf32, #tpu.memory_space<hbm>> -> memref<16384x64xf32, #tpu.memory_space<hbm>>
    tpu.wait_indirect_dma semaphore(%arg9 : memref<!tpu.dma_semaphore, #tpu.memory_space<semaphore_mem>>) src(%dma_wait3A_1545 : memref<16384x64xf32, #tpu.memory_space<hbm>>) dst(%dma_wait3A_1539 : memref<128x64xf32, #tpu.memory_space<vmem>>)
    %parallel_loop3A_1546 = arith.constant 0 : i32
    %parallel_loop3A_1547 = arith.constant 128 : i32
    %parallel_loop3A_1548 = arith.constant 1 : i32
    scf.for %parallel_loop3A_1788 = %parallel_loop3A_1546 to %parallel_loop3A_1547 step %parallel_loop3A_1548  : i32 {
      %parallel_loop3A_1789 = arith.constant 1 : i32
      %parallel_loop3A_1790 = arith.index_cast %parallel_loop3A_1789 : i32 to index
      %parallel_loop3A_1791 = arith.index_cast %parallel_loop3A_1788 : i32 to index
      %parallel_loop3A_1792 = arith.constant 0 : index
      %parallel_loop3A_1793 = tpu.vector_load %arg6[%parallel_loop3A_1790, %parallel_loop3A_1791, %parallel_loop3A_1792] {strides = array<i32>} : memref<2x128x64xf32, #tpu.memory_space<vmem>>, vector<1x1x16xf32>,
      %parallel_loop3A_1794 = vector.shape_cast %parallel_loop3A_1793 : vector<1x1x16xf32> to vector<16xf32>
      %parallel_loop3A_1795 = arith.constant 3 : i32
      %parallel_loop3A_1796 = arith.muli %parallel_loop3A_1795, %parallel_loop3A_1788 : i32
      %parallel_loop3A_1797 = arith.constant 1 : i32
      %parallel_loop3A_1798 = arith.index_cast %parallel_loop3A_1797 : i32 to index
      %parallel_loop3A_1799 = arith.index_cast %parallel_loop3A_1796 : i32 to index
      %parallel_loop3A_1800 = arith.constant 0 : index
      %parallel_loop3A_1801 = tpu.vector_load %arg7[%parallel_loop3A_1798, %parallel_loop3A_1799, %parallel_loop3A_1800] {strides = array<i32>} : memref<2x384x64xf32, #tpu.memory_space<vmem>>, vector<1x1x16xf32>,
      %parallel_loop3A_1802 = vector.shape_cast %parallel_loop3A_1801 : vector<1x1x16xf32> to vector<16xf32>
      %parallel_loop3A_1803 = arith.addf %parallel_loop3A_1794, %parallel_loop3A_1802 : vector<16xf32>
      %parallel_loop3A_1804 = arith.constant 3 : i32
      %parallel_loop3A_1805 = arith.muli %parallel_loop3A_1804, %parallel_loop3A_1788 : i32
      %parallel_loop3A_1806 = arith.constant 1 : i32
      %parallel_loop3A_1807 = arith.addi %parallel_loop3A_1805, %parallel_loop3A_1806 : i32
      %parallel_loop3A_1808 = arith.constant 1 : i32
      %parallel_loop3A_1809 = arith.index_cast %parallel_loop3A_1808 : i32 to index
      %parallel_loop3A_1810 = arith.index_cast %parallel_loop3A_1807 : i32 to index
      %parallel_loop3A_1811 = arith.constant 0 : index
      %parallel_loop3A_1812 = tpu.vector_load %arg7[%parallel_loop3A_1809, %parallel_loop3A_1810, %parallel_loop3A_1811] {strides = array<i32>} : memref<2x384x64xf32, #tpu.memory_space<vmem>>, vector<1x1x16xf32>,
      %parallel_loop3A_1813 = vector.shape_cast %parallel_loop3A_1812 : vector<1x1x16xf32> to vector<16xf32>
      %parallel_loop3A_1814 = arith.addf %parallel_loop3A_1803, %parallel_loop3A_1813 : vector<16xf32>
      %parallel_loop3A_1815 = arith.constant 3 : i32
      %parallel_loop3A_1816 = arith.muli %parallel_loop3A_1815, %parallel_loop3A_1788 : i32
      %parallel_loop3A_1817 = arith.constant 2 : i32
      %parallel_loop3A_1818 = arith.addi %parallel_loop3A_1816, %parallel_loop3A_1817 : i32
      %parallel_loop3A_1819 = arith.constant 1 : i32
      %parallel_loop3A_1820 = arith.index_cast %parallel_loop3A_1819 : i32 to index
      %parallel_loop3A_1821 = arith.index_cast %parallel_loop3A_1818 : i32 to index
      %parallel_loop3A_1822 = arith.constant 0 : index
      %parallel_loop3A_1823 = tpu.vector_load %arg7[%parallel_loop3A_1820, %parallel_loop3A_1821, %parallel_loop3A_1822] {strides = array<i32>} : memref<2x384x64xf32, #tpu.memory_space<vmem>>, vector<1x1x16xf32>,
      %parallel_loop3A_1824 = vector.shape_cast %parallel_loop3A_1823 : vector<1x1x16xf32> to vector<16xf32>
      %parallel_loop3A_1825 = arith.addf %parallel_loop3A_1814, %parallel_loop3A_1824 : vector<16xf32>
      %parallel_loop3A_1826 = arith.constant 1 : i32
      %parallel_loop3A_1827 = arith.index_cast %parallel_loop3A_1826 : i32 to index
      %parallel_loop3A_1828 = arith.index_cast %parallel_loop3A_1788 : i32 to index
      %parallel_loop3A_1829 = arith.constant 0 : index
      %parallel_loop3A_1830 = tpu.vector_load %arg6[%parallel_loop3A_1827, %parallel_loop3A_1828, %parallel_loop3A_1829] {strides = array<i32>} : memref<2x128x64xf32, #tpu.memory_space<vmem>>, vector<1x1x16xf32>,
      %parallel_loop3A_1831 = vector.shape_cast %parallel_loop3A_1830 : vector<1x1x16xf32> to vector<16xf32>
      %parallel_loop3A_1832 = vector.shape_cast %parallel_loop3A_1825 : vector<16xf32> to vector<1x1x16xf32>
      tpu.vector_store %arg6[%parallel_loop3A_1827, %parallel_loop3A_1828, %parallel_loop3A_1829], %parallel_loop3A_1832 {strides = array<i32>} : memref<2x128x64xf32, #tpu.memory_space<vmem>>, vector<1x1x16xf32>,
      %parallel_loop3A_1833 = arith.constant 1 : i32
      %parallel_loop3A_1834 = arith.index_cast %parallel_loop3A_1833 : i32 to index
      %parallel_loop3A_1835 = arith.index_cast %parallel_loop3A_1788 : i32 to index
      %parallel_loop3A_1836 = arith.constant 16 : index
      %parallel_loop3A_1837 = tpu.vector_load %arg6[%parallel_loop3A_1834, %parallel_loop3A_1835, %parallel_loop3A_1836] {strides = array<i32>} : memref<2x128x64xf32, #tpu.memory_space<vmem>>, vector<1x1x16xf32>,
      %parallel_loop3A_1838 = vector.shape_cast %parallel_loop3A_1837 : vector<1x1x16xf32> to vector<16xf32>
      %parallel_loop3A_1839 = arith.constant 3 : i32
      %parallel_loop3A_1840 = arith.muli %parallel_loop3A_1839, %parallel_loop3A_1788 : i32
      %parallel_loop3A_1841 = arith.constant 1 : i32
      %parallel_loop3A_1842 = arith.index_cast %parallel_loop3A_1841 : i32 to index
      %parallel_loop3A_1843 = arith.index_cast %parallel_loop3A_1840 : i32 to index
      %parallel_loop3A_1844 = arith.constant 16 : index
      %parallel_loop3A_1845 = tpu.vector_load %arg7[%parallel_loop3A_1842, %parallel_loop3A_1843, %parallel_loop3A_1844] {strides = array<i32>} : memref<2x384x64xf32, #tpu.memory_space<vmem>>, vector<1x1x16xf32>,
      %parallel_loop3A_1846 = vector.shape_cast %parallel_loop3A_1845 : vector<1x1x16xf32> to vector<16xf32>
      %parallel_loop3A_1847 = arith.addf %parallel_loop3A_1838, %parallel_loop3A_1846 : vector<16xf32>
      %parallel_loop3A_1848 = arith.constant 3 : i32
      %parallel_loop3A_1849 = arith.muli %parallel_loop3A_1848, %parallel_loop3A_1788 : i32
      %parallel_loop3A_1850 = arith.constant 1 : i32
      %parallel_loop3A_1851 = arith.addi %parallel_loop3A_1849, %parallel_loop3A_1850 : i32
      %parallel_loop3A_1852 = arith.constant 1 : i32
      %parallel_loop3A_1853 = arith.index_cast %parallel_loop3A_1852 : i32 to index
      %parallel_loop3A_1854 = arith.index_cast %parallel_loop3A_1851 : i32 to index
      %parallel_loop3A_1855 = arith.constant 16 : index
      %parallel_loop3A_1856 = tpu.vector_load %arg7[%parallel_loop3A_1853, %parallel_loop3A_1854, %parallel_loop3A_1855] {strides = array<i32>} : memref<2x384x64xf32, #tpu.memory_space<vmem>>, vector<1x1x16xf32>,
      %parallel_loop3A_1857 = vector.shape_cast %parallel_loop3A_1856 : vector<1x1x16xf32> to vector<16xf32>
      %parallel_loop3A_1858 = arith.addf %parallel_loop3A_1847, %parallel_loop3A_1857 : vector<16xf32>
      %parallel_loop3A_1859 = arith.constant 3 : i32
      %parallel_loop3A_1860 = arith.muli %parallel_loop3A_1859, %parallel_loop3A_1788 : i32
      %parallel_loop3A_1861 = arith.constant 2 : i32
      %parallel_loop3A_1862 = arith.addi %parallel_loop3A_1860, %parallel_loop3A_1861 : i32
      %parallel_loop3A_1863 = arith.constant 1 : i32
      %parallel_loop3A_1864 = arith.index_cast %parallel_loop3A_1863 : i32 to index
      %parallel_loop3A_1865 = arith.index_cast %parallel_loop3A_1862 : i32 to index
      %parallel_loop3A_1866 = arith.constant 16 : index
      %parallel_loop3A_1867 = tpu.vector_load %arg7[%parallel_loop3A_1864, %parallel_loop3A_1865, %parallel_loop3A_1866] {strides = array<i32>} : memref<2x384x64xf32, #tpu.memory_space<vmem>>, vector<1x1x16xf32>,
      %parallel_loop3A_1868 = vector.shape_cast %parallel_loop3A_1867 : vector<1x1x16xf32> to vector<16xf32>
      %parallel_loop3A_1869 = arith.addf %parallel_loop3A_1858, %parallel_loop3A_1868 : vector<16xf32>
      %parallel_loop3A_1870 = arith.constant 1 : i32
      %parallel_loop3A_1871 = arith.index_cast %parallel_loop3A_1870 : i32 to index
      %parallel_loop3A_1872 = arith.index_cast %parallel_loop3A_1788 : i32 to index
      %parallel_loop3A_1873 = arith.constant 16 : index
      %parallel_loop3A_1874 = tpu.vector_load %arg6[%parallel_loop3A_1871, %parallel_loop3A_1872, %parallel_loop3A_1873] {strides = array<i32>} : memref<2x128x64xf32, #tpu.memory_space<vmem>>, vector<1x1x16xf32>,
      %parallel_loop3A_1875 = vector.shape_cast %parallel_loop3A_1874 : vector<1x1x16xf32> to vector<16xf32>
      %parallel_loop3A_1876 = vector.shape_cast %parallel_loop3A_1869 : vector<16xf32> to vector<1x1x16xf32>
      tpu.vector_store %arg6[%parallel_loop3A_1871, %parallel_loop3A_1872, %parallel_loop3A_1873], %parallel_loop3A_1876 {strides = array<i32>} : memref<2x128x64xf32, #tpu.memory_space<vmem>>, vector<1x1x16xf32>,
      %parallel_loop3A_1877 = arith.constant 1 : i32
      %parallel_loop3A_1878 = arith.index_cast %parallel_loop3A_1877 : i32 to index
      %parallel_loop3A_1879 = arith.index_cast %parallel_loop3A_1788 : i32 to index
      %parallel_loop3A_1880 = arith.constant 32 : index
      %parallel_loop3A_1881 = tpu.vector_load %arg6[%parallel_loop3A_1878, %parallel_loop3A_1879, %parallel_loop3A_1880] {strides = array<i32>} : memref<2x128x64xf32, #tpu.memory_space<vmem>>, vector<1x1x16xf32>,
      %parallel_loop3A_1882 = vector.shape_cast %parallel_loop3A_1881 : vector<1x1x16xf32> to vector<16xf32>
      %parallel_loop3A_1883 = arith.constant 3 : i32
      %parallel_loop3A_1884 = arith.muli %parallel_loop3A_1883, %parallel_loop3A_1788 : i32
      %parallel_loop3A_1885 = arith.constant 1 : i32
      %parallel_loop3A_1886 = arith.index_cast %parallel_loop3A_1885 : i32 to index
      %parallel_loop3A_1887 = arith.index_cast %parallel_loop3A_1884 : i32 to index
      %parallel_loop3A_1888 = arith.constant 32 : index
      %parallel_loop3A_1889 = tpu.vector_load %arg7[%parallel_loop3A_1886, %parallel_loop3A_1887, %parallel_loop3A_1888] {strides = array<i32>} : memref<2x384x64xf32, #tpu.memory_space<vmem>>, vector<1x1x16xf32>,
      %parallel_loop3A_1890 = vector.shape_cast %parallel_loop3A_1889 : vector<1x1x16xf32> to vector<16xf32>
      %parallel_loop3A_1891 = arith.addf %parallel_loop3A_1882, %parallel_loop3A_1890 : vector<16xf32>
      %parallel_loop3A_1892 = arith.constant 3 : i32
      %parallel_loop3A_1893 = arith.muli %parallel_loop3A_1892, %parallel_loop3A_1788 : i32
      %parallel_loop3A_1894 = arith.constant 1 : i32
      %parallel_loop3A_1895 = arith.addi %parallel_loop3A_1893, %parallel_loop3A_1894 : i32
      %parallel_loop3A_1896 = arith.constant 1 : i32
      %parallel_loop3A_1897 = arith.index_cast %parallel_loop3A_1896 : i32 to index
      %parallel_loop3A_1898 = arith.index_cast %parallel_loop3A_1895 : i32 to index
      %parallel_loop3A_1899 = arith.constant 32 : index
      %parallel_loop3A_1900 = tpu.vector_load %arg7[%parallel_loop3A_1897, %parallel_loop3A_1898, %parallel_loop3A_1899] {strides = array<i32>} : memref<2x384x64xf32, #tpu.memory_space<vmem>>, vector<1x1x16xf32>,
      %parallel_loop3A_1901 = vector.shape_cast %parallel_loop3A_1900 : vector<1x1x16xf32> to vector<16xf32>
      %parallel_loop3A_1902 = arith.addf %parallel_loop3A_1891, %parallel_loop3A_1901 : vector<16xf32>
      %parallel_loop3A_1903 = arith.constant 3 : i32
      %parallel_loop3A_1904 = arith.muli %parallel_loop3A_1903, %parallel_loop3A_1788 : i32
      %parallel_loop3A_1905 = arith.constant 2 : i32
      %parallel_loop3A_1906 = arith.addi %parallel_loop3A_1904, %parallel_loop3A_1905 : i32
      %parallel_loop3A_1907 = arith.constant 1 : i32
      %parallel_loop3A_1908 = arith.index_cast %parallel_loop3A_1907 : i32 to index
      %parallel_loop3A_1909 = arith.index_cast %parallel_loop3A_1906 : i32 to index
      %parallel_loop3A_1910 = arith.constant 32 : index
      %parallel_loop3A_1911 = tpu.vector_load %arg7[%parallel_loop3A_1908, %parallel_loop3A_1909, %parallel_loop3A_1910] {strides = array<i32>} : memref<2x384x64xf32, #tpu.memory_space<vmem>>, vector<1x1x16xf32>,
      %parallel_loop3A_1912 = vector.shape_cast %parallel_loop3A_1911 : vector<1x1x16xf32> to vector<16xf32>
      %parallel_loop3A_1913 = arith.addf %parallel_loop3A_1902, %parallel_loop3A_1912 : vector<16xf32>
      %parallel_loop3A_1914 = arith.constant 1 : i32
      %parallel_loop3A_1915 = arith.index_cast %parallel_loop3A_1914 : i32 to index
      %parallel_loop3A_1916 = arith.index_cast %parallel_loop3A_1788 : i32 to index
      %parallel_loop3A_1917 = arith.constant 32 : index
      %parallel_loop3A_1918 = tpu.vector_load %arg6[%parallel_loop3A_1915, %parallel_loop3A_1916, %parallel_loop3A_1917] {strides = array<i32>} : memref<2x128x64xf32, #tpu.memory_space<vmem>>, vector<1x1x16xf32>,
      %parallel_loop3A_1919 = vector.shape_cast %parallel_loop3A_1918 : vector<1x1x16xf32> to vector<16xf32>
      %parallel_loop3A_1920 = vector.shape_cast %parallel_loop3A_1913 : vector<16xf32> to vector<1x1x16xf32>
      tpu.vector_store %arg6[%parallel_loop3A_1915, %parallel_loop3A_1916, %parallel_loop3A_1917], %parallel_loop3A_1920 {strides = array<i32>} : memref<2x128x64xf32, #tpu.memory_space<vmem>>, vector<1x1x16xf32>,
      %parallel_loop3A_1921 = arith.constant 1 : i32
      %parallel_loop3A_1922 = arith.index_cast %parallel_loop3A_1921 : i32 to index
      %parallel_loop3A_1923 = arith.index_cast %parallel_loop3A_1788 : i32 to index
      %parallel_loop3A_1924 = arith.constant 48 : index
      %parallel_loop3A_1925 = tpu.vector_load %arg6[%parallel_loop3A_1922, %parallel_loop3A_1923, %parallel_loop3A_1924] {strides = array<i32>} : memref<2x128x64xf32, #tpu.memory_space<vmem>>, vector<1x1x16xf32>,
      %parallel_loop3A_1926 = vector.shape_cast %parallel_loop3A_1925 : vector<1x1x16xf32> to vector<16xf32>
      %parallel_loop3A_1927 = arith.constant 3 : i32
      %parallel_loop3A_1928 = arith.muli %parallel_loop3A_1927, %parallel_loop3A_1788 : i32
      %parallel_loop3A_1929 = arith.constant 1 : i32
      %parallel_loop3A_1930 = arith.index_cast %parallel_loop3A_1929 : i32 to index
      %parallel_loop3A_1931 = arith.index_cast %parallel_loop3A_1928 : i32 to index
      %parallel_loop3A_1932 = arith.constant 48 : index
      %parallel_loop3A_1933 = tpu.vector_load %arg7[%parallel_loop3A_1930, %parallel_loop3A_1931, %parallel_loop3A_1932] {strides = array<i32>} : memref<2x384x64xf32, #tpu.memory_space<vmem>>, vector<1x1x16xf32>,
      %parallel_loop3A_1934 = vector.shape_cast %parallel_loop3A_1933 : vector<1x1x16xf32> to vector<16xf32>
      %parallel_loop3A_1935 = arith.addf %parallel_loop3A_1926, %parallel_loop3A_1934 : vector<16xf32>
      %parallel_loop3A_1936 = arith.constant 3 : i32
      %parallel_loop3A_1937 = arith.muli %parallel_loop3A_1936, %parallel_loop3A_1788 : i32
      %parallel_loop3A_1938 = arith.constant 1 : i32
      %parallel_loop3A_1939 = arith.addi %parallel_loop3A_1937, %parallel_loop3A_1938 : i32
      %parallel_loop3A_1940 = arith.constant 1 : i32
      %parallel_loop3A_1941 = arith.index_cast %parallel_loop3A_1940 : i32 to index
      %parallel_loop3A_1942 = arith.index_cast %parallel_loop3A_1939 : i32 to index
      %parallel_loop3A_1943 = arith.constant 48 : index
      %parallel_loop3A_1944 = tpu.vector_load %arg7[%parallel_loop3A_1941, %parallel_loop3A_1942, %parallel_loop3A_1943] {strides = array<i32>} : memref<2x384x64xf32, #tpu.memory_space<vmem>>, vector<1x1x16xf32>,
      %parallel_loop3A_1945 = vector.shape_cast %parallel_loop3A_1944 : vector<1x1x16xf32> to vector<16xf32>
      %parallel_loop3A_1946 = arith.addf %parallel_loop3A_1935, %parallel_loop3A_1945 : vector<16xf32>
      %parallel_loop3A_1947 = arith.constant 3 : i32
      %parallel_loop3A_1948 = arith.muli %parallel_loop3A_1947, %parallel_loop3A_1788 : i32
      %parallel_loop3A_1949 = arith.constant 2 : i32
      %parallel_loop3A_1950 = arith.addi %parallel_loop3A_1948, %parallel_loop3A_1949 : i32
      %parallel_loop3A_1951 = arith.constant 1 : i32
      %parallel_loop3A_1952 = arith.index_cast %parallel_loop3A_1951 : i32 to index
      %parallel_loop3A_1953 = arith.index_cast %parallel_loop3A_1950 : i32 to index
      %parallel_loop3A_1954 = arith.constant 48 : index
      %parallel_loop3A_1955 = tpu.vector_load %arg7[%parallel_loop3A_1952, %parallel_loop3A_1953, %parallel_loop3A_1954] {strides = array<i32>} : memref<2x384x64xf32, #tpu.memory_space<vmem>>, vector<1x1x16xf32>,
      %parallel_loop3A_1956 = vector.shape_cast %parallel_loop3A_1955 : vector<1x1x16xf32> to vector<16xf32>
      %parallel_loop3A_1957 = arith.addf %parallel_loop3A_1946, %parallel_loop3A_1956 : vector<16xf32>
      %parallel_loop3A_1958 = arith.constant 1 : i32
      %parallel_loop3A_1959 = arith.index_cast %parallel_loop3A_1958 : i32 to index
      %parallel_loop3A_1960 = arith.index_cast %parallel_loop3A_1788 : i32 to index
      %parallel_loop3A_1961 = arith.constant 48 : index
      %parallel_loop3A_1962 = tpu.vector_load %arg6[%parallel_loop3A_1959, %parallel_loop3A_1960, %parallel_loop3A_1961] {strides = array<i32>} : memref<2x128x64xf32, #tpu.memory_space<vmem>>, vector<1x1x16xf32>,
      %parallel_loop3A_1963 = vector.shape_cast %parallel_loop3A_1962 : vector<1x1x16xf32> to vector<16xf32>
      %parallel_loop3A_1964 = vector.shape_cast %parallel_loop3A_1957 : vector<16xf32> to vector<1x1x16xf32>
      tpu.vector_store %arg6[%parallel_loop3A_1959, %parallel_loop3A_1960, %parallel_loop3A_1961], %parallel_loop3A_1964 {strides = array<i32>} : memref<2x128x64xf32, #tpu.memory_space<vmem>>, vector<1x1x16xf32>,
    } {sc.loop_unroll_factor = 8 : i64, sc.parallel_access}
    %add3A_1549 = arith.constant 128 : i32
    %add3A_1550 = arith.addi %mul3A_20, %add3A_1549 : i32
    %dma_start3A_1551 = arith.constant 1 : i32
    %dma_start3A_1552 = arith.constant 0 : i32
    %dma_start3A_1553 = arith.constant 0 : i32
    %dma_start3A_1554 = tpu.memref_slice %arg6[%dma_start3A_1551, %dma_start3A_1552, %dma_start3A_1553] : memref<2x128x64xf32, #tpu.memory_space<vmem>> -> memref<1x128x64xf32, #tpu.memory_space<vmem>>
    %dma_start3A_1555 = tpu.memref_squeeze %dma_start3A_1554 : memref<1x128x64xf32, #tpu.memory_space<vmem>> -> memref<128x64xf32, #tpu.memory_space<vmem>>
    %dma_start3A_1556 = arith.constant 0 : i32
    %dma_start3A_1557 = tpu.memref_slice %arg4[%add3A_1550, %dma_start3A_1556] : memref<16384x64xf32, #tpu.memory_space<hbm>> -> memref<128x64xf32, #tpu.memory_space<hbm>>
    %dma_start3A_1558 = arith.constant 0 : i32
    %dma_start3A_1559 = tpu.memref_slice %arg4[%add3A_1550, %dma_start3A_1558] : memref<16384x64xf32, #tpu.memory_space<hbm>> -> memref<128x64xf32, #tpu.memory_space<hbm>>
    %dma_start3A_1560 = arith.constant 0 : i32
    %dma_start3A_1561 = arith.constant 0 : i32
    %dma_start3A_1562 = tpu.memref_slice %arg6[%dma_start3A_1551, %dma_start3A_1560, %dma_start3A_1561] : memref<2x128x64xf32, #tpu.memory_space<vmem>> -> memref<1x128x64xf32, #tpu.memory_space<vmem>>
    %dma_start3A_1563 = tpu.memref_squeeze %dma_start3A_1562 : memref<1x128x64xf32, #tpu.memory_space<vmem>> -> memref<128x64xf32, #tpu.memory_space<vmem>>
    tpu.enqueue_dma source(%dma_start3A_1563 : memref<128x64xf32, #tpu.memory_space<vmem>>) target(%dma_start3A_1559 : memref<128x64xf32, #tpu.memory_space<hbm>>) target_semaphore(%arg11 : memref<!tpu.dma_semaphore, #tpu.memory_space<semaphore_mem>>)
    %dma_wait3A_1564 = arith.constant 1 : i32
    %dma_wait3A_1565 = arith.constant 0 : i32
    %dma_wait3A_1566 = arith.constant 0 : i32
    %dma_wait3A_1567 = tpu.memref_slice %arg6[%dma_wait3A_1564, %dma_wait3A_1565, %dma_wait3A_1566] : memref<2x128x64xf32, #tpu.memory_space<vmem>> -> memref<1x128x64xf32, #tpu.memory_space<vmem>>
    %dma_wait3A_1568 = tpu.memref_squeeze %dma_wait3A_1567 : memref<1x128x64xf32, #tpu.memory_space<vmem>> -> memref<128x64xf32, #tpu.memory_space<vmem>>
    %dma_wait3A_1569 = arith.constant 0 : i32
    %dma_wait3A_1570 = tpu.memref_slice %arg4[%add3A_1550, %dma_wait3A_1569] : memref<16384x64xf32, #tpu.memory_space<hbm>> -> memref<128x64xf32, #tpu.memory_space<hbm>>
    %dma_wait3A_1571 = arith.constant 0 : i32
    %dma_wait3A_1572 = tpu.memref_slice %arg4[%add3A_1550, %dma_wait3A_1571] : memref<16384x64xf32, #tpu.memory_space<hbm>> -> memref<128x64xf32, #tpu.memory_space<hbm>>
    %dma_wait3A_1573 = arith.constant 0 : i32
    %dma_wait3A_1574 = arith.constant 0 : i32
    %dma_wait3A_1575 = tpu.memref_slice %arg6[%dma_wait3A_1564, %dma_wait3A_1573, %dma_wait3A_1574] : memref<2x128x64xf32, #tpu.memory_space<vmem>> -> memref<1x128x64xf32, #tpu.memory_space<vmem>>
    %dma_wait3A_1576 = tpu.memref_squeeze %dma_wait3A_1575 : memref<1x128x64xf32, #tpu.memory_space<vmem>> -> memref<128x64xf32, #tpu.memory_space<vmem>>
    tpu.wait_dma2 semaphore(%arg11 : memref<!tpu.dma_semaphore, #tpu.memory_space<semaphore_mem>>) src(%dma_wait3A_1576 : memref<128x64xf32, #tpu.memory_space<vmem>>) dst(%dma_wait3A_1572 : memref<128x64xf32, #tpu.memory_space<hbm>>)
    %add3A_1577 = arith.constant 384 : i32
    %add3A_1578 = arith.addi %mul3A_20, %add3A_1577 : i32
    %dma_start3A_1579 = arith.constant 1 : i32
    %dma_start3A_1580 = arith.constant 0 : i32
    %dma_start3A_1581 = arith.constant 0 : i32
    %dma_start3A_1582 = tpu.memref_slice %arg6[%dma_start3A_1579, %dma_start3A_1580, %dma_start3A_1581] : memref<2x128x64xf32, #tpu.memory_space<vmem>> -> memref<1x128x64xf32, #tpu.memory_space<vmem>>
    %dma_start3A_1583 = tpu.memref_squeeze %dma_start3A_1582 : memref<1x128x64xf32, #tpu.memory_space<vmem>> -> memref<128x64xf32, #tpu.memory_space<vmem>>
    %dma_start3A_1584 = arith.constant 0 : i32
    %dma_start3A_1585 = tpu.memref_slice %arg2[%add3A_1578, %dma_start3A_1584] : memref<16384x64xf32, #tpu.memory_space<hbm>> -> memref<128x64xf32, #tpu.memory_space<hbm>>
    %dma_start3A_1586 = arith.constant 0 : i32
    %dma_start3A_1587 = arith.constant 0 : i32
    %dma_start3A_1588 = tpu.memref_slice %arg6[%dma_start3A_1579, %dma_start3A_1586, %dma_start3A_1587] : memref<2x128x64xf32, #tpu.memory_space<vmem>> -> memref<1x128x64xf32, #tpu.memory_space<vmem>>
    %dma_start3A_1589 = tpu.memref_squeeze %dma_start3A_1588 : memref<1x128x64xf32, #tpu.memory_space<vmem>> -> memref<128x64xf32, #tpu.memory_space<vmem>>
    %dma_start3A_1590 = arith.constant 0 : i32
    %dma_start3A_1591 = tpu.memref_slice %arg2[%add3A_1578, %dma_start3A_1590] : memref<16384x64xf32, #tpu.memory_space<hbm>> -> memref<128x64xf32, #tpu.memory_space<hbm>>
    tpu.enqueue_dma source(%dma_start3A_1591 : memref<128x64xf32, #tpu.memory_space<hbm>>) target(%dma_start3A_1589 : memref<128x64xf32, #tpu.memory_space<vmem>>) target_semaphore(%arg9 : memref<!tpu.dma_semaphore, #tpu.memory_space<semaphore_mem>>)
    %dma_start3A_1592 = arith.constant 9 : i32
    %dma_start3A_1593 = arith.constant 1 : i32
    %dma_start3A_1594 = arith.constant 0 : i32
    %dma_start3A_1595 = arith.constant 0 : i32
    %dma_start3A_1596 = tpu.memref_slice %arg7[%dma_start3A_1593, %dma_start3A_1594, %dma_start3A_1595] : memref<2x384x64xf32, #tpu.memory_space<vmem>> -> memref<1x128x64xf32, #tpu.memory_space<vmem>>
    %dma_start3A_1597 = tpu.memref_squeeze %dma_start3A_1596 : memref<1x128x64xf32, #tpu.memory_space<vmem>> -> memref<128x64xf32, #tpu.memory_space<vmem>>
    %dma_start3A_1598 = arith.constant 0 : i32
    %dma_start3A_1599 = tpu.memref_slice %arg5[%dma_start3A_1592, %dma_start3A_1598] : memref<12x128xi32, #tpu.memory_space<vmem>> -> memref<1x128xi32, #tpu.memory_space<vmem>>
    %dma_start3A_1600 = tpu.memref_squeeze %dma_start3A_1599 : memref<1x128xi32, #tpu.memory_space<vmem>> -> memref<128xi32, #tpu.memory_space<vmem>>
    %dma_start3A_1601 = arith.constant 0 : i32
    %dma_start3A_1602 = arith.constant 0 : i32
    %dma_start3A_1603 = tpu.memref_slice %arg2[%dma_start3A_1601, %dma_start3A_1602] : memref<16384x64xf32, #tpu.memory_space<hbm>> -> memref<16384x64xf32, #tpu.memory_space<hbm>>
    tpu.enqueue_indirect_dma source(%dma_start3A_1603 : memref<16384x64xf32, #tpu.memory_space<hbm>>) target(%dma_start3A_1597 : memref<128x64xf32, #tpu.memory_space<vmem>>) offsets(%dma_start3A_1600 : memref<128xi32, #tpu.memory_space<vmem>>) semaphore(%arg9 : memref<!tpu.dma_semaphore, #tpu.memory_space<semaphore_mem>>)
    %dma_start3A_1604 = arith.constant 10 : i32
    %dma_start3A_1605 = arith.constant 1 : i32
    %dma_start3A_1606 = arith.constant 128 : i32
    %dma_start3A_1607 = arith.constant 0 : i32
    %dma_start3A_1608 = tpu.memref_slice %arg7[%dma_start3A_1605, %dma_start3A_1606, %dma_start3A_1607] : memref<2x384x64xf32, #tpu.memory_space<vmem>> -> memref<1x128x64xf32, #tpu.memory_space<vmem>>
    %dma_start3A_1609 = tpu.memref_squeeze %dma_start3A_1608 : memref<1x128x64xf32, #tpu.memory_space<vmem>> -> memref<128x64xf32, #tpu.memory_space<vmem>>
    %dma_start3A_1610 = arith.constant 0 : i32
    %dma_start3A_1611 = tpu.memref_slice %arg5[%dma_start3A_1604, %dma_start3A_1610] : memref<12x128xi32, #tpu.memory_space<vmem>> -> memref<1x128xi32, #tpu.memory_space<vmem>>
    %dma_start3A_1612 = tpu.memref_squeeze %dma_start3A_1611 : memref<1x128xi32, #tpu.memory_space<vmem>> -> memref<128xi32, #tpu.memory_space<vmem>>
    %dma_start3A_1613 = arith.constant 0 : i32
    %dma_start3A_1614 = arith.constant 0 : i32
    %dma_start3A_1615 = tpu.memref_slice %arg2[%dma_start3A_1613, %dma_start3A_1614] : memref<16384x64xf32, #tpu.memory_space<hbm>> -> memref<16384x64xf32, #tpu.memory_space<hbm>>
    tpu.enqueue_indirect_dma source(%dma_start3A_1615 : memref<16384x64xf32, #tpu.memory_space<hbm>>) target(%dma_start3A_1609 : memref<128x64xf32, #tpu.memory_space<vmem>>) offsets(%dma_start3A_1612 : memref<128xi32, #tpu.memory_space<vmem>>) semaphore(%arg9 : memref<!tpu.dma_semaphore, #tpu.memory_space<semaphore_mem>>)
    %dma_start3A_1616 = arith.constant 11 : i32
    %dma_start3A_1617 = arith.constant 1 : i32
    %dma_start3A_1618 = arith.constant 256 : i32
    %dma_start3A_1619 = arith.constant 0 : i32
    %dma_start3A_1620 = tpu.memref_slice %arg7[%dma_start3A_1617, %dma_start3A_1618, %dma_start3A_1619] : memref<2x384x64xf32, #tpu.memory_space<vmem>> -> memref<1x128x64xf32, #tpu.memory_space<vmem>>
    %dma_start3A_1621 = tpu.memref_squeeze %dma_start3A_1620 : memref<1x128x64xf32, #tpu.memory_space<vmem>> -> memref<128x64xf32, #tpu.memory_space<vmem>>
    %dma_start3A_1622 = arith.constant 0 : i32
    %dma_start3A_1623 = tpu.memref_slice %arg5[%dma_start3A_1616, %dma_start3A_1622] : memref<12x128xi32, #tpu.memory_space<vmem>> -> memref<1x128xi32, #tpu.memory_space<vmem>>
    %dma_start3A_1624 = tpu.memref_squeeze %dma_start3A_1623 : memref<1x128xi32, #tpu.memory_space<vmem>> -> memref<128xi32, #tpu.memory_space<vmem>>
    %dma_start3A_1625 = arith.constant 0 : i32
    %dma_start3A_1626 = arith.constant 0 : i32
    %dma_start3A_1627 = tpu.memref_slice %arg2[%dma_start3A_1625, %dma_start3A_1626] : memref<16384x64xf32, #tpu.memory_space<hbm>> -> memref<16384x64xf32, #tpu.memory_space<hbm>>
    tpu.enqueue_indirect_dma source(%dma_start3A_1627 : memref<16384x64xf32, #tpu.memory_space<hbm>>) target(%dma_start3A_1621 : memref<128x64xf32, #tpu.memory_space<vmem>>) offsets(%dma_start3A_1624 : memref<128xi32, #tpu.memory_space<vmem>>) semaphore(%arg9 : memref<!tpu.dma_semaphore, #tpu.memory_space<semaphore_mem>>)
    %dma_wait3A_1628 = arith.constant 0 : i32
    %dma_wait3A_1629 = arith.constant 0 : i32
    %dma_wait3A_1630 = arith.constant 0 : i32
    %dma_wait3A_1631 = tpu.memref_slice %arg6[%dma_wait3A_1628, %dma_wait3A_1629, %dma_wait3A_1630] : memref<2x128x64xf32, #tpu.memory_space<vmem>> -> memref<1x128x64xf32, #tpu.memory_space<vmem>>
    %dma_wait3A_1632 = tpu.memref_squeeze %dma_wait3A_1631 : memref<1x128x64xf32, #tpu.memory_space<vmem>> -> memref<128x64xf32, #tpu.memory_space<vmem>>
    %dma_wait3A_1633 = arith.constant 0 : i32
    %dma_wait3A_1634 = tpu.memref_slice %arg2[%add3A_1447, %dma_wait3A_1633] : memref<16384x64xf32, #tpu.memory_space<hbm>> -> memref<128x64xf32, #tpu.memory_space<hbm>>
    %dma_wait3A_1635 = arith.constant 0 : i32
    %dma_wait3A_1636 = arith.constant 0 : i32
    %dma_wait3A_1637 = tpu.memref_slice %arg6[%dma_wait3A_1628, %dma_wait3A_1635, %dma_wait3A_1636] : memref<2x128x64xf32, #tpu.memory_space<vmem>> -> memref<1x128x64xf32, #tpu.memory_space<vmem>>
    %dma_wait3A_1638 = tpu.memref_squeeze %dma_wait3A_1637 : memref<1x128x64xf32, #tpu.memory_space<vmem>> -> memref<128x64xf32, #tpu.memory_space<vmem>>
    %dma_wait3A_1639 = arith.constant 0 : i32
    %dma_wait3A_1640 = tpu.memref_slice %arg2[%add3A_1447, %dma_wait3A_1639] : memref<16384x64xf32, #tpu.memory_space<hbm>> -> memref<128x64xf32, #tpu.memory_space<hbm>>
    tpu.wait_dma2 semaphore(%arg8 : memref<!tpu.dma_semaphore, #tpu.memory_space<semaphore_mem>>) src(%dma_wait3A_1640 : memref<128x64xf32, #tpu.memory_space<hbm>>) dst(%dma_wait3A_1638 : memref<128x64xf32, #tpu.memory_space<vmem>>)
    %dma_wait3A_1641 = arith.constant 6 : i32
    %dma_wait3A_1642 = arith.constant 0 : i32
    %dma_wait3A_1643 = arith.constant 0 : i32
    %dma_wait3A_1644 = arith.constant 0 : i32
    %dma_wait3A_1645 = tpu.memref_slice %arg7[%dma_wait3A_1642, %dma_wait3A_1643, %dma_wait3A_1644] : memref<2x384x64xf32, #tpu.memory_space<vmem>> -> memref<1x128x64xf32, #tpu.memory_space<vmem>>
    %dma_wait3A_1646 = tpu.memref_squeeze %dma_wait3A_1645 : memref<1x128x64xf32, #tpu.memory_space<vmem>> -> memref<128x64xf32, #tpu.memory_space<vmem>>
    %dma_wait3A_1647 = arith.constant 0 : i32
    %dma_wait3A_1648 = tpu.memref_slice %arg5[%dma_wait3A_1641, %dma_wait3A_1647] : memref<12x128xi32, #tpu.memory_space<vmem>> -> memref<1x128xi32, #tpu.memory_space<vmem>>
    %dma_wait3A_1649 = tpu.memref_squeeze %dma_wait3A_1648 : memref<1x128xi32, #tpu.memory_space<vmem>> -> memref<128xi32, #tpu.memory_space<vmem>>
    %dma_wait3A_1650 = arith.constant 0 : i32
    %dma_wait3A_1651 = arith.constant 0 : i32
    %dma_wait3A_1652 = tpu.memref_slice %arg2[%dma_wait3A_1650, %dma_wait3A_1651] : memref<16384x64xf32, #tpu.memory_space<hbm>> -> memref<16384x64xf32, #tpu.memory_space<hbm>>
    tpu.wait_indirect_dma semaphore(%arg8 : memref<!tpu.dma_semaphore, #tpu.memory_space<semaphore_mem>>) src(%dma_wait3A_1652 : memref<16384x64xf32, #tpu.memory_space<hbm>>) dst(%dma_wait3A_1646 : memref<128x64xf32, #tpu.memory_space<vmem>>)
    %dma_wait3A_1653 = arith.constant 7 : i32
    %dma_wait3A_1654 = arith.constant 0 : i32
    %dma_wait3A_1655 = arith.constant 128 : i32
    %dma_wait3A_1656 = arith.constant 0 : i32
    %dma_wait3A_1657 = tpu.memref_slice %arg7[%dma_wait3A_1654, %dma_wait3A_1655, %dma_wait3A_1656] : memref<2x384x64xf32, #tpu.memory_space<vmem>> -> memref<1x128x64xf32, #tpu.memory_space<vmem>>
    %dma_wait3A_1658 = tpu.memref_squeeze %dma_wait3A_1657 : memref<1x128x64xf32, #tpu.memory_space<vmem>> -> memref<128x64xf32, #tpu.memory_space<vmem>>
    %dma_wait3A_1659 = arith.constant 0 : i32
    %dma_wait3A_1660 = tpu.memref_slice %arg5[%dma_wait3A_1653, %dma_wait3A_1659] : memref<12x128xi32, #tpu.memory_space<vmem>> -> memref<1x128xi32, #tpu.memory_space<vmem>>
    %dma_wait3A_1661 = tpu.memref_squeeze %dma_wait3A_1660 : memref<1x128xi32, #tpu.memory_space<vmem>> -> memref<128xi32, #tpu.memory_space<vmem>>
    %dma_wait3A_1662 = arith.constant 0 : i32
    %dma_wait3A_1663 = arith.constant 0 : i32
    %dma_wait3A_1664 = tpu.memref_slice %arg2[%dma_wait3A_1662, %dma_wait3A_1663] : memref<16384x64xf32, #tpu.memory_space<hbm>> -> memref<16384x64xf32, #tpu.memory_space<hbm>>
    tpu.wait_indirect_dma semaphore(%arg8 : memref<!tpu.dma_semaphore, #tpu.memory_space<semaphore_mem>>) src(%dma_wait3A_1664 : memref<16384x64xf32, #tpu.memory_space<hbm>>) dst(%dma_wait3A_1658 : memref<128x64xf32, #tpu.memory_space<vmem>>)
    %dma_wait3A_1665 = arith.constant 8 : i32
    %dma_wait3A_1666 = arith.constant 0 : i32
    %dma_wait3A_1667 = arith.constant 256 : i32
    %dma_wait3A_1668 = arith.constant 0 : i32
    %dma_wait3A_1669 = tpu.memref_slice %arg7[%dma_wait3A_1666, %dma_wait3A_1667, %dma_wait3A_1668] : memref<2x384x64xf32, #tpu.memory_space<vmem>> -> memref<1x128x64xf32, #tpu.memory_space<vmem>>
    %dma_wait3A_1670 = tpu.memref_squeeze %dma_wait3A_1669 : memref<1x128x64xf32, #tpu.memory_space<vmem>> -> memref<128x64xf32, #tpu.memory_space<vmem>>
    %dma_wait3A_1671 = arith.constant 0 : i32
    %dma_wait3A_1672 = tpu.memref_slice %arg5[%dma_wait3A_1665, %dma_wait3A_1671] : memref<12x128xi32, #tpu.memory_space<vmem>> -> memref<1x128xi32, #tpu.memory_space<vmem>>
    %dma_wait3A_1673 = tpu.memref_squeeze %dma_wait3A_1672 : memref<1x128xi32, #tpu.memory_space<vmem>> -> memref<128xi32, #tpu.memory_space<vmem>>
    %dma_wait3A_1674 = arith.constant 0 : i32
    %dma_wait3A_1675 = arith.constant 0 : i32
    %dma_wait3A_1676 = tpu.memref_slice %arg2[%dma_wait3A_1674, %dma_wait3A_1675] : memref<16384x64xf32, #tpu.memory_space<hbm>> -> memref<16384x64xf32, #tpu.memory_space<hbm>>
    tpu.wait_indirect_dma semaphore(%arg8 : memref<!tpu.dma_semaphore, #tpu.memory_space<semaphore_mem>>) src(%dma_wait3A_1676 : memref<16384x64xf32, #tpu.memory_space<hbm>>) dst(%dma_wait3A_1670 : memref<128x64xf32, #tpu.memory_space<vmem>>)
    %parallel_loop3A_1677 = arith.constant 0 : i32
    %parallel_loop3A_1678 = arith.constant 128 : i32
    %parallel_loop3A_1679 = arith.constant 1 : i32
    scf.for %parallel_loop3A_1788 = %parallel_loop3A_1677 to %parallel_loop3A_1678 step %parallel_loop3A_1679  : i32 {
      %parallel_loop3A_1789 = arith.constant 0 : i32
      %parallel_loop3A_1790 = arith.index_cast %parallel_loop3A_1789 : i32 to index
      %parallel_loop3A_1791 = arith.index_cast %parallel_loop3A_1788 : i32 to index
      %parallel_loop3A_1792 = arith.constant 0 : index
      %parallel_loop3A_1793 = tpu.vector_load %arg6[%parallel_loop3A_1790, %parallel_loop3A_1791, %parallel_loop3A_1792] {strides = array<i32>} : memref<2x128x64xf32, #tpu.memory_space<vmem>>, vector<1x1x16xf32>,
      %parallel_loop3A_1794 = vector.shape_cast %parallel_loop3A_1793 : vector<1x1x16xf32> to vector<16xf32>
      %parallel_loop3A_1795 = arith.constant 3 : i32
      %parallel_loop3A_1796 = arith.muli %parallel_loop3A_1795, %parallel_loop3A_1788 : i32
      %parallel_loop3A_1797 = arith.constant 0 : i32
      %parallel_loop3A_1798 = arith.index_cast %parallel_loop3A_1797 : i32 to index
      %parallel_loop3A_1799 = arith.index_cast %parallel_loop3A_1796 : i32 to index
      %parallel_loop3A_1800 = arith.constant 0 : index
      %parallel_loop3A_1801 = tpu.vector_load %arg7[%parallel_loop3A_1798, %parallel_loop3A_1799, %parallel_loop3A_1800] {strides = array<i32>} : memref<2x384x64xf32, #tpu.memory_space<vmem>>, vector<1x1x16xf32>,
      %parallel_loop3A_1802 = vector.shape_cast %parallel_loop3A_1801 : vector<1x1x16xf32> to vector<16xf32>
      %parallel_loop3A_1803 = arith.addf %parallel_loop3A_1794, %parallel_loop3A_1802 : vector<16xf32>
      %parallel_loop3A_1804 = arith.constant 3 : i32
      %parallel_loop3A_1805 = arith.muli %parallel_loop3A_1804, %parallel_loop3A_1788 : i32
      %parallel_loop3A_1806 = arith.constant 1 : i32
      %parallel_loop3A_1807 = arith.addi %parallel_loop3A_1805, %parallel_loop3A_1806 : i32
      %parallel_loop3A_1808 = arith.constant 0 : i32
      %parallel_loop3A_1809 = arith.index_cast %parallel_loop3A_1808 : i32 to index
      %parallel_loop3A_1810 = arith.index_cast %parallel_loop3A_1807 : i32 to index
      %parallel_loop3A_1811 = arith.constant 0 : index
      %parallel_loop3A_1812 = tpu.vector_load %arg7[%parallel_loop3A_1809, %parallel_loop3A_1810, %parallel_loop3A_1811] {strides = array<i32>} : memref<2x384x64xf32, #tpu.memory_space<vmem>>, vector<1x1x16xf32>,
      %parallel_loop3A_1813 = vector.shape_cast %parallel_loop3A_1812 : vector<1x1x16xf32> to vector<16xf32>
      %parallel_loop3A_1814 = arith.addf %parallel_loop3A_1803, %parallel_loop3A_1813 : vector<16xf32>
      %parallel_loop3A_1815 = arith.constant 3 : i32
      %parallel_loop3A_1816 = arith.muli %parallel_loop3A_1815, %parallel_loop3A_1788 : i32
      %parallel_loop3A_1817 = arith.constant 2 : i32
      %parallel_loop3A_1818 = arith.addi %parallel_loop3A_1816, %parallel_loop3A_1817 : i32
      %parallel_loop3A_1819 = arith.constant 0 : i32
      %parallel_loop3A_1820 = arith.index_cast %parallel_loop3A_1819 : i32 to index
      %parallel_loop3A_1821 = arith.index_cast %parallel_loop3A_1818 : i32 to index
      %parallel_loop3A_1822 = arith.constant 0 : index
      %parallel_loop3A_1823 = tpu.vector_load %arg7[%parallel_loop3A_1820, %parallel_loop3A_1821, %parallel_loop3A_1822] {strides = array<i32>} : memref<2x384x64xf32, #tpu.memory_space<vmem>>, vector<1x1x16xf32>,
      %parallel_loop3A_1824 = vector.shape_cast %parallel_loop3A_1823 : vector<1x1x16xf32> to vector<16xf32>
      %parallel_loop3A_1825 = arith.addf %parallel_loop3A_1814, %parallel_loop3A_1824 : vector<16xf32>
      %parallel_loop3A_1826 = arith.constant 0 : i32
      %parallel_loop3A_1827 = arith.index_cast %parallel_loop3A_1826 : i32 to index
      %parallel_loop3A_1828 = arith.index_cast %parallel_loop3A_1788 : i32 to index
      %parallel_loop3A_1829 = arith.constant 0 : index
      %parallel_loop3A_1830 = tpu.vector_load %arg6[%parallel_loop3A_1827, %parallel_loop3A_1828, %parallel_loop3A_1829] {strides = array<i32>} : memref<2x128x64xf32, #tpu.memory_space<vmem>>, vector<1x1x16xf32>,
      %parallel_loop3A_1831 = vector.shape_cast %parallel_loop3A_1830 : vector<1x1x16xf32> to vector<16xf32>
      %parallel_loop3A_1832 = vector.shape_cast %parallel_loop3A_1825 : vector<16xf32> to vector<1x1x16xf32>
      tpu.vector_store %arg6[%parallel_loop3A_1827, %parallel_loop3A_1828, %parallel_loop3A_1829], %parallel_loop3A_1832 {strides = array<i32>} : memref<2x128x64xf32, #tpu.memory_space<vmem>>, vector<1x1x16xf32>,
      %parallel_loop3A_1833 = arith.constant 0 : i32
      %parallel_loop3A_1834 = arith.index_cast %parallel_loop3A_1833 : i32 to index
      %parallel_loop3A_1835 = arith.index_cast %parallel_loop3A_1788 : i32 to index
      %parallel_loop3A_1836 = arith.constant 16 : index
      %parallel_loop3A_1837 = tpu.vector_load %arg6[%parallel_loop3A_1834, %parallel_loop3A_1835, %parallel_loop3A_1836] {strides = array<i32>} : memref<2x128x64xf32, #tpu.memory_space<vmem>>, vector<1x1x16xf32>,
      %parallel_loop3A_1838 = vector.shape_cast %parallel_loop3A_1837 : vector<1x1x16xf32> to vector<16xf32>
      %parallel_loop3A_1839 = arith.constant 3 : i32
      %parallel_loop3A_1840 = arith.muli %parallel_loop3A_1839, %parallel_loop3A_1788 : i32
      %parallel_loop3A_1841 = arith.constant 0 : i32
      %parallel_loop3A_1842 = arith.index_cast %parallel_loop3A_1841 : i32 to index
      %parallel_loop3A_1843 = arith.index_cast %parallel_loop3A_1840 : i32 to index
      %parallel_loop3A_1844 = arith.constant 16 : index
      %parallel_loop3A_1845 = tpu.vector_load %arg7[%parallel_loop3A_1842, %parallel_loop3A_1843, %parallel_loop3A_1844] {strides = array<i32>} : memref<2x384x64xf32, #tpu.memory_space<vmem>>, vector<1x1x16xf32>,
      %parallel_loop3A_1846 = vector.shape_cast %parallel_loop3A_1845 : vector<1x1x16xf32> to vector<16xf32>
      %parallel_loop3A_1847 = arith.addf %parallel_loop3A_1838, %parallel_loop3A_1846 : vector<16xf32>
      %parallel_loop3A_1848 = arith.constant 3 : i32
      %parallel_loop3A_1849 = arith.muli %parallel_loop3A_1848, %parallel_loop3A_1788 : i32
      %parallel_loop3A_1850 = arith.constant 1 : i32
      %parallel_loop3A_1851 = arith.addi %parallel_loop3A_1849, %parallel_loop3A_1850 : i32
      %parallel_loop3A_1852 = arith.constant 0 : i32
      %parallel_loop3A_1853 = arith.index_cast %parallel_loop3A_1852 : i32 to index
      %parallel_loop3A_1854 = arith.index_cast %parallel_loop3A_1851 : i32 to index
      %parallel_loop3A_1855 = arith.constant 16 : index
      %parallel_loop3A_1856 = tpu.vector_load %arg7[%parallel_loop3A_1853, %parallel_loop3A_1854, %parallel_loop3A_1855] {strides = array<i32>} : memref<2x384x64xf32, #tpu.memory_space<vmem>>, vector<1x1x16xf32>,
      %parallel_loop3A_1857 = vector.shape_cast %parallel_loop3A_1856 : vector<1x1x16xf32> to vector<16xf32>
      %parallel_loop3A_1858 = arith.addf %parallel_loop3A_1847, %parallel_loop3A_1857 : vector<16xf32>
      %parallel_loop3A_1859 = arith.constant 3 : i32
      %parallel_loop3A_1860 = arith.muli %parallel_loop3A_1859, %parallel_loop3A_1788 : i32
      %parallel_loop3A_1861 = arith.constant 2 : i32
      %parallel_loop3A_1862 = arith.addi %parallel_loop3A_1860, %parallel_loop3A_1861 : i32
      %parallel_loop3A_1863 = arith.constant 0 : i32
      %parallel_loop3A_1864 = arith.index_cast %parallel_loop3A_1863 : i32 to index
      %parallel_loop3A_1865 = arith.index_cast %parallel_loop3A_1862 : i32 to index
      %parallel_loop3A_1866 = arith.constant 16 : index
      %parallel_loop3A_1867 = tpu.vector_load %arg7[%parallel_loop3A_1864, %parallel_loop3A_1865, %parallel_loop3A_1866] {strides = array<i32>} : memref<2x384x64xf32, #tpu.memory_space<vmem>>, vector<1x1x16xf32>,
      %parallel_loop3A_1868 = vector.shape_cast %parallel_loop3A_1867 : vector<1x1x16xf32> to vector<16xf32>
      %parallel_loop3A_1869 = arith.addf %parallel_loop3A_1858, %parallel_loop3A_1868 : vector<16xf32>
      %parallel_loop3A_1870 = arith.constant 0 : i32
      %parallel_loop3A_1871 = arith.index_cast %parallel_loop3A_1870 : i32 to index
      %parallel_loop3A_1872 = arith.index_cast %parallel_loop3A_1788 : i32 to index
      %parallel_loop3A_1873 = arith.constant 16 : index
      %parallel_loop3A_1874 = tpu.vector_load %arg6[%parallel_loop3A_1871, %parallel_loop3A_1872, %parallel_loop3A_1873] {strides = array<i32>} : memref<2x128x64xf32, #tpu.memory_space<vmem>>, vector<1x1x16xf32>,
      %parallel_loop3A_1875 = vector.shape_cast %parallel_loop3A_1874 : vector<1x1x16xf32> to vector<16xf32>
      %parallel_loop3A_1876 = vector.shape_cast %parallel_loop3A_1869 : vector<16xf32> to vector<1x1x16xf32>
      tpu.vector_store %arg6[%parallel_loop3A_1871, %parallel_loop3A_1872, %parallel_loop3A_1873], %parallel_loop3A_1876 {strides = array<i32>} : memref<2x128x64xf32, #tpu.memory_space<vmem>>, vector<1x1x16xf32>,
      %parallel_loop3A_1877 = arith.constant 0 : i32
      %parallel_loop3A_1878 = arith.index_cast %parallel_loop3A_1877 : i32 to index
      %parallel_loop3A_1879 = arith.index_cast %parallel_loop3A_1788 : i32 to index
      %parallel_loop3A_1880 = arith.constant 32 : index
      %parallel_loop3A_1881 = tpu.vector_load %arg6[%parallel_loop3A_1878, %parallel_loop3A_1879, %parallel_loop3A_1880] {strides = array<i32>} : memref<2x128x64xf32, #tpu.memory_space<vmem>>, vector<1x1x16xf32>,
      %parallel_loop3A_1882 = vector.shape_cast %parallel_loop3A_1881 : vector<1x1x16xf32> to vector<16xf32>
      %parallel_loop3A_1883 = arith.constant 3 : i32
      %parallel_loop3A_1884 = arith.muli %parallel_loop3A_1883, %parallel_loop3A_1788 : i32
      %parallel_loop3A_1885 = arith.constant 0 : i32
      %parallel_loop3A_1886 = arith.index_cast %parallel_loop3A_1885 : i32 to index
      %parallel_loop3A_1887 = arith.index_cast %parallel_loop3A_1884 : i32 to index
      %parallel_loop3A_1888 = arith.constant 32 : index
      %parallel_loop3A_1889 = tpu.vector_load %arg7[%parallel_loop3A_1886, %parallel_loop3A_1887, %parallel_loop3A_1888] {strides = array<i32>} : memref<2x384x64xf32, #tpu.memory_space<vmem>>, vector<1x1x16xf32>,
      %parallel_loop3A_1890 = vector.shape_cast %parallel_loop3A_1889 : vector<1x1x16xf32> to vector<16xf32>
      %parallel_loop3A_1891 = arith.addf %parallel_loop3A_1882, %parallel_loop3A_1890 : vector<16xf32>
      %parallel_loop3A_1892 = arith.constant 3 : i32
      %parallel_loop3A_1893 = arith.muli %parallel_loop3A_1892, %parallel_loop3A_1788 : i32
      %parallel_loop3A_1894 = arith.constant 1 : i32
      %parallel_loop3A_1895 = arith.addi %parallel_loop3A_1893, %parallel_loop3A_1894 : i32
      %parallel_loop3A_1896 = arith.constant 0 : i32
      %parallel_loop3A_1897 = arith.index_cast %parallel_loop3A_1896 : i32 to index
      %parallel_loop3A_1898 = arith.index_cast %parallel_loop3A_1895 : i32 to index
      %parallel_loop3A_1899 = arith.constant 32 : index
      %parallel_loop3A_1900 = tpu.vector_load %arg7[%parallel_loop3A_1897, %parallel_loop3A_1898, %parallel_loop3A_1899] {strides = array<i32>} : memref<2x384x64xf32, #tpu.memory_space<vmem>>, vector<1x1x16xf32>,
      %parallel_loop3A_1901 = vector.shape_cast %parallel_loop3A_1900 : vector<1x1x16xf32> to vector<16xf32>
      %parallel_loop3A_1902 = arith.addf %parallel_loop3A_1891, %parallel_loop3A_1901 : vector<16xf32>
      %parallel_loop3A_1903 = arith.constant 3 : i32
      %parallel_loop3A_1904 = arith.muli %parallel_loop3A_1903, %parallel_loop3A_1788 : i32
      %parallel_loop3A_1905 = arith.constant 2 : i32
      %parallel_loop3A_1906 = arith.addi %parallel_loop3A_1904, %parallel_loop3A_1905 : i32
      %parallel_loop3A_1907 = arith.constant 0 : i32
      %parallel_loop3A_1908 = arith.index_cast %parallel_loop3A_1907 : i32 to index
      %parallel_loop3A_1909 = arith.index_cast %parallel_loop3A_1906 : i32 to index
      %parallel_loop3A_1910 = arith.constant 32 : index
      %parallel_loop3A_1911 = tpu.vector_load %arg7[%parallel_loop3A_1908, %parallel_loop3A_1909, %parallel_loop3A_1910] {strides = array<i32>} : memref<2x384x64xf32, #tpu.memory_space<vmem>>, vector<1x1x16xf32>,
      %parallel_loop3A_1912 = vector.shape_cast %parallel_loop3A_1911 : vector<1x1x16xf32> to vector<16xf32>
      %parallel_loop3A_1913 = arith.addf %parallel_loop3A_1902, %parallel_loop3A_1912 : vector<16xf32>
      %parallel_loop3A_1914 = arith.constant 0 : i32
      %parallel_loop3A_1915 = arith.index_cast %parallel_loop3A_1914 : i32 to index
      %parallel_loop3A_1916 = arith.index_cast %parallel_loop3A_1788 : i32 to index
      %parallel_loop3A_1917 = arith.constant 32 : index
      %parallel_loop3A_1918 = tpu.vector_load %arg6[%parallel_loop3A_1915, %parallel_loop3A_1916, %parallel_loop3A_1917] {strides = array<i32>} : memref<2x128x64xf32, #tpu.memory_space<vmem>>, vector<1x1x16xf32>,
      %parallel_loop3A_1919 = vector.shape_cast %parallel_loop3A_1918 : vector<1x1x16xf32> to vector<16xf32>
      %parallel_loop3A_1920 = vector.shape_cast %parallel_loop3A_1913 : vector<16xf32> to vector<1x1x16xf32>
      tpu.vector_store %arg6[%parallel_loop3A_1915, %parallel_loop3A_1916, %parallel_loop3A_1917], %parallel_loop3A_1920 {strides = array<i32>} : memref<2x128x64xf32, #tpu.memory_space<vmem>>, vector<1x1x16xf32>,
      %parallel_loop3A_1921 = arith.constant 0 : i32
      %parallel_loop3A_1922 = arith.index_cast %parallel_loop3A_1921 : i32 to index
      %parallel_loop3A_1923 = arith.index_cast %parallel_loop3A_1788 : i32 to index
      %parallel_loop3A_1924 = arith.constant 48 : index
      %parallel_loop3A_1925 = tpu.vector_load %arg6[%parallel_loop3A_1922, %parallel_loop3A_1923, %parallel_loop3A_1924] {strides = array<i32>} : memref<2x128x64xf32, #tpu.memory_space<vmem>>, vector<1x1x16xf32>,
      %parallel_loop3A_1926 = vector.shape_cast %parallel_loop3A_1925 : vector<1x1x16xf32> to vector<16xf32>
      %parallel_loop3A_1927 = arith.constant 3 : i32
      %parallel_loop3A_1928 = arith.muli %parallel_loop3A_1927, %parallel_loop3A_1788 : i32
      %parallel_loop3A_1929 = arith.constant 0 : i32
      %parallel_loop3A_1930 = arith.index_cast %parallel_loop3A_1929 : i32 to index
      %parallel_loop3A_1931 = arith.index_cast %parallel_loop3A_1928 : i32 to index
      %parallel_loop3A_1932 = arith.constant 48 : index
      %parallel_loop3A_1933 = tpu.vector_load %arg7[%parallel_loop3A_1930, %parallel_loop3A_1931, %parallel_loop3A_1932] {strides = array<i32>} : memref<2x384x64xf32, #tpu.memory_space<vmem>>, vector<1x1x16xf32>,
      %parallel_loop3A_1934 = vector.shape_cast %parallel_loop3A_1933 : vector<1x1x16xf32> to vector<16xf32>
      %parallel_loop3A_1935 = arith.addf %parallel_loop3A_1926, %parallel_loop3A_1934 : vector<16xf32>
      %parallel_loop3A_1936 = arith.constant 3 : i32
      %parallel_loop3A_1937 = arith.muli %parallel_loop3A_1936, %parallel_loop3A_1788 : i32
      %parallel_loop3A_1938 = arith.constant 1 : i32
      %parallel_loop3A_1939 = arith.addi %parallel_loop3A_1937, %parallel_loop3A_1938 : i32
      %parallel_loop3A_1940 = arith.constant 0 : i32
      %parallel_loop3A_1941 = arith.index_cast %parallel_loop3A_1940 : i32 to index
      %parallel_loop3A_1942 = arith.index_cast %parallel_loop3A_1939 : i32 to index
      %parallel_loop3A_1943 = arith.constant 48 : index
      %parallel_loop3A_1944 = tpu.vector_load %arg7[%parallel_loop3A_1941, %parallel_loop3A_1942, %parallel_loop3A_1943] {strides = array<i32>} : memref<2x384x64xf32, #tpu.memory_space<vmem>>, vector<1x1x16xf32>,
      %parallel_loop3A_1945 = vector.shape_cast %parallel_loop3A_1944 : vector<1x1x16xf32> to vector<16xf32>
      %parallel_loop3A_1946 = arith.addf %parallel_loop3A_1935, %parallel_loop3A_1945 : vector<16xf32>
      %parallel_loop3A_1947 = arith.constant 3 : i32
      %parallel_loop3A_1948 = arith.muli %parallel_loop3A_1947, %parallel_loop3A_1788 : i32
      %parallel_loop3A_1949 = arith.constant 2 : i32
      %parallel_loop3A_1950 = arith.addi %parallel_loop3A_1948, %parallel_loop3A_1949 : i32
      %parallel_loop3A_1951 = arith.constant 0 : i32
      %parallel_loop3A_1952 = arith.index_cast %parallel_loop3A_1951 : i32 to index
      %parallel_loop3A_1953 = arith.index_cast %parallel_loop3A_1950 : i32 to index
      %parallel_loop3A_1954 = arith.constant 48 : index
      %parallel_loop3A_1955 = tpu.vector_load %arg7[%parallel_loop3A_1952, %parallel_loop3A_1953, %parallel_loop3A_1954] {strides = array<i32>} : memref<2x384x64xf32, #tpu.memory_space<vmem>>, vector<1x1x16xf32>,
      %parallel_loop3A_1956 = vector.shape_cast %parallel_loop3A_1955 : vector<1x1x16xf32> to vector<16xf32>
      %parallel_loop3A_1957 = arith.addf %parallel_loop3A_1946, %parallel_loop3A_1956 : vector<16xf32>
      %parallel_loop3A_1958 = arith.constant 0 : i32
      %parallel_loop3A_1959 = arith.index_cast %parallel_loop3A_1958 : i32 to index
      %parallel_loop3A_1960 = arith.index_cast %parallel_loop3A_1788 : i32 to index
      %parallel_loop3A_1961 = arith.constant 48 : index
      %parallel_loop3A_1962 = tpu.vector_load %arg6[%parallel_loop3A_1959, %parallel_loop3A_1960, %parallel_loop3A_1961] {strides = array<i32>} : memref<2x128x64xf32, #tpu.memory_space<vmem>>, vector<1x1x16xf32>,
      %parallel_loop3A_1963 = vector.shape_cast %parallel_loop3A_1962 : vector<1x1x16xf32> to vector<16xf32>
      %parallel_loop3A_1964 = vector.shape_cast %parallel_loop3A_1957 : vector<16xf32> to vector<1x1x16xf32>
      tpu.vector_store %arg6[%parallel_loop3A_1959, %parallel_loop3A_1960, %parallel_loop3A_1961], %parallel_loop3A_1964 {strides = array<i32>} : memref<2x128x64xf32, #tpu.memory_space<vmem>>, vector<1x1x16xf32>,
    } {sc.loop_unroll_factor = 8 : i64, sc.parallel_access}
    %add3A_1680 = arith.constant 256 : i32
    %add3A_1681 = arith.addi %mul3A_20, %add3A_1680 : i32
    %dma_start3A_1682 = arith.constant 0 : i32
    %dma_start3A_1683 = arith.constant 0 : i32
    %dma_start3A_1684 = arith.constant 0 : i32
    %dma_start3A_1685 = tpu.memref_slice %arg6[%dma_start3A_1682, %dma_start3A_1683, %dma_start3A_1684] : memref<2x128x64xf32, #tpu.memory_space<vmem>> -> memref<1x128x64xf32, #tpu.memory_space<vmem>>
    %dma_start3A_1686 = tpu.memref_squeeze %dma_start3A_1685 : memref<1x128x64xf32, #tpu.memory_space<vmem>> -> memref<128x64xf32, #tpu.memory_space<vmem>>
    %dma_start3A_1687 = arith.constant 0 : i32
    %dma_start3A_1688 = tpu.memref_slice %arg4[%add3A_1681, %dma_start3A_1687] : memref<16384x64xf32, #tpu.memory_space<hbm>> -> memref<128x64xf32, #tpu.memory_space<hbm>>
    %dma_start3A_1689 = arith.constant 0 : i32
    %dma_start3A_1690 = tpu.memref_slice %arg4[%add3A_1681, %dma_start3A_1689] : memref<16384x64xf32, #tpu.memory_space<hbm>> -> memref<128x64xf32, #tpu.memory_space<hbm>>
    %dma_start3A_1691 = arith.constant 0 : i32
    %dma_start3A_1692 = arith.constant 0 : i32
    %dma_start3A_1693 = tpu.memref_slice %arg6[%dma_start3A_1682, %dma_start3A_1691, %dma_start3A_1692] : memref<2x128x64xf32, #tpu.memory_space<vmem>> -> memref<1x128x64xf32, #tpu.memory_space<vmem>>
    %dma_start3A_1694 = tpu.memref_squeeze %dma_start3A_1693 : memref<1x128x64xf32, #tpu.memory_space<vmem>> -> memref<128x64xf32, #tpu.memory_space<vmem>>
    tpu.enqueue_dma source(%dma_start3A_1694 : memref<128x64xf32, #tpu.memory_space<vmem>>) target(%dma_start3A_1690 : memref<128x64xf32, #tpu.memory_space<hbm>>) target_semaphore(%arg10 : memref<!tpu.dma_semaphore, #tpu.memory_space<semaphore_mem>>)
    %dma_wait3A_1695 = arith.constant 1 : i32
    %dma_wait3A_1696 = arith.constant 0 : i32
    %dma_wait3A_1697 = arith.constant 0 : i32
    %dma_wait3A_1698 = tpu.memref_slice %arg6[%dma_wait3A_1695, %dma_wait3A_1696, %dma_wait3A_1697] : memref<2x128x64xf32, #tpu.memory_space<vmem>> -> memref<1x128x64xf32, #tpu.memory_space<vmem>>
    %dma_wait3A_1699 = tpu.memref_squeeze %dma_wait3A_1698 : memref<1x128x64xf32, #tpu.memory_space<vmem>> -> memref<128x64xf32, #tpu.memory_space<vmem>>
    %dma_wait3A_1700 = arith.constant 0 : i32
    %dma_wait3A_1701 = tpu.memref_slice %arg2[%add3A_1578, %dma_wait3A_1700] : memref<16384x64xf32, #tpu.memory_space<hbm>> -> memref<128x64xf32, #tpu.memory_space<hbm>>
    %dma_wait3A_1702 = arith.constant 0 : i32
    %dma_wait3A_1703 = arith.constant 0 : i32
    %dma_wait3A_1704 = tpu.memref_slice %arg6[%dma_wait3A_1695, %dma_wait3A_1702, %dma_wait3A_1703] : memref<2x128x64xf32, #tpu.memory_space<vmem>> -> memref<1x128x64xf32, #tpu.memory_space<vmem>>
    %dma_wait3A_1705 = tpu.memref_squeeze %dma_wait3A_1704 : memref<1x128x64xf32, #tpu.memory_space<vmem>> -> memref<128x64xf32, #tpu.memory_space<vmem>>
    %dma_wait3A_1706 = arith.constant 0 : i32
    %dma_wait3A_1707 = tpu.memref_slice %arg2[%add3A_1578, %dma_wait3A_1706] : memref<16384x64xf32, #tpu.memory_space<hbm>> -> memref<128x64xf32, #tpu.memory_space<hbm>>
    tpu.wait_dma2 semaphore(%arg9 : memref<!tpu.dma_semaphore, #tpu.memory_space<semaphore_mem>>) src(%dma_wait3A_1707 : memref<128x64xf32, #tpu.memory_space<hbm>>) dst(%dma_wait3A_1705 : memref<128x64xf32, #tpu.memory_space<vmem>>)
    %dma_wait3A_1708 = arith.constant 9 : i32
    %dma_wait3A_1709 = arith.constant 1 : i32
    %dma_wait3A_1710 = arith.constant 0 : i32
    %dma_wait3A_1711 = arith.constant 0 : i32
    %dma_wait3A_1712 = tpu.memref_slice %arg7[%dma_wait3A_1709, %dma_wait3A_1710, %dma_wait3A_1711] : memref<2x384x64xf32, #tpu.memory_space<vmem>> -> memref<1x128x64xf32, #tpu.memory_space<vmem>>
    %dma_wait3A_1713 = tpu.memref_squeeze %dma_wait3A_1712 : memref<1x128x64xf32, #tpu.memory_space<vmem>> -> memref<128x64xf32, #tpu.memory_space<vmem>>
    %dma_wait3A_1714 = arith.constant 0 : i32
    %dma_wait3A_1715 = tpu.memref_slice %arg5[%dma_wait3A_1708, %dma_wait3A_1714] : memref<12x128xi32, #tpu.memory_space<vmem>> -> memref<1x128xi32, #tpu.memory_space<vmem>>
    %dma_wait3A_1716 = tpu.memref_squeeze %dma_wait3A_1715 : memref<1x128xi32, #tpu.memory_space<vmem>> -> memref<128xi32, #tpu.memory_space<vmem>>
    %dma_wait3A_1717 = arith.constant 0 : i32
    %dma_wait3A_1718 = arith.constant 0 : i32
    %dma_wait3A_1719 = tpu.memref_slice %arg2[%dma_wait3A_1717, %dma_wait3A_1718] : memref<16384x64xf32, #tpu.memory_space<hbm>> -> memref<16384x64xf32, #tpu.memory_space<hbm>>
    tpu.wait_indirect_dma semaphore(%arg9 : memref<!tpu.dma_semaphore, #tpu.memory_space<semaphore_mem>>) src(%dma_wait3A_1719 : memref<16384x64xf32, #tpu.memory_space<hbm>>) dst(%dma_wait3A_1713 : memref<128x64xf32, #tpu.memory_space<vmem>>)
    %dma_wait3A_1720 = arith.constant 10 : i32
    %dma_wait3A_1721 = arith.constant 1 : i32
    %dma_wait3A_1722 = arith.constant 128 : i32
    %dma_wait3A_1723 = arith.constant 0 : i32
    %dma_wait3A_1724 = tpu.memref_slice %arg7[%dma_wait3A_1721, %dma_wait3A_1722, %dma_wait3A_1723] : memref<2x384x64xf32, #tpu.memory_space<vmem>> -> memref<1x128x64xf32, #tpu.memory_space<vmem>>
    %dma_wait3A_1725 = tpu.memref_squeeze %dma_wait3A_1724 : memref<1x128x64xf32, #tpu.memory_space<vmem>> -> memref<128x64xf32, #tpu.memory_space<vmem>>
    %dma_wait3A_1726 = arith.constant 0 : i32
    %dma_wait3A_1727 = tpu.memref_slice %arg5[%dma_wait3A_1720, %dma_wait3A_1726] : memref<12x128xi32, #tpu.memory_space<vmem>> -> memref<1x128xi32, #tpu.memory_space<vmem>>
    %dma_wait3A_1728 = tpu.memref_squeeze %dma_wait3A_1727 : memref<1x128xi32, #tpu.memory_space<vmem>> -> memref<128xi32, #tpu.memory_space<vmem>>
    %dma_wait3A_1729 = arith.constant 0 : i32
    %dma_wait3A_1730 = arith.constant 0 : i32
    %dma_wait3A_1731 = tpu.memref_slice %arg2[%dma_wait3A_1729, %dma_wait3A_1730] : memref<16384x64xf32, #tpu.memory_space<hbm>> -> memref<16384x64xf32, #tpu.memory_space<hbm>>
    tpu.wait_indirect_dma semaphore(%arg9 : memref<!tpu.dma_semaphore, #tpu.memory_space<semaphore_mem>>) src(%dma_wait3A_1731 : memref<16384x64xf32, #tpu.memory_space<hbm>>) dst(%dma_wait3A_1725 : memref<128x64xf32, #tpu.memory_space<vmem>>)
    %dma_wait3A_1732 = arith.constant 11 : i32
    %dma_wait3A_1733 = arith.constant 1 : i32
    %dma_wait3A_1734 = arith.constant 256 : i32
    %dma_wait3A_1735 = arith.constant 0 : i32
    %dma_wait3A_1736 = tpu.memref_slice %arg7[%dma_wait3A_1733, %dma_wait3A_1734, %dma_wait3A_1735] : memref<2x384x64xf32, #tpu.memory_space<vmem>> -> memref<1x128x64xf32, #tpu.memory_space<vmem>>
    %dma_wait3A_1737 = tpu.memref_squeeze %dma_wait3A_1736 : memref<1x128x64xf32, #tpu.memory_space<vmem>> -> memref<128x64xf32, #tpu.memory_space<vmem>>
    %dma_wait3A_1738 = arith.constant 0 : i32
    %dma_wait3A_1739 = tpu.memref_slice %arg5[%dma_wait3A_1732, %dma_wait3A_1738] : memref<12x128xi32, #tpu.memory_space<vmem>> -> memref<1x128xi32, #tpu.memory_space<vmem>>
    %dma_wait3A_1740 = tpu.memref_squeeze %dma_wait3A_1739 : memref<1x128xi32, #tpu.memory_space<vmem>> -> memref<128xi32, #tpu.memory_space<vmem>>
    %dma_wait3A_1741 = arith.constant 0 : i32
    %dma_wait3A_1742 = arith.constant 0 : i32
    %dma_wait3A_1743 = tpu.memref_slice %arg2[%dma_wait3A_1741, %dma_wait3A_1742] : memref<16384x64xf32, #tpu.memory_space<hbm>> -> memref<16384x64xf32, #tpu.memory_space<hbm>>
    tpu.wait_indirect_dma semaphore(%arg9 : memref<!tpu.dma_semaphore, #tpu.memory_space<semaphore_mem>>) src(%dma_wait3A_1743 : memref<16384x64xf32, #tpu.memory_space<hbm>>) dst(%dma_wait3A_1737 : memref<128x64xf32, #tpu.memory_space<vmem>>)
    %parallel_loop3A_1744 = arith.constant 0 : i32
    %parallel_loop3A_1745 = arith.constant 128 : i32
    %parallel_loop3A_1746 = arith.constant 1 : i32
    scf.for %parallel_loop3A_1788 = %parallel_loop3A_1744 to %parallel_loop3A_1745 step %parallel_loop3A_1746  : i32 {
      %parallel_loop3A_1789 = arith.constant 1 : i32
      %parallel_loop3A_1790 = arith.index_cast %parallel_loop3A_1789 : i32 to index
      %parallel_loop3A_1791 = arith.index_cast %parallel_loop3A_1788 : i32 to index
      %parallel_loop3A_1792 = arith.constant 0 : index
      %parallel_loop3A_1793 = tpu.vector_load %arg6[%parallel_loop3A_1790, %parallel_loop3A_1791, %parallel_loop3A_1792] {strides = array<i32>} : memref<2x128x64xf32, #tpu.memory_space<vmem>>, vector<1x1x16xf32>,
      %parallel_loop3A_1794 = vector.shape_cast %parallel_loop3A_1793 : vector<1x1x16xf32> to vector<16xf32>
      %parallel_loop3A_1795 = arith.constant 3 : i32
      %parallel_loop3A_1796 = arith.muli %parallel_loop3A_1795, %parallel_loop3A_1788 : i32
      %parallel_loop3A_1797 = arith.constant 1 : i32
      %parallel_loop3A_1798 = arith.index_cast %parallel_loop3A_1797 : i32 to index
      %parallel_loop3A_1799 = arith.index_cast %parallel_loop3A_1796 : i32 to index
      %parallel_loop3A_1800 = arith.constant 0 : index
      %parallel_loop3A_1801 = tpu.vector_load %arg7[%parallel_loop3A_1798, %parallel_loop3A_1799, %parallel_loop3A_1800] {strides = array<i32>} : memref<2x384x64xf32, #tpu.memory_space<vmem>>, vector<1x1x16xf32>,
      %parallel_loop3A_1802 = vector.shape_cast %parallel_loop3A_1801 : vector<1x1x16xf32> to vector<16xf32>
      %parallel_loop3A_1803 = arith.addf %parallel_loop3A_1794, %parallel_loop3A_1802 : vector<16xf32>
      %parallel_loop3A_1804 = arith.constant 3 : i32
      %parallel_loop3A_1805 = arith.muli %parallel_loop3A_1804, %parallel_loop3A_1788 : i32
      %parallel_loop3A_1806 = arith.constant 1 : i32
      %parallel_loop3A_1807 = arith.addi %parallel_loop3A_1805, %parallel_loop3A_1806 : i32
      %parallel_loop3A_1808 = arith.constant 1 : i32
      %parallel_loop3A_1809 = arith.index_cast %parallel_loop3A_1808 : i32 to index
      %parallel_loop3A_1810 = arith.index_cast %parallel_loop3A_1807 : i32 to index
      %parallel_loop3A_1811 = arith.constant 0 : index
      %parallel_loop3A_1812 = tpu.vector_load %arg7[%parallel_loop3A_1809, %parallel_loop3A_1810, %parallel_loop3A_1811] {strides = array<i32>} : memref<2x384x64xf32, #tpu.memory_space<vmem>>, vector<1x1x16xf32>,
      %parallel_loop3A_1813 = vector.shape_cast %parallel_loop3A_1812 : vector<1x1x16xf32> to vector<16xf32>
      %parallel_loop3A_1814 = arith.addf %parallel_loop3A_1803, %parallel_loop3A_1813 : vector<16xf32>
      %parallel_loop3A_1815 = arith.constant 3 : i32
      %parallel_loop3A_1816 = arith.muli %parallel_loop3A_1815, %parallel_loop3A_1788 : i32
      %parallel_loop3A_1817 = arith.constant 2 : i32
      %parallel_loop3A_1818 = arith.addi %parallel_loop3A_1816, %parallel_loop3A_1817 : i32
      %parallel_loop3A_1819 = arith.constant 1 : i32
      %parallel_loop3A_1820 = arith.index_cast %parallel_loop3A_1819 : i32 to index
      %parallel_loop3A_1821 = arith.index_cast %parallel_loop3A_1818 : i32 to index
      %parallel_loop3A_1822 = arith.constant 0 : index
      %parallel_loop3A_1823 = tpu.vector_load %arg7[%parallel_loop3A_1820, %parallel_loop3A_1821, %parallel_loop3A_1822] {strides = array<i32>} : memref<2x384x64xf32, #tpu.memory_space<vmem>>, vector<1x1x16xf32>,
      %parallel_loop3A_1824 = vector.shape_cast %parallel_loop3A_1823 : vector<1x1x16xf32> to vector<16xf32>
      %parallel_loop3A_1825 = arith.addf %parallel_loop3A_1814, %parallel_loop3A_1824 : vector<16xf32>
      %parallel_loop3A_1826 = arith.constant 1 : i32
      %parallel_loop3A_1827 = arith.index_cast %parallel_loop3A_1826 : i32 to index
      %parallel_loop3A_1828 = arith.index_cast %parallel_loop3A_1788 : i32 to index
      %parallel_loop3A_1829 = arith.constant 0 : index
      %parallel_loop3A_1830 = tpu.vector_load %arg6[%parallel_loop3A_1827, %parallel_loop3A_1828, %parallel_loop3A_1829] {strides = array<i32>} : memref<2x128x64xf32, #tpu.memory_space<vmem>>, vector<1x1x16xf32>,
      %parallel_loop3A_1831 = vector.shape_cast %parallel_loop3A_1830 : vector<1x1x16xf32> to vector<16xf32>
      %parallel_loop3A_1832 = vector.shape_cast %parallel_loop3A_1825 : vector<16xf32> to vector<1x1x16xf32>
      tpu.vector_store %arg6[%parallel_loop3A_1827, %parallel_loop3A_1828, %parallel_loop3A_1829], %parallel_loop3A_1832 {strides = array<i32>} : memref<2x128x64xf32, #tpu.memory_space<vmem>>, vector<1x1x16xf32>,
      %parallel_loop3A_1833 = arith.constant 1 : i32
      %parallel_loop3A_1834 = arith.index_cast %parallel_loop3A_1833 : i32 to index
      %parallel_loop3A_1835 = arith.index_cast %parallel_loop3A_1788 : i32 to index
      %parallel_loop3A_1836 = arith.constant 16 : index
      %parallel_loop3A_1837 = tpu.vector_load %arg6[%parallel_loop3A_1834, %parallel_loop3A_1835, %parallel_loop3A_1836] {strides = array<i32>} : memref<2x128x64xf32, #tpu.memory_space<vmem>>, vector<1x1x16xf32>,
      %parallel_loop3A_1838 = vector.shape_cast %parallel_loop3A_1837 : vector<1x1x16xf32> to vector<16xf32>
      %parallel_loop3A_1839 = arith.constant 3 : i32
      %parallel_loop3A_1840 = arith.muli %parallel_loop3A_1839, %parallel_loop3A_1788 : i32
      %parallel_loop3A_1841 = arith.constant 1 : i32
      %parallel_loop3A_1842 = arith.index_cast %parallel_loop3A_1841 : i32 to index
      %parallel_loop3A_1843 = arith.index_cast %parallel_loop3A_1840 : i32 to index
      %parallel_loop3A_1844 = arith.constant 16 : index
      %parallel_loop3A_1845 = tpu.vector_load %arg7[%parallel_loop3A_1842, %parallel_loop3A_1843, %parallel_loop3A_1844] {strides = array<i32>} : memref<2x384x64xf32, #tpu.memory_space<vmem>>, vector<1x1x16xf32>,
      %parallel_loop3A_1846 = vector.shape_cast %parallel_loop3A_1845 : vector<1x1x16xf32> to vector<16xf32>
      %parallel_loop3A_1847 = arith.addf %parallel_loop3A_1838, %parallel_loop3A_1846 : vector<16xf32>
      %parallel_loop3A_1848 = arith.constant 3 : i32
      %parallel_loop3A_1849 = arith.muli %parallel_loop3A_1848, %parallel_loop3A_1788 : i32
      %parallel_loop3A_1850 = arith.constant 1 : i32
      %parallel_loop3A_1851 = arith.addi %parallel_loop3A_1849, %parallel_loop3A_1850 : i32
      %parallel_loop3A_1852 = arith.constant 1 : i32
      %parallel_loop3A_1853 = arith.index_cast %parallel_loop3A_1852 : i32 to index
      %parallel_loop3A_1854 = arith.index_cast %parallel_loop3A_1851 : i32 to index
      %parallel_loop3A_1855 = arith.constant 16 : index
      %parallel_loop3A_1856 = tpu.vector_load %arg7[%parallel_loop3A_1853, %parallel_loop3A_1854, %parallel_loop3A_1855] {strides = array<i32>} : memref<2x384x64xf32, #tpu.memory_space<vmem>>, vector<1x1x16xf32>,
      %parallel_loop3A_1857 = vector.shape_cast %parallel_loop3A_1856 : vector<1x1x16xf32> to vector<16xf32>
      %parallel_loop3A_1858 = arith.addf %parallel_loop3A_1847, %parallel_loop3A_1857 : vector<16xf32>
      %parallel_loop3A_1859 = arith.constant 3 : i32
      %parallel_loop3A_1860 = arith.muli %parallel_loop3A_1859, %parallel_loop3A_1788 : i32
      %parallel_loop3A_1861 = arith.constant 2 : i32
      %parallel_loop3A_1862 = arith.addi %parallel_loop3A_1860, %parallel_loop3A_1861 : i32
      %parallel_loop3A_1863 = arith.constant 1 : i32
      %parallel_loop3A_1864 = arith.index_cast %parallel_loop3A_1863 : i32 to index
      %parallel_loop3A_1865 = arith.index_cast %parallel_loop3A_1862 : i32 to index
      %parallel_loop3A_1866 = arith.constant 16 : index
      %parallel_loop3A_1867 = tpu.vector_load %arg7[%parallel_loop3A_1864, %parallel_loop3A_1865, %parallel_loop3A_1866] {strides = array<i32>} : memref<2x384x64xf32, #tpu.memory_space<vmem>>, vector<1x1x16xf32>,
      %parallel_loop3A_1868 = vector.shape_cast %parallel_loop3A_1867 : vector<1x1x16xf32> to vector<16xf32>
      %parallel_loop3A_1869 = arith.addf %parallel_loop3A_1858, %parallel_loop3A_1868 : vector<16xf32>
      %parallel_loop3A_1870 = arith.constant 1 : i32
      %parallel_loop3A_1871 = arith.index_cast %parallel_loop3A_1870 : i32 to index
      %parallel_loop3A_1872 = arith.index_cast %parallel_loop3A_1788 : i32 to index
      %parallel_loop3A_1873 = arith.constant 16 : index
      %parallel_loop3A_1874 = tpu.vector_load %arg6[%parallel_loop3A_1871, %parallel_loop3A_1872, %parallel_loop3A_1873] {strides = array<i32>} : memref<2x128x64xf32, #tpu.memory_space<vmem>>, vector<1x1x16xf32>,
      %parallel_loop3A_1875 = vector.shape_cast %parallel_loop3A_1874 : vector<1x1x16xf32> to vector<16xf32>
      %parallel_loop3A_1876 = vector.shape_cast %parallel_loop3A_1869 : vector<16xf32> to vector<1x1x16xf32>
      tpu.vector_store %arg6[%parallel_loop3A_1871, %parallel_loop3A_1872, %parallel_loop3A_1873], %parallel_loop3A_1876 {strides = array<i32>} : memref<2x128x64xf32, #tpu.memory_space<vmem>>, vector<1x1x16xf32>,
      %parallel_loop3A_1877 = arith.constant 1 : i32
      %parallel_loop3A_1878 = arith.index_cast %parallel_loop3A_1877 : i32 to index
      %parallel_loop3A_1879 = arith.index_cast %parallel_loop3A_1788 : i32 to index
      %parallel_loop3A_1880 = arith.constant 32 : index
      %parallel_loop3A_1881 = tpu.vector_load %arg6[%parallel_loop3A_1878, %parallel_loop3A_1879, %parallel_loop3A_1880] {strides = array<i32>} : memref<2x128x64xf32, #tpu.memory_space<vmem>>, vector<1x1x16xf32>,
      %parallel_loop3A_1882 = vector.shape_cast %parallel_loop3A_1881 : vector<1x1x16xf32> to vector<16xf32>
      %parallel_loop3A_1883 = arith.constant 3 : i32
      %parallel_loop3A_1884 = arith.muli %parallel_loop3A_1883, %parallel_loop3A_1788 : i32
      %parallel_loop3A_1885 = arith.constant 1 : i32
      %parallel_loop3A_1886 = arith.index_cast %parallel_loop3A_1885 : i32 to index
      %parallel_loop3A_1887 = arith.index_cast %parallel_loop3A_1884 : i32 to index
      %parallel_loop3A_1888 = arith.constant 32 : index
      %parallel_loop3A_1889 = tpu.vector_load %arg7[%parallel_loop3A_1886, %parallel_loop3A_1887, %parallel_loop3A_1888] {strides = array<i32>} : memref<2x384x64xf32, #tpu.memory_space<vmem>>, vector<1x1x16xf32>,
      %parallel_loop3A_1890 = vector.shape_cast %parallel_loop3A_1889 : vector<1x1x16xf32> to vector<16xf32>
      %parallel_loop3A_1891 = arith.addf %parallel_loop3A_1882, %parallel_loop3A_1890 : vector<16xf32>
      %parallel_loop3A_1892 = arith.constant 3 : i32
      %parallel_loop3A_1893 = arith.muli %parallel_loop3A_1892, %parallel_loop3A_1788 : i32
      %parallel_loop3A_1894 = arith.constant 1 : i32
      %parallel_loop3A_1895 = arith.addi %parallel_loop3A_1893, %parallel_loop3A_1894 : i32
      %parallel_loop3A_1896 = arith.constant 1 : i32
      %parallel_loop3A_1897 = arith.index_cast %parallel_loop3A_1896 : i32 to index
      %parallel_loop3A_1898 = arith.index_cast %parallel_loop3A_1895 : i32 to index
      %parallel_loop3A_1899 = arith.constant 32 : index
      %parallel_loop3A_1900 = tpu.vector_load %arg7[%parallel_loop3A_1897, %parallel_loop3A_1898, %parallel_loop3A_1899] {strides = array<i32>} : memref<2x384x64xf32, #tpu.memory_space<vmem>>, vector<1x1x16xf32>,
      %parallel_loop3A_1901 = vector.shape_cast %parallel_loop3A_1900 : vector<1x1x16xf32> to vector<16xf32>
      %parallel_loop3A_1902 = arith.addf %parallel_loop3A_1891, %parallel_loop3A_1901 : vector<16xf32>
      %parallel_loop3A_1903 = arith.constant 3 : i32
      %parallel_loop3A_1904 = arith.muli %parallel_loop3A_1903, %parallel_loop3A_1788 : i32
      %parallel_loop3A_1905 = arith.constant 2 : i32
      %parallel_loop3A_1906 = arith.addi %parallel_loop3A_1904, %parallel_loop3A_1905 : i32
      %parallel_loop3A_1907 = arith.constant 1 : i32
      %parallel_loop3A_1908 = arith.index_cast %parallel_loop3A_1907 : i32 to index
      %parallel_loop3A_1909 = arith.index_cast %parallel_loop3A_1906 : i32 to index
      %parallel_loop3A_1910 = arith.constant 32 : index
      %parallel_loop3A_1911 = tpu.vector_load %arg7[%parallel_loop3A_1908, %parallel_loop3A_1909, %parallel_loop3A_1910] {strides = array<i32>} : memref<2x384x64xf32, #tpu.memory_space<vmem>>, vector<1x1x16xf32>,
      %parallel_loop3A_1912 = vector.shape_cast %parallel_loop3A_1911 : vector<1x1x16xf32> to vector<16xf32>
      %parallel_loop3A_1913 = arith.addf %parallel_loop3A_1902, %parallel_loop3A_1912 : vector<16xf32>
      %parallel_loop3A_1914 = arith.constant 1 : i32
      %parallel_loop3A_1915 = arith.index_cast %parallel_loop3A_1914 : i32 to index
      %parallel_loop3A_1916 = arith.index_cast %parallel_loop3A_1788 : i32 to index
      %parallel_loop3A_1917 = arith.constant 32 : index
      %parallel_loop3A_1918 = tpu.vector_load %arg6[%parallel_loop3A_1915, %parallel_loop3A_1916, %parallel_loop3A_1917] {strides = array<i32>} : memref<2x128x64xf32, #tpu.memory_space<vmem>>, vector<1x1x16xf32>,
      %parallel_loop3A_1919 = vector.shape_cast %parallel_loop3A_1918 : vector<1x1x16xf32> to vector<16xf32>
      %parallel_loop3A_1920 = vector.shape_cast %parallel_loop3A_1913 : vector<16xf32> to vector<1x1x16xf32>
      tpu.vector_store %arg6[%parallel_loop3A_1915, %parallel_loop3A_1916, %parallel_loop3A_1917], %parallel_loop3A_1920 {strides = array<i32>} : memref<2x128x64xf32, #tpu.memory_space<vmem>>, vector<1x1x16xf32>,
      %parallel_loop3A_1921 = arith.constant 1 : i32
      %parallel_loop3A_1922 = arith.index_cast %parallel_loop3A_1921 : i32 to index
      %parallel_loop3A_1923 = arith.index_cast %parallel_loop3A_1788 : i32 to index
      %parallel_loop3A_1924 = arith.constant 48 : index
      %parallel_loop3A_1925 = tpu.vector_load %arg6[%parallel_loop3A_1922, %parallel_loop3A_1923, %parallel_loop3A_1924] {strides = array<i32>} : memref<2x128x64xf32, #tpu.memory_space<vmem>>, vector<1x1x16xf32>,
      %parallel_loop3A_1926 = vector.shape_cast %parallel_loop3A_1925 : vector<1x1x16xf32> to vector<16xf32>
      %parallel_loop3A_1927 = arith.constant 3 : i32
      %parallel_loop3A_1928 = arith.muli %parallel_loop3A_1927, %parallel_loop3A_1788 : i32
      %parallel_loop3A_1929 = arith.constant 1 : i32
      %parallel_loop3A_1930 = arith.index_cast %parallel_loop3A_1929 : i32 to index
      %parallel_loop3A_1931 = arith.index_cast %parallel_loop3A_1928 : i32 to index
      %parallel_loop3A_1932 = arith.constant 48 : index
      %parallel_loop3A_1933 = tpu.vector_load %arg7[%parallel_loop3A_1930, %parallel_loop3A_1931, %parallel_loop3A_1932] {strides = array<i32>} : memref<2x384x64xf32, #tpu.memory_space<vmem>>, vector<1x1x16xf32>,
      %parallel_loop3A_1934 = vector.shape_cast %parallel_loop3A_1933 : vector<1x1x16xf32> to vector<16xf32>
      %parallel_loop3A_1935 = arith.addf %parallel_loop3A_1926, %parallel_loop3A_1934 : vector<16xf32>
      %parallel_loop3A_1936 = arith.constant 3 : i32
      %parallel_loop3A_1937 = arith.muli %parallel_loop3A_1936, %parallel_loop3A_1788 : i32
      %parallel_loop3A_1938 = arith.constant 1 : i32
      %parallel_loop3A_1939 = arith.addi %parallel_loop3A_1937, %parallel_loop3A_1938 : i32
      %parallel_loop3A_1940 = arith.constant 1 : i32
      %parallel_loop3A_1941 = arith.index_cast %parallel_loop3A_1940 : i32 to index
      %parallel_loop3A_1942 = arith.index_cast %parallel_loop3A_1939 : i32 to index
      %parallel_loop3A_1943 = arith.constant 48 : index
      %parallel_loop3A_1944 = tpu.vector_load %arg7[%parallel_loop3A_1941, %parallel_loop3A_1942, %parallel_loop3A_1943] {strides = array<i32>} : memref<2x384x64xf32, #tpu.memory_space<vmem>>, vector<1x1x16xf32>,
      %parallel_loop3A_1945 = vector.shape_cast %parallel_loop3A_1944 : vector<1x1x16xf32> to vector<16xf32>
      %parallel_loop3A_1946 = arith.addf %parallel_loop3A_1935, %parallel_loop3A_1945 : vector<16xf32>
      %parallel_loop3A_1947 = arith.constant 3 : i32
      %parallel_loop3A_1948 = arith.muli %parallel_loop3A_1947, %parallel_loop3A_1788 : i32
      %parallel_loop3A_1949 = arith.constant 2 : i32
      %parallel_loop3A_1950 = arith.addi %parallel_loop3A_1948, %parallel_loop3A_1949 : i32
      %parallel_loop3A_1951 = arith.constant 1 : i32
      %parallel_loop3A_1952 = arith.index_cast %parallel_loop3A_1951 : i32 to index
      %parallel_loop3A_1953 = arith.index_cast %parallel_loop3A_1950 : i32 to index
      %parallel_loop3A_1954 = arith.constant 48 : index
      %parallel_loop3A_1955 = tpu.vector_load %arg7[%parallel_loop3A_1952, %parallel_loop3A_1953, %parallel_loop3A_1954] {strides = array<i32>} : memref<2x384x64xf32, #tpu.memory_space<vmem>>, vector<1x1x16xf32>,
      %parallel_loop3A_1956 = vector.shape_cast %parallel_loop3A_1955 : vector<1x1x16xf32> to vector<16xf32>
      %parallel_loop3A_1957 = arith.addf %parallel_loop3A_1946, %parallel_loop3A_1956 : vector<16xf32>
      %parallel_loop3A_1958 = arith.constant 1 : i32
      %parallel_loop3A_1959 = arith.index_cast %parallel_loop3A_1958 : i32 to index
      %parallel_loop3A_1960 = arith.index_cast %parallel_loop3A_1788 : i32 to index
      %parallel_loop3A_1961 = arith.constant 48 : index
      %parallel_loop3A_1962 = tpu.vector_load %arg6[%parallel_loop3A_1959, %parallel_loop3A_1960, %parallel_loop3A_1961] {strides = array<i32>} : memref<2x128x64xf32, #tpu.memory_space<vmem>>, vector<1x1x16xf32>,
      %parallel_loop3A_1963 = vector.shape_cast %parallel_loop3A_1962 : vector<1x1x16xf32> to vector<16xf32>
      %parallel_loop3A_1964 = vector.shape_cast %parallel_loop3A_1957 : vector<16xf32> to vector<1x1x16xf32>
      tpu.vector_store %arg6[%parallel_loop3A_1959, %parallel_loop3A_1960, %parallel_loop3A_1961], %parallel_loop3A_1964 {strides = array<i32>} : memref<2x128x64xf32, #tpu.memory_space<vmem>>, vector<1x1x16xf32>,
    } {sc.loop_unroll_factor = 8 : i64, sc.parallel_access}
    %add3A_1747 = arith.constant 384 : i32
    %add3A_1748 = arith.addi %mul3A_20, %add3A_1747 : i32
    %dma_start3A_1749 = arith.constant 1 : i32
    %dma_start3A_1750 = arith.constant 0 : i32
    %dma_start3A_1751 = arith.constant 0 : i32
    %dma_start3A_1752 = tpu.memref_slice %arg6[%dma_start3A_1749, %dma_start3A_1750, %dma_start3A_1751] : memref<2x128x64xf32, #tpu.memory_space<vmem>> -> memref<1x128x64xf32, #tpu.memory_space<vmem>>
    %dma_start3A_1753 = tpu.memref_squeeze %dma_start3A_1752 : memref<1x128x64xf32, #tpu.memory_space<vmem>> -> memref<128x64xf32, #tpu.memory_space<vmem>>
    %dma_start3A_1754 = arith.constant 0 : i32
    %dma_start3A_1755 = tpu.memref_slice %arg4[%add3A_1748, %dma_start3A_1754] : memref<16384x64xf32, #tpu.memory_space<hbm>> -> memref<128x64xf32, #tpu.memory_space<hbm>>
    %dma_start3A_1756 = arith.constant 0 : i32
    %dma_start3A_1757 = tpu.memref_slice %arg4[%add3A_1748, %dma_start3A_1756] : memref<16384x64xf32, #tpu.memory_space<hbm>> -> memref<128x64xf32, #tpu.memory_space<hbm>>
    %dma_start3A_1758 = arith.constant 0 : i32
    %dma_start3A_1759 = arith.constant 0 : i32
    %dma_start3A_1760 = tpu.memref_slice %arg6[%dma_start3A_1749, %dma_start3A_1758, %dma_start3A_1759] : memref<2x128x64xf32, #tpu.memory_space<vmem>> -> memref<1x128x64xf32, #tpu.memory_space<vmem>>
    %dma_start3A_1761 = tpu.memref_squeeze %dma_start3A_1760 : memref<1x128x64xf32, #tpu.memory_space<vmem>> -> memref<128x64xf32, #tpu.memory_space<vmem>>
    tpu.enqueue_dma source(%dma_start3A_1761 : memref<128x64xf32, #tpu.memory_space<vmem>>) target(%dma_start3A_1757 : memref<128x64xf32, #tpu.memory_space<hbm>>) target_semaphore(%arg11 : memref<!tpu.dma_semaphore, #tpu.memory_space<semaphore_mem>>)
    %dma_wait3A_1762 = arith.constant 0 : i32
    %dma_wait3A_1763 = arith.constant 0 : i32
    %dma_wait3A_1764 = arith.constant 0 : i32
    %dma_wait3A_1765 = tpu.memref_slice %arg6[%dma_wait3A_1762, %dma_wait3A_1763, %dma_wait3A_1764] : memref<2x128x64xf32, #tpu.memory_space<vmem>> -> memref<1x128x64xf32, #tpu.memory_space<vmem>>
    %dma_wait3A_1766 = tpu.memref_squeeze %dma_wait3A_1765 : memref<1x128x64xf32, #tpu.memory_space<vmem>> -> memref<128x64xf32, #tpu.memory_space<vmem>>
    %dma_wait3A_1767 = arith.constant 0 : i32
    %dma_wait3A_1768 = tpu.memref_slice %arg4[%add3A_1681, %dma_wait3A_1767] : memref<16384x64xf32, #tpu.memory_space<hbm>> -> memref<128x64xf32, #tpu.memory_space<hbm>>
    %dma_wait3A_1769 = arith.constant 0 : i32
    %dma_wait3A_1770 = tpu.memref_slice %arg4[%add3A_1681, %dma_wait3A_1769] : memref<16384x64xf32, #tpu.memory_space<hbm>> -> memref<128x64xf32, #tpu.memory_space<hbm>>
    %dma_wait3A_1771 = arith.constant 0 : i32
    %dma_wait3A_1772 = arith.constant 0 : i32
    %dma_wait3A_1773 = tpu.memref_slice %arg6[%dma_wait3A_1762, %dma_wait3A_1771, %dma_wait3A_1772] : memref<2x128x64xf32, #tpu.memory_space<vmem>> -> memref<1x128x64xf32, #tpu.memory_space<vmem>>
    %dma_wait3A_1774 = tpu.memref_squeeze %dma_wait3A_1773 : memref<1x128x64xf32, #tpu.memory_space<vmem>> -> memref<128x64xf32, #tpu.memory_space<vmem>>
    tpu.wait_dma2 semaphore(%arg10 : memref<!tpu.dma_semaphore, #tpu.memory_space<semaphore_mem>>) src(%dma_wait3A_1774 : memref<128x64xf32, #tpu.memory_space<vmem>>) dst(%dma_wait3A_1770 : memref<128x64xf32, #tpu.memory_space<hbm>>)
    %dma_wait3A_1775 = arith.constant 1 : i32
    %dma_wait3A_1776 = arith.constant 0 : i32
    %dma_wait3A_1777 = arith.constant 0 : i32
    %dma_wait3A_1778 = tpu.memref_slice %arg6[%dma_wait3A_1775, %dma_wait3A_1776, %dma_wait3A_1777] : memref<2x128x64xf32, #tpu.memory_space<vmem>> -> memref<1x128x64xf32, #tpu.memory_space<vmem>>
    %dma_wait3A_1779 = tpu.memref_squeeze %dma_wait3A_1778 : memref<1x128x64xf32, #tpu.memory_space<vmem>> -> memref<128x64xf32, #tpu.memory_space<vmem>>
    %dma_wait3A_1780 = arith.constant 0 : i32
    %dma_wait3A_1781 = tpu.memref_slice %arg4[%add3A_1748, %dma_wait3A_1780] : memref<16384x64xf32, #tpu.memory_space<hbm>> -> memref<128x64xf32, #tpu.memory_space<hbm>>
    %dma_wait3A_1782 = arith.constant 0 : i32
    %dma_wait3A_1783 = tpu.memref_slice %arg4[%add3A_1748, %dma_wait3A_1782] : memref<16384x64xf32, #tpu.memory_space<hbm>> -> memref<128x64xf32, #tpu.memory_space<hbm>>
    %dma_wait3A_1784 = arith.constant 0 : i32
    %dma_wait3A_1785 = arith.constant 0 : i32
    %dma_wait3A_1786 = tpu.memref_slice %arg6[%dma_wait3A_1775, %dma_wait3A_1784, %dma_wait3A_1785] : memref<2x128x64xf32, #tpu.memory_space<vmem>> -> memref<1x128x64xf32, #tpu.memory_space<vmem>>
    %dma_wait3A_1787 = tpu.memref_squeeze %dma_wait3A_1786 : memref<1x128x64xf32, #tpu.memory_space<vmem>> -> memref<128x64xf32, #tpu.memory_space<vmem>>
    tpu.wait_dma2 semaphore(%arg11 : memref<!tpu.dma_semaphore, #tpu.memory_space<semaphore_mem>>) src(%dma_wait3A_1787 : memref<128x64xf32, #tpu.memory_space<vmem>>) dst(%dma_wait3A_1783 : memref<128x64xf32, #tpu.memory_space<hbm>>)
    return
  }
}

module attributes {stable_mosaic.version = 14 : i64} {
  func.func @_g_body(%arg0: i32, %arg1: memref<2x3x4096xf32, #tpu.memory_space<vmem>>, %arg2: memref<64x4xf32, #tpu.memory_space<vmem>>, %arg3: memref<64x4xf32, #tpu.memory_space<vmem>>, %arg4: memref<8192x64xf32, #tpu.memory_space<vmem>>, %arg5: memref<8x8192xf32, #tpu.memory_space<vmem>>, %arg6: memref<8x256xf32, #tpu.memory_space<vmem>>) attributes {dimension_semantics = [#tpu.dimension_semantics<arbitrary>], iteration_bounds = array<i64: 2>, scalar_prefetch = 0 : i64, scratch_operands = 2 : i64, tpu.core_type = #tpu.core_type<tc>, window_params = [{transform_indices = @transform_0, window_bounds = array<i64: 2, 3, 4096>}, {pipeline_mode = #tpu.pipeline_mode<synchronous>, transform_indices = @transform_1, window_bounds = array<i64: 64, 4>}, {pipeline_mode = #tpu.pipeline_mode<synchronous>, transform_indices = @transform_2, window_bounds = array<i64: 64, 4>}, {transform_indices = @transform_3, window_bounds = array<i64: 8192, 64>}]} {
    %get3A = arith.constant 0 : index
    %get3A_0 = arith.constant 0 : index
    %get3A_1 = arith.constant 0 : index
    %get3A_2 = vector.load %arg1[%get3A, %get3A_0, %get3A_1] : memref<2x3x4096xf32, #tpu.memory_space<vmem>>, vector<1x3x4096xf32>
    %get3A_3 = vector.shape_cast %get3A_2 : vector<1x3x4096xf32> to vector<3x4096xf32>
    %swap3A = arith.constant 0 : index
    %swap3A_4 = arith.constant 0 : index
    %swap3A_5 = vector.load %arg5[%swap3A, %swap3A_4] : memref<8x8192xf32, #tpu.memory_space<vmem>>, vector<3x4096xf32>
    tpu.vector_store %arg5[%swap3A, %swap3A_4], %get3A_3 {strides = array<i32>} : memref<8x8192xf32, #tpu.memory_space<vmem>>, vector<3x4096xf32>,
    %get3A_6 = arith.constant 1 : index
    %get3A_7 = arith.constant 0 : index
    %get3A_8 = arith.constant 0 : index
    %get3A_9 = vector.load %arg1[%get3A_6, %get3A_7, %get3A_8] : memref<2x3x4096xf32, #tpu.memory_space<vmem>>, vector<1x3x4096xf32>
    %get3A_10 = vector.shape_cast %get3A_9 : vector<1x3x4096xf32> to vector<3x4096xf32>
    %swap3A_11 = arith.constant 0 : index
    %swap3A_12 = arith.constant 4096 : index
    %swap3A_13 = vector.load %arg5[%swap3A_11, %swap3A_12] : memref<8x8192xf32, #tpu.memory_space<vmem>>, vector<3x4096xf32>
    tpu.vector_store %arg5[%swap3A_11, %swap3A_12], %get3A_10 {strides = array<i32>} : memref<8x8192xf32, #tpu.memory_space<vmem>>, vector<3x4096xf32>,
    %get3A_14 = arith.constant 0 : index
    %get3A_15 = arith.constant 0 : index
    %get3A_16 = vector.load %arg5[%get3A_14, %get3A_15] : memref<8x8192xf32, #tpu.memory_space<vmem>>, vector<3x8192xf32>
    %mul3A = arith.mulf %get3A_16, %get3A_16 : vector<3x8192xf32>
    %reduce_sum3A = arith.constant dense<0.000000e+00> : vector<8192xf32>
    %reduce_sum3A_17 = vector.multi_reduction <add>, %mul3A, %reduce_sum3A [0] : vector<3x8192xf32> to vector<8192xf32>
    %broadcast_in_dim3A = vector.shape_cast %reduce_sum3A_17 : vector<8192xf32> to vector<1x8192xf32>
    %swap3A_18 = arith.constant 3 : index
    %swap3A_19 = arith.constant 0 : index
    %swap3A_20 = vector.load %arg5[%swap3A_18, %swap3A_19] : memref<8x8192xf32, #tpu.memory_space<vmem>>, vector<1x8192xf32>
    tpu.vector_store %arg5[%swap3A_18, %swap3A_19], %broadcast_in_dim3A {strides = array<i32>} : memref<8x8192xf32, #tpu.memory_space<vmem>>, vector<1x8192xf32>,
    %broadcast_in_dim3A_21 = arith.constant 1.000000e+00 : f32
    %broadcast_in_dim3A_22 = vector.broadcast %broadcast_in_dim3A_21 : f32 to vector<1x8192xf32>
    %swap3A_23 = arith.constant 4 : index
    %swap3A_24 = arith.constant 0 : index
    %swap3A_25 = vector.load %arg5[%swap3A_23, %swap3A_24] : memref<8x8192xf32, #tpu.memory_space<vmem>>, vector<1x8192xf32>
    tpu.vector_store %arg5[%swap3A_23, %swap3A_24], %broadcast_in_dim3A_22 {strides = array<i32>} : memref<8x8192xf32, #tpu.memory_space<vmem>>, vector<1x8192xf32>,
    %broadcast_in_dim3A_26 = arith.constant 0.000000e+00 : f32
    %broadcast_in_dim3A_27 = vector.broadcast %broadcast_in_dim3A_26 : f32 to vector<3x8192xf32>
    %swap3A_28 = arith.constant 5 : index
    %swap3A_29 = arith.constant 0 : index
    %swap3A_30 = vector.load %arg5[%swap3A_28, %swap3A_29] : memref<8x8192xf32, #tpu.memory_space<vmem>>, vector<3x8192xf32>
    tpu.vector_store %arg5[%swap3A_28, %swap3A_29], %broadcast_in_dim3A_27 {strides = array<i32>} : memref<8x8192xf32, #tpu.memory_space<vmem>>, vector<3x8192xf32>,
    %get3A_31 = arith.constant 0 : index
    %get3A_32 = arith.constant 0 : index
    %get3A_33 = vector.load %arg2[%get3A_31, %get3A_32] : memref<64x4xf32, #tpu.memory_space<vmem>>, vector<64x4xf32>
    %transpose3A = tpu.transpose %get3A_33, [1, 0] : vector<64x4xf32> -> vector<4x64xf32>
    %get3A_34 = arith.constant 0 : index
    %get3A_35 = arith.constant 0 : index
    %get3A_36 = vector.load %arg3[%get3A_34, %get3A_35] : memref<64x4xf32, #tpu.memory_space<vmem>>, vector<64x4xf32>
    %transpose3A_37 = tpu.transpose %get3A_36, [1, 0] : vector<64x4xf32> -> vector<4x64xf32>
    %sin3A = math.sin %transpose3A : vector<4x64xf32>
    %cos3A = math.cos %transpose3A : vector<4x64xf32>
    %cos3A_38 = math.cos %transpose3A_37 : vector<4x64xf32>
    %mul3A_39 = arith.mulf %sin3A, %cos3A_38 : vector<4x64xf32>
    %sin3A_40 = math.sin %transpose3A_37 : vector<4x64xf32>
    %mul3A_41 = arith.mulf %sin3A, %sin3A_40 : vector<4x64xf32>
    %mul3A_42 = arith.mulf %mul3A_39, %mul3A_39 : vector<4x64xf32>
    %mul3A_43 = arith.mulf %mul3A_41, %mul3A_41 : vector<4x64xf32>
    %add3A = arith.addf %mul3A_42, %mul3A_43 : vector<4x64xf32>
    %mul3A_44 = arith.mulf %cos3A, %cos3A : vector<4x64xf32>
    %add3A_45 = arith.addf %add3A, %mul3A_44 : vector<4x64xf32>
    %slice3A = vector.extract_strided_slice %mul3A_39 {offsets = [0, 0], sizes = [1, 64], strides = [1, 1]} : vector<4x64xf32> to vector<1x64xf32>
    %mul3A_46 = arith.constant 2.500000e+01 : f32
    %mul3A_47 = vector.broadcast %mul3A_46 : f32 to vector<1x64xf32>
    %mul3A_48 = arith.mulf %mul3A_47, %slice3A : vector<1x64xf32>
    %swap3A_49 = arith.constant 0 : index
    %swap3A_50 = arith.constant 0 : index
    %swap3A_51 = vector.load %arg6[%swap3A_49, %swap3A_50] : memref<8x256xf32, #tpu.memory_space<vmem>>, vector<1x64xf32>
    tpu.vector_store %arg6[%swap3A_49, %swap3A_50], %mul3A_48 {strides = array<i32>} : memref<8x256xf32, #tpu.memory_space<vmem>>, vector<1x64xf32>,
    %slice3A_52 = vector.extract_strided_slice %mul3A_41 {offsets = [0, 0], sizes = [1, 64], strides = [1, 1]} : vector<4x64xf32> to vector<1x64xf32>
    %mul3A_53 = arith.constant 2.500000e+01 : f32
    %mul3A_54 = vector.broadcast %mul3A_53 : f32 to vector<1x64xf32>
    %mul3A_55 = arith.mulf %mul3A_54, %slice3A_52 : vector<1x64xf32>
    %swap3A_56 = arith.constant 1 : index
    %swap3A_57 = arith.constant 0 : index
    %swap3A_58 = vector.load %arg6[%swap3A_56, %swap3A_57] : memref<8x256xf32, #tpu.memory_space<vmem>>, vector<1x64xf32>
    tpu.vector_store %arg6[%swap3A_56, %swap3A_57], %mul3A_55 {strides = array<i32>} : memref<8x256xf32, #tpu.memory_space<vmem>>, vector<1x64xf32>,
    %slice3A_59 = vector.extract_strided_slice %cos3A {offsets = [0, 0], sizes = [1, 64], strides = [1, 1]} : vector<4x64xf32> to vector<1x64xf32>
    %mul3A_60 = arith.constant 2.500000e+01 : f32
    %mul3A_61 = vector.broadcast %mul3A_60 : f32 to vector<1x64xf32>
    %mul3A_62 = arith.mulf %mul3A_61, %slice3A_59 : vector<1x64xf32>
    %swap3A_63 = arith.constant 2 : index
    %swap3A_64 = arith.constant 0 : index
    %swap3A_65 = vector.load %arg6[%swap3A_63, %swap3A_64] : memref<8x256xf32, #tpu.memory_space<vmem>>, vector<1x64xf32>
    tpu.vector_store %arg6[%swap3A_63, %swap3A_64], %mul3A_62 {strides = array<i32>} : memref<8x256xf32, #tpu.memory_space<vmem>>, vector<1x64xf32>,
    %broadcast_in_dim3A_66 = arith.constant -1.250000e+01 : f32
    %broadcast_in_dim3A_67 = vector.broadcast %broadcast_in_dim3A_66 : f32 to vector<1x64xf32>
    %swap3A_68 = arith.constant 3 : index
    %swap3A_69 = arith.constant 0 : index
    %swap3A_70 = vector.load %arg6[%swap3A_68, %swap3A_69] : memref<8x256xf32, #tpu.memory_space<vmem>>, vector<1x64xf32>
    tpu.vector_store %arg6[%swap3A_68, %swap3A_69], %broadcast_in_dim3A_67 {strides = array<i32>} : memref<8x256xf32, #tpu.memory_space<vmem>>, vector<1x64xf32>,
    %slice3A_71 = vector.extract_strided_slice %add3A_45 {offsets = [0, 0], sizes = [1, 64], strides = [1, 1]} : vector<4x64xf32> to vector<1x64xf32>
    %mul3A_72 = arith.constant -1.250000e+01 : f32
    %mul3A_73 = vector.broadcast %mul3A_72 : f32 to vector<1x64xf32>
    %mul3A_74 = arith.mulf %mul3A_73, %slice3A_71 : vector<1x64xf32>
    %swap3A_75 = arith.constant 4 : index
    %swap3A_76 = arith.constant 0 : index
    %swap3A_77 = vector.load %arg6[%swap3A_75, %swap3A_76] : memref<8x256xf32, #tpu.memory_space<vmem>>, vector<1x64xf32>
    tpu.vector_store %arg6[%swap3A_75, %swap3A_76], %mul3A_74 {strides = array<i32>} : memref<8x256xf32, #tpu.memory_space<vmem>>, vector<1x64xf32>,
    %broadcast_in_dim3A_78 = arith.constant 0.000000e+00 : f32
    %broadcast_in_dim3A_79 = vector.broadcast %broadcast_in_dim3A_78 : f32 to vector<3x64xf32>
    %swap3A_80 = arith.constant 5 : index
    %swap3A_81 = arith.constant 0 : index
    %swap3A_82 = vector.load %arg6[%swap3A_80, %swap3A_81] : memref<8x256xf32, #tpu.memory_space<vmem>>, vector<3x64xf32>
    tpu.vector_store %arg6[%swap3A_80, %swap3A_81], %broadcast_in_dim3A_79 {strides = array<i32>} : memref<8x256xf32, #tpu.memory_space<vmem>>, vector<3x64xf32>,
    %slice3A_83 = vector.extract_strided_slice %mul3A_39 {offsets = [1, 0], sizes = [1, 64], strides = [1, 1]} : vector<4x64xf32> to vector<1x64xf32>
    %mul3A_84 = arith.constant 2.500000e+01 : f32
    %mul3A_85 = vector.broadcast %mul3A_84 : f32 to vector<1x64xf32>
    %mul3A_86 = arith.mulf %mul3A_85, %slice3A_83 : vector<1x64xf32>
    %swap3A_87 = arith.constant 0 : index
    %swap3A_88 = arith.constant 64 : index
    %swap3A_89 = vector.load %arg6[%swap3A_87, %swap3A_88] : memref<8x256xf32, #tpu.memory_space<vmem>>, vector<1x64xf32>
    tpu.vector_store %arg6[%swap3A_87, %swap3A_88], %mul3A_86 {strides = array<i32>} : memref<8x256xf32, #tpu.memory_space<vmem>>, vector<1x64xf32>,
    %slice3A_90 = vector.extract_strided_slice %mul3A_41 {offsets = [1, 0], sizes = [1, 64], strides = [1, 1]} : vector<4x64xf32> to vector<1x64xf32>
    %mul3A_91 = arith.constant 2.500000e+01 : f32
    %mul3A_92 = vector.broadcast %mul3A_91 : f32 to vector<1x64xf32>
    %mul3A_93 = arith.mulf %mul3A_92, %slice3A_90 : vector<1x64xf32>
    %swap3A_94 = arith.constant 1 : index
    %swap3A_95 = arith.constant 64 : index
    %swap3A_96 = vector.load %arg6[%swap3A_94, %swap3A_95] : memref<8x256xf32, #tpu.memory_space<vmem>>, vector<1x64xf32>
    tpu.vector_store %arg6[%swap3A_94, %swap3A_95], %mul3A_93 {strides = array<i32>} : memref<8x256xf32, #tpu.memory_space<vmem>>, vector<1x64xf32>,
    %slice3A_97 = vector.extract_strided_slice %cos3A {offsets = [1, 0], sizes = [1, 64], strides = [1, 1]} : vector<4x64xf32> to vector<1x64xf32>
    %mul3A_98 = arith.constant 2.500000e+01 : f32
    %mul3A_99 = vector.broadcast %mul3A_98 : f32 to vector<1x64xf32>
    %mul3A_100 = arith.mulf %mul3A_99, %slice3A_97 : vector<1x64xf32>
    %swap3A_101 = arith.constant 2 : index
    %swap3A_102 = arith.constant 64 : index
    %swap3A_103 = vector.load %arg6[%swap3A_101, %swap3A_102] : memref<8x256xf32, #tpu.memory_space<vmem>>, vector<1x64xf32>
    tpu.vector_store %arg6[%swap3A_101, %swap3A_102], %mul3A_100 {strides = array<i32>} : memref<8x256xf32, #tpu.memory_space<vmem>>, vector<1x64xf32>,
    %broadcast_in_dim3A_104 = arith.constant -1.250000e+01 : f32
    %broadcast_in_dim3A_105 = vector.broadcast %broadcast_in_dim3A_104 : f32 to vector<1x64xf32>
    %swap3A_106 = arith.constant 3 : index
    %swap3A_107 = arith.constant 64 : index
    %swap3A_108 = vector.load %arg6[%swap3A_106, %swap3A_107] : memref<8x256xf32, #tpu.memory_space<vmem>>, vector<1x64xf32>
    tpu.vector_store %arg6[%swap3A_106, %swap3A_107], %broadcast_in_dim3A_105 {strides = array<i32>} : memref<8x256xf32, #tpu.memory_space<vmem>>, vector<1x64xf32>,
    %slice3A_109 = vector.extract_strided_slice %add3A_45 {offsets = [1, 0], sizes = [1, 64], strides = [1, 1]} : vector<4x64xf32> to vector<1x64xf32>
    %mul3A_110 = arith.constant -1.250000e+01 : f32
    %mul3A_111 = vector.broadcast %mul3A_110 : f32 to vector<1x64xf32>
    %mul3A_112 = arith.mulf %mul3A_111, %slice3A_109 : vector<1x64xf32>
    %swap3A_113 = arith.constant 4 : index
    %swap3A_114 = arith.constant 64 : index
    %swap3A_115 = vector.load %arg6[%swap3A_113, %swap3A_114] : memref<8x256xf32, #tpu.memory_space<vmem>>, vector<1x64xf32>
    tpu.vector_store %arg6[%swap3A_113, %swap3A_114], %mul3A_112 {strides = array<i32>} : memref<8x256xf32, #tpu.memory_space<vmem>>, vector<1x64xf32>,
    %broadcast_in_dim3A_116 = arith.constant 0.000000e+00 : f32
    %broadcast_in_dim3A_117 = vector.broadcast %broadcast_in_dim3A_116 : f32 to vector<3x64xf32>
    %swap3A_118 = arith.constant 5 : index
    %swap3A_119 = arith.constant 64 : index
    %swap3A_120 = vector.load %arg6[%swap3A_118, %swap3A_119] : memref<8x256xf32, #tpu.memory_space<vmem>>, vector<3x64xf32>
    tpu.vector_store %arg6[%swap3A_118, %swap3A_119], %broadcast_in_dim3A_117 {strides = array<i32>} : memref<8x256xf32, #tpu.memory_space<vmem>>, vector<3x64xf32>,
    %slice3A_121 = vector.extract_strided_slice %mul3A_39 {offsets = [2, 0], sizes = [1, 64], strides = [1, 1]} : vector<4x64xf32> to vector<1x64xf32>
    %mul3A_122 = arith.constant 2.500000e+01 : f32
    %mul3A_123 = vector.broadcast %mul3A_122 : f32 to vector<1x64xf32>
    %mul3A_124 = arith.mulf %mul3A_123, %slice3A_121 : vector<1x64xf32>
    %swap3A_125 = arith.constant 0 : index
    %swap3A_126 = arith.constant 128 : index
    %swap3A_127 = vector.load %arg6[%swap3A_125, %swap3A_126] : memref<8x256xf32, #tpu.memory_space<vmem>>, vector<1x64xf32>
    tpu.vector_store %arg6[%swap3A_125, %swap3A_126], %mul3A_124 {strides = array<i32>} : memref<8x256xf32, #tpu.memory_space<vmem>>, vector<1x64xf32>,
    %slice3A_128 = vector.extract_strided_slice %mul3A_41 {offsets = [2, 0], sizes = [1, 64], strides = [1, 1]} : vector<4x64xf32> to vector<1x64xf32>
    %mul3A_129 = arith.constant 2.500000e+01 : f32
    %mul3A_130 = vector.broadcast %mul3A_129 : f32 to vector<1x64xf32>
    %mul3A_131 = arith.mulf %mul3A_130, %slice3A_128 : vector<1x64xf32>
    %swap3A_132 = arith.constant 1 : index
    %swap3A_133 = arith.constant 128 : index
    %swap3A_134 = vector.load %arg6[%swap3A_132, %swap3A_133] : memref<8x256xf32, #tpu.memory_space<vmem>>, vector<1x64xf32>
    tpu.vector_store %arg6[%swap3A_132, %swap3A_133], %mul3A_131 {strides = array<i32>} : memref<8x256xf32, #tpu.memory_space<vmem>>, vector<1x64xf32>,
    %slice3A_135 = vector.extract_strided_slice %cos3A {offsets = [2, 0], sizes = [1, 64], strides = [1, 1]} : vector<4x64xf32> to vector<1x64xf32>
    %mul3A_136 = arith.constant 2.500000e+01 : f32
    %mul3A_137 = vector.broadcast %mul3A_136 : f32 to vector<1x64xf32>
    %mul3A_138 = arith.mulf %mul3A_137, %slice3A_135 : vector<1x64xf32>
    %swap3A_139 = arith.constant 2 : index
    %swap3A_140 = arith.constant 128 : index
    %swap3A_141 = vector.load %arg6[%swap3A_139, %swap3A_140] : memref<8x256xf32, #tpu.memory_space<vmem>>, vector<1x64xf32>
    tpu.vector_store %arg6[%swap3A_139, %swap3A_140], %mul3A_138 {strides = array<i32>} : memref<8x256xf32, #tpu.memory_space<vmem>>, vector<1x64xf32>,
    %broadcast_in_dim3A_142 = arith.constant -1.250000e+01 : f32
    %broadcast_in_dim3A_143 = vector.broadcast %broadcast_in_dim3A_142 : f32 to vector<1x64xf32>
    %swap3A_144 = arith.constant 3 : index
    %swap3A_145 = arith.constant 128 : index
    %swap3A_146 = vector.load %arg6[%swap3A_144, %swap3A_145] : memref<8x256xf32, #tpu.memory_space<vmem>>, vector<1x64xf32>
    tpu.vector_store %arg6[%swap3A_144, %swap3A_145], %broadcast_in_dim3A_143 {strides = array<i32>} : memref<8x256xf32, #tpu.memory_space<vmem>>, vector<1x64xf32>,
    %slice3A_147 = vector.extract_strided_slice %add3A_45 {offsets = [2, 0], sizes = [1, 64], strides = [1, 1]} : vector<4x64xf32> to vector<1x64xf32>
    %mul3A_148 = arith.constant -1.250000e+01 : f32
    %mul3A_149 = vector.broadcast %mul3A_148 : f32 to vector<1x64xf32>
    %mul3A_150 = arith.mulf %mul3A_149, %slice3A_147 : vector<1x64xf32>
    %swap3A_151 = arith.constant 4 : index
    %swap3A_152 = arith.constant 128 : index
    %swap3A_153 = vector.load %arg6[%swap3A_151, %swap3A_152] : memref<8x256xf32, #tpu.memory_space<vmem>>, vector<1x64xf32>
    tpu.vector_store %arg6[%swap3A_151, %swap3A_152], %mul3A_150 {strides = array<i32>} : memref<8x256xf32, #tpu.memory_space<vmem>>, vector<1x64xf32>,
    %broadcast_in_dim3A_154 = arith.constant 0.000000e+00 : f32
    %broadcast_in_dim3A_155 = vector.broadcast %broadcast_in_dim3A_154 : f32 to vector<3x64xf32>
    %swap3A_156 = arith.constant 5 : index
    %swap3A_157 = arith.constant 128 : index
    %swap3A_158 = vector.load %arg6[%swap3A_156, %swap3A_157] : memref<8x256xf32, #tpu.memory_space<vmem>>, vector<3x64xf32>
    tpu.vector_store %arg6[%swap3A_156, %swap3A_157], %broadcast_in_dim3A_155 {strides = array<i32>} : memref<8x256xf32, #tpu.memory_space<vmem>>, vector<3x64xf32>,
    %slice3A_159 = vector.extract_strided_slice %mul3A_39 {offsets = [3, 0], sizes = [1, 64], strides = [1, 1]} : vector<4x64xf32> to vector<1x64xf32>
    %mul3A_160 = arith.constant 2.500000e+01 : f32
    %mul3A_161 = vector.broadcast %mul3A_160 : f32 to vector<1x64xf32>
    %mul3A_162 = arith.mulf %mul3A_161, %slice3A_159 : vector<1x64xf32>
    %swap3A_163 = arith.constant 0 : index
    %swap3A_164 = arith.constant 192 : index
    %swap3A_165 = vector.load %arg6[%swap3A_163, %swap3A_164] : memref<8x256xf32, #tpu.memory_space<vmem>>, vector<1x64xf32>
    tpu.vector_store %arg6[%swap3A_163, %swap3A_164], %mul3A_162 {strides = array<i32>} : memref<8x256xf32, #tpu.memory_space<vmem>>, vector<1x64xf32>,
    %slice3A_166 = vector.extract_strided_slice %mul3A_41 {offsets = [3, 0], sizes = [1, 64], strides = [1, 1]} : vector<4x64xf32> to vector<1x64xf32>
    %mul3A_167 = arith.constant 2.500000e+01 : f32
    %mul3A_168 = vector.broadcast %mul3A_167 : f32 to vector<1x64xf32>
    %mul3A_169 = arith.mulf %mul3A_168, %slice3A_166 : vector<1x64xf32>
    %swap3A_170 = arith.constant 1 : index
    %swap3A_171 = arith.constant 192 : index
    %swap3A_172 = vector.load %arg6[%swap3A_170, %swap3A_171] : memref<8x256xf32, #tpu.memory_space<vmem>>, vector<1x64xf32>
    tpu.vector_store %arg6[%swap3A_170, %swap3A_171], %mul3A_169 {strides = array<i32>} : memref<8x256xf32, #tpu.memory_space<vmem>>, vector<1x64xf32>,
    %slice3A_173 = vector.extract_strided_slice %cos3A {offsets = [3, 0], sizes = [1, 64], strides = [1, 1]} : vector<4x64xf32> to vector<1x64xf32>
    %mul3A_174 = arith.constant 2.500000e+01 : f32
    %mul3A_175 = vector.broadcast %mul3A_174 : f32 to vector<1x64xf32>
    %mul3A_176 = arith.mulf %mul3A_175, %slice3A_173 : vector<1x64xf32>
    %swap3A_177 = arith.constant 2 : index
    %swap3A_178 = arith.constant 192 : index
    %swap3A_179 = vector.load %arg6[%swap3A_177, %swap3A_178] : memref<8x256xf32, #tpu.memory_space<vmem>>, vector<1x64xf32>
    tpu.vector_store %arg6[%swap3A_177, %swap3A_178], %mul3A_176 {strides = array<i32>} : memref<8x256xf32, #tpu.memory_space<vmem>>, vector<1x64xf32>,
    %broadcast_in_dim3A_180 = arith.constant -1.250000e+01 : f32
    %broadcast_in_dim3A_181 = vector.broadcast %broadcast_in_dim3A_180 : f32 to vector<1x64xf32>
    %swap3A_182 = arith.constant 3 : index
    %swap3A_183 = arith.constant 192 : index
    %swap3A_184 = vector.load %arg6[%swap3A_182, %swap3A_183] : memref<8x256xf32, #tpu.memory_space<vmem>>, vector<1x64xf32>
    tpu.vector_store %arg6[%swap3A_182, %swap3A_183], %broadcast_in_dim3A_181 {strides = array<i32>} : memref<8x256xf32, #tpu.memory_space<vmem>>, vector<1x64xf32>,
    %slice3A_185 = vector.extract_strided_slice %add3A_45 {offsets = [3, 0], sizes = [1, 64], strides = [1, 1]} : vector<4x64xf32> to vector<1x64xf32>
    %mul3A_186 = arith.constant -1.250000e+01 : f32
    %mul3A_187 = vector.broadcast %mul3A_186 : f32 to vector<1x64xf32>
    %mul3A_188 = arith.mulf %mul3A_187, %slice3A_185 : vector<1x64xf32>
    %swap3A_189 = arith.constant 4 : index
    %swap3A_190 = arith.constant 192 : index
    %swap3A_191 = vector.load %arg6[%swap3A_189, %swap3A_190] : memref<8x256xf32, #tpu.memory_space<vmem>>, vector<1x64xf32>
    tpu.vector_store %arg6[%swap3A_189, %swap3A_190], %mul3A_188 {strides = array<i32>} : memref<8x256xf32, #tpu.memory_space<vmem>>, vector<1x64xf32>,
    %broadcast_in_dim3A_192 = arith.constant 0.000000e+00 : f32
    %broadcast_in_dim3A_193 = vector.broadcast %broadcast_in_dim3A_192 : f32 to vector<3x64xf32>
    %swap3A_194 = arith.constant 5 : index
    %swap3A_195 = arith.constant 192 : index
    %swap3A_196 = vector.load %arg6[%swap3A_194, %swap3A_195] : memref<8x256xf32, #tpu.memory_space<vmem>>, vector<3x64xf32>
    tpu.vector_store %arg6[%swap3A_194, %swap3A_195], %broadcast_in_dim3A_193 {strides = array<i32>} : memref<8x256xf32, #tpu.memory_space<vmem>>, vector<3x64xf32>,
    %get3A_197 = arith.constant 0 : index
    %get3A_198 = arith.constant 0 : index
    %get3A_199 = vector.load %arg5[%get3A_197, %get3A_198] : memref<8x8192xf32, #tpu.memory_space<vmem>>, vector<8x8192xf32>
    %get3A_200 = arith.constant 0 : index
    %get3A_201 = arith.constant 0 : index
    %get3A_202 = vector.load %arg6[%get3A_200, %get3A_201] : memref<8x256xf32, #tpu.memory_space<vmem>>, vector<8x256xf32>
    %dot_general3A = arith.constant dense<0.000000e+00> : vector<8192x256xf32>
    %dot_general3A_203 = tpu.matmul %get3A_199, %get3A_202, %dot_general3A {dimension_numbers = #tpu.dot_dimension_numbers<[0], [0], [1], [1], [0, 1, 1, 1], [], []>, precision = #tpu.contract_precision<fp32>, transpose_lhs_hint = false} : vector<8x8192xf32>, vector<8x256xf32>, vector<8192x256xf32> -> vector<8192x256xf32>
    %exp3A = math.exp %dot_general3A_203 : vector<8192x256xf32>
    %slice3A_204 = vector.extract_strided_slice %exp3A {offsets = [0, 0], sizes = [8192, 64], strides = [1, 1]} : vector<8192x256xf32> to vector<8192x64xf32>
    %slice3A_205 = vector.extract_strided_slice %exp3A {offsets = [0, 64], sizes = [8192, 64], strides = [1, 1]} : vector<8192x256xf32> to vector<8192x64xf32>
    %add3A_206 = arith.addf %slice3A_204, %slice3A_205 : vector<8192x64xf32>
    %slice3A_207 = vector.extract_strided_slice %exp3A {offsets = [0, 128], sizes = [8192, 64], strides = [1, 1]} : vector<8192x256xf32> to vector<8192x64xf32>
    %add3A_208 = arith.addf %add3A_206, %slice3A_207 : vector<8192x64xf32>
    %slice3A_209 = vector.extract_strided_slice %exp3A {offsets = [0, 192], sizes = [8192, 64], strides = [1, 1]} : vector<8192x256xf32> to vector<8192x64xf32>
    %add3A_210 = arith.addf %add3A_208, %slice3A_209 : vector<8192x64xf32>
    %swap3A_211 = arith.constant 0 : index
    %swap3A_212 = arith.constant 0 : index
    %swap3A_213 = vector.load %arg4[%swap3A_211, %swap3A_212] : memref<8192x64xf32, #tpu.memory_space<vmem>>, vector<8192x64xf32>
    tpu.vector_store %arg4[%swap3A_211, %swap3A_212], %add3A_210 {strides = array<i32>} : memref<8192x64xf32, #tpu.memory_space<vmem>>, vector<8192x64xf32>,
    return
  }
  func.func @transform_0(%arg0: i32) -> (i32, i32, i32) {
    %c0_i32 = arith.constant 0 : i32
    %c0_i32_0 = arith.constant 0 : i32
    %c0_i32_1 = arith.constant 0 : i32
    return %arg0, %c0_i32, %c0_i32_0 : i32, i32, i32
  }
  func.func @transform_1(%arg0: i32) -> (i32, i32) {
    %c0_i32 = arith.constant 0 : i32
    %c0_i32_0 = arith.constant 0 : i32
    %c0_i32_1 = arith.constant 0 : i32
    return %c0_i32, %c0_i32_0 : i32, i32
  }
  func.func @transform_2(%arg0: i32) -> (i32, i32) {
    %c0_i32 = arith.constant 0 : i32
    %c0_i32_0 = arith.constant 0 : i32
    %c0_i32_1 = arith.constant 0 : i32
    return %c0_i32, %c0_i32_0 : i32, i32
  }
  func.func @transform_3(%arg0: i32) -> (i32, i32) {
    %c0_i32 = arith.constant 0 : i32
    %c0_i32_0 = arith.constant 0 : i32
    return %arg0, %c0_i32 : i32, i32
  }
}

module attributes {stable_mosaic.version = 14 : i64} {
  func.func @_bn_body(%arg0: memref<16384x64xf32, #tpu.memory_space<vmem>>, %arg1: memref<1x64xf32, #tpu.memory_space<vmem>>, %arg2: memref<1x64xf32, #tpu.memory_space<vmem>>, %arg3: memref<4x64x4096xf32, #tpu.memory_space<vmem>>) attributes {dimension_semantics = [], scalar_prefetch = 0 : i64, scratch_operands = 0 : i64, tpu.core_type = #tpu.core_type<tc>} {
    %get3A = arith.constant 0 : index
    %get3A_0 = arith.constant 0 : index
    %get3A_1 = vector.load %arg0[%get3A, %get3A_0] : memref<16384x64xf32, #tpu.memory_space<vmem>>, vector<16384x64xf32>
    %mul3A = arith.constant 6.250000e-02 : f32
    %mul3A_2 = vector.broadcast %mul3A : f32 to vector<16384x64xf32>
    %mul3A_3 = arith.mulf %get3A_1, %mul3A_2 : vector<16384x64xf32>
    %reduce_sum3A = arith.constant dense<0.000000e+00> : vector<64xf32>
    %reduce_sum3A_4 = vector.multi_reduction <add>, %mul3A_3, %reduce_sum3A [0] : vector<16384x64xf32> to vector<64xf32>
    %broadcast_in_dim3A = vector.shape_cast %reduce_sum3A_4 : vector<64xf32> to vector<1x64xf32>
    %div3A = arith.constant 1.638400e+04 : f32
    %div3A_5 = vector.broadcast %div3A : f32 to vector<1x64xf32>
    %div3A_6 = arith.divf %broadcast_in_dim3A, %div3A_5 : vector<1x64xf32>
    %sub3A = vector.broadcast %div3A_6 : vector<1x64xf32> to vector<16384x64xf32>
    %sub3A_7 = arith.subf %mul3A_3, %sub3A : vector<16384x64xf32>
    %mul3A_8 = arith.mulf %sub3A_7, %sub3A_7 : vector<16384x64xf32>
    %reduce_sum3A_9 = arith.constant dense<0.000000e+00> : vector<64xf32>
    %reduce_sum3A_10 = vector.multi_reduction <add>, %mul3A_8, %reduce_sum3A_9 [0] : vector<16384x64xf32> to vector<64xf32>
    %broadcast_in_dim3A_11 = vector.shape_cast %reduce_sum3A_10 : vector<64xf32> to vector<1x64xf32>
    %div3A_12 = arith.constant 1.638400e+04 : f32
    %div3A_13 = vector.broadcast %div3A_12 : f32 to vector<1x64xf32>
    %div3A_14 = arith.divf %broadcast_in_dim3A_11, %div3A_13 : vector<1x64xf32>
    %get3A_15 = arith.constant 0 : index
    %get3A_16 = arith.constant 0 : index
    %get3A_17 = vector.load %arg1[%get3A_15, %get3A_16] : memref<1x64xf32, #tpu.memory_space<vmem>>, vector<1x64xf32>
    %add3A = arith.constant 9.99999974E-6 : f32
    %add3A_18 = vector.broadcast %add3A : f32 to vector<1x64xf32>
    %add3A_19 = arith.addf %div3A_14, %add3A_18 : vector<1x64xf32>
    %rsqrt3A = math.rsqrt %add3A_19 : vector<1x64xf32>
    %mul3A_20 = arith.mulf %get3A_17, %rsqrt3A : vector<1x64xf32>
    %mul3A_21 = vector.broadcast %mul3A_20 : vector<1x64xf32> to vector<16384x64xf32>
    %mul3A_22 = arith.mulf %sub3A_7, %mul3A_21 : vector<16384x64xf32>
    %get3A_23 = arith.constant 0 : index
    %get3A_24 = arith.constant 0 : index
    %get3A_25 = vector.load %arg2[%get3A_23, %get3A_24] : memref<1x64xf32, #tpu.memory_space<vmem>>, vector<1x64xf32>
    %add3A_26 = vector.broadcast %get3A_25 : vector<1x64xf32> to vector<16384x64xf32>
    %add3A_27 = arith.addf %mul3A_22, %add3A_26 : vector<16384x64xf32>
    %max3A = arith.constant 0.000000e+00 : f32
    %max3A_28 = vector.broadcast %max3A : f32 to vector<16384x64xf32>
    %max3A_29 = arith.maximumf %add3A_27, %max3A_28 : vector<16384x64xf32>
    %slice3A = vector.extract_strided_slice %max3A_29 {offsets = [0, 0], sizes = [4096, 64], strides = [1, 1]} : vector<16384x64xf32> to vector<4096x64xf32>
    %transpose3A = tpu.transpose %slice3A, [1, 0] : vector<4096x64xf32> -> vector<64x4096xf32>
    %swap3A = arith.constant 0 : index
    %swap3A_30 = arith.constant 0 : index
    %swap3A_31 = arith.constant 0 : index
    %swap3A_32 = vector.load %arg3[%swap3A, %swap3A_30, %swap3A_31] : memref<4x64x4096xf32, #tpu.memory_space<vmem>>, vector<1x64x4096xf32>
    %swap3A_33 = vector.shape_cast %swap3A_32 : vector<1x64x4096xf32> to vector<64x4096xf32>
    %swap3A_34 = vector.shape_cast %transpose3A : vector<64x4096xf32> to vector<1x64x4096xf32>
    tpu.vector_store %arg3[%swap3A, %swap3A_30, %swap3A_31], %swap3A_34 {strides = array<i32>} : memref<4x64x4096xf32, #tpu.memory_space<vmem>>, vector<1x64x4096xf32>,
    %slice3A_35 = vector.extract_strided_slice %max3A_29 {offsets = [4096, 0], sizes = [4096, 64], strides = [1, 1]} : vector<16384x64xf32> to vector<4096x64xf32>
    %transpose3A_36 = tpu.transpose %slice3A_35, [1, 0] : vector<4096x64xf32> -> vector<64x4096xf32>
    %swap3A_37 = arith.constant 1 : index
    %swap3A_38 = arith.constant 0 : index
    %swap3A_39 = arith.constant 0 : index
    %swap3A_40 = vector.load %arg3[%swap3A_37, %swap3A_38, %swap3A_39] : memref<4x64x4096xf32, #tpu.memory_space<vmem>>, vector<1x64x4096xf32>
    %swap3A_41 = vector.shape_cast %swap3A_40 : vector<1x64x4096xf32> to vector<64x4096xf32>
    %swap3A_42 = vector.shape_cast %transpose3A_36 : vector<64x4096xf32> to vector<1x64x4096xf32>
    tpu.vector_store %arg3[%swap3A_37, %swap3A_38, %swap3A_39], %swap3A_42 {strides = array<i32>} : memref<4x64x4096xf32, #tpu.memory_space<vmem>>, vector<1x64x4096xf32>,
    %slice3A_43 = vector.extract_strided_slice %max3A_29 {offsets = [8192, 0], sizes = [4096, 64], strides = [1, 1]} : vector<16384x64xf32> to vector<4096x64xf32>
    %transpose3A_44 = tpu.transpose %slice3A_43, [1, 0] : vector<4096x64xf32> -> vector<64x4096xf32>
    %swap3A_45 = arith.constant 2 : index
    %swap3A_46 = arith.constant 0 : index
    %swap3A_47 = arith.constant 0 : index
    %swap3A_48 = vector.load %arg3[%swap3A_45, %swap3A_46, %swap3A_47] : memref<4x64x4096xf32, #tpu.memory_space<vmem>>, vector<1x64x4096xf32>
    %swap3A_49 = vector.shape_cast %swap3A_48 : vector<1x64x4096xf32> to vector<64x4096xf32>
    %swap3A_50 = vector.shape_cast %transpose3A_44 : vector<64x4096xf32> to vector<1x64x4096xf32>
    tpu.vector_store %arg3[%swap3A_45, %swap3A_46, %swap3A_47], %swap3A_50 {strides = array<i32>} : memref<4x64x4096xf32, #tpu.memory_space<vmem>>, vector<1x64x4096xf32>,
    %slice3A_51 = vector.extract_strided_slice %max3A_29 {offsets = [12288, 0], sizes = [4096, 64], strides = [1, 1]} : vector<16384x64xf32> to vector<4096x64xf32>
    %transpose3A_52 = tpu.transpose %slice3A_51, [1, 0] : vector<4096x64xf32> -> vector<64x4096xf32>
    %swap3A_53 = arith.constant 3 : index
    %swap3A_54 = arith.constant 0 : index
    %swap3A_55 = arith.constant 0 : index
    %swap3A_56 = vector.load %arg3[%swap3A_53, %swap3A_54, %swap3A_55] : memref<4x64x4096xf32, #tpu.memory_space<vmem>>, vector<1x64x4096xf32>
    %swap3A_57 = vector.shape_cast %swap3A_56 : vector<1x64x4096xf32> to vector<64x4096xf32>
    %swap3A_58 = vector.shape_cast %transpose3A_52 : vector<64x4096xf32> to vector<1x64x4096xf32>
    tpu.vector_store %arg3[%swap3A_53, %swap3A_54, %swap3A_55], %swap3A_58 {strides = array<i32>} : memref<4x64x4096xf32, #tpu.memory_space<vmem>>, vector<1x64x4096xf32>,
    return
  }
}

</mosaic_0001>

<sc_bundles>
// kernel: kernel.5.cloned.1.call-start
scs
__scs_entry_jumppad:
0x0: {  	(pc) =	sbr.rel $0x88, $3  }
0x1: {  	(tag) =	ssettag $0x0;
	lr =	simm.s32 $0x1  }
0x2: {  	[smem:$0x3F9B] =	sst lr;
	_ =	strace $0xD0000000  }
0x3: {  	_ = 	snop  }
0x4: {  	_ = 	snop  }
0x5: {  	_ = 	snop  }
0x6: {  	_ = 	snop  }
0x7: {  	_ = 	snop  }
__scs_overlays_trampoline_lowered:
0x8: {  	[smem:$0x3FAA] =	sst s0  }
0x9: {  	[smem:$0x3FAB] =	sst s1  }
0xa: {  	[smem:$0x3FAC] =	sst s2  }
0xb: {  	[smem:$0x3FAD] =	sst s3  }
0xc: {  	[smem:$0x3FAE] =	sst s4  }
0xd: {  	[smem:$0x3FAF] =	sst s5  }
0xe: {  	[smem:$0x3FB0] =	sst s6  }
0xf: {  	[smem:$0x3FB1] =	sst s7  }
0x10: {  	[smem:$0x3FB2] =	sst s8  }
0x11: {  	[smem:$0x3FB3] =	sst s9;
	s0 =	simm.s32 @!p0 $0x0  }
0x12: {  	s1 =	sld [smem:$0x3F99];
	s0 =	simm.s32 @p0 $0x1  }
0x13: {  	[smem:$0x3FB4] =	sst s0;
	s0 =	simm.s32 @!p1 $0x0  }
0x14: {  	s2 =	sld [smem:$0x3F98];
	s0 =	simm.s32 @p1 $0x1  }
0x15: {  	[smem:$0x3FB5] =	sst s0;
	s0 =	simm.s32 @!p2 $0x0  }
0x16: {  	s3 =	sld [smem:$0x3FDB];
	s0 =	simm.s32 @p2 $0x1  }
0x17: {  	s4 =	simm.s32 $0x1BF5;
	[smem:$0x3FB7] =	sst s0  }
0x18: {  	s0 =	sld [smem:$0x3F9A];
	_ =	swait.ge [sflag:s4], $0x0  }
0x19: {  	s7 =	sld [smem:$0x3F9B]  }
0x1a: {  	s8 =	sadd.s32 $0xFFFFE003, lr  }
0x1b: {  	s9 =	sadd.s32 $0xFFFFFEF7, lr;
	s5 =	simm.s32 $0xFFFFFFFF;
	p2 =	slt.u32 s8, $0xFFFFF086  }
0x1c: {  	p1 =	slt.u32 s9, $0xF7A;
	s5 =	simm.s32 @!p2 $0x0  }
0x1d: {  	s5 =	simm.s32 @p1 $0x1;
	p0 =	seq.s32 s7, s2  }
0x1e: {  	s7 =	smul.u32 @!p0 $0xF7A, s2;
	p2 =	seq.s32 @!p0 s5, $0x0  }
0x1f: {  	s9 =	smul.u32 $0xF7A, s1;
	s8 =	simm.s32 @!p0 $0x1BF5;
	p2 =	por !p2, p0  }
0x20: {  	[sflag:s8] =	ssyncset.s32 @!p0 $0xFFFFF086;
	s6 =	sadd.s32 @!p0 s3, s7;
	s7 =	simm.s32 @!p0 $0x108  }
0x21: {  	s3 =	sadd.s32 s3, s9;
	s6 =	sadd.s32 @!p0 $0x88, s6;
	s7 =	simm.s32 @p2 $0x1082  }
0x22: {  	[simem:s7], [sflag:s8] =	dma.local @!p0 [hbm:s6], $0xF7A  }
0x23: {  	s9 =	sor.u32 $0xD0000000, s2;
	s6 =	simm.s32 $0x108;
	_ =	swait.ge @!p0 [sflag:s8], $0x0  }
0x24: {  	s3 =	sadd.s32 $0x88, s3;
	s6 =	simm.s32 @!p1 $0x1082;
	[sflag:s4] =	ssyncset.s32 $0xFFFFF086  }
0x25: {  	[simem:s6], [sflag:s4] =	dma.local [hbm:s3], $0xF7A  }
0x26: {  	[smem:$0x3F9B] =	sst s1;
	(tag) =	ssettag s2;
	_ =	strace s9  }
0x27: {  	s1 =	sld [smem:$0x3FAB]  }
0x28: {  	s2 =	sld [smem:$0x3FAC]  }
0x29: {  	s4 =	sld [smem:$0x3FAE]  }
0x2a: {  	p0 =	seq.s32 s5, $0x0;
	s5 =	sld [smem:$0x3FAF]  }
0x2b: {  	s6 =	sld [smem:$0x3FB0]  }
0x2c: {  	s7 =	sld [smem:$0x3FB1]  }
0x2d: {  	s3 =	simm.s32 $0x108;
	s8 =	sld [smem:$0x3FB2]  }
0x2e: {  	s3 =	simm.s32 @!p0 $0x1082;
	s9 =	sld [smem:$0x3FB3]  }
0x2f: {  	lr =	sadd.s32 s0, s3;
	s0 =	sld [smem:$0x3FAA]  }
0x30: {  	s3 =	sld [smem:$0x3FAD]  }
0x31: {  	[smem:$0x3FB6] =	sst s10  }
0x32: {  	s10 =	sld [smem:$0x3FB4];
	_ =	sdelay $0x3  }
0x33: {  	p0 =	seq.s32 s10, $0x1;
	s10 =	sld [smem:$0x3FB6];
	_ =	sdelay $0x3  }
0x34: {  	[smem:$0x3FB6] =	sst s10  }
0x35: {  	s10 =	sld [smem:$0x3FB5];
	_ =	sdelay $0x3  }
0x36: {  	p1 =	seq.s32 s10, $0x1;
	s10 =	sld [smem:$0x3FB6];
	_ =	sdelay $0x3  }
0x37: {  	[smem:$0x3FB6] =	sst s10  }
0x38: {  	s10 =	sld [smem:$0x3FB7]  }
0x39: {  	_ = 	snop;
	(pc) =	sbr.ind lr, $3  }
0x3a: {  	_ = 	snop  }
0x3b: {  	_ = 	snop  }
0x3c: {  	p2 =	seq.s32 s10, $0x1;
	s10 =	sld [smem:$0x3FB6]  }
0x3d: {  	_ =	shalt  }
0x3e: {  	_ =	shalt  }
0x3f: {  	_ =	shalt  }
0x40: {  	_ =	shalt  }
0x41: {  	_ =	shalt  }
0x42: {  	_ =	shalt  }
0x43: {  	_ =	shalt  }
0x44: {  	_ =	shalt  }
0x45: {  	_ =	shalt  }
0x46: {  	_ =	shalt  }
0x47: {  	_ =	shalt  }
0x48: {  	_ =	shalt  }
0x49: {  	_ =	shalt  }
0x4a: {  	_ =	shalt  }
0x4b: {  	_ =	shalt  }
0x4c: {  	_ =	shalt  }
0x4d: {  	_ =	shalt  }
0x4e: {  	_ =	shalt  }
0x4f: {  	_ =	shalt  }
0x50: {  	_ =	shalt  }
0x51: {  	_ =	shalt  }
0x52: {  	_ =	shalt  }
0x53: {  	_ =	shalt  }
0x54: {  	_ =	shalt  }
0x55: {  	_ =	shalt  }
0x56: {  	_ =	shalt  }
0x57: {  	_ =	shalt  }
0x58: {  	_ =	shalt  }
0x59: {  	_ =	shalt  }
0x5a: {  	_ =	shalt  }
0x5b: {  	_ =	shalt  }
0x5c: {  	_ =	shalt  }
0x5d: {  	_ =	shalt  }
0x5e: {  	_ =	shalt  }
0x5f: {  	_ =	shalt  }
0x60: {  	_ =	shalt  }
0x61: {  	_ =	shalt  }
0x62: {  	_ =	shalt  }
0x63: {  	_ =	shalt  }
0x64: {  	_ =	shalt  }
0x65: {  	_ =	shalt  }
0x66: {  	_ =	shalt  }
0x67: {  	_ =	shalt  }
0x68: {  	_ =	shalt  }
0x69: {  	_ =	shalt  }
0x6a: {  	_ =	shalt  }
0x6b: {  	_ =	shalt  }
0x6c: {  	_ =	shalt  }
0x6d: {  	_ =	shalt  }
0x6e: {  	_ =	shalt  }
0x6f: {  	_ =	shalt  }
0x70: {  	_ =	shalt  }
0x71: {  	_ =	shalt  }
0x72: {  	_ =	shalt  }
0x73: {  	_ =	shalt  }
0x74: {  	_ =	shalt  }
0x75: {  	_ =	shalt  }
0x76: {  	_ =	shalt  }
0x77: {  	_ =	shalt  }
0x78: {  	_ =	shalt  }
0x79: {  	_ =	shalt  }
0x7a: {  	_ =	shalt  }
0x7b: {  	_ =	shalt  }
0x7c: {  	_ =	shalt  }
0x7d: {  	_ =	shalt  }
0x7e: {  	_ =	shalt  }
0x7f: {  	_ =	shalt  }
0x80: {  	_ =	shalt  }
0x81: {  	_ =	shalt  }
0x82: {  	_ =	shalt  }
0x83: {  	_ =	shalt  }
0x84: {  	_ =	shalt  }
0x85: {  	_ =	shalt  }
0x86: {  	_ =	shalt  }
0x87: {  	_ =	shalt  }
.Lfunc_end0:
.L_simem_size_0:
called_computation_lowered:
.L_overlay_start_0:
0x88: {  	s2 =	sld [smem:$0x3FD9]  }
0x89: {  	s3 =	sld [smem:$0x3FFE];
	_ =	sdelay $0x1  }
0x8a: {  	s1 =	srdreg.scid  }
0x8b: {  	s0 =	sand.u32 $0x1, s1  }
0x8c: {  	s17 =	sshll.u32 s0, $0xA;
	s2 =	sadd.s32 s3, s2  }
0x8d: {  	s2 =	sadd.s32 s2, s17  }
0x8e: {  	[smem:$0x3FC2] =	sst s2  }
0x8f: {  	_ = 	snop  }
0x90: {  	s2 =	sld [smem:$0x3FD0];
	(tm) =	ssettm $0x1  }
0x91: {  	s18 =	sld [smem:$0x3FFB];
	_ =	sdelay $0x3  }
0x92: {  	_ =	strace s18  }
0x93: {  	s3 =	sld [smem:$0x3FFC];
	_ =	sdelay $0x3  }
0x94: {  	_ =	strace s3  }
0x95: {  	s3 =	sld [smem:$0x3FFD];
	_ =	sdelay $0x3  }
0x96: {  	_ =	strace s3  }
0x97: {  	_ =	strace $0x8FFFFFFF  }
0x98: {  	s19 =	sld [smem:$0x3FDB];
	_ =	sdelay $0x1  }
0x99: {  	s4 =	simm.s32 $_scs_section_size  }
0x9a: {  	s5 =	simm.s32 $_size__tile_overlayer_lowered;
	s6 =	simm.s32 $_tile_overlayer_lowered  }
0x9b: {  	s22 =	simm.s32 $0x1BFF;
	s21 =	sshll.u32 s6, $0x1;
	s3 =	sadd.s32 s4, s19  }
0x9c: {  	s7 =	simm.s32 $0x0;
	s20 =	sshll.u32 s5, $0x1;
	s5 =	sadd.s32 s21, s3  }
0x9d: {  	[timem:s7], [sflag:s22] =	dma.local [hbm:s5], s20  }
0x9e: {  	_ =	swait.ge [sflag:s22], s20  }
0x9f: {  	s4 =	ssub.s32 $0x0, s20;
	[sflag:s22] =	ssyncset.done $0x0  }
0xa0: {  	[sflag:s22] =	ssyncadd.s32 s4;
	_ =	sdelay $0x1  }
0xa1: {  	s23 =	simm.s32 $0x1B8B  }
0xa2: {  	_ =	swait.ge [sflag:s23], $0x1  }
0xa3: {  	[sflag:s23] =	ssyncset.done $0x0  }
0xa4: {  	s25 =	simm.s32 $0x1B8E;
	s24 =	sld [smem:$0x3FFE];
	[sflag:s23] =	ssyncadd.s32 $0xFFFFFFFF  }
0xa5: {  	s26 =	simm.s32 $execute0_lowered;
	[smem:$0x3FD2] =	sst s25  }
0xa6: {  	s5 =	sshll.u32 s26, $0x1;
	_ =	strace $0x80000046;
	[dreg:$0x1] =	wrdreg $0xFFFFFFFF  }
0xa7: {  	s28 =	simm.s32 $_size_execute0_lowered;
	s3 =	sadd.s32 s3, s5;
	[dreg:$0x0] =	wrdreg $0x0  }
0xa8: {  	s5 =	sshll.u32 s28, $0x1;
	[dreg:$0x2] =	wrdreg s3  }
0xa9: {  	[dreg:$0x3] =	wrdreg s5  }
0xaa: {  	[dreg:$0x4] =	wrdreg $0xC0  }
0xab: {  	_ =	task [dreg:s7], $0x5FFFF  }
0xac: {  	[dreg:$0x1] =	wrdreg $0xFFFFFFFF  }
0xad: {  	[dreg:$0x0] =	wrdreg $0x60  }
0xae: {  	[dreg:$0x2] =	wrdreg s2  }
0xaf: {  	[dreg:$0x3] =	wrdreg s24  }
0xb0: {  	[dreg:$0x4] =	wrdreg $0x9  }
0xb1: {  	_ =	task.clear_ibuf [dreg:s7], $0x5FFFF;
	_ =	strace $0x90000046  }
0xb2: {  	s29 =	simm.s32 $0x9;
	_ =	strace $0x80000048  }
0xb3: {  	_ =	swait.ge [sflag:s29], $0x1  }
0xb4: {  	[sflag:s29] =	ssyncadd.s32 $0xFFFFFFFF  }
0xb5: {  	_ =	strace $0x90000048  }
0xb6: {  	_ =	sfence  }
0xb7: {  	s30 =	sld [smem:$0x0];
	_ =	sdelay $0x2  }
0xb8: {  	s31 =	sshll.u32 s1, $0xD;
	s1 =	sshrl.u32 s1, $0x2  }
0xb9: {  	s3 =	sand.u32 $0x4000, s31;
	s1 =	sadd.s32 s1, s30  }
0xba: {  	s0 =	sor.u32 s3, s0;
	s1 =	sshll.u32 s1, $0x11  }
0xbb: {  	s0 =	sor.u32 s1, s0  }
0xbc: {  	s0 =	sadd.s32 $0x8F2B, s0  }
0xbd: {  	[sflag:s0] =	ssyncadd.remote.s32 $0x1  }
0xbe: {  	_ =	sfence.sel $0xFFFF  }
0xbf: {  	[dreg:$0x0] =	wrdreg $0xFFFFFFFF;
	(pc) =	sbr.abs _section_cstart, $3  }
0xc0: {  	[dreg:$0x1] =	wrdreg $0xFFFFFFFF  }
0xc1: {  	_ =	task.clear_ibuf [dreg:s7], $0x2FFFF;
	_ =	strace $0x9FFFFFFF  }
0xc2: {  	(tm) =	ssettm $0x7FFFFFFF  }
0xc3: {  	_ =	shalt  }
tec
execute0_lowered:
.L_overlay_start_1:
0x0: {  	(tag) =	ssettag $0x1  }
0x1: {  	s0 =	srdreg.scid;
	s2 =	rddreg [dreg:$0x0]  }
0x2: {  	s1 =	rddreg [dreg:$0x1];
	s6 =	stileid.u32  }
0x3: {  	s3 =	simm.s32 $0x0;
	s15 =	simm.s32 $0x5;
	s16 =	simm.s32 $0x600  }
0x4: {  	s17 =	simm.s32 $0x80;
	s18 =	simm.s32 $0x4600;
	s19 =	simm.s32 $0x6600  }
0x5: {  	s21 =	simm.s32 $0x8600;
	s22 =	simm.s32 $0x2600;
	s24 =	simm.s32 $0xA600  }
0x6: {  	s26 =	simm.s32 $0xC600;
	s29 =	simm.s32 $0xE600;
	s30 =	simm.s32 $0x3  }
0x7: {  	s20 =	simm.s32 $0x2;
	s0 =	sand.u32 $0x1, s0;
	[smem:$0x7FF] =	sst s3  }
0x8: {  	s23 =	simm.s32 $0x4;
	s4 =	sshll.u32 s0, $0x4;
	_ =	strace $0x80000047  }
0x9: {  	s0 =	ssub.s32 $0x2, s0;
	s4 =	sor.u32 s6, s4;
	s6 =	sand.u32 $0x7, s6  }
0xa: {  	s7 =	sshrl.u32 s0, $0x1;
	s5 =	smul.u32 $0xC0, s4;
	p0 =	seq.s32 s4, $0x0  }
0xb: {  	p1 =	sne.s32 s6, $0x0;
	s6 =	simm.s32 $0x1;
	s8 =	sshrl.u32 s4, $0x3  }
0xc: {  	s0 =	ssub.s32 s0, s7;
	s9 =	sshll.u32 s4, $0xC;
	s4 =	simm.s32 $0x1  }
0xd: {  	p0 =	por !p1, !p0;
	s10 =	sor.u32 $0x400, s9;
	s12 =	sor.u32 $0x800, s9  }
0xe: {  	s13 =	sor.u32 $0xC00, s9;
	s14 =	smax.u32 s0, $0x1;
	s0 =	simm.s32 $0x0  }
0xf: {  	s5 =	sadd.s32 s5, s1;
	s1 =	sadd.s32 $0x2200, s1;
	p0 =	por !p0, !p0  }
0x10: {  	s7 =	sadd.s32 s2, s10;
	s11 =	sadd.s32 s2, s13;
	s6 =	simm.s32 @!p0 $0x0  }
0x11: {  	s5 =	sadd.s32 $0xA00, s5;
	s10 =	sadd.s32 s1, s10;
	s6 =	ssub.s32 s8, s6  }
0x12: {  	s13 =	sadd.s32 s1, s13;
	s8 =	sadd.s32 s1, s9;
	s25 =	sshll.u32 s6, $0xC  }
0x13: {  	s6 =	sadd.s32 s2, s9;
	s9 =	sadd.s32 s2, s12;
	s12 =	sadd.s32 s1, s12;
	v0 =	vmov s25  }
.LBB2_1:
0x14: {  	[tilespmem:s3], [sflag:$0x5] =	stream.linear.gather [hbm4b:s5+s3], $0x600, $0x38;
	[tilespmem:$0x10600] =	vst v63  }
0x15: {  	_ =	swait.ge [sflag:s15], $0x600  }
0x16: {  	[sflag:s15] =	ssyncset.done $0x0  }
0x17: {  	[sflag:s15] =	ssyncadd.s32 $0xFFFFFA00  }
0x18: {  	v1 =	vld [tilespmem:$0x0]  }
0x19: {  	v2 =	vld [tilespmem:$0x10]  }
0x1a: {  	v3 =	vld [tilespmem:$0x20]  }
0x1b: {  	v4 =	vld [tilespmem:$0x30]  }
0x1c: {  	v5 =	vld [tilespmem:$0x40]  }
0x1d: {  	v6 =	vld [tilespmem:$0x50];
	v1 =	vadd.s32 v0, v1  }
0x1e: {  	[tilespmem:$0x0] =	vst v1;
	v1 =	vadd.s32 v0, v2;
	v2 =	vld [tilespmem:$0x60]  }
0x1f: {  	[tilespmem:$0x10] =	vst v1;
	v1 =	vadd.s32 v0, v3;
	v3 =	vld [tilespmem:$0x70]  }
0x20: {  	[tilespmem:$0x20] =	vst v1;
	v1 =	vadd.s32 v0, v4;
	v4 =	vld [tilespmem:$0x80]  }
0x21: {  	[tilespmem:$0x30] =	vst v1;
	v1 =	vadd.s32 v0, v5;
	v5 =	vld [tilespmem:$0x90]  }
0x22: {  	[tilespmem:$0x40] =	vst v1;
	v1 =	vadd.s32 v0, v6;
	v6 =	vld [tilespmem:$0xA0]  }
0x23: {  	[tilespmem:$0x50] =	vst v1;
	v1 =	vadd.s32 v0, v2;
	v2 =	vld [tilespmem:$0xB0]  }
0x24: {  	[tilespmem:$0x60] =	vst v1;
	v1 =	vadd.s32 v0, v3;
	v3 =	vld [tilespmem:$0xC0]  }
0x25: {  	[tilespmem:$0x70] =	vst v1;
	v1 =	vadd.s32 v0, v4;
	v4 =	vld [tilespmem:$0xD0]  }
0x26: {  	[tilespmem:$0x80] =	vst v1;
	v1 =	vadd.s32 v0, v5;
	v5 =	vld [tilespmem:$0xE0]  }
0x27: {  	[tilespmem:$0x90] =	vst v1;
	v1 =	vadd.s32 v0, v6;
	v6 =	vld [tilespmem:$0xF0]  }
0x28: {  	[tilespmem:$0xA0] =	vst v1;
	v1 =	vadd.s32 v0, v2;
	v2 =	vld [tilespmem:$0x100]  }
0x29: {  	[tilespmem:$0xB0] =	vst v1;
	v1 =	vadd.s32 v0, v3;
	v3 =	vld [tilespmem:$0x110]  }
0x2a: {  	[tilespmem:$0xC0] =	vst v1;
	v1 =	vadd.s32 v0, v4;
	v4 =	vld [tilespmem:$0x120]  }
0x2b: {  	[tilespmem:$0xD0] =	vst v1;
	v1 =	vadd.s32 v0, v5;
	v5 =	vld [tilespmem:$0x130]  }
0x2c: {  	[tilespmem:$0xE0] =	vst v1;
	v1 =	vadd.s32 v0, v6;
	v6 =	vld [tilespmem:$0x140]  }
0x2d: {  	[tilespmem:$0xF0] =	vst v1;
	v1 =	vadd.s32 v0, v2;
	v2 =	vld [tilespmem:$0x150]  }
0x2e: {  	[tilespmem:$0x100] =	vst v1;
	v1 =	vadd.s32 v0, v3;
	v3 =	vld [tilespmem:$0x160]  }
0x2f: {  	[tilespmem:$0x110] =	vst v1;
	v1 =	vadd.s32 v0, v4;
	v4 =	vld [tilespmem:$0x170]  }
0x30: {  	[tilespmem:$0x120] =	vst v1;
	v1 =	vadd.s32 v0, v5;
	v5 =	vld [tilespmem:$0x180]  }
0x31: {  	[tilespmem:$0x130] =	vst v1;
	v1 =	vadd.s32 v0, v6;
	v6 =	vld [tilespmem:$0x190]  }
0x32: {  	[tilespmem:$0x140] =	vst v1;
	v1 =	vadd.s32 v0, v2;
	v2 =	vld [tilespmem:$0x1A0]  }
0x33: {  	[tilespmem:$0x150] =	vst v1;
	v1 =	vadd.s32 v0, v3;
	v3 =	vld [tilespmem:$0x1B0]  }
0x34: {  	[tilespmem:$0x160] =	vst v1;
	v1 =	vadd.s32 v0, v4;
	v4 =	vld [tilespmem:$0x1C0]  }
0x35: {  	[tilespmem:$0x170] =	vst v1;
	v1 =	vadd.s32 v0, v5;
	v5 =	vld [tilespmem:$0x1D0]  }
0x36: {  	[tilespmem:$0x180] =	vst v1;
	v1 =	vadd.s32 v0, v6;
	v6 =	vld [tilespmem:$0x1E0]  }
0x37: {  	[tilespmem:$0x190] =	vst v1;
	v1 =	vadd.s32 v0, v2;
	v2 =	vld [tilespmem:$0x1F0]  }
0x38: {  	[tilespmem:$0x1A0] =	vst v1;
	v1 =	vadd.s32 v0, v3;
	v3 =	vld [tilespmem:$0x200]  }
0x39: {  	[tilespmem:$0x1B0] =	vst v1;
	v1 =	vadd.s32 v0, v4;
	v4 =	vld [tilespmem:$0x210]  }
0x3a: {  	[tilespmem:$0x1C0] =	vst v1;
	v1 =	vadd.s32 v0, v5;
	v5 =	vld [tilespmem:$0x220]  }
0x3b: {  	[tilespmem:$0x1D0] =	vst v1;
	v1 =	vadd.s32 v0, v6;
	v6 =	vld [tilespmem:$0x230]  }
0x3c: {  	[tilespmem:$0x1E0] =	vst v1;
	v1 =	vadd.s32 v0, v2;
	v2 =	vld [tilespmem:$0x240]  }
0x3d: {  	[tilespmem:$0x1F0] =	vst v1;
	v1 =	vadd.s32 v0, v3;
	v3 =	vld [tilespmem:$0x250]  }
0x3e: {  	[tilespmem:$0x200] =	vst v1;
	v1 =	vadd.s32 v0, v4;
	v4 =	vld [tilespmem:$0x260]  }
0x3f: {  	[tilespmem:$0x210] =	vst v1;
	v1 =	vadd.s32 v0, v5;
	v5 =	vld [tilespmem:$0x270]  }
0x40: {  	[tilespmem:$0x220] =	vst v1;
	v1 =	vadd.s32 v0, v6;
	v6 =	vld [tilespmem:$0x280]  }
0x41: {  	[tilespmem:$0x230] =	vst v1;
	v1 =	vadd.s32 v0, v2;
	v2 =	vld [tilespmem:$0x290]  }
0x42: {  	[tilespmem:$0x240] =	vst v1;
	v1 =	vadd.s32 v0, v3;
	v3 =	vld [tilespmem:$0x2A0]  }
0x43: {  	[tilespmem:$0x250] =	vst v1;
	v1 =	vadd.s32 v0, v4;
	v4 =	vld [tilespmem:$0x2B0]  }
0x44: {  	[tilespmem:$0x260] =	vst v1;
	v1 =	vadd.s32 v0, v5;
	v5 =	vld [tilespmem:$0x2C0]  }
0x45: {  	[tilespmem:$0x270] =	vst v1;
	v1 =	vadd.s32 v0, v6;
	v6 =	vld [tilespmem:$0x2D0]  }
0x46: {  	[tilespmem:$0x280] =	vst v1;
	v1 =	vadd.s32 v0, v2;
	v2 =	vld [tilespmem:$0x2E0]  }
0x47: {  	[tilespmem:$0x290] =	vst v1;
	v1 =	vadd.s32 v0, v3;
	v3 =	vld [tilespmem:$0x2F0]  }
0x48: {  	[tilespmem:$0x2A0] =	vst v1;
	v1 =	vadd.s32 v0, v4;
	v4 =	vld [tilespmem:$0x300]  }
0x49: {  	[tilespmem:$0x2B0] =	vst v1;
	v1 =	vadd.s32 v0, v5;
	v5 =	vld [tilespmem:$0x310]  }
0x4a: {  	[tilespmem:$0x2C0] =	vst v1;
	v1 =	vadd.s32 v0, v6;
	v6 =	vld [tilespmem:$0x320]  }
0x4b: {  	[tilespmem:$0x2D0] =	vst v1;
	v1 =	vadd.s32 v0, v2;
	v2 =	vld [tilespmem:$0x330]  }
0x4c: {  	[tilespmem:$0x2E0] =	vst v1;
	v1 =	vadd.s32 v0, v3;
	v3 =	vld [tilespmem:$0x340]  }
0x4d: {  	[tilespmem:$0x2F0] =	vst v1;
	v1 =	vadd.s32 v0, v4;
	v4 =	vld [tilespmem:$0x350]  }
0x4e: {  	[tilespmem:$0x300] =	vst v1;
	v1 =	vadd.s32 v0, v5;
	v5 =	vld [tilespmem:$0x360]  }
0x4f: {  	[tilespmem:$0x310] =	vst v1;
	v1 =	vadd.s32 v0, v6;
	v6 =	vld [tilespmem:$0x370]  }
0x50: {  	[tilespmem:$0x320] =	vst v1;
	v1 =	vadd.s32 v0, v2;
	v2 =	vld [tilespmem:$0x380]  }
0x51: {  	[tilespmem:$0x330] =	vst v1;
	v1 =	vadd.s32 v0, v3;
	v3 =	vld [tilespmem:$0x390]  }
0x52: {  	[tilespmem:$0x340] =	vst v1;
	v1 =	vadd.s32 v0, v4;
	v4 =	vld [tilespmem:$0x3A0]  }
0x53: {  	[tilespmem:$0x350] =	vst v1;
	v1 =	vadd.s32 v0, v5;
	v5 =	vld [tilespmem:$0x3B0]  }
0x54: {  	[tilespmem:$0x360] =	vst v1;
	v1 =	vadd.s32 v0, v6;
	v6 =	vld [tilespmem:$0x3C0]  }
0x55: {  	[tilespmem:$0x370] =	vst v1;
	v1 =	vadd.s32 v0, v2;
	v2 =	vld [tilespmem:$0x3D0]  }
0x56: {  	[tilespmem:$0x380] =	vst v1;
	v1 =	vadd.s32 v0, v3;
	v3 =	vld [tilespmem:$0x3E0]  }
0x57: {  	[tilespmem:$0x390] =	vst v1;
	v1 =	vadd.s32 v0, v4;
	v4 =	vld [tilespmem:$0x3F0]  }
0x58: {  	[tilespmem:$0x3A0] =	vst v1;
	v1 =	vadd.s32 v0, v5;
	v5 =	vld [tilespmem:$0x400]  }
0x59: {  	[tilespmem:$0x3B0] =	vst v1;
	v1 =	vadd.s32 v0, v6;
	v6 =	vld [tilespmem:$0x410]  }
0x5a: {  	[tilespmem:$0x3C0] =	vst v1;
	v1 =	vadd.s32 v0, v2;
	v2 =	vld [tilespmem:$0x420]  }
0x5b: {  	[tilespmem:$0x3D0] =	vst v1;
	v1 =	vadd.s32 v0, v3;
	v3 =	vld [tilespmem:$0x430]  }
0x5c: {  	[tilespmem:$0x3E0] =	vst v1;
	v1 =	vadd.s32 v0, v4;
	v4 =	vld [tilespmem:$0x440]  }
0x5d: {  	[tilespmem:$0x3F0] =	vst v1;
	v1 =	vadd.s32 v0, v5;
	v5 =	vld [tilespmem:$0x450]  }
0x5e: {  	[tilespmem:$0x400] =	vst v1;
	v1 =	vadd.s32 v0, v6;
	v6 =	vld [tilespmem:$0x460]  }
0x5f: {  	[tilespmem:$0x410] =	vst v1;
	v1 =	vadd.s32 v0, v2;
	v2 =	vld [tilespmem:$0x470]  }
0x60: {  	[tilespmem:$0x420] =	vst v1;
	v1 =	vadd.s32 v0, v3;
	v3 =	vld [tilespmem:$0x480]  }
0x61: {  	[tilespmem:$0x430] =	vst v1;
	v1 =	vadd.s32 v0, v4;
	v4 =	vld [tilespmem:$0x490]  }
0x62: {  	[tilespmem:$0x440] =	vst v1;
	v1 =	vadd.s32 v0, v5;
	v5 =	vld [tilespmem:$0x4A0]  }
0x63: {  	[tilespmem:$0x450] =	vst v1;
	v1 =	vadd.s32 v0, v6;
	v6 =	vld [tilespmem:$0x4B0]  }
0x64: {  	[tilespmem:$0x460] =	vst v1;
	v1 =	vadd.s32 v0, v2;
	v2 =	vld [tilespmem:$0x4C0]  }
0x65: {  	[tilespmem:$0x470] =	vst v1;
	v1 =	vadd.s32 v0, v3;
	v3 =	vld [tilespmem:$0x4D0]  }
0x66: {  	[tilespmem:$0x480] =	vst v1;
	v1 =	vadd.s32 v0, v4;
	v4 =	vld [tilespmem:$0x4E0]  }
0x67: {  	[tilespmem:$0x490] =	vst v1;
	v1 =	vadd.s32 v0, v5;
	v5 =	vld [tilespmem:$0x4F0]  }
0x68: {  	[tilespmem:$0x4A0] =	vst v1;
	v1 =	vadd.s32 v0, v6;
	v6 =	vld [tilespmem:$0x500]  }
0x69: {  	[tilespmem:$0x4B0] =	vst v1;
	v1 =	vadd.s32 v0, v2;
	v2 =	vld [tilespmem:$0x510]  }
0x6a: {  	[tilespmem:$0x4C0] =	vst v1;
	v1 =	vadd.s32 v0, v3;
	v3 =	vld [tilespmem:$0x520]  }
0x6b: {  	[tilespmem:$0x4D0] =	vst v1;
	v1 =	vadd.s32 v0, v4;
	v4 =	vld [tilespmem:$0x530]  }
0x6c: {  	[tilespmem:$0x4E0] =	vst v1;
	v1 =	vadd.s32 v0, v5;
	v5 =	vld [tilespmem:$0x540]  }
0x6d: {  	[tilespmem:$0x4F0] =	vst v1;
	v1 =	vadd.s32 v0, v6;
	v6 =	vld [tilespmem:$0x550]  }
0x6e: {  	[tilespmem:$0x500] =	vst v1;
	v1 =	vadd.s32 v0, v2;
	v2 =	vld [tilespmem:$0x560]  }
0x6f: {  	[tilespmem:$0x510] =	vst v1;
	v1 =	vadd.s32 v0, v3;
	v3 =	vld [tilespmem:$0x570]  }
0x70: {  	[tilespmem:$0x520] =	vst v1;
	v1 =	vadd.s32 v0, v4;
	v4 =	vld [tilespmem:$0x580]  }
0x71: {  	[tilespmem:$0x530] =	vst v1;
	v1 =	vadd.s32 v0, v5;
	v5 =	vld [tilespmem:$0x590]  }
0x72: {  	[tilespmem:$0x540] =	vst v1;
	v1 =	vadd.s32 v0, v6;
	v6 =	vld [tilespmem:$0x5A0]  }
0x73: {  	[tilespmem:$0x550] =	vst v1;
	v1 =	vadd.s32 v0, v2;
	v2 =	vld [tilespmem:$0x5B0]  }
0x74: {  	[tilespmem:$0x560] =	vst v1;
	v1 =	vadd.s32 v0, v3;
	v3 =	vld [tilespmem:$0x5C0]  }
0x75: {  	[tilespmem:$0x570] =	vst v1;
	v1 =	vadd.s32 v0, v4;
	v4 =	vld [tilespmem:$0x5D0]  }
0x76: {  	[tilespmem:$0x580] =	vst v1;
	v1 =	vadd.s32 v0, v5;
	v5 =	vld [tilespmem:$0x5E0]  }
0x77: {  	[tilespmem:$0x590] =	vst v1;
	v1 =	vadd.s32 v0, v6;
	v6 =	vld [tilespmem:$0x5F0]  }
0x78: {  	[tilespmem:$0x5A0] =	vst v1;
	v1 =	vadd.s32 v0, v2  }
0x79: {  	[tilespmem:$0x5B0] =	vst v1;
	v1 =	vadd.s32 v0, v3  }
0x7a: {  	[tilespmem:$0x5C0] =	vst v1;
	v1 =	vadd.s32 v0, v4  }
0x7b: {  	[tilespmem:$0x5D0] =	vst v1;
	v1 =	vadd.s32 v0, v5  }
0x7c: {  	[tilespmem:$0x5E0] =	vst v1;
	v1 =	vadd.s32 v0, v6  }
0x7d: {  	[tilespmem:$0x5F0] =	vst v1  }
0x7e: {  	[tilespmem:s16], [sflag:$0x1] =	stream.linear.gather [hbm4b:s6+s3], $0x2000, $0x38;
	[tilespmem:$0x10600] =	vst v63  }
0x7f: {  	_ = 	snop  }
0x80: {  	[tilespmem:s18], [sflag:$0x1] =	stream.indirect.gather [hbm4b:s2+s17], $0x40, s3, s17, $0xb8;
	[tilespmem:$0x10600] =	vst v63  }
0x81: {  	_ = 	snop  }
0x82: {  	[tilespmem:s19], [sflag:$0x1] =	stream.indirect.gather [hbm4b:s2+s17], $0x40, s17, s17, $0xb8;
	[tilespmem:$0x10600] =	vst v63  }
0x83: {  	s1 =	simm.s32 $0x100  }
0x84: {  	[tilespmem:s21], [sflag:$0x1] =	stream.indirect.gather [hbm4b:s2+s17], $0x40, s1, s17, $0xb8;
	[tilespmem:$0x10600] =	vst v63  }
0x85: {  	_ = 	snop  }
0x86: {  	[tilespmem:s22], [sflag:$0x2] =	stream.linear.gather [hbm4b:s7+s3], $0x2000, $0x38;
	[tilespmem:$0x10600] =	vst v63  }
0x87: {  	s25 =	simm.s32 $0x180  }
0x88: {  	[tilespmem:s24], [sflag:$0x2] =	stream.indirect.gather [hbm4b:s2+s17], $0x40, s25, s17, $0xb8;
	[tilespmem:$0x10600] =	vst v63  }
0x89: {  	s25 =	simm.s32 $0x200  }
0x8a: {  	[tilespmem:s26], [sflag:$0x2] =	stream.indirect.gather [hbm4b:s2+s17], $0x40, s25, s17, $0xb8;
	[tilespmem:$0x10600] =	vst v63  }
0x8b: {  	s25 =	simm.s32 $0x280  }
0x8c: {  	[tilespmem:s29], [sflag:$0x2] =	stream.indirect.gather [hbm4b:s2+s17], $0x40, s25, s17, $0xb8;
	[tilespmem:$0x10600] =	vst v63  }
0x8d: {  	_ =	swait.ge [sflag:s4], $0x2000  }
0x8e: {  	[sflag:s4] =	ssyncset.done $0x0  }
0x8f: {  	[sflag:s4] =	ssyncadd.s32 $0xFFFFE000  }
0x90: {  	_ =	swait.ge [sflag:s4], $0x2000  }
0x91: {  	[sflag:s4] =	ssyncset.done $0x0  }
0x92: {  	[sflag:s4] =	ssyncadd.s32 $0xFFFFE000  }
0x93: {  	_ =	swait.ge [sflag:s4], $0x2000  }
0x94: {  	[sflag:s4] =	ssyncset.done $0x0  }
0x95: {  	[sflag:s4] =	ssyncadd.s32 $0xFFFFE000  }
0x96: {  	_ =	swait.ge [sflag:s4], $0x2000  }
0x97: {  	[sflag:s4] =	ssyncset.done $0x0  }
0x98: {  	s1 =	simm.s32 $0x700;
	[sflag:s4] =	ssyncadd.s32 $0xFFFFE000  }
0x99: {  	s25 =	simm.s32 $0x4900;
	v1 =	vld [tilespmem:s1+$0xC0]  }
0x9a: {  	v2 =	vld [tilespmem:s25+$0x240]  }
0x9b: {  	v3 =	vld [tilespmem:s25+$0x280]  }
0x9c: {  	v4 =	vld [tilespmem:s25+$0x2C0]  }
0x9d: {  	v5 =	vld [tilespmem:s1+$0xFFFFFF40]  }
0x9e: {  	v6 =	vld [tilespmem:s1+$0xFFFFFF80]  }
0x9f: {  	v7 =	vld [tilespmem:s1+$0xFFFFFFC0]  }
0xa0: {  	v9 =	vld [tilespmem:s25+$0xFFFFFF40]  }
0xa1: {  	v11 =	vld [tilespmem:s1+$0x0]  }
0xa2: {  	v13 =	vld [tilespmem:s25+$0x0]  }
0xa3: {  	v14 =	vld [tilespmem:s25+$0xC0]  }
0xa4: {  	v15 =	vld [tilespmem:s25+$0x180]  }
0xa5: {  	v16 =	vld [tilespmem:s25+$0xFFFFFD40]  }
0xa6: {  	v18 =	vld [tilespmem:s25+$0xFFFFFE00]  }
0xa7: {  	v20 =	vld [tilespmem:s25+$0xFFFFFEC0]  }
0xa8: {  	v22 =	vld [tilespmem:s25+$0xFFFFFF80]  }
0xa9: {  	v28 =	vld [tilespmem:s25+$0x40]  }
0xaa: {  	v23 =	vld [tilespmem:s25+$0x100]  }
0xab: {  	v29 =	vld [tilespmem:s25+$0x1C0]  }
0xac: {  	v24 =	vld [tilespmem:s25+$0xFFFFFD80]  }
0xad: {  	v30 =	vld [tilespmem:s25+$0xFFFFFE40]  }
0xae: {  	v25 =	vld [tilespmem:s25+$0xFFFFFF00]  }
0xaf: {  	v31 =	vld [tilespmem:s1+$0x10]  }
0xb0: {  	v32 =	vld [tilespmem:s1+$0x50]  }
0xb1: {  	v33 =	vld [tilespmem:s1+$0x90]  }
0xb2: {  	v43 =	vld [tilespmem:s1+$0x20]  }
0xb3: {  	v44 =	vld [tilespmem:s1+$0x60];
	v1 =	vadd.f32 v2, v1  }
0xb4: {  	v45 =	vld [tilespmem:s1+$0xA0]  }
0xb5: {  	v55 =	vld [tilespmem:s1+$0x30];
	v1 =	vadd.f32 v3, v1  }
0xb6: {  	v3 =	vld [tilespmem:s25+$0xFFFFFDC0]  }
0xb7: {  	v1 =	vadd.f32 v4, v1;
	v4 =	vld [tilespmem:s25+$0xFFFFFE80]  }
0xb8: {  	v56 =	vld [tilespmem:s1+$0x70]  }
0xb9: {  	[tilespmem:s1+$0xC0] =	vst v1;
	v1 =	vld [tilespmem:s1+$0xD0]  }
0xba: {  	v8 =	vld [tilespmem:s25+$0x250]  }
0xbb: {  	v57 =	vld [tilespmem:s1+$0xB0];
	v5 =	vadd.f32 v3, v5  }
0xbc: {  	v10 =	vld [tilespmem:s25+$0x290];
	v4 =	vadd.f32 v4, v6  }
0xbd: {  	v6 =	vadd.f32 v9, v7;
	v7 =	vld [tilespmem:s25+$0xFFFFFFC0];
	v5 =	vadd.f32 v18, v5  }
0xbe: {  	v12 =	vld [tilespmem:s25+$0x2D0]  }
0xbf: {  	v5 =	vadd.f32 v30, v5;
	v1 =	vadd.f32 v8, v1;
	v8 =	vld [tilespmem:s1+$0x40]  }
0xc0: {  	v2 =	vld [tilespmem:s25+$0xFFFFFD00];
	v6 =	vadd.f32 v22, v6  }
0xc1: {  	[tilespmem:s1+$0xFFFFFF40] =	vst v5;
	v1 =	vadd.f32 v10, v1;
	v10 =	vld [tilespmem:s1+$0x80]  }
0xc2: {  	v5 =	vadd.f32 v7, v6;
	v35 =	vld [tilespmem:s25+$0xFFFFFE10]  }
0xc3: {  	v1 =	vadd.f32 v12, v1;
	v12 =	vld [tilespmem:s1+$0xFFFFFF00]  }
0xc4: {  	[tilespmem:s1+$0xFFFFFFC0] =	vst v5;
	v8 =	vadd.f32 v14, v8;
	v14 =	vld [tilespmem:s25+$0x140]  }
0xc5: {  	v37 =	vld [tilespmem:s25+$0xFFFFFF90]  }
0xc6: {  	[tilespmem:s1+$0xD0] =	vst v1;
	v1 =	vld [tilespmem:s1+$0xE0]  }
0xc7: {  	v17 =	vld [tilespmem:s25+$0x260]  }
0xc8: {  	v19 =	vld [tilespmem:s25+$0x2A0]  }
0xc9: {  	v21 =	vld [tilespmem:s25+$0x2E0];
	v7 =	vadd.f32 v23, v8  }
0xca: {  	v8 =	vld [tilespmem:s25+$0xFFFFFDD0]  }
0xcb: {  	v10 =	vadd.f32 v15, v10;
	v15 =	vld [tilespmem:s1+$0xFFFFFFD0];
	v7 =	vadd.f32 v14, v7  }
0xcc: {  	v3 =	vadd.f32 v2, v12;
	v12 =	vld [tilespmem:s25+$0x80]  }
0xcd: {  	v9 =	vadd.f32 v13, v11;
	v14 =	vld [tilespmem:s1+$0xFFFFFF90];
	[tilespmem:s1+$0x40] =	vst v7  }
0xce: {  	v11 =	vadd.f32 v16, v3;
	v7 =	vld [tilespmem:s25+$0xD0]  }
0xcf: {  	v9 =	vadd.f32 v28, v9;
	v39 =	vld [tilespmem:s25+$0x110]  }
0xd0: {  	v13 =	vadd.f32 v20, v4;
	v11 =	vadd.f32 v24, v11;
	v42 =	vld [tilespmem:s25+$0x150]  }
0xd1: {  	v9 =	vadd.f32 v12, v9;
	v12 =	vld [tilespmem:s1+$0xFFFFFF10]  }
0xd2: {  	[tilespmem:s1+$0xFFFFFF00] =	vst v11;
	v11 =	vadd.f32 v25, v13;
	v13 =	vld [tilespmem:s25+$0x200]  }
0xd3: {  	v6 =	vld [tilespmem:s25+$0xFFFFFD10]  }
0xd4: {  	v1 =	vadd.f32 v17, v1;
	v34 =	vld [tilespmem:s25+$0xFFFFFD50]  }
0xd5: {  	[tilespmem:s1+$0x0] =	vst v9;
	v40 =	vld [tilespmem:s25+$0xFFFFFD90]  }
0xd6: {  	v1 =	vadd.f32 v19, v1;
	[tilespmem:s1+$0xFFFFFF80] =	vst v11;
	v11 =	vld [tilespmem:s25+$0xFFFFFF50]  }
0xd7: {  	v9 =	vld [tilespmem:s25+$0x10]  }
0xd8: {  	v1 =	vadd.f32 v21, v1;
	v38 =	vld [tilespmem:s25+$0x50]  }
0xd9: {  	v41 =	vld [tilespmem:s25+$0x90]  }
0xda: {  	[tilespmem:s1+$0xE0] =	vst v1;
	v1 =	vld [tilespmem:s1+$0xF0]  }
0xdb: {  	v5 =	vld [tilespmem:s25+$0xFFFFFE90]  }
0xdc: {  	v36 =	vld [tilespmem:s25+$0xFFFFFED0]  }
0xdd: {  	v10 =	vadd.f32 v29, v10;
	v2 =	vld [tilespmem:s25+$0x270]  }
0xde: {  	v3 =	vld [tilespmem:s25+$0x2B0]  }
0xdf: {  	v7 =	vadd.f32 v7, v32;
	v4 =	vld [tilespmem:s25+$0x2F0];
	v10 =	vadd.f32 v13, v10  }
0xe0: {  	v13 =	vld [tilespmem:s1+$0xFFFFFF50]  }
0xe1: {  	v7 =	vadd.f32 v39, v7;
	[tilespmem:s1+$0x80] =	vst v10;
	v11 =	vadd.f32 v11, v15;
	v15 =	vld [tilespmem:s25+$0xFFFFFFD0]  }
0xe2: {  	v10 =	vld [tilespmem:s25+$0x190]  }
0xe3: {  	v6 =	vadd.f32 v6, v12;
	v7 =	vadd.f32 v42, v7;
	v12 =	vld [tilespmem:s25+$0x1D0]  }
0xe4: {  	v5 =	vadd.f32 v5, v14;
	v14 =	vld [tilespmem:s25+$0xFFFFFF10]  }
0xe5: {  	v6 =	vadd.f32 v34, v6;
	[tilespmem:s1+$0x50] =	vst v7;
	v8 =	vadd.f32 v8, v13;
	v13 =	vld [tilespmem:s25+$0xFFFFFE50]  }
0xe6: {  	v7 =	vld [tilespmem:s25+$0xE0]  }
0xe7: {  	v9 =	vadd.f32 v9, v31;
	v6 =	vadd.f32 v40, v6;
	v51 =	vld [tilespmem:s25+$0x120]  }
0xe8: {  	v5 =	vadd.f32 v36, v5;
	v54 =	vld [tilespmem:s25+$0x160]  }
0xe9: {  	[tilespmem:s1+$0xFFFFFF10] =	vst v6;
	v6 =	vadd.f32 v38, v9;
	v9 =	vld [tilespmem:s1+$0xFFFFFF20]  }
0xea: {  	v5 =	vadd.f32 v14, v5;
	v14 =	vld [tilespmem:s25+$0xFFFFFD20]  }
0xeb: {  	v8 =	vadd.f32 v35, v8;
	v46 =	vld [tilespmem:s25+$0xFFFFFD60]  }
0xec: {  	v10 =	vadd.f32 v10, v33;
	v52 =	vld [tilespmem:s25+$0xFFFFFDA0]  }
0xed: {  	v8 =	vadd.f32 v13, v8;
	v13 =	vld [tilespmem:s25+$0x210]  }
0xee: {  	v10 =	vadd.f32 v12, v10;
	[tilespmem:s1+$0xFFFFFF90] =	vst v5;
	v12 =	vld [tilespmem:s1+$0xFFFFFF60]  }
0xef: {  	v11 =	vadd.f32 v37, v11;
	v5 =	vadd.f32 v41, v6;
	v6 =	vld [tilespmem:s25+$0xFFFFFEA0]  }
0xf0: {  	v48 =	vld [tilespmem:s25+$0xFFFFFEE0]  }
0xf1: {  	[tilespmem:s1+$0xFFFFFF50] =	vst v8;
	v8 =	vadd.f32 v15, v11;
	v15 =	vld [tilespmem:s1+$0xFFFFFFE0]  }
0xf2: {  	v11 =	vld [tilespmem:s25+$0xFFFFFDE0]  }
0xf3: {  	v7 =	vadd.f32 v7, v44;
	[tilespmem:s1+$0x10] =	vst v5;
	v47 =	vld [tilespmem:s25+$0xFFFFFE20]  }
0xf4: {  	v50 =	vld [tilespmem:s25+$0x60]  }
0xf5: {  	v7 =	vadd.f32 v51, v7;
	v53 =	vld [tilespmem:s25+$0xA0];
	[tilespmem:s1+$0xFFFFFFD0] =	vst v8  }
0xf6: {  	v1 =	vadd.f32 v2, v1;
	v8 =	vld [tilespmem:s25+$0xFFFFFF60]  }
0xf7: {  	v7 =	vadd.f32 v54, v7;
	v5 =	vadd.f32 v13, v10;
	v10 =	vld [tilespmem:s25+$0x20]  }
0xf8: {  	v13 =	vld [tilespmem:s1+$0xFFFFFFA0]  }
0xf9: {  	v1 =	vadd.f32 v3, v1;
	v49 =	vld [tilespmem:s25+$0xFFFFFFA0];
	[tilespmem:s1+$0x60] =	vst v7  }
0xfa: {  	v9 =	vadd.f32 v14, v9;
	v7 =	vld [tilespmem:s25+$0xF0]  }
0xfb: {  	v61 =	vadd.f32 v4, v1;
	[tilespmem:s1+$0x90] =	vst v5;
	v1 =	vld [tilespmem:s25+$0x130]  }
0xfc: {  	v9 =	vadd.f32 v46, v9;
	v5 =	vld [tilespmem:s25+$0x1A0]  }
0xfd: {  	v14 =	vld [tilespmem:s25+$0x1E0]  }
0xfe: {  	v9 =	vadd.f32 v52, v9;
	v11 =	vadd.f32 v11, v12;
	v12 =	vld [tilespmem:s25+$0xFFFFFE60]  }
0xff: {  	v6 =	vadd.f32 v6, v13;
	v13 =	vld [tilespmem:s25+$0xFFFFFF20]  }
0x100: {  	[tilespmem:s1+$0xFFFFFF20] =	vst v9;
	v8 =	vadd.f32 v8, v15;
	v10 =	vadd.f32 v10, v43;
	v15 =	vld [tilespmem:s25+$0xFFFFFFE0]  }
0x101: {  	v11 =	vadd.f32 v47, v11;
	v58 =	vld [tilespmem:s25+$0xFFFFFD70]  }
0x102: {  	v6 =	vadd.f32 v48, v6;
	v9 =	vadd.f32 v50, v10;
	v10 =	vld [tilespmem:s1+$0xFFFFFF30]  }
0x103: {  	v5 =	vadd.f32 v5, v45;
	v11 =	vadd.f32 v12, v11;
	v12 =	vld [tilespmem:s25+$0x220]  }
0x104: {  	v8 =	vadd.f32 v49, v8;
	v6 =	vadd.f32 v13, v6;
	v13 =	vld [tilespmem:s25+$0xFFFFFD30]  }
0x105: {  	v5 =	vadd.f32 v14, v5;
	v14 =	vld [tilespmem:s1+$0xFFFFFFB0]  }
0x106: {  	[tilespmem:s1+$0xFFFFFF60] =	vst v11;
	v8 =	vadd.f32 v15, v8;
	v15 =	vld [tilespmem:s1+$0xFFFFFFF0]  }
0x107: {  	v11 =	vld [tilespmem:s25+$0xFFFFFDF0]  }
0x108: {  	v2 =	vld [tilespmem:s25+$0xFFFFFE30];
	[tilespmem:s1+$0xFFFFFFA0] =	vst v6  }
0x109: {  	v6 =	vadd.f32 v53, v9;
	[tilespmem:s1+$0xFFFFFFE0] =	vst v8;
	v9 =	vld [tilespmem:s25+$0xFFFFFEB0]  }
0x10a: {  	v8 =	vld [tilespmem:s25+$0xFFFFFF70]  }
0x10b: {  	v5 =	vadd.f32 v12, v5;
	v12 =	vld [tilespmem:s1+$0xFFFFFF70]  }
0x10c: {  	v59 =	vld [tilespmem:s25+$0xFFFFFEF0]  }
0x10d: {  	v3 =	vld [tilespmem:s25+$0xFFFFFFB0];
	[tilespmem:s1+$0x20] =	vst v6  }
0x10e: {  	v6 =	vld [tilespmem:s25+$0x30]  }
0x10f: {  	v60 =	vld [tilespmem:s25+$0x70];
	v4 =	vadd.f32 v13, v10  }
0x110: {  	[tilespmem:s1+$0xA0] =	vst v5;
	v13 =	vld [tilespmem:s25+$0xFFFFFDB0]  }
0x111: {  	v5 =	vld [tilespmem:s25+$0x1B0];
	v63 =	vadd.f32 v58, v4  }
0x112: {  	v10 =	vadd.f32 v11, v12;
	v11 =	vld [tilespmem:s25+$0x1F0];
	v12 =	vadd.f32 v9, v14  }
0x113: {  	v8 =	vadd.f32 v8, v15;
	v14 =	vadd.f32 v7, v56;
	v15 =	vld [tilespmem:s25+$0xFFFFFE70]  }
0x114: {  	v9 =	vld [tilespmem:s25+$0xFFFFFF30];
	v6 =	vadd.f32 v6, v55;
	v10 =	vadd.f32 v2, v10  }
0x115: {  	v7 =	vld [tilespmem:s25+$0xFFFFFFF0];
	v4 =	vadd.f32 v3, v8;
	v2 =	vadd.f32 v1, v14  }
0x116: {  	v62 =	vadd.f32 v5, v57;
	v3 =	vadd.f32 v60, v6;
	v6 =	vld [tilespmem:s25+$0xB0]  }
0x117: {  	v8 =	vld [tilespmem:s25+$0x170];
	v5 =	vadd.f32 v59, v12;
	v12 =	vadd.f32 v13, v63  }
0x118: {  	s28 =	simm.s32 $0x0;
	s31 =	simm.s32 $0x900;
	[tilespmem:s1+$0xF0] =	vst v61;
	v1 =	vadd.f32 v11, v62;
	v11 =	vadd.f32 v15, v10;
	v10 =	vld [tilespmem:s25+$0x230]  }
.LBB2_2:
0x119: {  	v13 =	vld [tilespmem:s31+$0xC0];
	[tilespmem:s1+$0xFFFFFF30] =	vst v12;
	v5 =	vadd.f32 v9, v5;
	s25 =	sadd.s32 $0x600, s25  }
0x11a: {  	s28 =	sadd.s32 $0x8, s28;
	v9 =	vld [tilespmem:s25+$0x240];
	[tilespmem:s1+$0xFFFFFF70] =	vst v11;
	v4 =	vadd.f32 v7, v4  }
0x11b: {  	p0 =	slt.u32 s28, $0x78;
	v7 =	vld [tilespmem:s25+$0xFFFFFD00];
	[tilespmem:s1+$0xFFFFFFB0] =	vst v5;
	v3 =	vadd.f32 v6, v3  }
0x11c: {  	v5 =	vld [tilespmem:s25+$0x280];
	[tilespmem:s1+$0xFFFFFFF0] =	vst v4;
	v2 =	vadd.f32 v8, v2  }
0x11d: {  	v4 =	vld [tilespmem:s31+$0xFFFFFF40];
	[tilespmem:s1+$0x30] =	vst v3;
	v1 =	vadd.f32 v10, v1  }
0x11e: {  	v3 =	vld [tilespmem:s25+$0x2C0];
	[tilespmem:s1+$0x70] =	vst v2  }
0x11f: {  	v2 =	vld [tilespmem:s25+$0xFFFFFDC0];
	v6 =	vadd.f32 v9, v13;
	[tilespmem:s1+$0xB0] =	vst v1;
	s1 =	smov.u32 s31  }
0x120: {  	v1 =	vld [tilespmem:s31+$0xFFFFFF80]  }
0x121: {  	v8 =	vld [tilespmem:s25+$0xFFFFFE80];
	v5 =	vadd.f32 v5, v6  }
0x122: {  	v6 =	vld [tilespmem:s31+$0xFFFFFFC0]  }
0x123: {  	v9 =	vld [tilespmem:s25+$0xFFFFFF40];
	v3 =	vadd.f32 v3, v5  }
0x124: {  	v2 =	vadd.f32 v2, v4;
	v4 =	vld [tilespmem:s31+$0x0]  }
0x125: {  	[tilespmem:s31+$0xC0] =	vst v3;
	v3 =	vld [tilespmem:s31+$0xD0]  }
0x126: {  	v1 =	vadd.f32 v8, v1;
	v5 =	vld [tilespmem:s25+$0x250]  }
0x127: {  	v8 =	vld [tilespmem:s25+$0x0]  }
0x128: {  	v6 =	vadd.f32 v9, v6;
	v9 =	vld [tilespmem:s25+$0x290]  }
0x129: {  	v10 =	vld [tilespmem:s31+$0x40]  }
0x12a: {  	v11 =	vld [tilespmem:s25+$0x2D0]  }
0x12b: {  	v12 =	vld [tilespmem:s25+$0xC0];
	v3 =	vadd.f32 v5, v3  }
0x12c: {  	v4 =	vadd.f32 v8, v4;
	v5 =	vld [tilespmem:s31+$0x80]  }
0x12d: {  	v8 =	vld [tilespmem:s25+$0x180];
	v3 =	vadd.f32 v9, v3  }
0x12e: {  	v9 =	vld [tilespmem:s31+$0xFFFFFF00]  }
0x12f: {  	v13 =	vld [tilespmem:s25+$0xFFFFFD40];
	v3 =	vadd.f32 v11, v3  }
0x130: {  	v11 =	vld [tilespmem:s25+$0xFFFFFE00];
	v10 =	vadd.f32 v12, v10  }
0x131: {  	[tilespmem:s31+$0xD0] =	vst v3;
	v3 =	vld [tilespmem:s31+$0xE0]  }
0x132: {  	v5 =	vadd.f32 v8, v5;
	v8 =	vld [tilespmem:s25+$0x260]  }
0x133: {  	v7 =	vadd.f32 v7, v9;
	v9 =	vld [tilespmem:s25+$0xFFFFFEC0]  }
0x134: {  	v12 =	vld [tilespmem:s25+$0x2A0]  }
0x135: {  	v7 =	vadd.f32 v13, v7;
	v2 =	vadd.f32 v11, v2;
	v11 =	vld [tilespmem:s25+$0xFFFFFF80]  }
0x136: {  	v13 =	vld [tilespmem:s25+$0x2E0]  }
0x137: {  	v14 =	vld [tilespmem:s25+$0x40];
	v3 =	vadd.f32 v8, v3  }
0x138: {  	v1 =	vadd.f32 v9, v1;
	v8 =	vld [tilespmem:s25+$0x100]  }
0x139: {  	v9 =	vld [tilespmem:s25+$0x1C0];
	v3 =	vadd.f32 v12, v3  }
0x13a: {  	v12 =	vld [tilespmem:s25+$0xFFFFFD80];
	v6 =	vadd.f32 v11, v6  }
0x13b: {  	v11 =	vld [tilespmem:s25+$0xFFFFFE40];
	v3 =	vadd.f32 v13, v3  }
0x13c: {  	v13 =	vld [tilespmem:s25+$0xFFFFFF00];
	v4 =	vadd.f32 v14, v4  }
0x13d: {  	v8 =	vadd.f32 v8, v10;
	[tilespmem:s31+$0xE0] =	vst v3;
	v3 =	vld [tilespmem:s31+$0xF0]  }
0x13e: {  	v5 =	vadd.f32 v9, v5;
	v9 =	vld [tilespmem:s25+$0x270]  }
0x13f: {  	v7 =	vadd.f32 v12, v7;
	v10 =	vld [tilespmem:s25+$0xFFFFFFC0]  }
0x140: {  	v2 =	vadd.f32 v11, v2;
	v11 =	vld [tilespmem:s25+$0x2B0]  }
0x141: {  	[tilespmem:s31+$0xFFFFFF00] =	vst v7;
	v1 =	vadd.f32 v13, v1;
	v7 =	vld [tilespmem:s25+$0x80]  }
0x142: {  	[tilespmem:s31+$0xFFFFFF40] =	vst v2;
	v2 =	vld [tilespmem:s25+$0x2F0]  }
0x143: {  	[tilespmem:s31+$0xFFFFFF80] =	vst v1;
	v1 =	vld [tilespmem:s25+$0x140];
	v3 =	vadd.f32 v9, v3  }
0x144: {  	v6 =	vadd.f32 v10, v6;
	v9 =	vld [tilespmem:s25+$0x200]  }
0x145: {  	v10 =	vld [tilespmem:s25+$0xFFFFFD10];
	v3 =	vadd.f32 v11, v3  }
0x146: {  	v11 =	vld [tilespmem:s25+$0xFFFFFDD0];
	[tilespmem:s31+$0xFFFFFFC0] =	vst v6;
	v4 =	vadd.f32 v7, v4  }
0x147: {  	v6 =	vld [tilespmem:s25+$0xFFFFFE90];
	v2 =	vadd.f32 v2, v3  }
0x148: {  	v3 =	vld [tilespmem:s25+$0xFFFFFF50];
	[tilespmem:s31+$0x0] =	vst v4;
	v1 =	vadd.f32 v1, v8  }
0x149: {  	v4 =	vld [tilespmem:s25+$0x10];
	v5 =	vadd.f32 v9, v5;
	[tilespmem:s31+$0xF0] =	vst v2  }
0x14a: {  	v2 =	vld [tilespmem:s31+$0xFFFFFF10];
	[tilespmem:s31+$0x40] =	vst v1  }
0x14b: {  	v1 =	vld [tilespmem:s25+$0xD0];
	[tilespmem:s31+$0x80] =	vst v5  }
0x14c: {  	v5 =	vld [tilespmem:s25+$0x190]  }
0x14d: {  	v7 =	vld [tilespmem:s31+$0xFFFFFF50]  }
0x14e: {  	v8 =	vld [tilespmem:s31+$0xFFFFFF90]  }
0x14f: {  	v2 =	vadd.f32 v10, v2;
	v9 =	vld [tilespmem:s31+$0xFFFFFFD0]  }
0x150: {  	v10 =	vld [tilespmem:s31+$0x10]  }
0x151: {  	v12 =	vld [tilespmem:s31+$0x50]  }
0x152: {  	v7 =	vadd.f32 v11, v7;
	v11 =	vld [tilespmem:s31+$0x90]  }
0x153: {  	v13 =	vld [tilespmem:s25+$0xFFFFFD50];
	v6 =	vadd.f32 v6, v8  }
0x154: {  	v8 =	vld [tilespmem:s25+$0xFFFFFE10];
	v3 =	vadd.f32 v3, v9  }
0x155: {  	v9 =	vld [tilespmem:s25+$0xFFFFFED0];
	v4 =	vadd.f32 v4, v10  }
0x156: {  	v10 =	vld [tilespmem:s25+$0xFFFFFF90];
	v1 =	vadd.f32 v1, v12  }
0x157: {  	v12 =	vld [tilespmem:s25+$0x50];
	v5 =	vadd.f32 v5, v11  }
0x158: {  	v2 =	vadd.f32 v13, v2;
	v11 =	vld [tilespmem:s25+$0x110]  }
0x159: {  	v7 =	vadd.f32 v8, v7;
	v8 =	vld [tilespmem:s25+$0x1D0]  }
0x15a: {  	v13 =	vld [tilespmem:s25+$0xFFFFFD90];
	v6 =	vadd.f32 v9, v6  }
0x15b: {  	v9 =	vld [tilespmem:s25+$0xFFFFFE50];
	v3 =	vadd.f32 v10, v3  }
0x15c: {  	v10 =	vld [tilespmem:s25+$0xFFFFFF10];
	v4 =	vadd.f32 v12, v4  }
0x15d: {  	v12 =	vld [tilespmem:s25+$0xFFFFFFD0];
	v1 =	vadd.f32 v11, v1  }
0x15e: {  	v11 =	vld [tilespmem:s25+$0x90];
	v5 =	vadd.f32 v8, v5  }
0x15f: {  	v2 =	vadd.f32 v13, v2;
	v8 =	vld [tilespmem:s25+$0x150]  }
0x160: {  	v7 =	vadd.f32 v9, v7;
	v9 =	vld [tilespmem:s25+$0x210]  }
0x161: {  	[tilespmem:s31+$0xFFFFFF10] =	vst v2;
	v2 =	vld [tilespmem:s31+$0xFFFFFF20];
	v6 =	vadd.f32 v10, v6  }
0x162: {  	v10 =	vld [tilespmem:s25+$0xFFFFFD20];
	[tilespmem:s31+$0xFFFFFF50] =	vst v7;
	v3 =	vadd.f32 v12, v3  }
0x163: {  	v7 =	vld [tilespmem:s25+$0xFFFFFDE0];
	[tilespmem:s31+$0xFFFFFF90] =	vst v6;
	v4 =	vadd.f32 v11, v4  }
0x164: {  	v6 =	vld [tilespmem:s25+$0xFFFFFEA0];
	[tilespmem:s31+$0xFFFFFFD0] =	vst v3;
	v1 =	vadd.f32 v8, v1  }
0x165: {  	v3 =	vld [tilespmem:s25+$0xFFFFFF60];
	[tilespmem:s31+$0x10] =	vst v4;
	v4 =	vadd.f32 v9, v5  }
0x166: {  	v5 =	vld [tilespmem:s25+$0x20];
	[tilespmem:s31+$0x50] =	vst v1  }
0x167: {  	v1 =	vadd.f32 v10, v2;
	v2 =	vld [tilespmem:s25+$0xE0];
	[tilespmem:s31+$0x90] =	vst v4  }
0x168: {  	v4 =	vld [tilespmem:s25+$0x1A0]  }
0x169: {  	v8 =	vld [tilespmem:s31+$0xFFFFFF60]  }
0x16a: {  	v9 =	vld [tilespmem:s31+$0xFFFFFFA0]  }
0x16b: {  	v10 =	vld [tilespmem:s31+$0xFFFFFFE0]  }
0x16c: {  	v11 =	vld [tilespmem:s31+$0x20]  }
0x16d: {  	v12 =	vld [tilespmem:s31+$0x60]  }
0x16e: {  	v7 =	vadd.f32 v7, v8;
	v8 =	vld [tilespmem:s31+$0xA0]  }
0x16f: {  	v13 =	vld [tilespmem:s25+$0xFFFFFD60];
	v6 =	vadd.f32 v6, v9  }
0x170: {  	v9 =	vld [tilespmem:s25+$0xFFFFFE20];
	v3 =	vadd.f32 v3, v10  }
0x171: {  	v10 =	vld [tilespmem:s25+$0xFFFFFEE0];
	v5 =	vadd.f32 v5, v11  }
0x172: {  	v11 =	vld [tilespmem:s25+$0xFFFFFFA0];
	v2 =	vadd.f32 v2, v12  }
0x173: {  	v12 =	vld [tilespmem:s25+$0x60];
	v4 =	vadd.f32 v4, v8  }
0x174: {  	v1 =	vadd.f32 v13, v1;
	v8 =	vld [tilespmem:s25+$0x120]  }
0x175: {  	v7 =	vadd.f32 v9, v7;
	v9 =	vld [tilespmem:s25+$0x1E0]  }
0x176: {  	v13 =	vld [tilespmem:s25+$0xFFFFFDA0];
	v6 =	vadd.f32 v10, v6  }
0x177: {  	v10 =	vld [tilespmem:s25+$0xFFFFFE60];
	v3 =	vadd.f32 v11, v3  }
0x178: {  	v11 =	vld [tilespmem:s25+$0xFFFFFF20];
	v5 =	vadd.f32 v12, v5  }
0x179: {  	v12 =	vld [tilespmem:s25+$0xFFFFFFE0];
	v2 =	vadd.f32 v8, v2  }
0x17a: {  	v8 =	vld [tilespmem:s25+$0xA0];
	v4 =	vadd.f32 v9, v4  }
0x17b: {  	v1 =	vadd.f32 v13, v1;
	v9 =	vld [tilespmem:s25+$0x160]  }
0x17c: {  	v7 =	vadd.f32 v10, v7;
	v10 =	vld [tilespmem:s25+$0x220]  }
0x17d: {  	[tilespmem:s31+$0xFFFFFF20] =	vst v1;
	v1 =	vld [tilespmem:s31+$0xFFFFFF30];
	v6 =	vadd.f32 v11, v6  }
0x17e: {  	v11 =	vld [tilespmem:s25+$0xFFFFFD30];
	[tilespmem:s31+$0xFFFFFF60] =	vst v7;
	v3 =	vadd.f32 v12, v3  }
0x17f: {  	v7 =	vld [tilespmem:s25+$0xFFFFFDF0];
	[tilespmem:s31+$0xFFFFFFA0] =	vst v6;
	v5 =	vadd.f32 v8, v5  }
0x180: {  	v6 =	vld [tilespmem:s25+$0xFFFFFEB0];
	[tilespmem:s31+$0xFFFFFFE0] =	vst v3;
	v2 =	vadd.f32 v9, v2  }
0x181: {  	v3 =	vld [tilespmem:s25+$0xFFFFFF70];
	[tilespmem:s31+$0x20] =	vst v5;
	v4 =	vadd.f32 v10, v4  }
0x182: {  	v5 =	vld [tilespmem:s25+$0x30];
	[tilespmem:s31+$0x60] =	vst v2  }
0x183: {  	v1 =	vadd.f32 v11, v1;
	v2 =	vld [tilespmem:s25+$0xF0];
	[tilespmem:s31+$0xA0] =	vst v4  }
0x184: {  	v4 =	vld [tilespmem:s25+$0x1B0]  }
0x185: {  	v8 =	vld [tilespmem:s31+$0xFFFFFF70]  }
0x186: {  	v9 =	vld [tilespmem:s31+$0xFFFFFFB0]  }
0x187: {  	v10 =	vld [tilespmem:s31+$0xFFFFFFF0]  }
0x188: {  	v11 =	vld [tilespmem:s31+$0x30]  }
0x189: {  	v12 =	vld [tilespmem:s31+$0x70]  }
0x18a: {  	v7 =	vadd.f32 v7, v8;
	v8 =	vld [tilespmem:s31+$0xB0]  }
0x18b: {  	v13 =	vld [tilespmem:s25+$0xFFFFFD70];
	v6 =	vadd.f32 v6, v9  }
0x18c: {  	v9 =	vld [tilespmem:s25+$0xFFFFFE30];
	v3 =	vadd.f32 v3, v10  }
0x18d: {  	v10 =	vld [tilespmem:s25+$0xFFFFFEF0];
	v11 =	vadd.f32 v5, v11  }
0x18e: {  	v14 =	vld [tilespmem:s25+$0xFFFFFFB0];
	v2 =	vadd.f32 v2, v12  }
0x18f: {  	v12 =	vld [tilespmem:s25+$0x70];
	v8 =	vadd.f32 v4, v8  }
0x190: {  	v13 =	vadd.f32 v13, v1;
	v1 =	vld [tilespmem:s25+$0x130]  }
0x191: {  	v15 =	vadd.f32 v9, v7;
	v16 =	vld [tilespmem:s25+$0x1F0]  }
0x192: {  	v17 =	vld [tilespmem:s25+$0xFFFFFDB0];
	v5 =	vadd.f32 v10, v6  }
0x193: {  	v10 =	vld [tilespmem:s25+$0xFFFFFE70];
	v4 =	vadd.f32 v14, v3  }
.Ltmp0:
0x194: {  	v9 =	vld [tilespmem:s25+$0xFFFFFF30];
	v3 =	vadd.f32 v12, v11;
	(pc) =	sbr.rel @p0 .LBB2_2-.Ltmp0, $4  }
0x195: {  	v7 =	vld [tilespmem:s25+$0xFFFFFFF0];
	v2 =	vadd.f32 v1, v2  }
0x196: {  	v6 =	vld [tilespmem:s25+$0xB0];
	v1 =	vadd.f32 v16, v8  }
0x197: {  	v12 =	vadd.f32 v17, v13;
	v8 =	vld [tilespmem:s25+$0x170]  }
0x198: {  	s31 =	sadd.s32 $0x200, s31;
	v11 =	vadd.f32 v10, v15;
	v10 =	vld [tilespmem:s25+$0x230]  }
0x199: {  	[tilespmem:s1+$0xFFFFFF30] =	vst v12;
	v5 =	vadd.f32 v9, v5  }
0x19a: {  	[tilespmem:s1+$0xFFFFFF70] =	vst v11;
	v4 =	vadd.f32 v7, v4  }
0x19b: {  	[tilespmem:s1+$0xFFFFFFB0] =	vst v5;
	v3 =	vadd.f32 v6, v3  }
0x19c: {  	[tilespmem:s1+$0xFFFFFFF0] =	vst v4;
	v2 =	vadd.f32 v8, v2  }
0x19d: {  	[tilespmem:s1+$0x30] =	vst v3;
	v1 =	vadd.f32 v10, v1  }
0x19e: {  	[tilespmem:s1+$0x70] =	vst v2  }
0x19f: {  	[tilespmem:s1+$0xB0] =	vst v1  }
0x1a0: {  	[hbm4b:s8+s3] =	stream.linear.scatter [tilespmem:s16], [sflag:$0x3], $0x2000, $0x38;
	[tilespmem:$0x10600] =	vst v63  }
0x1a1: {  	_ =	swait.ge [sflag:s30], $0x2000  }
0x1a2: {  	[sflag:s30] =	ssyncset.done $0x0  }
0x1a3: {  	[sflag:s30] =	ssyncadd.s32 $0xFFFFE000  }
0x1a4: {  	[tilespmem:s16], [sflag:$0x1] =	stream.linear.gather [hbm4b:s9+s3], $0x2000, $0x38;
	[tilespmem:$0x10600] =	vst v63  }
0x1a5: {  	s25 =	simm.s32 $0x300  }
0x1a6: {  	[tilespmem:s18], [sflag:$0x1] =	stream.indirect.gather [hbm4b:s2+s17], $0x40, s25, s17, $0xb8;
	[tilespmem:$0x10600] =	vst v63  }
0x1a7: {  	s25 =	simm.s32 $0x380  }
0x1a8: {  	[tilespmem:s19], [sflag:$0x1] =	stream.indirect.gather [hbm4b:s2+s17], $0x40, s25, s17, $0xb8;
	[tilespmem:$0x10600] =	vst v63  }
0x1a9: {  	s25 =	simm.s32 $0x400  }
0x1aa: {  	[tilespmem:s21], [sflag:$0x1] =	stream.indirect.gather [hbm4b:s2+s17], $0x40, s25, s17, $0xb8;
	[tilespmem:$0x10600] =	vst v63  }
0x1ab: {  	_ =	swait.ge [sflag:s20], $0x2000  }
0x1ac: {  	[sflag:s20] =	ssyncset.done $0x0  }
0x1ad: {  	[sflag:s20] =	ssyncadd.s32 $0xFFFFE000  }
0x1ae: {  	_ =	swait.ge [sflag:s20], $0x2000  }
0x1af: {  	[sflag:s20] =	ssyncset.done $0x0  }
0x1b0: {  	[sflag:s20] =	ssyncadd.s32 $0xFFFFE000  }
0x1b1: {  	_ =	swait.ge [sflag:s20], $0x2000  }
0x1b2: {  	[sflag:s20] =	ssyncset.done $0x0  }
0x1b3: {  	[sflag:s20] =	ssyncadd.s32 $0xFFFFE000  }
0x1b4: {  	_ =	swait.ge [sflag:s20], $0x2000  }
0x1b5: {  	[sflag:s20] =	ssyncset.done $0x0  }
0x1b6: {  	s1 =	simm.s32 $0x27F0;
	[sflag:s20] =	ssyncadd.s32 $0xFFFFE000  }
0x1b7: {  	s25 =	simm.s32 $0xABF0;
	v1 =	vld [tilespmem:s1+$0xFFFFFFD0]  }
0x1b8: {  	v2 =	vld [tilespmem:s25+$0xFFFFFF50]  }
0x1b9: {  	v3 =	vld [tilespmem:s25+$0xFFFFFF90]  }
0x1ba: {  	v4 =	vld [tilespmem:s25+$0xFFFFFFD0]  }
0x1bb: {  	v5 =	vld [tilespmem:s1+$0xFFFFFE50]  }
0x1bc: {  	v6 =	vld [tilespmem:s1+$0xFFFFFE90]  }
0x1bd: {  	v7 =	vld [tilespmem:s1+$0xFFFFFED0]  }
0x1be: {  	v9 =	vld [tilespmem:s25+$0xFFFFFC50]  }
0x1bf: {  	v11 =	vld [tilespmem:s1+$0xFFFFFF10]  }
0x1c0: {  	v13 =	vld [tilespmem:s25+$0xFFFFFD10]  }
0x1c1: {  	v14 =	vld [tilespmem:s25+$0xFFFFFDD0]  }
0x1c2: {  	v15 =	vld [tilespmem:s25+$0xFFFFFE90]  }
0x1c3: {  	v16 =	vld [tilespmem:s25+$0xFFFFFA50]  }
0x1c4: {  	v18 =	vld [tilespmem:s25+$0xFFFFFB10]  }
0x1c5: {  	v20 =	vld [tilespmem:s25+$0xFFFFFBD0]  }
0x1c6: {  	v22 =	vld [tilespmem:s25+$0xFFFFFC90]  }
0x1c7: {  	v28 =	vld [tilespmem:s25+$0xFFFFFD50]  }
0x1c8: {  	v23 =	vld [tilespmem:s25+$0xFFFFFE10]  }
0x1c9: {  	v29 =	vld [tilespmem:s25+$0xFFFFFED0]  }
0x1ca: {  	v24 =	vld [tilespmem:s25+$0xFFFFFA90]  }
0x1cb: {  	v30 =	vld [tilespmem:s25+$0xFFFFFB50]  }
0x1cc: {  	v25 =	vld [tilespmem:s25+$0xFFFFFC10]  }
0x1cd: {  	v31 =	vld [tilespmem:s1+$0xFFFFFF20]  }
0x1ce: {  	v32 =	vld [tilespmem:s1+$0xFFFFFF60]  }
0x1cf: {  	v33 =	vld [tilespmem:s1+$0xFFFFFFA0]  }
0x1d0: {  	v43 =	vld [tilespmem:s1+$0xFFFFFF30]  }
0x1d1: {  	v44 =	vld [tilespmem:s1+$0xFFFFFF70];
	v1 =	vadd.f32 v2, v1  }
0x1d2: {  	v45 =	vld [tilespmem:s1+$0xFFFFFFB0]  }
0x1d3: {  	v55 =	vld [tilespmem:s1+$0xFFFFFF40];
	v1 =	vadd.f32 v3, v1  }
0x1d4: {  	v3 =	vld [tilespmem:s25+$0xFFFFFAD0]  }
0x1d5: {  	v1 =	vadd.f32 v4, v1;
	v4 =	vld [tilespmem:s25+$0xFFFFFB90]  }
0x1d6: {  	v56 =	vld [tilespmem:s1+$0xFFFFFF80]  }
0x1d7: {  	[tilespmem:s1+$0xFFFFFFD0] =	vst v1;
	v1 =	vld [tilespmem:s1+$0xFFFFFFE0]  }
0x1d8: {  	v8 =	vld [tilespmem:s25+$0xFFFFFF60]  }
0x1d9: {  	v57 =	vld [tilespmem:s1+$0xFFFFFFC0];
	v5 =	vadd.f32 v3, v5  }
0x1da: {  	v10 =	vld [tilespmem:s25+$0xFFFFFFA0];
	v4 =	vadd.f32 v4, v6  }
0x1db: {  	v6 =	vadd.f32 v9, v7;
	v7 =	vld [tilespmem:s25+$0xFFFFFCD0];
	v5 =	vadd.f32 v18, v5  }
0x1dc: {  	v12 =	vld [tilespmem:s25+$0xFFFFFFE0]  }
0x1dd: {  	v5 =	vadd.f32 v30, v5;
	v1 =	vadd.f32 v8, v1;
	v8 =	vld [tilespmem:s1+$0xFFFFFF50]  }
0x1de: {  	v2 =	vld [tilespmem:s25+$0xFFFFFA10];
	v6 =	vadd.f32 v22, v6  }
0x1df: {  	[tilespmem:s1+$0xFFFFFE50] =	vst v5;
	v1 =	vadd.f32 v10, v1;
	v10 =	vld [tilespmem:s1+$0xFFFFFF90]  }
0x1e0: {  	v5 =	vadd.f32 v7, v6;
	v35 =	vld [tilespmem:s25+$0xFFFFFB20]  }
0x1e1: {  	v1 =	vadd.f32 v12, v1;
	v12 =	vld [tilespmem:s1+$0xFFFFFE10]  }
0x1e2: {  	[tilespmem:s1+$0xFFFFFED0] =	vst v5;
	v8 =	vadd.f32 v14, v8;
	v14 =	vld [tilespmem:s25+$0xFFFFFE50]  }
0x1e3: {  	v37 =	vld [tilespmem:s25+$0xFFFFFCA0]  }
0x1e4: {  	[tilespmem:s1+$0xFFFFFFE0] =	vst v1;
	v1 =	vld [tilespmem:s1+$0xFFFFFFF0]  }
0x1e5: {  	v17 =	vld [tilespmem:s25+$0xFFFFFF70]  }
0x1e6: {  	v19 =	vld [tilespmem:s25+$0xFFFFFFB0]  }
0x1e7: {  	v21 =	vld [tilespmem:s25+$0xFFFFFFF0];
	v7 =	vadd.f32 v23, v8  }
0x1e8: {  	v8 =	vld [tilespmem:s25+$0xFFFFFAE0]  }
0x1e9: {  	v10 =	vadd.f32 v15, v10;
	v15 =	vld [tilespmem:s1+$0xFFFFFEE0];
	v7 =	vadd.f32 v14, v7  }
0x1ea: {  	v3 =	vadd.f32 v2, v12;
	v12 =	vld [tilespmem:s25+$0xFFFFFD90]  }
0x1eb: {  	v9 =	vadd.f32 v13, v11;
	v14 =	vld [tilespmem:s1+$0xFFFFFEA0];
	[tilespmem:s1+$0xFFFFFF50] =	vst v7  }
0x1ec: {  	v11 =	vadd.f32 v16, v3;
	v7 =	vld [tilespmem:s25+$0xFFFFFDE0]  }
0x1ed: {  	v9 =	vadd.f32 v28, v9;
	v39 =	vld [tilespmem:s25+$0xFFFFFE20]  }
0x1ee: {  	v13 =	vadd.f32 v20, v4;
	v11 =	vadd.f32 v24, v11;
	v42 =	vld [tilespmem:s25+$0xFFFFFE60]  }
0x1ef: {  	v9 =	vadd.f32 v12, v9;
	v12 =	vld [tilespmem:s1+$0xFFFFFE20]  }
0x1f0: {  	[tilespmem:s1+$0xFFFFFE10] =	vst v11;
	v11 =	vadd.f32 v25, v13;
	v13 =	vld [tilespmem:s25+$0xFFFFFF10]  }
0x1f1: {  	v6 =	vld [tilespmem:s25+$0xFFFFFA20]  }
0x1f2: {  	v1 =	vadd.f32 v17, v1;
	v34 =	vld [tilespmem:s25+$0xFFFFFA60]  }
0x1f3: {  	[tilespmem:s1+$0xFFFFFF10] =	vst v9;
	v40 =	vld [tilespmem:s25+$0xFFFFFAA0]  }
0x1f4: {  	v1 =	vadd.f32 v19, v1;
	[tilespmem:s1+$0xFFFFFE90] =	vst v11;
	v11 =	vld [tilespmem:s25+$0xFFFFFC60]  }
0x1f5: {  	v9 =	vld [tilespmem:s25+$0xFFFFFD20]  }
0x1f6: {  	v1 =	vadd.f32 v21, v1;
	v38 =	vld [tilespmem:s25+$0xFFFFFD60]  }
0x1f7: {  	v41 =	vld [tilespmem:s25+$0xFFFFFDA0]  }
0x1f8: {  	[tilespmem:s1+$0xFFFFFFF0] =	vst v1;
	v1 =	vld [tilespmem:s1+$0x0]  }
0x1f9: {  	v5 =	vld [tilespmem:s25+$0xFFFFFBA0]  }
0x1fa: {  	v36 =	vld [tilespmem:s25+$0xFFFFFBE0]  }
0x1fb: {  	v10 =	vadd.f32 v29, v10;
	v2 =	vld [tilespmem:s25+$0xFFFFFF80]  }
0x1fc: {  	v3 =	vld [tilespmem:s25+$0xFFFFFFC0]  }
0x1fd: {  	v7 =	vadd.f32 v7, v32;
	v4 =	vld [tilespmem:s25+$0x0];
	v10 =	vadd.f32 v13, v10  }
0x1fe: {  	v13 =	vld [tilespmem:s1+$0xFFFFFE60]  }
0x1ff: {  	v7 =	vadd.f32 v39, v7;
	[tilespmem:s1+$0xFFFFFF90] =	vst v10;
	v11 =	vadd.f32 v11, v15;
	v15 =	vld [tilespmem:s25+$0xFFFFFCE0]  }
0x200: {  	v10 =	vld [tilespmem:s25+$0xFFFFFEA0]  }
0x201: {  	v6 =	vadd.f32 v6, v12;
	v7 =	vadd.f32 v42, v7;
	v12 =	vld [tilespmem:s25+$0xFFFFFEE0]  }
0x202: {  	v5 =	vadd.f32 v5, v14;
	v14 =	vld [tilespmem:s25+$0xFFFFFC20]  }
0x203: {  	v6 =	vadd.f32 v34, v6;
	[tilespmem:s1+$0xFFFFFF60] =	vst v7;
	v8 =	vadd.f32 v8, v13;
	v13 =	vld [tilespmem:s25+$0xFFFFFB60]  }
0x204: {  	v7 =	vld [tilespmem:s25+$0xFFFFFDF0]  }
0x205: {  	v9 =	vadd.f32 v9, v31;
	v6 =	vadd.f32 v40, v6;
	v51 =	vld [tilespmem:s25+$0xFFFFFE30]  }
0x206: {  	v5 =	vadd.f32 v36, v5;
	v54 =	vld [tilespmem:s25+$0xFFFFFE70]  }
0x207: {  	[tilespmem:s1+$0xFFFFFE20] =	vst v6;
	v6 =	vadd.f32 v38, v9;
	v9 =	vld [tilespmem:s1+$0xFFFFFE30]  }
0x208: {  	v5 =	vadd.f32 v14, v5;
	v14 =	vld [tilespmem:s25+$0xFFFFFA30]  }
0x209: {  	v8 =	vadd.f32 v35, v8;
	v46 =	vld [tilespmem:s25+$0xFFFFFA70]  }
0x20a: {  	v10 =	vadd.f32 v10, v33;
	v52 =	vld [tilespmem:s25+$0xFFFFFAB0]  }
0x20b: {  	v8 =	vadd.f32 v13, v8;
	v13 =	vld [tilespmem:s25+$0xFFFFFF20]  }
0x20c: {  	v10 =	vadd.f32 v12, v10;
	[tilespmem:s1+$0xFFFFFEA0] =	vst v5;
	v12 =	vld [tilespmem:s1+$0xFFFFFE70]  }
0x20d: {  	v11 =	vadd.f32 v37, v11;
	v5 =	vadd.f32 v41, v6;
	v6 =	vld [tilespmem:s25+$0xFFFFFBB0]  }
0x20e: {  	v48 =	vld [tilespmem:s25+$0xFFFFFBF0]  }
0x20f: {  	[tilespmem:s1+$0xFFFFFE60] =	vst v8;
	v8 =	vadd.f32 v15, v11;
	v15 =	vld [tilespmem:s1+$0xFFFFFEF0]  }
0x210: {  	v11 =	vld [tilespmem:s25+$0xFFFFFAF0]  }
0x211: {  	v7 =	vadd.f32 v7, v44;
	[tilespmem:s1+$0xFFFFFF20] =	vst v5;
	v47 =	vld [tilespmem:s25+$0xFFFFFB30]  }
0x212: {  	v50 =	vld [tilespmem:s25+$0xFFFFFD70]  }
0x213: {  	v7 =	vadd.f32 v51, v7;
	v53 =	vld [tilespmem:s25+$0xFFFFFDB0];
	[tilespmem:s1+$0xFFFFFEE0] =	vst v8  }
0x214: {  	v1 =	vadd.f32 v2, v1;
	v8 =	vld [tilespmem:s25+$0xFFFFFC70]  }
0x215: {  	v7 =	vadd.f32 v54, v7;
	v5 =	vadd.f32 v13, v10;
	v10 =	vld [tilespmem:s25+$0xFFFFFD30]  }
0x216: {  	v13 =	vld [tilespmem:s1+$0xFFFFFEB0]  }
0x217: {  	v1 =	vadd.f32 v3, v1;
	v49 =	vld [tilespmem:s25+$0xFFFFFCB0];
	[tilespmem:s1+$0xFFFFFF70] =	vst v7  }
0x218: {  	v9 =	vadd.f32 v14, v9;
	v7 =	vld [tilespmem:s25+$0xFFFFFE00]  }
0x219: {  	v61 =	vadd.f32 v4, v1;
	[tilespmem:s1+$0xFFFFFFA0] =	vst v5;
	v1 =	vld [tilespmem:s25+$0xFFFFFE40]  }
0x21a: {  	v9 =	vadd.f32 v46, v9;
	v5 =	vld [tilespmem:s25+$0xFFFFFEB0]  }
0x21b: {  	v14 =	vld [tilespmem:s25+$0xFFFFFEF0]  }
0x21c: {  	v9 =	vadd.f32 v52, v9;
	v11 =	vadd.f32 v11, v12;
	v12 =	vld [tilespmem:s25+$0xFFFFFB70]  }
0x21d: {  	v6 =	vadd.f32 v6, v13;
	v13 =	vld [tilespmem:s25+$0xFFFFFC30]  }
0x21e: {  	[tilespmem:s1+$0xFFFFFE30] =	vst v9;
	v8 =	vadd.f32 v8, v15;
	v10 =	vadd.f32 v10, v43;
	v15 =	vld [tilespmem:s25+$0xFFFFFCF0]  }
0x21f: {  	v11 =	vadd.f32 v47, v11;
	v58 =	vld [tilespmem:s25+$0xFFFFFA80]  }
0x220: {  	v6 =	vadd.f32 v48, v6;
	v9 =	vadd.f32 v50, v10;
	v10 =	vld [tilespmem:s1+$0xFFFFFE40]  }
0x221: {  	v5 =	vadd.f32 v5, v45;
	v11 =	vadd.f32 v12, v11;
	v12 =	vld [tilespmem:s25+$0xFFFFFF30]  }
0x222: {  	v8 =	vadd.f32 v49, v8;
	v6 =	vadd.f32 v13, v6;
	v13 =	vld [tilespmem:s25+$0xFFFFFA40]  }
0x223: {  	v5 =	vadd.f32 v14, v5;
	v14 =	vld [tilespmem:s1+$0xFFFFFEC0]  }
0x224: {  	[tilespmem:s1+$0xFFFFFE70] =	vst v11;
	v8 =	vadd.f32 v15, v8;
	v15 =	vld [tilespmem:s1+$0xFFFFFF00]  }
0x225: {  	v11 =	vld [tilespmem:s25+$0xFFFFFB00]  }
0x226: {  	v2 =	vld [tilespmem:s25+$0xFFFFFB40];
	[tilespmem:s1+$0xFFFFFEB0] =	vst v6  }
0x227: {  	v6 =	vadd.f32 v53, v9;
	[tilespmem:s1+$0xFFFFFEF0] =	vst v8;
	v9 =	vld [tilespmem:s25+$0xFFFFFBC0]  }
0x228: {  	v8 =	vld [tilespmem:s25+$0xFFFFFC80]  }
0x229: {  	v5 =	vadd.f32 v12, v5;
	v12 =	vld [tilespmem:s1+$0xFFFFFE80]  }
0x22a: {  	v59 =	vld [tilespmem:s25+$0xFFFFFC00]  }
0x22b: {  	v3 =	vld [tilespmem:s25+$0xFFFFFCC0];
	[tilespmem:s1+$0xFFFFFF30] =	vst v6  }
0x22c: {  	v6 =	vld [tilespmem:s25+$0xFFFFFD40]  }
0x22d: {  	v60 =	vld [tilespmem:s25+$0xFFFFFD80];
	v4 =	vadd.f32 v13, v10  }
0x22e: {  	[tilespmem:s1+$0xFFFFFFB0] =	vst v5;
	v13 =	vld [tilespmem:s25+$0xFFFFFAC0]  }
0x22f: {  	v5 =	vld [tilespmem:s25+$0xFFFFFEC0];
	v63 =	vadd.f32 v58, v4  }
0x230: {  	v10 =	vadd.f32 v11, v12;
	v11 =	vld [tilespmem:s25+$0xFFFFFF00];
	v12 =	vadd.f32 v9, v14  }
0x231: {  	v8 =	vadd.f32 v8, v15;
	v14 =	vadd.f32 v7, v56;
	v15 =	vld [tilespmem:s25+$0xFFFFFB80]  }
0x232: {  	v9 =	vld [tilespmem:s25+$0xFFFFFC40];
	v6 =	vadd.f32 v6, v55;
	v10 =	vadd.f32 v2, v10  }
0x233: {  	v7 =	vld [tilespmem:s25+$0xFFFFFD00];
	v4 =	vadd.f32 v3, v8;
	v2 =	vadd.f32 v1, v14  }
0x234: {  	v62 =	vadd.f32 v5, v57;
	v3 =	vadd.f32 v60, v6;
	v6 =	vld [tilespmem:s25+$0xFFFFFDC0]  }
0x235: {  	v8 =	vld [tilespmem:s25+$0xFFFFFE80];
	v5 =	vadd.f32 v59, v12;
	v12 =	vadd.f32 v13, v63  }
0x236: {  	s28 =	simm.s32 $0x0;
	s31 =	simm.s32 $0x29F0;
	[tilespmem:s1+$0x0] =	vst v61;
	v1 =	vadd.f32 v11, v62;
	v11 =	vadd.f32 v15, v10;
	v10 =	vld [tilespmem:s25+$0xFFFFFF40]  }
.LBB2_4:
0x237: {  	v13 =	vld [tilespmem:s31+$0xFFFFFFD0];
	[tilespmem:s1+$0xFFFFFE40] =	vst v12;
	v5 =	vadd.f32 v9, v5;
	s25 =	sadd.s32 $0x600, s25  }
0x238: {  	s28 =	sadd.s32 $0x8, s28;
	v9 =	vld [tilespmem:s25+$0xFFFFFF50];
	[tilespmem:s1+$0xFFFFFE80] =	vst v11;
	v4 =	vadd.f32 v7, v4  }
0x239: {  	p0 =	slt.u32 s28, $0x78;
	v7 =	vld [tilespmem:s25+$0xFFFFFA10];
	[tilespmem:s1+$0xFFFFFEC0] =	vst v5;
	v3 =	vadd.f32 v6, v3  }
0x23a: {  	v5 =	vld [tilespmem:s25+$0xFFFFFF90];
	[tilespmem:s1+$0xFFFFFF00] =	vst v4;
	v2 =	vadd.f32 v8, v2  }
0x23b: {  	v4 =	vld [tilespmem:s31+$0xFFFFFE50];
	[tilespmem:s1+$0xFFFFFF40] =	vst v3;
	v1 =	vadd.f32 v10, v1  }
0x23c: {  	v3 =	vld [tilespmem:s25+$0xFFFFFFD0];
	[tilespmem:s1+$0xFFFFFF80] =	vst v2  }
0x23d: {  	v2 =	vld [tilespmem:s25+$0xFFFFFAD0];
	v6 =	vadd.f32 v9, v13;
	[tilespmem:s1+$0xFFFFFFC0] =	vst v1;
	s1 =	smov.u32 s31  }
0x23e: {  	v1 =	vld [tilespmem:s31+$0xFFFFFE90]  }
0x23f: {  	v8 =	vld [tilespmem:s25+$0xFFFFFB90];
	v5 =	vadd.f32 v5, v6  }
0x240: {  	v6 =	vld [tilespmem:s31+$0xFFFFFED0]  }
0x241: {  	v9 =	vld [tilespmem:s25+$0xFFFFFC50];
	v3 =	vadd.f32 v3, v5  }
0x242: {  	v2 =	vadd.f32 v2, v4;
	v4 =	vld [tilespmem:s31+$0xFFFFFF10]  }
0x243: {  	[tilespmem:s31+$0xFFFFFFD0] =	vst v3;
	v3 =	vld [tilespmem:s31+$0xFFFFFFE0]  }
0x244: {  	v1 =	vadd.f32 v8, v1;
	v5 =	vld [tilespmem:s25+$0xFFFFFF60]  }
0x245: {  	v8 =	vld [tilespmem:s25+$0xFFFFFD10]  }
0x246: {  	v6 =	vadd.f32 v9, v6;
	v9 =	vld [tilespmem:s25+$0xFFFFFFA0]  }
0x247: {  	v10 =	vld [tilespmem:s31+$0xFFFFFF50]  }
0x248: {  	v11 =	vld [tilespmem:s25+$0xFFFFFFE0]  }
0x249: {  	v12 =	vld [tilespmem:s25+$0xFFFFFDD0];
	v3 =	vadd.f32 v5, v3  }
0x24a: {  	v4 =	vadd.f32 v8, v4;
	v5 =	vld [tilespmem:s31+$0xFFFFFF90]  }
0x24b: {  	v8 =	vld [tilespmem:s25+$0xFFFFFE90];
	v3 =	vadd.f32 v9, v3  }
0x24c: {  	v9 =	vld [tilespmem:s31+$0xFFFFFE10]  }
0x24d: {  	v13 =	vld [tilespmem:s25+$0xFFFFFA50];
	v3 =	vadd.f32 v11, v3  }
0x24e: {  	v11 =	vld [tilespmem:s25+$0xFFFFFB10];
	v10 =	vadd.f32 v12, v10  }
0x24f: {  	[tilespmem:s31+$0xFFFFFFE0] =	vst v3;
	v3 =	vld [tilespmem:s31+$0xFFFFFFF0]  }
0x250: {  	v5 =	vadd.f32 v8, v5;
	v8 =	vld [tilespmem:s25+$0xFFFFFF70]  }
0x251: {  	v7 =	vadd.f32 v7, v9;
	v9 =	vld [tilespmem:s25+$0xFFFFFBD0]  }
0x252: {  	v12 =	vld [tilespmem:s25+$0xFFFFFFB0]  }
0x253: {  	v7 =	vadd.f32 v13, v7;
	v2 =	vadd.f32 v11, v2;
	v11 =	vld [tilespmem:s25+$0xFFFFFC90]  }
0x254: {  	v13 =	vld [tilespmem:s25+$0xFFFFFFF0]  }
0x255: {  	v14 =	vld [tilespmem:s25+$0xFFFFFD50];
	v3 =	vadd.f32 v8, v3  }
0x256: {  	v1 =	vadd.f32 v9, v1;
	v8 =	vld [tilespmem:s25+$0xFFFFFE10]  }
0x257: {  	v9 =	vld [tilespmem:s25+$0xFFFFFED0];
	v3 =	vadd.f32 v12, v3  }
0x258: {  	v12 =	vld [tilespmem:s25+$0xFFFFFA90];
	v6 =	vadd.f32 v11, v6  }
0x259: {  	v11 =	vld [tilespmem:s25+$0xFFFFFB50];
	v3 =	vadd.f32 v13, v3  }
0x25a: {  	v13 =	vld [tilespmem:s25+$0xFFFFFC10];
	v4 =	vadd.f32 v14, v4  }
0x25b: {  	v8 =	vadd.f32 v8, v10;
	[tilespmem:s31+$0xFFFFFFF0] =	vst v3;
	v3 =	vld [tilespmem:s31+$0x0]  }
0x25c: {  	v5 =	vadd.f32 v9, v5;
	v9 =	vld [tilespmem:s25+$0xFFFFFF80]  }
0x25d: {  	v7 =	vadd.f32 v12, v7;
	v10 =	vld [tilespmem:s25+$0xFFFFFCD0]  }
0x25e: {  	v2 =	vadd.f32 v11, v2;
	v11 =	vld [tilespmem:s25+$0xFFFFFFC0]  }
0x25f: {  	[tilespmem:s31+$0xFFFFFE10] =	vst v7;
	v1 =	vadd.f32 v13, v1;
	v7 =	vld [tilespmem:s25+$0xFFFFFD90]  }
0x260: {  	[tilespmem:s31+$0xFFFFFE50] =	vst v2;
	v2 =	vld [tilespmem:s25+$0x0]  }
0x261: {  	[tilespmem:s31+$0xFFFFFE90] =	vst v1;
	v1 =	vld [tilespmem:s25+$0xFFFFFE50];
	v3 =	vadd.f32 v9, v3  }
0x262: {  	v6 =	vadd.f32 v10, v6;
	v9 =	vld [tilespmem:s25+$0xFFFFFF10]  }
0x263: {  	v10 =	vld [tilespmem:s25+$0xFFFFFA20];
	v3 =	vadd.f32 v11, v3  }
0x264: {  	v11 =	vld [tilespmem:s25+$0xFFFFFAE0];
	[tilespmem:s31+$0xFFFFFED0] =	vst v6;
	v4 =	vadd.f32 v7, v4  }
0x265: {  	v6 =	vld [tilespmem:s25+$0xFFFFFBA0];
	v2 =	vadd.f32 v2, v3  }
0x266: {  	v3 =	vld [tilespmem:s25+$0xFFFFFC60];
	[tilespmem:s31+$0xFFFFFF10] =	vst v4;
	v1 =	vadd.f32 v1, v8  }
0x267: {  	v4 =	vld [tilespmem:s25+$0xFFFFFD20];
	v5 =	vadd.f32 v9, v5;
	[tilespmem:s31+$0x0] =	vst v2  }
0x268: {  	v2 =	vld [tilespmem:s31+$0xFFFFFE20];
	[tilespmem:s31+$0xFFFFFF50] =	vst v1  }
0x269: {  	v1 =	vld [tilespmem:s25+$0xFFFFFDE0];
	[tilespmem:s31+$0xFFFFFF90] =	vst v5  }
0x26a: {  	v5 =	vld [tilespmem:s25+$0xFFFFFEA0]  }
0x26b: {  	v7 =	vld [tilespmem:s31+$0xFFFFFE60]  }
0x26c: {  	v8 =	vld [tilespmem:s31+$0xFFFFFEA0]  }
0x26d: {  	v2 =	vadd.f32 v10, v2;
	v9 =	vld [tilespmem:s31+$0xFFFFFEE0]  }
0x26e: {  	v10 =	vld [tilespmem:s31+$0xFFFFFF20]  }
0x26f: {  	v12 =	vld [tilespmem:s31+$0xFFFFFF60]  }
0x270: {  	v7 =	vadd.f32 v11, v7;
	v11 =	vld [tilespmem:s31+$0xFFFFFFA0]  }
0x271: {  	v13 =	vld [tilespmem:s25+$0xFFFFFA60];
	v6 =	vadd.f32 v6, v8  }
0x272: {  	v8 =	vld [tilespmem:s25+$0xFFFFFB20];
	v3 =	vadd.f32 v3, v9  }
0x273: {  	v9 =	vld [tilespmem:s25+$0xFFFFFBE0];
	v4 =	vadd.f32 v4, v10  }
0x274: {  	v10 =	vld [tilespmem:s25+$0xFFFFFCA0];
	v1 =	vadd.f32 v1, v12  }
0x275: {  	v12 =	vld [tilespmem:s25+$0xFFFFFD60];
	v5 =	vadd.f32 v5, v11  }
0x276: {  	v2 =	vadd.f32 v13, v2;
	v11 =	vld [tilespmem:s25+$0xFFFFFE20]  }
0x277: {  	v7 =	vadd.f32 v8, v7;
	v8 =	vld [tilespmem:s25+$0xFFFFFEE0]  }
0x278: {  	v13 =	vld [tilespmem:s25+$0xFFFFFAA0];
	v6 =	vadd.f32 v9, v6  }
0x279: {  	v9 =	vld [tilespmem:s25+$0xFFFFFB60];
	v3 =	vadd.f32 v10, v3  }
0x27a: {  	v10 =	vld [tilespmem:s25+$0xFFFFFC20];
	v4 =	vadd.f32 v12, v4  }
0x27b: {  	v12 =	vld [tilespmem:s25+$0xFFFFFCE0];
	v1 =	vadd.f32 v11, v1  }
0x27c: {  	v11 =	vld [tilespmem:s25+$0xFFFFFDA0];
	v5 =	vadd.f32 v8, v5  }
0x27d: {  	v2 =	vadd.f32 v13, v2;
	v8 =	vld [tilespmem:s25+$0xFFFFFE60]  }
0x27e: {  	v7 =	vadd.f32 v9, v7;
	v9 =	vld [tilespmem:s25+$0xFFFFFF20]  }
0x27f: {  	[tilespmem:s31+$0xFFFFFE20] =	vst v2;
	v2 =	vld [tilespmem:s31+$0xFFFFFE30];
	v6 =	vadd.f32 v10, v6  }
0x280: {  	v10 =	vld [tilespmem:s25+$0xFFFFFA30];
	[tilespmem:s31+$0xFFFFFE60] =	vst v7;
	v3 =	vadd.f32 v12, v3  }
0x281: {  	v7 =	vld [tilespmem:s25+$0xFFFFFAF0];
	[tilespmem:s31+$0xFFFFFEA0] =	vst v6;
	v4 =	vadd.f32 v11, v4  }
0x282: {  	v6 =	vld [tilespmem:s25+$0xFFFFFBB0];
	[tilespmem:s31+$0xFFFFFEE0] =	vst v3;
	v1 =	vadd.f32 v8, v1  }
0x283: {  	v3 =	vld [tilespmem:s25+$0xFFFFFC70];
	[tilespmem:s31+$0xFFFFFF20] =	vst v4;
	v4 =	vadd.f32 v9, v5  }
0x284: {  	v5 =	vld [tilespmem:s25+$0xFFFFFD30];
	[tilespmem:s31+$0xFFFFFF60] =	vst v1  }
0x285: {  	v1 =	vadd.f32 v10, v2;
	v2 =	vld [tilespmem:s25+$0xFFFFFDF0];
	[tilespmem:s31+$0xFFFFFFA0] =	vst v4  }
0x286: {  	v4 =	vld [tilespmem:s25+$0xFFFFFEB0]  }
0x287: {  	v8 =	vld [tilespmem:s31+$0xFFFFFE70]  }
0x288: {  	v9 =	vld [tilespmem:s31+$0xFFFFFEB0]  }
0x289: {  	v10 =	vld [tilespmem:s31+$0xFFFFFEF0]  }
0x28a: {  	v11 =	vld [tilespmem:s31+$0xFFFFFF30]  }
0x28b: {  	v12 =	vld [tilespmem:s31+$0xFFFFFF70]  }
0x28c: {  	v7 =	vadd.f32 v7, v8;
	v8 =	vld [tilespmem:s31+$0xFFFFFFB0]  }
0x28d: {  	v13 =	vld [tilespmem:s25+$0xFFFFFA70];
	v6 =	vadd.f32 v6, v9  }
0x28e: {  	v9 =	vld [tilespmem:s25+$0xFFFFFB30];
	v3 =	vadd.f32 v3, v10  }
0x28f: {  	v10 =	vld [tilespmem:s25+$0xFFFFFBF0];
	v5 =	vadd.f32 v5, v11  }
0x290: {  	v11 =	vld [tilespmem:s25+$0xFFFFFCB0];
	v2 =	vadd.f32 v2, v12  }
0x291: {  	v12 =	vld [tilespmem:s25+$0xFFFFFD70];
	v4 =	vadd.f32 v4, v8  }
0x292: {  	v1 =	vadd.f32 v13, v1;
	v8 =	vld [tilespmem:s25+$0xFFFFFE30]  }
0x293: {  	v7 =	vadd.f32 v9, v7;
	v9 =	vld [tilespmem:s25+$0xFFFFFEF0]  }
0x294: {  	v13 =	vld [tilespmem:s25+$0xFFFFFAB0];
	v6 =	vadd.f32 v10, v6  }
0x295: {  	v10 =	vld [tilespmem:s25+$0xFFFFFB70];
	v3 =	vadd.f32 v11, v3  }
0x296: {  	v11 =	vld [tilespmem:s25+$0xFFFFFC30];
	v5 =	vadd.f32 v12, v5  }
0x297: {  	v12 =	vld [tilespmem:s25+$0xFFFFFCF0];
	v2 =	vadd.f32 v8, v2  }
0x298: {  	v8 =	vld [tilespmem:s25+$0xFFFFFDB0];
	v4 =	vadd.f32 v9, v4  }
0x299: {  	v1 =	vadd.f32 v13, v1;
	v9 =	vld [tilespmem:s25+$0xFFFFFE70]  }
0x29a: {  	v7 =	vadd.f32 v10, v7;
	v10 =	vld [tilespmem:s25+$0xFFFFFF30]  }
0x29b: {  	[tilespmem:s31+$0xFFFFFE30] =	vst v1;
	v1 =	vld [tilespmem:s31+$0xFFFFFE40];
	v6 =	vadd.f32 v11, v6  }
0x29c: {  	v11 =	vld [tilespmem:s25+$0xFFFFFA40];
	[tilespmem:s31+$0xFFFFFE70] =	vst v7;
	v3 =	vadd.f32 v12, v3  }
0x29d: {  	v7 =	vld [tilespmem:s25+$0xFFFFFB00];
	[tilespmem:s31+$0xFFFFFEB0] =	vst v6;
	v5 =	vadd.f32 v8, v5  }
0x29e: {  	v6 =	vld [tilespmem:s25+$0xFFFFFBC0];
	[tilespmem:s31+$0xFFFFFEF0] =	vst v3;
	v2 =	vadd.f32 v9, v2  }
0x29f: {  	v3 =	vld [tilespmem:s25+$0xFFFFFC80];
	[tilespmem:s31+$0xFFFFFF30] =	vst v5;
	v4 =	vadd.f32 v10, v4  }
0x2a0: {  	v5 =	vld [tilespmem:s25+$0xFFFFFD40];
	[tilespmem:s31+$0xFFFFFF70] =	vst v2  }
0x2a1: {  	v1 =	vadd.f32 v11, v1;
	v2 =	vld [tilespmem:s25+$0xFFFFFE00];
	[tilespmem:s31+$0xFFFFFFB0] =	vst v4  }
0x2a2: {  	v4 =	vld [tilespmem:s25+$0xFFFFFEC0]  }
0x2a3: {  	v8 =	vld [tilespmem:s31+$0xFFFFFE80]  }
0x2a4: {  	v9 =	vld [tilespmem:s31+$0xFFFFFEC0]  }
0x2a5: {  	v10 =	vld [tilespmem:s31+$0xFFFFFF00]  }
0x2a6: {  	v11 =	vld [tilespmem:s31+$0xFFFFFF40]  }
0x2a7: {  	v12 =	vld [tilespmem:s31+$0xFFFFFF80]  }
0x2a8: {  	v7 =	vadd.f32 v7, v8;
	v8 =	vld [tilespmem:s31+$0xFFFFFFC0]  }
0x2a9: {  	v13 =	vld [tilespmem:s25+$0xFFFFFA80];
	v6 =	vadd.f32 v6, v9  }
0x2aa: {  	v9 =	vld [tilespmem:s25+$0xFFFFFB40];
	v3 =	vadd.f32 v3, v10  }
0x2ab: {  	v10 =	vld [tilespmem:s25+$0xFFFFFC00];
	v11 =	vadd.f32 v5, v11  }
0x2ac: {  	v14 =	vld [tilespmem:s25+$0xFFFFFCC0];
	v2 =	vadd.f32 v2, v12  }
0x2ad: {  	v12 =	vld [tilespmem:s25+$0xFFFFFD80];
	v8 =	vadd.f32 v4, v8  }
0x2ae: {  	v13 =	vadd.f32 v13, v1;
	v1 =	vld [tilespmem:s25+$0xFFFFFE40]  }
0x2af: {  	v15 =	vadd.f32 v9, v7;
	v16 =	vld [tilespmem:s25+$0xFFFFFF00]  }
0x2b0: {  	v17 =	vld [tilespmem:s25+$0xFFFFFAC0];
	v5 =	vadd.f32 v10, v6  }
0x2b1: {  	v10 =	vld [tilespmem:s25+$0xFFFFFB80];
	v4 =	vadd.f32 v14, v3  }
.Ltmp1:
0x2b2: {  	v9 =	vld [tilespmem:s25+$0xFFFFFC40];
	v3 =	vadd.f32 v12, v11;
	(pc) =	sbr.rel @p0 .LBB2_4-.Ltmp1, $4  }
0x2b3: {  	v7 =	vld [tilespmem:s25+$0xFFFFFD00];
	v2 =	vadd.f32 v1, v2  }
0x2b4: {  	v6 =	vld [tilespmem:s25+$0xFFFFFDC0];
	v1 =	vadd.f32 v16, v8  }
0x2b5: {  	v12 =	vadd.f32 v17, v13;
	v8 =	vld [tilespmem:s25+$0xFFFFFE80]  }
0x2b6: {  	s31 =	sadd.s32 $0x200, s31;
	v11 =	vadd.f32 v10, v15;
	v10 =	vld [tilespmem:s25+$0xFFFFFF40]  }
0x2b7: {  	[tilespmem:s1+$0xFFFFFE40] =	vst v12;
	v5 =	vadd.f32 v9, v5  }
0x2b8: {  	[tilespmem:s1+$0xFFFFFE80] =	vst v11;
	v4 =	vadd.f32 v7, v4  }
0x2b9: {  	[tilespmem:s1+$0xFFFFFEC0] =	vst v5;
	v3 =	vadd.f32 v6, v3  }
0x2ba: {  	[tilespmem:s1+$0xFFFFFF00] =	vst v4;
	v2 =	vadd.f32 v8, v2  }
0x2bb: {  	[tilespmem:s1+$0xFFFFFF40] =	vst v3;
	v1 =	vadd.f32 v10, v1  }
0x2bc: {  	[tilespmem:s1+$0xFFFFFF80] =	vst v2  }
0x2bd: {  	[tilespmem:s1+$0xFFFFFFC0] =	vst v1  }
0x2be: {  	[hbm4b:s10+s3] =	stream.linear.scatter [tilespmem:s22], [sflag:$0x4], $0x2000, $0x38;
	[tilespmem:$0x10600] =	vst v63  }
0x2bf: {  	_ =	swait.ge [sflag:s23], $0x2000  }
0x2c0: {  	[sflag:s23] =	ssyncset.done $0x0  }
0x2c1: {  	[sflag:s23] =	ssyncadd.s32 $0xFFFFE000  }
0x2c2: {  	[tilespmem:s22], [sflag:$0x2] =	stream.linear.gather [hbm4b:s11+s3], $0x2000, $0x38;
	[tilespmem:$0x10600] =	vst v63  }
0x2c3: {  	s25 =	simm.s32 $0x480  }
0x2c4: {  	[tilespmem:s24], [sflag:$0x2] =	stream.indirect.gather [hbm4b:s2+s17], $0x40, s25, s17, $0xb8;
	[tilespmem:$0x10600] =	vst v63  }
0x2c5: {  	s25 =	simm.s32 $0x500  }
0x2c6: {  	[tilespmem:s26], [sflag:$0x2] =	stream.indirect.gather [hbm4b:s2+s17], $0x40, s25, s17, $0xb8;
	[tilespmem:$0x10600] =	vst v63  }
0x2c7: {  	s25 =	simm.s32 $0x580  }
0x2c8: {  	[tilespmem:s29], [sflag:$0x2] =	stream.indirect.gather [hbm4b:s2+s17], $0x40, s25, s17, $0xb8;
	[tilespmem:$0x10600] =	vst v63  }
0x2c9: {  	_ =	swait.ge [sflag:s4], $0x2000  }
0x2ca: {  	[sflag:s4] =	ssyncset.done $0x0  }
0x2cb: {  	[sflag:s4] =	ssyncadd.s32 $0xFFFFE000  }
0x2cc: {  	_ =	swait.ge [sflag:s4], $0x2000  }
0x2cd: {  	[sflag:s4] =	ssyncset.done $0x0  }
0x2ce: {  	[sflag:s4] =	ssyncadd.s32 $0xFFFFE000  }
0x2cf: {  	_ =	swait.ge [sflag:s4], $0x2000  }
0x2d0: {  	[sflag:s4] =	ssyncset.done $0x0  }
0x2d1: {  	[sflag:s4] =	ssyncadd.s32 $0xFFFFE000  }
0x2d2: {  	_ =	swait.ge [sflag:s4], $0x2000  }
0x2d3: {  	[sflag:s4] =	ssyncset.done $0x0  }
0x2d4: {  	s1 =	simm.s32 $0x700;
	[sflag:s4] =	ssyncadd.s32 $0xFFFFE000  }
0x2d5: {  	s25 =	simm.s32 $0x4900;
	v1 =	vld [tilespmem:s1+$0xC0]  }
0x2d6: {  	v2 =	vld [tilespmem:s25+$0x240]  }
0x2d7: {  	v3 =	vld [tilespmem:s25+$0x280]  }
0x2d8: {  	v4 =	vld [tilespmem:s25+$0x2C0]  }
0x2d9: {  	v5 =	vld [tilespmem:s1+$0xFFFFFF40]  }
0x2da: {  	v6 =	vld [tilespmem:s1+$0xFFFFFF80]  }
0x2db: {  	v7 =	vld [tilespmem:s1+$0xFFFFFFC0]  }
0x2dc: {  	v9 =	vld [tilespmem:s25+$0xFFFFFF40]  }
0x2dd: {  	v11 =	vld [tilespmem:s1+$0x0]  }
0x2de: {  	v13 =	vld [tilespmem:s25+$0x0]  }
0x2df: {  	v14 =	vld [tilespmem:s25+$0xC0]  }
0x2e0: {  	v15 =	vld [tilespmem:s25+$0x180]  }
0x2e1: {  	v16 =	vld [tilespmem:s25+$0xFFFFFD40]  }
0x2e2: {  	v18 =	vld [tilespmem:s25+$0xFFFFFE00]  }
0x2e3: {  	v20 =	vld [tilespmem:s25+$0xFFFFFEC0]  }
0x2e4: {  	v22 =	vld [tilespmem:s25+$0xFFFFFF80]  }
0x2e5: {  	v28 =	vld [tilespmem:s25+$0x40]  }
0x2e6: {  	v23 =	vld [tilespmem:s25+$0x100]  }
0x2e7: {  	v29 =	vld [tilespmem:s25+$0x1C0]  }
0x2e8: {  	v24 =	vld [tilespmem:s25+$0xFFFFFD80]  }
0x2e9: {  	v30 =	vld [tilespmem:s25+$0xFFFFFE40]  }
0x2ea: {  	v25 =	vld [tilespmem:s25+$0xFFFFFF00]  }
0x2eb: {  	v31 =	vld [tilespmem:s1+$0x10]  }
0x2ec: {  	v32 =	vld [tilespmem:s1+$0x50]  }
0x2ed: {  	v33 =	vld [tilespmem:s1+$0x90]  }
0x2ee: {  	v43 =	vld [tilespmem:s1+$0x20]  }
0x2ef: {  	v44 =	vld [tilespmem:s1+$0x60];
	v1 =	vadd.f32 v2, v1  }
0x2f0: {  	v45 =	vld [tilespmem:s1+$0xA0]  }
0x2f1: {  	v55 =	vld [tilespmem:s1+$0x30];
	v1 =	vadd.f32 v3, v1  }
0x2f2: {  	v3 =	vld [tilespmem:s25+$0xFFFFFDC0]  }
0x2f3: {  	v1 =	vadd.f32 v4, v1;
	v4 =	vld [tilespmem:s25+$0xFFFFFE80]  }
0x2f4: {  	v56 =	vld [tilespmem:s1+$0x70]  }
0x2f5: {  	[tilespmem:s1+$0xC0] =	vst v1;
	v1 =	vld [tilespmem:s1+$0xD0]  }
0x2f6: {  	v8 =	vld [tilespmem:s25+$0x250]  }
0x2f7: {  	v57 =	vld [tilespmem:s1+$0xB0];
	v5 =	vadd.f32 v3, v5  }
0x2f8: {  	v10 =	vld [tilespmem:s25+$0x290];
	v4 =	vadd.f32 v4, v6  }
0x2f9: {  	v6 =	vadd.f32 v9, v7;
	v7 =	vld [tilespmem:s25+$0xFFFFFFC0];
	v5 =	vadd.f32 v18, v5  }
0x2fa: {  	v12 =	vld [tilespmem:s25+$0x2D0]  }
0x2fb: {  	v5 =	vadd.f32 v30, v5;
	v1 =	vadd.f32 v8, v1;
	v8 =	vld [tilespmem:s1+$0x40]  }
0x2fc: {  	v2 =	vld [tilespmem:s25+$0xFFFFFD00];
	v6 =	vadd.f32 v22, v6  }
0x2fd: {  	[tilespmem:s1+$0xFFFFFF40] =	vst v5;
	v1 =	vadd.f32 v10, v1;
	v10 =	vld [tilespmem:s1+$0x80]  }
0x2fe: {  	v5 =	vadd.f32 v7, v6;
	v35 =	vld [tilespmem:s25+$0xFFFFFE10]  }
0x2ff: {  	v1 =	vadd.f32 v12, v1;
	v12 =	vld [tilespmem:s1+$0xFFFFFF00]  }
0x300: {  	[tilespmem:s1+$0xFFFFFFC0] =	vst v5;
	v8 =	vadd.f32 v14, v8;
	v14 =	vld [tilespmem:s25+$0x140]  }
0x301: {  	v37 =	vld [tilespmem:s25+$0xFFFFFF90]  }
0x302: {  	[tilespmem:s1+$0xD0] =	vst v1;
	v1 =	vld [tilespmem:s1+$0xE0]  }
0x303: {  	v17 =	vld [tilespmem:s25+$0x260]  }
0x304: {  	v19 =	vld [tilespmem:s25+$0x2A0]  }
0x305: {  	v21 =	vld [tilespmem:s25+$0x2E0];
	v7 =	vadd.f32 v23, v8  }
0x306: {  	v8 =	vld [tilespmem:s25+$0xFFFFFDD0]  }
0x307: {  	v10 =	vadd.f32 v15, v10;
	v15 =	vld [tilespmem:s1+$0xFFFFFFD0];
	v7 =	vadd.f32 v14, v7  }
0x308: {  	v3 =	vadd.f32 v2, v12;
	v12 =	vld [tilespmem:s25+$0x80]  }
0x309: {  	v9 =	vadd.f32 v13, v11;
	v14 =	vld [tilespmem:s1+$0xFFFFFF90];
	[tilespmem:s1+$0x40] =	vst v7  }
0x30a: {  	v11 =	vadd.f32 v16, v3;
	v7 =	vld [tilespmem:s25+$0xD0]  }
0x30b: {  	v9 =	vadd.f32 v28, v9;
	v39 =	vld [tilespmem:s25+$0x110]  }
0x30c: {  	v13 =	vadd.f32 v20, v4;
	v11 =	vadd.f32 v24, v11;
	v42 =	vld [tilespmem:s25+$0x150]  }
0x30d: {  	v9 =	vadd.f32 v12, v9;
	v12 =	vld [tilespmem:s1+$0xFFFFFF10]  }
0x30e: {  	[tilespmem:s1+$0xFFFFFF00] =	vst v11;
	v11 =	vadd.f32 v25, v13;
	v13 =	vld [tilespmem:s25+$0x200]  }
0x30f: {  	v6 =	vld [tilespmem:s25+$0xFFFFFD10]  }
0x310: {  	v1 =	vadd.f32 v17, v1;
	v34 =	vld [tilespmem:s25+$0xFFFFFD50]  }
0x311: {  	[tilespmem:s1+$0x0] =	vst v9;
	v40 =	vld [tilespmem:s25+$0xFFFFFD90]  }
0x312: {  	v1 =	vadd.f32 v19, v1;
	[tilespmem:s1+$0xFFFFFF80] =	vst v11;
	v11 =	vld [tilespmem:s25+$0xFFFFFF50]  }
0x313: {  	v9 =	vld [tilespmem:s25+$0x10]  }
0x314: {  	v1 =	vadd.f32 v21, v1;
	v38 =	vld [tilespmem:s25+$0x50]  }
0x315: {  	v41 =	vld [tilespmem:s25+$0x90]  }
0x316: {  	[tilespmem:s1+$0xE0] =	vst v1;
	v1 =	vld [tilespmem:s1+$0xF0]  }
0x317: {  	v5 =	vld [tilespmem:s25+$0xFFFFFE90]  }
0x318: {  	v36 =	vld [tilespmem:s25+$0xFFFFFED0]  }
0x319: {  	v10 =	vadd.f32 v29, v10;
	v2 =	vld [tilespmem:s25+$0x270]  }
0x31a: {  	v3 =	vld [tilespmem:s25+$0x2B0]  }
0x31b: {  	v7 =	vadd.f32 v7, v32;
	v4 =	vld [tilespmem:s25+$0x2F0];
	v10 =	vadd.f32 v13, v10  }
0x31c: {  	v13 =	vld [tilespmem:s1+$0xFFFFFF50]  }
0x31d: {  	v7 =	vadd.f32 v39, v7;
	[tilespmem:s1+$0x80] =	vst v10;
	v11 =	vadd.f32 v11, v15;
	v15 =	vld [tilespmem:s25+$0xFFFFFFD0]  }
0x31e: {  	v10 =	vld [tilespmem:s25+$0x190]  }
0x31f: {  	v6 =	vadd.f32 v6, v12;
	v7 =	vadd.f32 v42, v7;
	v12 =	vld [tilespmem:s25+$0x1D0]  }
0x320: {  	v5 =	vadd.f32 v5, v14;
	v14 =	vld [tilespmem:s25+$0xFFFFFF10]  }
0x321: {  	v6 =	vadd.f32 v34, v6;
	[tilespmem:s1+$0x50] =	vst v7;
	v8 =	vadd.f32 v8, v13;
	v13 =	vld [tilespmem:s25+$0xFFFFFE50]  }
0x322: {  	v7 =	vld [tilespmem:s25+$0xE0]  }
0x323: {  	v9 =	vadd.f32 v9, v31;
	v6 =	vadd.f32 v40, v6;
	v51 =	vld [tilespmem:s25+$0x120]  }
0x324: {  	v5 =	vadd.f32 v36, v5;
	v54 =	vld [tilespmem:s25+$0x160]  }
0x325: {  	[tilespmem:s1+$0xFFFFFF10] =	vst v6;
	v6 =	vadd.f32 v38, v9;
	v9 =	vld [tilespmem:s1+$0xFFFFFF20]  }
0x326: {  	v5 =	vadd.f32 v14, v5;
	v14 =	vld [tilespmem:s25+$0xFFFFFD20]  }
0x327: {  	v8 =	vadd.f32 v35, v8;
	v46 =	vld [tilespmem:s25+$0xFFFFFD60]  }
0x328: {  	v10 =	vadd.f32 v10, v33;
	v52 =	vld [tilespmem:s25+$0xFFFFFDA0]  }
0x329: {  	v8 =	vadd.f32 v13, v8;
	v13 =	vld [tilespmem:s25+$0x210]  }
0x32a: {  	v10 =	vadd.f32 v12, v10;
	[tilespmem:s1+$0xFFFFFF90] =	vst v5;
	v12 =	vld [tilespmem:s1+$0xFFFFFF60]  }
0x32b: {  	v11 =	vadd.f32 v37, v11;
	v5 =	vadd.f32 v41, v6;
	v6 =	vld [tilespmem:s25+$0xFFFFFEA0]  }
0x32c: {  	v48 =	vld [tilespmem:s25+$0xFFFFFEE0]  }
0x32d: {  	[tilespmem:s1+$0xFFFFFF50] =	vst v8;
	v8 =	vadd.f32 v15, v11;
	v15 =	vld [tilespmem:s1+$0xFFFFFFE0]  }
0x32e: {  	v11 =	vld [tilespmem:s25+$0xFFFFFDE0]  }
0x32f: {  	v7 =	vadd.f32 v7, v44;
	[tilespmem:s1+$0x10] =	vst v5;
	v47 =	vld [tilespmem:s25+$0xFFFFFE20]  }
0x330: {  	v50 =	vld [tilespmem:s25+$0x60]  }
0x331: {  	v7 =	vadd.f32 v51, v7;
	v53 =	vld [tilespmem:s25+$0xA0];
	[tilespmem:s1+$0xFFFFFFD0] =	vst v8  }
0x332: {  	v1 =	vadd.f32 v2, v1;
	v8 =	vld [tilespmem:s25+$0xFFFFFF60]  }
0x333: {  	v7 =	vadd.f32 v54, v7;
	v5 =	vadd.f32 v13, v10;
	v10 =	vld [tilespmem:s25+$0x20]  }
0x334: {  	v13 =	vld [tilespmem:s1+$0xFFFFFFA0]  }
0x335: {  	v1 =	vadd.f32 v3, v1;
	v49 =	vld [tilespmem:s25+$0xFFFFFFA0];
	[tilespmem:s1+$0x60] =	vst v7  }
0x336: {  	v9 =	vadd.f32 v14, v9;
	v7 =	vld [tilespmem:s25+$0xF0]  }
0x337: {  	v61 =	vadd.f32 v4, v1;
	[tilespmem:s1+$0x90] =	vst v5;
	v1 =	vld [tilespmem:s25+$0x130]  }
0x338: {  	v9 =	vadd.f32 v46, v9;
	v5 =	vld [tilespmem:s25+$0x1A0]  }
0x339: {  	v14 =	vld [tilespmem:s25+$0x1E0]  }
0x33a: {  	v9 =	vadd.f32 v52, v9;
	v11 =	vadd.f32 v11, v12;
	v12 =	vld [tilespmem:s25+$0xFFFFFE60]  }
0x33b: {  	v6 =	vadd.f32 v6, v13;
	v13 =	vld [tilespmem:s25+$0xFFFFFF20]  }
0x33c: {  	[tilespmem:s1+$0xFFFFFF20] =	vst v9;
	v8 =	vadd.f32 v8, v15;
	v10 =	vadd.f32 v10, v43;
	v15 =	vld [tilespmem:s25+$0xFFFFFFE0]  }
0x33d: {  	v11 =	vadd.f32 v47, v11;
	v58 =	vld [tilespmem:s25+$0xFFFFFD70]  }
0x33e: {  	v6 =	vadd.f32 v48, v6;
	v9 =	vadd.f32 v50, v10;
	v10 =	vld [tilespmem:s1+$0xFFFFFF30]  }
0x33f: {  	v5 =	vadd.f32 v5, v45;
	v11 =	vadd.f32 v12, v11;
	v12 =	vld [tilespmem:s25+$0x220]  }
0x340: {  	v8 =	vadd.f32 v49, v8;
	v6 =	vadd.f32 v13, v6;
	v13 =	vld [tilespmem:s25+$0xFFFFFD30]  }
0x341: {  	v5 =	vadd.f32 v14, v5;
	v14 =	vld [tilespmem:s1+$0xFFFFFFB0]  }
0x342: {  	[tilespmem:s1+$0xFFFFFF60] =	vst v11;
	v8 =	vadd.f32 v15, v8;
	v15 =	vld [tilespmem:s1+$0xFFFFFFF0]  }
0x343: {  	v11 =	vld [tilespmem:s25+$0xFFFFFDF0]  }
0x344: {  	v2 =	vld [tilespmem:s25+$0xFFFFFE30];
	[tilespmem:s1+$0xFFFFFFA0] =	vst v6  }
0x345: {  	v6 =	vadd.f32 v53, v9;
	[tilespmem:s1+$0xFFFFFFE0] =	vst v8;
	v9 =	vld [tilespmem:s25+$0xFFFFFEB0]  }
0x346: {  	v8 =	vld [tilespmem:s25+$0xFFFFFF70]  }
0x347: {  	v5 =	vadd.f32 v12, v5;
	v12 =	vld [tilespmem:s1+$0xFFFFFF70]  }
0x348: {  	v59 =	vld [tilespmem:s25+$0xFFFFFEF0]  }
0x349: {  	v3 =	vld [tilespmem:s25+$0xFFFFFFB0];
	[tilespmem:s1+$0x20] =	vst v6  }
0x34a: {  	v6 =	vld [tilespmem:s25+$0x30]  }
0x34b: {  	v60 =	vld [tilespmem:s25+$0x70];
	v4 =	vadd.f32 v13, v10  }
0x34c: {  	[tilespmem:s1+$0xA0] =	vst v5;
	v13 =	vld [tilespmem:s25+$0xFFFFFDB0]  }
0x34d: {  	v5 =	vld [tilespmem:s25+$0x1B0];
	v63 =	vadd.f32 v58, v4  }
0x34e: {  	v10 =	vadd.f32 v11, v12;
	v11 =	vld [tilespmem:s25+$0x1F0];
	v12 =	vadd.f32 v9, v14  }
0x34f: {  	v8 =	vadd.f32 v8, v15;
	v14 =	vadd.f32 v7, v56;
	v15 =	vld [tilespmem:s25+$0xFFFFFE70]  }
0x350: {  	v9 =	vld [tilespmem:s25+$0xFFFFFF30];
	v6 =	vadd.f32 v6, v55;
	v10 =	vadd.f32 v2, v10  }
0x351: {  	v7 =	vld [tilespmem:s25+$0xFFFFFFF0];
	v4 =	vadd.f32 v3, v8;
	v2 =	vadd.f32 v1, v14  }
0x352: {  	v62 =	vadd.f32 v5, v57;
	v3 =	vadd.f32 v60, v6;
	v6 =	vld [tilespmem:s25+$0xB0]  }
0x353: {  	v8 =	vld [tilespmem:s25+$0x170];
	v5 =	vadd.f32 v59, v12;
	v12 =	vadd.f32 v13, v63  }
0x354: {  	s28 =	simm.s32 $0x0;
	s31 =	simm.s32 $0x900;
	[tilespmem:s1+$0xF0] =	vst v61;
	v1 =	vadd.f32 v11, v62;
	v11 =	vadd.f32 v15, v10;
	v10 =	vld [tilespmem:s25+$0x230]  }
.LBB2_6:
0x355: {  	v13 =	vld [tilespmem:s31+$0xC0];
	[tilespmem:s1+$0xFFFFFF30] =	vst v12;
	v5 =	vadd.f32 v9, v5;
	s25 =	sadd.s32 $0x600, s25  }
0x356: {  	s28 =	sadd.s32 $0x8, s28;
	v9 =	vld [tilespmem:s25+$0x240];
	[tilespmem:s1+$0xFFFFFF70] =	vst v11;
	v4 =	vadd.f32 v7, v4  }
0x357: {  	p0 =	slt.u32 s28, $0x78;
	v7 =	vld [tilespmem:s25+$0xFFFFFD00];
	[tilespmem:s1+$0xFFFFFFB0] =	vst v5;
	v3 =	vadd.f32 v6, v3  }
0x358: {  	v5 =	vld [tilespmem:s25+$0x280];
	[tilespmem:s1+$0xFFFFFFF0] =	vst v4;
	v2 =	vadd.f32 v8, v2  }
0x359: {  	v4 =	vld [tilespmem:s31+$0xFFFFFF40];
	[tilespmem:s1+$0x30] =	vst v3;
	v1 =	vadd.f32 v10, v1  }
0x35a: {  	v3 =	vld [tilespmem:s25+$0x2C0];
	[tilespmem:s1+$0x70] =	vst v2  }
0x35b: {  	v2 =	vld [tilespmem:s25+$0xFFFFFDC0];
	v6 =	vadd.f32 v9, v13;
	[tilespmem:s1+$0xB0] =	vst v1;
	s1 =	smov.u32 s31  }
0x35c: {  	v1 =	vld [tilespmem:s31+$0xFFFFFF80]  }
0x35d: {  	v8 =	vld [tilespmem:s25+$0xFFFFFE80];
	v5 =	vadd.f32 v5, v6  }
0x35e: {  	v6 =	vld [tilespmem:s31+$0xFFFFFFC0]  }
0x35f: {  	v9 =	vld [tilespmem:s25+$0xFFFFFF40];
	v3 =	vadd.f32 v3, v5  }
0x360: {  	v2 =	vadd.f32 v2, v4;
	v4 =	vld [tilespmem:s31+$0x0]  }
0x361: {  	[tilespmem:s31+$0xC0] =	vst v3;
	v3 =	vld [tilespmem:s31+$0xD0]  }
0x362: {  	v1 =	vadd.f32 v8, v1;
	v5 =	vld [tilespmem:s25+$0x250]  }
0x363: {  	v8 =	vld [tilespmem:s25+$0x0]  }
0x364: {  	v6 =	vadd.f32 v9, v6;
	v9 =	vld [tilespmem:s25+$0x290]  }
0x365: {  	v10 =	vld [tilespmem:s31+$0x40]  }
0x366: {  	v11 =	vld [tilespmem:s25+$0x2D0]  }
0x367: {  	v12 =	vld [tilespmem:s25+$0xC0];
	v3 =	vadd.f32 v5, v3  }
0x368: {  	v4 =	vadd.f32 v8, v4;
	v5 =	vld [tilespmem:s31+$0x80]  }
0x369: {  	v8 =	vld [tilespmem:s25+$0x180];
	v3 =	vadd.f32 v9, v3  }
0x36a: {  	v9 =	vld [tilespmem:s31+$0xFFFFFF00]  }
0x36b: {  	v13 =	vld [tilespmem:s25+$0xFFFFFD40];
	v3 =	vadd.f32 v11, v3  }
0x36c: {  	v11 =	vld [tilespmem:s25+$0xFFFFFE00];
	v10 =	vadd.f32 v12, v10  }
0x36d: {  	[tilespmem:s31+$0xD0] =	vst v3;
	v3 =	vld [tilespmem:s31+$0xE0]  }
0x36e: {  	v5 =	vadd.f32 v8, v5;
	v8 =	vld [tilespmem:s25+$0x260]  }
0x36f: {  	v7 =	vadd.f32 v7, v9;
	v9 =	vld [tilespmem:s25+$0xFFFFFEC0]  }
0x370: {  	v12 =	vld [tilespmem:s25+$0x2A0]  }
0x371: {  	v7 =	vadd.f32 v13, v7;
	v2 =	vadd.f32 v11, v2;
	v11 =	vld [tilespmem:s25+$0xFFFFFF80]  }
0x372: {  	v13 =	vld [tilespmem:s25+$0x2E0]  }
0x373: {  	v14 =	vld [tilespmem:s25+$0x40];
	v3 =	vadd.f32 v8, v3  }
0x374: {  	v1 =	vadd.f32 v9, v1;
	v8 =	vld [tilespmem:s25+$0x100]  }
0x375: {  	v9 =	vld [tilespmem:s25+$0x1C0];
	v3 =	vadd.f32 v12, v3  }
0x376: {  	v12 =	vld [tilespmem:s25+$0xFFFFFD80];
	v6 =	vadd.f32 v11, v6  }
0x377: {  	v11 =	vld [tilespmem:s25+$0xFFFFFE40];
	v3 =	vadd.f32 v13, v3  }
0x378: {  	v13 =	vld [tilespmem:s25+$0xFFFFFF00];
	v4 =	vadd.f32 v14, v4  }
0x379: {  	v8 =	vadd.f32 v8, v10;
	[tilespmem:s31+$0xE0] =	vst v3;
	v3 =	vld [tilespmem:s31+$0xF0]  }
0x37a: {  	v5 =	vadd.f32 v9, v5;
	v9 =	vld [tilespmem:s25+$0x270]  }
0x37b: {  	v7 =	vadd.f32 v12, v7;
	v10 =	vld [tilespmem:s25+$0xFFFFFFC0]  }
0x37c: {  	v2 =	vadd.f32 v11, v2;
	v11 =	vld [tilespmem:s25+$0x2B0]  }
0x37d: {  	[tilespmem:s31+$0xFFFFFF00] =	vst v7;
	v1 =	vadd.f32 v13, v1;
	v7 =	vld [tilespmem:s25+$0x80]  }
0x37e: {  	[tilespmem:s31+$0xFFFFFF40] =	vst v2;
	v2 =	vld [tilespmem:s25+$0x2F0]  }
0x37f: {  	[tilespmem:s31+$0xFFFFFF80] =	vst v1;
	v1 =	vld [tilespmem:s25+$0x140];
	v3 =	vadd.f32 v9, v3  }
0x380: {  	v6 =	vadd.f32 v10, v6;
	v9 =	vld [tilespmem:s25+$0x200]  }
0x381: {  	v10 =	vld [tilespmem:s25+$0xFFFFFD10];
	v3 =	vadd.f32 v11, v3  }
0x382: {  	v11 =	vld [tilespmem:s25+$0xFFFFFDD0];
	[tilespmem:s31+$0xFFFFFFC0] =	vst v6;
	v4 =	vadd.f32 v7, v4  }
0x383: {  	v6 =	vld [tilespmem:s25+$0xFFFFFE90];
	v2 =	vadd.f32 v2, v3  }
0x384: {  	v3 =	vld [tilespmem:s25+$0xFFFFFF50];
	[tilespmem:s31+$0x0] =	vst v4;
	v1 =	vadd.f32 v1, v8  }
0x385: {  	v4 =	vld [tilespmem:s25+$0x10];
	v5 =	vadd.f32 v9, v5;
	[tilespmem:s31+$0xF0] =	vst v2  }
0x386: {  	v2 =	vld [tilespmem:s31+$0xFFFFFF10];
	[tilespmem:s31+$0x40] =	vst v1  }
0x387: {  	v1 =	vld [tilespmem:s25+$0xD0];
	[tilespmem:s31+$0x80] =	vst v5  }
0x388: {  	v5 =	vld [tilespmem:s25+$0x190]  }
0x389: {  	v7 =	vld [tilespmem:s31+$0xFFFFFF50]  }
0x38a: {  	v8 =	vld [tilespmem:s31+$0xFFFFFF90]  }
0x38b: {  	v2 =	vadd.f32 v10, v2;
	v9 =	vld [tilespmem:s31+$0xFFFFFFD0]  }
0x38c: {  	v10 =	vld [tilespmem:s31+$0x10]  }
0x38d: {  	v12 =	vld [tilespmem:s31+$0x50]  }
0x38e: {  	v7 =	vadd.f32 v11, v7;
	v11 =	vld [tilespmem:s31+$0x90]  }
0x38f: {  	v13 =	vld [tilespmem:s25+$0xFFFFFD50];
	v6 =	vadd.f32 v6, v8  }
0x390: {  	v8 =	vld [tilespmem:s25+$0xFFFFFE10];
	v3 =	vadd.f32 v3, v9  }
0x391: {  	v9 =	vld [tilespmem:s25+$0xFFFFFED0];
	v4 =	vadd.f32 v4, v10  }
0x392: {  	v10 =	vld [tilespmem:s25+$0xFFFFFF90];
	v1 =	vadd.f32 v1, v12  }
0x393: {  	v12 =	vld [tilespmem:s25+$0x50];
	v5 =	vadd.f32 v5, v11  }
0x394: {  	v2 =	vadd.f32 v13, v2;
	v11 =	vld [tilespmem:s25+$0x110]  }
0x395: {  	v7 =	vadd.f32 v8, v7;
	v8 =	vld [tilespmem:s25+$0x1D0]  }
0x396: {  	v13 =	vld [tilespmem:s25+$0xFFFFFD90];
	v6 =	vadd.f32 v9, v6  }
0x397: {  	v9 =	vld [tilespmem:s25+$0xFFFFFE50];
	v3 =	vadd.f32 v10, v3  }
0x398: {  	v10 =	vld [tilespmem:s25+$0xFFFFFF10];
	v4 =	vadd.f32 v12, v4  }
0x399: {  	v12 =	vld [tilespmem:s25+$0xFFFFFFD0];
	v1 =	vadd.f32 v11, v1  }
0x39a: {  	v11 =	vld [tilespmem:s25+$0x90];
	v5 =	vadd.f32 v8, v5  }
0x39b: {  	v2 =	vadd.f32 v13, v2;
	v8 =	vld [tilespmem:s25+$0x150]  }
0x39c: {  	v7 =	vadd.f32 v9, v7;
	v9 =	vld [tilespmem:s25+$0x210]  }
0x39d: {  	[tilespmem:s31+$0xFFFFFF10] =	vst v2;
	v2 =	vld [tilespmem:s31+$0xFFFFFF20];
	v6 =	vadd.f32 v10, v6  }
0x39e: {  	v10 =	vld [tilespmem:s25+$0xFFFFFD20];
	[tilespmem:s31+$0xFFFFFF50] =	vst v7;
	v3 =	vadd.f32 v12, v3  }
0x39f: {  	v7 =	vld [tilespmem:s25+$0xFFFFFDE0];
	[tilespmem:s31+$0xFFFFFF90] =	vst v6;
	v4 =	vadd.f32 v11, v4  }
0x3a0: {  	v6 =	vld [tilespmem:s25+$0xFFFFFEA0];
	[tilespmem:s31+$0xFFFFFFD0] =	vst v3;
	v1 =	vadd.f32 v8, v1  }
0x3a1: {  	v3 =	vld [tilespmem:s25+$0xFFFFFF60];
	[tilespmem:s31+$0x10] =	vst v4;
	v4 =	vadd.f32 v9, v5  }
0x3a2: {  	v5 =	vld [tilespmem:s25+$0x20];
	[tilespmem:s31+$0x50] =	vst v1  }
0x3a3: {  	v1 =	vadd.f32 v10, v2;
	v2 =	vld [tilespmem:s25+$0xE0];
	[tilespmem:s31+$0x90] =	vst v4  }
0x3a4: {  	v4 =	vld [tilespmem:s25+$0x1A0]  }
0x3a5: {  	v8 =	vld [tilespmem:s31+$0xFFFFFF60]  }
0x3a6: {  	v9 =	vld [tilespmem:s31+$0xFFFFFFA0]  }
0x3a7: {  	v10 =	vld [tilespmem:s31+$0xFFFFFFE0]  }
0x3a8: {  	v11 =	vld [tilespmem:s31+$0x20]  }
0x3a9: {  	v12 =	vld [tilespmem:s31+$0x60]  }
0x3aa: {  	v7 =	vadd.f32 v7, v8;
	v8 =	vld [tilespmem:s31+$0xA0]  }
0x3ab: {  	v13 =	vld [tilespmem:s25+$0xFFFFFD60];
	v6 =	vadd.f32 v6, v9  }
0x3ac: {  	v9 =	vld [tilespmem:s25+$0xFFFFFE20];
	v3 =	vadd.f32 v3, v10  }
0x3ad: {  	v10 =	vld [tilespmem:s25+$0xFFFFFEE0];
	v5 =	vadd.f32 v5, v11  }
0x3ae: {  	v11 =	vld [tilespmem:s25+$0xFFFFFFA0];
	v2 =	vadd.f32 v2, v12  }
0x3af: {  	v12 =	vld [tilespmem:s25+$0x60];
	v4 =	vadd.f32 v4, v8  }
0x3b0: {  	v1 =	vadd.f32 v13, v1;
	v8 =	vld [tilespmem:s25+$0x120]  }
0x3b1: {  	v7 =	vadd.f32 v9, v7;
	v9 =	vld [tilespmem:s25+$0x1E0]  }
0x3b2: {  	v13 =	vld [tilespmem:s25+$0xFFFFFDA0];
	v6 =	vadd.f32 v10, v6  }
0x3b3: {  	v10 =	vld [tilespmem:s25+$0xFFFFFE60];
	v3 =	vadd.f32 v11, v3  }
0x3b4: {  	v11 =	vld [tilespmem:s25+$0xFFFFFF20];
	v5 =	vadd.f32 v12, v5  }
0x3b5: {  	v12 =	vld [tilespmem:s25+$0xFFFFFFE0];
	v2 =	vadd.f32 v8, v2  }
0x3b6: {  	v8 =	vld [tilespmem:s25+$0xA0];
	v4 =	vadd.f32 v9, v4  }
0x3b7: {  	v1 =	vadd.f32 v13, v1;
	v9 =	vld [tilespmem:s25+$0x160]  }
0x3b8: {  	v7 =	vadd.f32 v10, v7;
	v10 =	vld [tilespmem:s25+$0x220]  }
0x3b9: {  	[tilespmem:s31+$0xFFFFFF20] =	vst v1;
	v1 =	vld [tilespmem:s31+$0xFFFFFF30];
	v6 =	vadd.f32 v11, v6  }
0x3ba: {  	v11 =	vld [tilespmem:s25+$0xFFFFFD30];
	[tilespmem:s31+$0xFFFFFF60] =	vst v7;
	v3 =	vadd.f32 v12, v3  }
0x3bb: {  	v7 =	vld [tilespmem:s25+$0xFFFFFDF0];
	[tilespmem:s31+$0xFFFFFFA0] =	vst v6;
	v5 =	vadd.f32 v8, v5  }
0x3bc: {  	v6 =	vld [tilespmem:s25+$0xFFFFFEB0];
	[tilespmem:s31+$0xFFFFFFE0] =	vst v3;
	v2 =	vadd.f32 v9, v2  }
0x3bd: {  	v3 =	vld [tilespmem:s25+$0xFFFFFF70];
	[tilespmem:s31+$0x20] =	vst v5;
	v4 =	vadd.f32 v10, v4  }
0x3be: {  	v5 =	vld [tilespmem:s25+$0x30];
	[tilespmem:s31+$0x60] =	vst v2  }
0x3bf: {  	v1 =	vadd.f32 v11, v1;
	v2 =	vld [tilespmem:s25+$0xF0];
	[tilespmem:s31+$0xA0] =	vst v4  }
0x3c0: {  	v4 =	vld [tilespmem:s25+$0x1B0]  }
0x3c1: {  	v8 =	vld [tilespmem:s31+$0xFFFFFF70]  }
0x3c2: {  	v9 =	vld [tilespmem:s31+$0xFFFFFFB0]  }
0x3c3: {  	v10 =	vld [tilespmem:s31+$0xFFFFFFF0]  }
0x3c4: {  	v11 =	vld [tilespmem:s31+$0x30]  }
0x3c5: {  	v12 =	vld [tilespmem:s31+$0x70]  }
0x3c6: {  	v7 =	vadd.f32 v7, v8;
	v8 =	vld [tilespmem:s31+$0xB0]  }
0x3c7: {  	v13 =	vld [tilespmem:s25+$0xFFFFFD70];
	v6 =	vadd.f32 v6, v9  }
0x3c8: {  	v9 =	vld [tilespmem:s25+$0xFFFFFE30];
	v3 =	vadd.f32 v3, v10  }
0x3c9: {  	v10 =	vld [tilespmem:s25+$0xFFFFFEF0];
	v11 =	vadd.f32 v5, v11  }
0x3ca: {  	v14 =	vld [tilespmem:s25+$0xFFFFFFB0];
	v2 =	vadd.f32 v2, v12  }
0x3cb: {  	v12 =	vld [tilespmem:s25+$0x70];
	v8 =	vadd.f32 v4, v8  }
0x3cc: {  	v13 =	vadd.f32 v13, v1;
	v1 =	vld [tilespmem:s25+$0x130]  }
0x3cd: {  	v15 =	vadd.f32 v9, v7;
	v16 =	vld [tilespmem:s25+$0x1F0]  }
0x3ce: {  	v17 =	vld [tilespmem:s25+$0xFFFFFDB0];
	v5 =	vadd.f32 v10, v6  }
0x3cf: {  	v10 =	vld [tilespmem:s25+$0xFFFFFE70];
	v4 =	vadd.f32 v14, v3  }
.Ltmp2:
0x3d0: {  	v9 =	vld [tilespmem:s25+$0xFFFFFF30];
	v3 =	vadd.f32 v12, v11;
	(pc) =	sbr.rel @p0 .LBB2_6-.Ltmp2, $4  }
0x3d1: {  	v7 =	vld [tilespmem:s25+$0xFFFFFFF0];
	v2 =	vadd.f32 v1, v2  }
0x3d2: {  	v6 =	vld [tilespmem:s25+$0xB0];
	v1 =	vadd.f32 v16, v8  }
0x3d3: {  	v12 =	vadd.f32 v17, v13;
	v8 =	vld [tilespmem:s25+$0x170]  }
0x3d4: {  	s31 =	sadd.s32 $0x200, s31;
	v11 =	vadd.f32 v10, v15;
	v10 =	vld [tilespmem:s25+$0x230]  }
0x3d5: {  	[tilespmem:s1+$0xFFFFFF30] =	vst v12;
	v5 =	vadd.f32 v9, v5  }
0x3d6: {  	[tilespmem:s1+$0xFFFFFF70] =	vst v11;
	v4 =	vadd.f32 v7, v4  }
0x3d7: {  	[tilespmem:s1+$0xFFFFFFB0] =	vst v5;
	v3 =	vadd.f32 v6, v3  }
0x3d8: {  	[tilespmem:s1+$0xFFFFFFF0] =	vst v4;
	v2 =	vadd.f32 v8, v2  }
0x3d9: {  	[tilespmem:s1+$0x30] =	vst v3;
	v1 =	vadd.f32 v10, v1  }
0x3da: {  	[tilespmem:s1+$0x70] =	vst v2  }
0x3db: {  	[tilespmem:s1+$0xB0] =	vst v1  }
0x3dc: {  	[hbm4b:s12+s3] =	stream.linear.scatter [tilespmem:s16], [sflag:$0x3], $0x2000, $0x38;
	[tilespmem:$0x10600] =	vst v63  }
0x3dd: {  	_ =	swait.ge [sflag:s20], $0x2000  }
0x3de: {  	[sflag:s20] =	ssyncset.done $0x0  }
0x3df: {  	[sflag:s20] =	ssyncadd.s32 $0xFFFFE000  }
0x3e0: {  	_ =	swait.ge [sflag:s20], $0x2000  }
0x3e1: {  	[sflag:s20] =	ssyncset.done $0x0  }
0x3e2: {  	[sflag:s20] =	ssyncadd.s32 $0xFFFFE000  }
0x3e3: {  	_ =	swait.ge [sflag:s20], $0x2000  }
0x3e4: {  	[sflag:s20] =	ssyncset.done $0x0  }
0x3e5: {  	[sflag:s20] =	ssyncadd.s32 $0xFFFFE000  }
0x3e6: {  	_ =	swait.ge [sflag:s20], $0x2000  }
0x3e7: {  	[sflag:s20] =	ssyncset.done $0x0  }
0x3e8: {  	s1 =	simm.s32 $0x27F0;
	[sflag:s20] =	ssyncadd.s32 $0xFFFFE000  }
0x3e9: {  	s25 =	simm.s32 $0xABF0;
	v1 =	vld [tilespmem:s1+$0xFFFFFFD0]  }
0x3ea: {  	v2 =	vld [tilespmem:s25+$0xFFFFFF50]  }
0x3eb: {  	v3 =	vld [tilespmem:s25+$0xFFFFFF90]  }
0x3ec: {  	v4 =	vld [tilespmem:s25+$0xFFFFFFD0]  }
0x3ed: {  	v5 =	vld [tilespmem:s1+$0xFFFFFE50]  }
0x3ee: {  	v6 =	vld [tilespmem:s1+$0xFFFFFE90]  }
0x3ef: {  	v7 =	vld [tilespmem:s1+$0xFFFFFED0]  }
0x3f0: {  	v9 =	vld [tilespmem:s25+$0xFFFFFC50]  }
0x3f1: {  	v11 =	vld [tilespmem:s1+$0xFFFFFF10]  }
0x3f2: {  	v13 =	vld [tilespmem:s25+$0xFFFFFD10]  }
0x3f3: {  	v14 =	vld [tilespmem:s25+$0xFFFFFDD0]  }
0x3f4: {  	v15 =	vld [tilespmem:s25+$0xFFFFFE90]  }
0x3f5: {  	v16 =	vld [tilespmem:s25+$0xFFFFFA50]  }
0x3f6: {  	v18 =	vld [tilespmem:s25+$0xFFFFFB10]  }
0x3f7: {  	v20 =	vld [tilespmem:s25+$0xFFFFFBD0]  }
0x3f8: {  	v22 =	vld [tilespmem:s25+$0xFFFFFC90]  }
0x3f9: {  	v28 =	vld [tilespmem:s25+$0xFFFFFD50]  }
0x3fa: {  	v23 =	vld [tilespmem:s25+$0xFFFFFE10]  }
0x3fb: {  	v29 =	vld [tilespmem:s25+$0xFFFFFED0]  }
0x3fc: {  	v24 =	vld [tilespmem:s25+$0xFFFFFA90]  }
0x3fd: {  	v30 =	vld [tilespmem:s25+$0xFFFFFB50]  }
0x3fe: {  	v25 =	vld [tilespmem:s25+$0xFFFFFC10]  }
0x3ff: {  	v31 =	vld [tilespmem:s1+$0xFFFFFF20]  }
0x400: {  	v32 =	vld [tilespmem:s1+$0xFFFFFF60]  }
0x401: {  	v33 =	vld [tilespmem:s1+$0xFFFFFFA0]  }
0x402: {  	v43 =	vld [tilespmem:s1+$0xFFFFFF30]  }
0x403: {  	v44 =	vld [tilespmem:s1+$0xFFFFFF70];
	v1 =	vadd.f32 v2, v1  }
0x404: {  	v45 =	vld [tilespmem:s1+$0xFFFFFFB0]  }
0x405: {  	v55 =	vld [tilespmem:s1+$0xFFFFFF40];
	v1 =	vadd.f32 v3, v1  }
0x406: {  	v3 =	vld [tilespmem:s25+$0xFFFFFAD0]  }
0x407: {  	v1 =	vadd.f32 v4, v1;
	v4 =	vld [tilespmem:s25+$0xFFFFFB90]  }
0x408: {  	v56 =	vld [tilespmem:s1+$0xFFFFFF80]  }
0x409: {  	[tilespmem:s1+$0xFFFFFFD0] =	vst v1;
	v1 =	vld [tilespmem:s1+$0xFFFFFFE0]  }
0x40a: {  	v8 =	vld [tilespmem:s25+$0xFFFFFF60]  }
0x40b: {  	v57 =	vld [tilespmem:s1+$0xFFFFFFC0];
	v5 =	vadd.f32 v3, v5  }
0x40c: {  	v10 =	vld [tilespmem:s25+$0xFFFFFFA0];
	v4 =	vadd.f32 v4, v6  }
0x40d: {  	v6 =	vadd.f32 v9, v7;
	v7 =	vld [tilespmem:s25+$0xFFFFFCD0];
	v5 =	vadd.f32 v18, v5  }
0x40e: {  	v12 =	vld [tilespmem:s25+$0xFFFFFFE0]  }
0x40f: {  	v5 =	vadd.f32 v30, v5;
	v1 =	vadd.f32 v8, v1;
	v8 =	vld [tilespmem:s1+$0xFFFFFF50]  }
0x410: {  	v2 =	vld [tilespmem:s25+$0xFFFFFA10];
	v6 =	vadd.f32 v22, v6  }
0x411: {  	[tilespmem:s1+$0xFFFFFE50] =	vst v5;
	v1 =	vadd.f32 v10, v1;
	v10 =	vld [tilespmem:s1+$0xFFFFFF90]  }
0x412: {  	v5 =	vadd.f32 v7, v6;
	v35 =	vld [tilespmem:s25+$0xFFFFFB20]  }
0x413: {  	v1 =	vadd.f32 v12, v1;
	v12 =	vld [tilespmem:s1+$0xFFFFFE10]  }
0x414: {  	[tilespmem:s1+$0xFFFFFED0] =	vst v5;
	v8 =	vadd.f32 v14, v8;
	v14 =	vld [tilespmem:s25+$0xFFFFFE50]  }
0x415: {  	v37 =	vld [tilespmem:s25+$0xFFFFFCA0]  }
0x416: {  	[tilespmem:s1+$0xFFFFFFE0] =	vst v1;
	v1 =	vld [tilespmem:s1+$0xFFFFFFF0]  }
0x417: {  	v17 =	vld [tilespmem:s25+$0xFFFFFF70]  }
0x418: {  	v19 =	vld [tilespmem:s25+$0xFFFFFFB0]  }
0x419: {  	v21 =	vld [tilespmem:s25+$0xFFFFFFF0];
	v7 =	vadd.f32 v23, v8  }
0x41a: {  	v8 =	vld [tilespmem:s25+$0xFFFFFAE0]  }
0x41b: {  	v10 =	vadd.f32 v15, v10;
	v15 =	vld [tilespmem:s1+$0xFFFFFEE0];
	v7 =	vadd.f32 v14, v7  }
0x41c: {  	v3 =	vadd.f32 v2, v12;
	v12 =	vld [tilespmem:s25+$0xFFFFFD90]  }
0x41d: {  	v9 =	vadd.f32 v13, v11;
	v14 =	vld [tilespmem:s1+$0xFFFFFEA0];
	[tilespmem:s1+$0xFFFFFF50] =	vst v7  }
0x41e: {  	v11 =	vadd.f32 v16, v3;
	v7 =	vld [tilespmem:s25+$0xFFFFFDE0]  }
0x41f: {  	v9 =	vadd.f32 v28, v9;
	v39 =	vld [tilespmem:s25+$0xFFFFFE20]  }
0x420: {  	v13 =	vadd.f32 v20, v4;
	v11 =	vadd.f32 v24, v11;
	v42 =	vld [tilespmem:s25+$0xFFFFFE60]  }
0x421: {  	v9 =	vadd.f32 v12, v9;
	v12 =	vld [tilespmem:s1+$0xFFFFFE20]  }
0x422: {  	[tilespmem:s1+$0xFFFFFE10] =	vst v11;
	v11 =	vadd.f32 v25, v13;
	v13 =	vld [tilespmem:s25+$0xFFFFFF10]  }
0x423: {  	v6 =	vld [tilespmem:s25+$0xFFFFFA20]  }
0x424: {  	v1 =	vadd.f32 v17, v1;
	v34 =	vld [tilespmem:s25+$0xFFFFFA60]  }
0x425: {  	[tilespmem:s1+$0xFFFFFF10] =	vst v9;
	v40 =	vld [tilespmem:s25+$0xFFFFFAA0]  }
0x426: {  	v1 =	vadd.f32 v19, v1;
	[tilespmem:s1+$0xFFFFFE90] =	vst v11;
	v11 =	vld [tilespmem:s25+$0xFFFFFC60]  }
0x427: {  	v9 =	vld [tilespmem:s25+$0xFFFFFD20]  }
0x428: {  	v1 =	vadd.f32 v21, v1;
	v38 =	vld [tilespmem:s25+$0xFFFFFD60]  }
0x429: {  	v41 =	vld [tilespmem:s25+$0xFFFFFDA0]  }
0x42a: {  	[tilespmem:s1+$0xFFFFFFF0] =	vst v1;
	v1 =	vld [tilespmem:s1+$0x0]  }
0x42b: {  	v5 =	vld [tilespmem:s25+$0xFFFFFBA0]  }
0x42c: {  	v36 =	vld [tilespmem:s25+$0xFFFFFBE0]  }
0x42d: {  	v10 =	vadd.f32 v29, v10;
	v2 =	vld [tilespmem:s25+$0xFFFFFF80]  }
0x42e: {  	v3 =	vld [tilespmem:s25+$0xFFFFFFC0]  }
0x42f: {  	v7 =	vadd.f32 v7, v32;
	v4 =	vld [tilespmem:s25+$0x0];
	v10 =	vadd.f32 v13, v10  }
0x430: {  	v13 =	vld [tilespmem:s1+$0xFFFFFE60]  }
0x431: {  	v7 =	vadd.f32 v39, v7;
	[tilespmem:s1+$0xFFFFFF90] =	vst v10;
	v11 =	vadd.f32 v11, v15;
	v15 =	vld [tilespmem:s25+$0xFFFFFCE0]  }
0x432: {  	v10 =	vld [tilespmem:s25+$0xFFFFFEA0]  }
0x433: {  	v6 =	vadd.f32 v6, v12;
	v7 =	vadd.f32 v42, v7;
	v12 =	vld [tilespmem:s25+$0xFFFFFEE0]  }
0x434: {  	v5 =	vadd.f32 v5, v14;
	v14 =	vld [tilespmem:s25+$0xFFFFFC20]  }
0x435: {  	v6 =	vadd.f32 v34, v6;
	[tilespmem:s1+$0xFFFFFF60] =	vst v7;
	v8 =	vadd.f32 v8, v13;
	v13 =	vld [tilespmem:s25+$0xFFFFFB60]  }
0x436: {  	v7 =	vld [tilespmem:s25+$0xFFFFFDF0]  }
0x437: {  	v9 =	vadd.f32 v9, v31;
	v6 =	vadd.f32 v40, v6;
	v51 =	vld [tilespmem:s25+$0xFFFFFE30]  }
0x438: {  	v5 =	vadd.f32 v36, v5;
	v54 =	vld [tilespmem:s25+$0xFFFFFE70]  }
0x439: {  	[tilespmem:s1+$0xFFFFFE20] =	vst v6;
	v6 =	vadd.f32 v38, v9;
	v9 =	vld [tilespmem:s1+$0xFFFFFE30]  }
0x43a: {  	v5 =	vadd.f32 v14, v5;
	v14 =	vld [tilespmem:s25+$0xFFFFFA30]  }
0x43b: {  	v8 =	vadd.f32 v35, v8;
	v46 =	vld [tilespmem:s25+$0xFFFFFA70]  }
0x43c: {  	v10 =	vadd.f32 v10, v33;
	v52 =	vld [tilespmem:s25+$0xFFFFFAB0]  }
0x43d: {  	v8 =	vadd.f32 v13, v8;
	v13 =	vld [tilespmem:s25+$0xFFFFFF20]  }
0x43e: {  	v10 =	vadd.f32 v12, v10;
	[tilespmem:s1+$0xFFFFFEA0] =	vst v5;
	v12 =	vld [tilespmem:s1+$0xFFFFFE70]  }
0x43f: {  	v11 =	vadd.f32 v37, v11;
	v5 =	vadd.f32 v41, v6;
	v6 =	vld [tilespmem:s25+$0xFFFFFBB0]  }
0x440: {  	v48 =	vld [tilespmem:s25+$0xFFFFFBF0]  }
0x441: {  	[tilespmem:s1+$0xFFFFFE60] =	vst v8;
	v8 =	vadd.f32 v15, v11;
	v15 =	vld [tilespmem:s1+$0xFFFFFEF0]  }
0x442: {  	v11 =	vld [tilespmem:s25+$0xFFFFFAF0]  }
0x443: {  	v7 =	vadd.f32 v7, v44;
	[tilespmem:s1+$0xFFFFFF20] =	vst v5;
	v47 =	vld [tilespmem:s25+$0xFFFFFB30]  }
0x444: {  	v50 =	vld [tilespmem:s25+$0xFFFFFD70]  }
0x445: {  	v7 =	vadd.f32 v51, v7;
	v53 =	vld [tilespmem:s25+$0xFFFFFDB0];
	[tilespmem:s1+$0xFFFFFEE0] =	vst v8  }
0x446: {  	v1 =	vadd.f32 v2, v1;
	v8 =	vld [tilespmem:s25+$0xFFFFFC70]  }
0x447: {  	v7 =	vadd.f32 v54, v7;
	v5 =	vadd.f32 v13, v10;
	v10 =	vld [tilespmem:s25+$0xFFFFFD30]  }
0x448: {  	v13 =	vld [tilespmem:s1+$0xFFFFFEB0]  }
0x449: {  	v1 =	vadd.f32 v3, v1;
	v49 =	vld [tilespmem:s25+$0xFFFFFCB0];
	[tilespmem:s1+$0xFFFFFF70] =	vst v7  }
0x44a: {  	v9 =	vadd.f32 v14, v9;
	v7 =	vld [tilespmem:s25+$0xFFFFFE00]  }
0x44b: {  	v61 =	vadd.f32 v4, v1;
	[tilespmem:s1+$0xFFFFFFA0] =	vst v5;
	v1 =	vld [tilespmem:s25+$0xFFFFFE40]  }
0x44c: {  	v9 =	vadd.f32 v46, v9;
	v5 =	vld [tilespmem:s25+$0xFFFFFEB0]  }
0x44d: {  	v14 =	vld [tilespmem:s25+$0xFFFFFEF0]  }
0x44e: {  	v9 =	vadd.f32 v52, v9;
	v11 =	vadd.f32 v11, v12;
	v12 =	vld [tilespmem:s25+$0xFFFFFB70]  }
0x44f: {  	v6 =	vadd.f32 v6, v13;
	v13 =	vld [tilespmem:s25+$0xFFFFFC30]  }
0x450: {  	[tilespmem:s1+$0xFFFFFE30] =	vst v9;
	v8 =	vadd.f32 v8, v15;
	v10 =	vadd.f32 v10, v43;
	v15 =	vld [tilespmem:s25+$0xFFFFFCF0]  }
0x451: {  	v11 =	vadd.f32 v47, v11;
	v58 =	vld [tilespmem:s25+$0xFFFFFA80]  }
0x452: {  	v6 =	vadd.f32 v48, v6;
	v9 =	vadd.f32 v50, v10;
	v10 =	vld [tilespmem:s1+$0xFFFFFE40]  }
0x453: {  	v5 =	vadd.f32 v5, v45;
	v11 =	vadd.f32 v12, v11;
	v12 =	vld [tilespmem:s25+$0xFFFFFF30]  }
0x454: {  	v8 =	vadd.f32 v49, v8;
	v6 =	vadd.f32 v13, v6;
	v13 =	vld [tilespmem:s25+$0xFFFFFA40]  }
0x455: {  	v5 =	vadd.f32 v14, v5;
	v14 =	vld [tilespmem:s1+$0xFFFFFEC0]  }
0x456: {  	[tilespmem:s1+$0xFFFFFE70] =	vst v11;
	v8 =	vadd.f32 v15, v8;
	v15 =	vld [tilespmem:s1+$0xFFFFFF00]  }
0x457: {  	v11 =	vld [tilespmem:s25+$0xFFFFFB00]  }
0x458: {  	v2 =	vld [tilespmem:s25+$0xFFFFFB40];
	[tilespmem:s1+$0xFFFFFEB0] =	vst v6  }
0x459: {  	v6 =	vadd.f32 v53, v9;
	[tilespmem:s1+$0xFFFFFEF0] =	vst v8;
	v9 =	vld [tilespmem:s25+$0xFFFFFBC0]  }
0x45a: {  	v8 =	vld [tilespmem:s25+$0xFFFFFC80]  }
0x45b: {  	v5 =	vadd.f32 v12, v5;
	v12 =	vld [tilespmem:s1+$0xFFFFFE80]  }
0x45c: {  	v59 =	vld [tilespmem:s25+$0xFFFFFC00]  }
0x45d: {  	v3 =	vld [tilespmem:s25+$0xFFFFFCC0];
	[tilespmem:s1+$0xFFFFFF30] =	vst v6  }
0x45e: {  	v6 =	vld [tilespmem:s25+$0xFFFFFD40]  }
0x45f: {  	v60 =	vld [tilespmem:s25+$0xFFFFFD80];
	v4 =	vadd.f32 v13, v10  }
0x460: {  	[tilespmem:s1+$0xFFFFFFB0] =	vst v5;
	v13 =	vld [tilespmem:s25+$0xFFFFFAC0]  }
0x461: {  	v5 =	vld [tilespmem:s25+$0xFFFFFEC0];
	v63 =	vadd.f32 v58, v4  }
0x462: {  	v10 =	vadd.f32 v11, v12;
	v11 =	vld [tilespmem:s25+$0xFFFFFF00];
	v12 =	vadd.f32 v9, v14  }
0x463: {  	v8 =	vadd.f32 v8, v15;
	v14 =	vadd.f32 v7, v56;
	v15 =	vld [tilespmem:s25+$0xFFFFFB80]  }
0x464: {  	v9 =	vld [tilespmem:s25+$0xFFFFFC40];
	v6 =	vadd.f32 v6, v55;
	v10 =	vadd.f32 v2, v10  }
0x465: {  	v7 =	vld [tilespmem:s25+$0xFFFFFD00];
	v4 =	vadd.f32 v3, v8;
	v2 =	vadd.f32 v1, v14  }
0x466: {  	v62 =	vadd.f32 v5, v57;
	v3 =	vadd.f32 v60, v6;
	v6 =	vld [tilespmem:s25+$0xFFFFFDC0]  }
0x467: {  	v8 =	vld [tilespmem:s25+$0xFFFFFE80];
	v5 =	vadd.f32 v59, v12;
	v12 =	vadd.f32 v13, v63  }
0x468: {  	s28 =	simm.s32 $0x0;
	s31 =	simm.s32 $0x29F0;
	[tilespmem:s1+$0x0] =	vst v61;
	v1 =	vadd.f32 v11, v62;
	v11 =	vadd.f32 v15, v10;
	v10 =	vld [tilespmem:s25+$0xFFFFFF40]  }
.LBB2_8:
0x469: {  	v13 =	vld [tilespmem:s31+$0xFFFFFFD0];
	[tilespmem:s1+$0xFFFFFE40] =	vst v12;
	v5 =	vadd.f32 v9, v5;
	s25 =	sadd.s32 $0x600, s25  }
0x46a: {  	s28 =	sadd.s32 $0x8, s28;
	v9 =	vld [tilespmem:s25+$0xFFFFFF50];
	[tilespmem:s1+$0xFFFFFE80] =	vst v11;
	v4 =	vadd.f32 v7, v4  }
0x46b: {  	p0 =	slt.u32 s28, $0x78;
	v7 =	vld [tilespmem:s25+$0xFFFFFA10];
	[tilespmem:s1+$0xFFFFFEC0] =	vst v5;
	v3 =	vadd.f32 v6, v3  }
0x46c: {  	v5 =	vld [tilespmem:s25+$0xFFFFFF90];
	[tilespmem:s1+$0xFFFFFF00] =	vst v4;
	v2 =	vadd.f32 v8, v2  }
0x46d: {  	v4 =	vld [tilespmem:s31+$0xFFFFFE50];
	[tilespmem:s1+$0xFFFFFF40] =	vst v3;
	v1 =	vadd.f32 v10, v1  }
0x46e: {  	v3 =	vld [tilespmem:s25+$0xFFFFFFD0];
	[tilespmem:s1+$0xFFFFFF80] =	vst v2  }
0x46f: {  	v2 =	vld [tilespmem:s25+$0xFFFFFAD0];
	v6 =	vadd.f32 v9, v13;
	[tilespmem:s1+$0xFFFFFFC0] =	vst v1;
	s1 =	smov.u32 s31  }
0x470: {  	v1 =	vld [tilespmem:s31+$0xFFFFFE90]  }
0x471: {  	v8 =	vld [tilespmem:s25+$0xFFFFFB90];
	v5 =	vadd.f32 v5, v6  }
0x472: {  	v6 =	vld [tilespmem:s31+$0xFFFFFED0]  }
0x473: {  	v9 =	vld [tilespmem:s25+$0xFFFFFC50];
	v3 =	vadd.f32 v3, v5  }
0x474: {  	v2 =	vadd.f32 v2, v4;
	v4 =	vld [tilespmem:s31+$0xFFFFFF10]  }
0x475: {  	[tilespmem:s31+$0xFFFFFFD0] =	vst v3;
	v3 =	vld [tilespmem:s31+$0xFFFFFFE0]  }
0x476: {  	v1 =	vadd.f32 v8, v1;
	v5 =	vld [tilespmem:s25+$0xFFFFFF60]  }
0x477: {  	v8 =	vld [tilespmem:s25+$0xFFFFFD10]  }
0x478: {  	v6 =	vadd.f32 v9, v6;
	v9 =	vld [tilespmem:s25+$0xFFFFFFA0]  }
0x479: {  	v10 =	vld [tilespmem:s31+$0xFFFFFF50]  }
0x47a: {  	v11 =	vld [tilespmem:s25+$0xFFFFFFE0]  }
0x47b: {  	v12 =	vld [tilespmem:s25+$0xFFFFFDD0];
	v3 =	vadd.f32 v5, v3  }
0x47c: {  	v4 =	vadd.f32 v8, v4;
	v5 =	vld [tilespmem:s31+$0xFFFFFF90]  }
0x47d: {  	v8 =	vld [tilespmem:s25+$0xFFFFFE90];
	v3 =	vadd.f32 v9, v3  }
0x47e: {  	v9 =	vld [tilespmem:s31+$0xFFFFFE10]  }
0x47f: {  	v13 =	vld [tilespmem:s25+$0xFFFFFA50];
	v3 =	vadd.f32 v11, v3  }
0x480: {  	v11 =	vld [tilespmem:s25+$0xFFFFFB10];
	v10 =	vadd.f32 v12, v10  }
0x481: {  	[tilespmem:s31+$0xFFFFFFE0] =	vst v3;
	v3 =	vld [tilespmem:s31+$0xFFFFFFF0]  }
0x482: {  	v5 =	vadd.f32 v8, v5;
	v8 =	vld [tilespmem:s25+$0xFFFFFF70]  }
0x483: {  	v7 =	vadd.f32 v7, v9;
	v9 =	vld [tilespmem:s25+$0xFFFFFBD0]  }
0x484: {  	v12 =	vld [tilespmem:s25+$0xFFFFFFB0]  }
0x485: {  	v7 =	vadd.f32 v13, v7;
	v2 =	vadd.f32 v11, v2;
	v11 =	vld [tilespmem:s25+$0xFFFFFC90]  }
0x486: {  	v13 =	vld [tilespmem:s25+$0xFFFFFFF0]  }
0x487: {  	v14 =	vld [tilespmem:s25+$0xFFFFFD50];
	v3 =	vadd.f32 v8, v3  }
0x488: {  	v1 =	vadd.f32 v9, v1;
	v8 =	vld [tilespmem:s25+$0xFFFFFE10]  }
0x489: {  	v9 =	vld [tilespmem:s25+$0xFFFFFED0];
	v3 =	vadd.f32 v12, v3  }
0x48a: {  	v12 =	vld [tilespmem:s25+$0xFFFFFA90];
	v6 =	vadd.f32 v11, v6  }
0x48b: {  	v11 =	vld [tilespmem:s25+$0xFFFFFB50];
	v3 =	vadd.f32 v13, v3  }
0x48c: {  	v13 =	vld [tilespmem:s25+$0xFFFFFC10];
	v4 =	vadd.f32 v14, v4  }
0x48d: {  	v8 =	vadd.f32 v8, v10;
	[tilespmem:s31+$0xFFFFFFF0] =	vst v3;
	v3 =	vld [tilespmem:s31+$0x0]  }
0x48e: {  	v5 =	vadd.f32 v9, v5;
	v9 =	vld [tilespmem:s25+$0xFFFFFF80]  }
0x48f: {  	v7 =	vadd.f32 v12, v7;
	v10 =	vld [tilespmem:s25+$0xFFFFFCD0]  }
0x490: {  	v2 =	vadd.f32 v11, v2;
	v11 =	vld [tilespmem:s25+$0xFFFFFFC0]  }
0x491: {  	[tilespmem:s31+$0xFFFFFE10] =	vst v7;
	v1 =	vadd.f32 v13, v1;
	v7 =	vld [tilespmem:s25+$0xFFFFFD90]  }
0x492: {  	[tilespmem:s31+$0xFFFFFE50] =	vst v2;
	v2 =	vld [tilespmem:s25+$0x0]  }
0x493: {  	[tilespmem:s31+$0xFFFFFE90] =	vst v1;
	v1 =	vld [tilespmem:s25+$0xFFFFFE50];
	v3 =	vadd.f32 v9, v3  }
0x494: {  	v6 =	vadd.f32 v10, v6;
	v9 =	vld [tilespmem:s25+$0xFFFFFF10]  }
0x495: {  	v10 =	vld [tilespmem:s25+$0xFFFFFA20];
	v3 =	vadd.f32 v11, v3  }
0x496: {  	v11 =	vld [tilespmem:s25+$0xFFFFFAE0];
	[tilespmem:s31+$0xFFFFFED0] =	vst v6;
	v4 =	vadd.f32 v7, v4  }
0x497: {  	v6 =	vld [tilespmem:s25+$0xFFFFFBA0];
	v2 =	vadd.f32 v2, v3  }
0x498: {  	v3 =	vld [tilespmem:s25+$0xFFFFFC60];
	[tilespmem:s31+$0xFFFFFF10] =	vst v4;
	v1 =	vadd.f32 v1, v8  }
0x499: {  	v4 =	vld [tilespmem:s25+$0xFFFFFD20];
	v5 =	vadd.f32 v9, v5;
	[tilespmem:s31+$0x0] =	vst v2  }
0x49a: {  	v2 =	vld [tilespmem:s31+$0xFFFFFE20];
	[tilespmem:s31+$0xFFFFFF50] =	vst v1  }
0x49b: {  	v1 =	vld [tilespmem:s25+$0xFFFFFDE0];
	[tilespmem:s31+$0xFFFFFF90] =	vst v5  }
0x49c: {  	v5 =	vld [tilespmem:s25+$0xFFFFFEA0]  }
0x49d: {  	v7 =	vld [tilespmem:s31+$0xFFFFFE60]  }
0x49e: {  	v8 =	vld [tilespmem:s31+$0xFFFFFEA0]  }
0x49f: {  	v2 =	vadd.f32 v10, v2;
	v9 =	vld [tilespmem:s31+$0xFFFFFEE0]  }
0x4a0: {  	v10 =	vld [tilespmem:s31+$0xFFFFFF20]  }
0x4a1: {  	v12 =	vld [tilespmem:s31+$0xFFFFFF60]  }
0x4a2: {  	v7 =	vadd.f32 v11, v7;
	v11 =	vld [tilespmem:s31+$0xFFFFFFA0]  }
0x4a3: {  	v13 =	vld [tilespmem:s25+$0xFFFFFA60];
	v6 =	vadd.f32 v6, v8  }
0x4a4: {  	v8 =	vld [tilespmem:s25+$0xFFFFFB20];
	v3 =	vadd.f32 v3, v9  }
0x4a5: {  	v9 =	vld [tilespmem:s25+$0xFFFFFBE0];
	v4 =	vadd.f32 v4, v10  }
0x4a6: {  	v10 =	vld [tilespmem:s25+$0xFFFFFCA0];
	v1 =	vadd.f32 v1, v12  }
0x4a7: {  	v12 =	vld [tilespmem:s25+$0xFFFFFD60];
	v5 =	vadd.f32 v5, v11  }
0x4a8: {  	v2 =	vadd.f32 v13, v2;
	v11 =	vld [tilespmem:s25+$0xFFFFFE20]  }
0x4a9: {  	v7 =	vadd.f32 v8, v7;
	v8 =	vld [tilespmem:s25+$0xFFFFFEE0]  }
0x4aa: {  	v13 =	vld [tilespmem:s25+$0xFFFFFAA0];
	v6 =	vadd.f32 v9, v6  }
0x4ab: {  	v9 =	vld [tilespmem:s25+$0xFFFFFB60];
	v3 =	vadd.f32 v10, v3  }
0x4ac: {  	v10 =	vld [tilespmem:s25+$0xFFFFFC20];
	v4 =	vadd.f32 v12, v4  }
0x4ad: {  	v12 =	vld [tilespmem:s25+$0xFFFFFCE0];
	v1 =	vadd.f32 v11, v1  }
0x4ae: {  	v11 =	vld [tilespmem:s25+$0xFFFFFDA0];
	v5 =	vadd.f32 v8, v5  }
0x4af: {  	v2 =	vadd.f32 v13, v2;
	v8 =	vld [tilespmem:s25+$0xFFFFFE60]  }
0x4b0: {  	v7 =	vadd.f32 v9, v7;
	v9 =	vld [tilespmem:s25+$0xFFFFFF20]  }
0x4b1: {  	[tilespmem:s31+$0xFFFFFE20] =	vst v2;
	v2 =	vld [tilespmem:s31+$0xFFFFFE30];
	v6 =	vadd.f32 v10, v6  }
0x4b2: {  	v10 =	vld [tilespmem:s25+$0xFFFFFA30];
	[tilespmem:s31+$0xFFFFFE60] =	vst v7;
	v3 =	vadd.f32 v12, v3  }
0x4b3: {  	v7 =	vld [tilespmem:s25+$0xFFFFFAF0];
	[tilespmem:s31+$0xFFFFFEA0] =	vst v6;
	v4 =	vadd.f32 v11, v4  }
0x4b4: {  	v6 =	vld [tilespmem:s25+$0xFFFFFBB0];
	[tilespmem:s31+$0xFFFFFEE0] =	vst v3;
	v1 =	vadd.f32 v8, v1  }
0x4b5: {  	v3 =	vld [tilespmem:s25+$0xFFFFFC70];
	[tilespmem:s31+$0xFFFFFF20] =	vst v4;
	v4 =	vadd.f32 v9, v5  }
0x4b6: {  	v5 =	vld [tilespmem:s25+$0xFFFFFD30];
	[tilespmem:s31+$0xFFFFFF60] =	vst v1  }
0x4b7: {  	v1 =	vadd.f32 v10, v2;
	v2 =	vld [tilespmem:s25+$0xFFFFFDF0];
	[tilespmem:s31+$0xFFFFFFA0] =	vst v4  }
0x4b8: {  	v4 =	vld [tilespmem:s25+$0xFFFFFEB0]  }
0x4b9: {  	v8 =	vld [tilespmem:s31+$0xFFFFFE70]  }
0x4ba: {  	v9 =	vld [tilespmem:s31+$0xFFFFFEB0]  }
0x4bb: {  	v10 =	vld [tilespmem:s31+$0xFFFFFEF0]  }
0x4bc: {  	v11 =	vld [tilespmem:s31+$0xFFFFFF30]  }
0x4bd: {  	v12 =	vld [tilespmem:s31+$0xFFFFFF70]  }
0x4be: {  	v7 =	vadd.f32 v7, v8;
	v8 =	vld [tilespmem:s31+$0xFFFFFFB0]  }
0x4bf: {  	v13 =	vld [tilespmem:s25+$0xFFFFFA70];
	v6 =	vadd.f32 v6, v9  }
0x4c0: {  	v9 =	vld [tilespmem:s25+$0xFFFFFB30];
	v3 =	vadd.f32 v3, v10  }
0x4c1: {  	v10 =	vld [tilespmem:s25+$0xFFFFFBF0];
	v5 =	vadd.f32 v5, v11  }
0x4c2: {  	v11 =	vld [tilespmem:s25+$0xFFFFFCB0];
	v2 =	vadd.f32 v2, v12  }
0x4c3: {  	v12 =	vld [tilespmem:s25+$0xFFFFFD70];
	v4 =	vadd.f32 v4, v8  }
0x4c4: {  	v1 =	vadd.f32 v13, v1;
	v8 =	vld [tilespmem:s25+$0xFFFFFE30]  }
0x4c5: {  	v7 =	vadd.f32 v9, v7;
	v9 =	vld [tilespmem:s25+$0xFFFFFEF0]  }
0x4c6: {  	v13 =	vld [tilespmem:s25+$0xFFFFFAB0];
	v6 =	vadd.f32 v10, v6  }
0x4c7: {  	v10 =	vld [tilespmem:s25+$0xFFFFFB70];
	v3 =	vadd.f32 v11, v3  }
0x4c8: {  	v11 =	vld [tilespmem:s25+$0xFFFFFC30];
	v5 =	vadd.f32 v12, v5  }
0x4c9: {  	v12 =	vld [tilespmem:s25+$0xFFFFFCF0];
	v2 =	vadd.f32 v8, v2  }
0x4ca: {  	v8 =	vld [tilespmem:s25+$0xFFFFFDB0];
	v4 =	vadd.f32 v9, v4  }
0x4cb: {  	v1 =	vadd.f32 v13, v1;
	v9 =	vld [tilespmem:s25+$0xFFFFFE70]  }
0x4cc: {  	v7 =	vadd.f32 v10, v7;
	v10 =	vld [tilespmem:s25+$0xFFFFFF30]  }
0x4cd: {  	[tilespmem:s31+$0xFFFFFE30] =	vst v1;
	v1 =	vld [tilespmem:s31+$0xFFFFFE40];
	v6 =	vadd.f32 v11, v6  }
0x4ce: {  	v11 =	vld [tilespmem:s25+$0xFFFFFA40];
	[tilespmem:s31+$0xFFFFFE70] =	vst v7;
	v3 =	vadd.f32 v12, v3  }
0x4cf: {  	v7 =	vld [tilespmem:s25+$0xFFFFFB00];
	[tilespmem:s31+$0xFFFFFEB0] =	vst v6;
	v5 =	vadd.f32 v8, v5  }
0x4d0: {  	v6 =	vld [tilespmem:s25+$0xFFFFFBC0];
	[tilespmem:s31+$0xFFFFFEF0] =	vst v3;
	v2 =	vadd.f32 v9, v2  }
0x4d1: {  	v3 =	vld [tilespmem:s25+$0xFFFFFC80];
	[tilespmem:s31+$0xFFFFFF30] =	vst v5;
	v4 =	vadd.f32 v10, v4  }
0x4d2: {  	v5 =	vld [tilespmem:s25+$0xFFFFFD40];
	[tilespmem:s31+$0xFFFFFF70] =	vst v2  }
0x4d3: {  	v1 =	vadd.f32 v11, v1;
	v2 =	vld [tilespmem:s25+$0xFFFFFE00];
	[tilespmem:s31+$0xFFFFFFB0] =	vst v4  }
0x4d4: {  	v4 =	vld [tilespmem:s25+$0xFFFFFEC0]  }
0x4d5: {  	v8 =	vld [tilespmem:s31+$0xFFFFFE80]  }
0x4d6: {  	v9 =	vld [tilespmem:s31+$0xFFFFFEC0]  }
0x4d7: {  	v10 =	vld [tilespmem:s31+$0xFFFFFF00]  }
0x4d8: {  	v11 =	vld [tilespmem:s31+$0xFFFFFF40]  }
0x4d9: {  	v12 =	vld [tilespmem:s31+$0xFFFFFF80]  }
0x4da: {  	v7 =	vadd.f32 v7, v8;
	v8 =	vld [tilespmem:s31+$0xFFFFFFC0]  }
0x4db: {  	v13 =	vld [tilespmem:s25+$0xFFFFFA80];
	v6 =	vadd.f32 v6, v9  }
0x4dc: {  	v9 =	vld [tilespmem:s25+$0xFFFFFB40];
	v3 =	vadd.f32 v3, v10  }
0x4dd: {  	v10 =	vld [tilespmem:s25+$0xFFFFFC00];
	v11 =	vadd.f32 v5, v11  }
0x4de: {  	v14 =	vld [tilespmem:s25+$0xFFFFFCC0];
	v2 =	vadd.f32 v2, v12  }
0x4df: {  	v12 =	vld [tilespmem:s25+$0xFFFFFD80];
	v8 =	vadd.f32 v4, v8  }
0x4e0: {  	v13 =	vadd.f32 v13, v1;
	v1 =	vld [tilespmem:s25+$0xFFFFFE40]  }
0x4e1: {  	v15 =	vadd.f32 v9, v7;
	v16 =	vld [tilespmem:s25+$0xFFFFFF00]  }
0x4e2: {  	v17 =	vld [tilespmem:s25+$0xFFFFFAC0];
	v5 =	vadd.f32 v10, v6  }
0x4e3: {  	v10 =	vld [tilespmem:s25+$0xFFFFFB80];
	v4 =	vadd.f32 v14, v3  }
.Ltmp3:
0x4e4: {  	v9 =	vld [tilespmem:s25+$0xFFFFFC40];
	v3 =	vadd.f32 v12, v11;
	(pc) =	sbr.rel @p0 .LBB2_8-.Ltmp3, $4  }
0x4e5: {  	v7 =	vld [tilespmem:s25+$0xFFFFFD00];
	v2 =	vadd.f32 v1, v2  }
0x4e6: {  	v6 =	vld [tilespmem:s25+$0xFFFFFDC0];
	v1 =	vadd.f32 v16, v8  }
0x4e7: {  	v12 =	vadd.f32 v17, v13;
	v8 =	vld [tilespmem:s25+$0xFFFFFE80]  }
0x4e8: {  	s31 =	sadd.s32 $0x200, s31;
	v11 =	vadd.f32 v10, v15;
	v10 =	vld [tilespmem:s25+$0xFFFFFF40]  }
0x4e9: {  	[tilespmem:s1+$0xFFFFFE40] =	vst v12;
	v5 =	vadd.f32 v9, v5  }
0x4ea: {  	[tilespmem:s1+$0xFFFFFE80] =	vst v11;
	v4 =	vadd.f32 v7, v4  }
0x4eb: {  	[tilespmem:s1+$0xFFFFFEC0] =	vst v5;
	v3 =	vadd.f32 v6, v3  }
0x4ec: {  	[tilespmem:s1+$0xFFFFFF00] =	vst v4;
	v2 =	vadd.f32 v8, v2  }
0x4ed: {  	[tilespmem:s1+$0xFFFFFF40] =	vst v3;
	v1 =	vadd.f32 v10, v1  }
0x4ee: {  	[tilespmem:s1+$0xFFFFFF80] =	vst v2  }
0x4ef: {  	s0 =	sadd.s32 $0x1, s0;
	[tilespmem:s1+$0xFFFFFFC0] =	vst v1  }
0x4f0: {  	[hbm4b:s13+s3] =	stream.linear.scatter [tilespmem:s22], [sflag:$0x4], $0x2000, $0x38;
	[tilespmem:$0x10600] =	vst v63  }
0x4f1: {  	p0 =	sne.s32 s0, s14;
	_ =	swait.ge [sflag:s30], $0x2000  }
.Ltmp4:
0x4f2: {  	[sflag:s30] =	ssyncset.done $0x0;
	(pc) =	sbr.rel @p0 .LBB2_1-.Ltmp4, $4  }
0x4f3: {  	[sflag:s30] =	ssyncadd.s32 $0xFFFFE000  }
0x4f4: {  	_ =	swait.ge [sflag:s23], $0x2000  }
0x4f5: {  	[sflag:s23] =	ssyncset.done $0x0  }
0x4f6: {  	[sflag:s23] =	ssyncadd.s32 $0xFFFFE000  }
0x4f7: {  	_ =	sfence.sel $0x180000  }
0x4f8: {  	[bflag:$0x0] =	sbarrier.arrive $0xFFFF  }
0x4f9: {  	_ =	strace $0x90000047  }
0x4fa: {  	s0 =	stileid.u32;
	[bflag:$0x2] =	sbarrier.arrive $0xFFFF  }
0x4fb: {  	p0 =	sne.s32 s0, $0x0;
	s0 =	rddreg [dreg:$0x2]  }
0x4fc: {  	s0 =	sadd.s32 @!p0 $0x100000, s0  }
0x4fd: {  	[sflag:s0] =	ssyncadd.tile.s32 @!p0 $0x1;
	_ =	shalt  }
.Lfunc_end2:
_tile_overlayer_lowered:
.L_overlay_start_2:
0x4fe: {  	(tag) =	ssettag $0x2  }
0x4ff: {  	s0 =	rddreg [dreg:$0x0];
	s2 =	stileid.u32  }
0x500: {  	s1 =	rddreg [dreg:$0x1];
	p0 =	sne.s32 s2, $0x0  }
0x501: {  	s3 =	rddreg [dreg:$0x2];
	[bflag:$0x3] =	sbarrier.arrive $0xFFFF;
	s2 =	simm.s32 @!p0 $0x1C05  }
0x502: {  	[timem:s3], [sflag:s2] =	dma.local @!p0 [hbm:s0], s1  }
0x503: {  	s0 =	simm.s32 @!p0 $0x5  }
0x504: {  	_ =	swait.ge @!p0 [sflag:s0], s1  }
0x505: {  	s1 =	ssub.s32 @!p0 $0x0, s1;
	[sflag:s0] =	ssyncset.done @!p0 $0x0  }
0x506: {  	[sflag:s0] =	ssyncadd.s32 @!p0 s1  }
0x507: {  	[bflag:$0x3] =	sbarrier.arrive $0xFFFF  }
0x508: {  	_ =	shalt  }

</sc_bundles>
